<compile_context>
chip_gen: v7x
topology: tpu7x:2x2x1
jax: 0.10.2.dev20260603
libtpu: 0.0.44.dev20260713+nightly
codegen_flags: <defaults>
</compile_context>

<pallas_src>
import functools

import jax
import jax.numpy as jnp
from jax import lax
from jax.experimental import pallas as pl
from jax.experimental.pallas import tpu as pltpu
from jax.experimental.pallas import tpu_sc as plsc

_N = 10000
_D = 128
_G = 16
_E = 320000

_NC = 2
_NS = 16
_NW = _NC * _NS
_B = 128
_KCH = 80
_EPW = _B * _KCH
_EPAD = _EPW * _NW
_NACC = 10240
_RPT = _NACC // _NS
_ZCH = _RPT // _B

_mesh = plsc.VectorSubcoreMesh(
    core_axis_name="c", subcore_axis_name="s", num_cores=_NC, num_subcores=_NS
)


def _fill(ref, rows, width, val):
    vecs = width // 16

    def body(i, carry):
        r = i // vecs
        col = (i % vecs) * 16
        ref[r, pl.ds(col, 16)] = jnp.full((16,), val, jnp.float32)
        return carry

    lax.fori_loop(0, rows * vecs, body, 0)


def _zero_fill(ref, rows, width):
    _fill(ref, rows, width, 0.0)


@functools.partial(
    pl.kernel,
    out_type=jax.ShapeDtypeStruct((_NC, _NACC, _D), jnp.float32),
    mesh=_mesh,
    scratch_types=[
        pltpu.VMEM((_KCH, _B), jnp.int32),
        pltpu.VMEM((_B, _D), jnp.float32),
        pltpu.VMEM_SHARED((_NACC, _D), jnp.float32),
    ],
)
def _deg_sc(dst_hbm, out_hbm, dst_v, buf, acc_s):
    c = lax.axis_index("c")
    s = lax.axis_index("s")
    wid = s * _NC + c

    pltpu.sync_copy(dst_hbm.at[wid], dst_v)

    _zero_fill(buf, _B, _D)
    for k in range(_ZCH):
        pltpu.sync_copy(buf, acc_s.at[pl.ds(s * _RPT + k * _B, _B)])
    plsc.subcore_barrier()

    _fill(buf, _B, _D, 1.0)

    def body(j, carry):
        pltpu.sync_copy(buf, acc_s.at[dst_v.at[j]], add=True)
        return carry

    lax.fori_loop(0, _KCH, body, 0)
    plsc.subcore_barrier()

    base = s * _RPT
    for k in range(_ZCH):
        r0 = base + k * _B
        pltpu.sync_copy(acc_s.at[pl.ds(r0, _B)], buf)
        pltpu.sync_copy(buf, out_hbm.at[c, pl.ds(r0, _B)])


@functools.partial(
    pl.kernel,
    out_type=jax.ShapeDtypeStruct((_NC, _NACC, _D), jnp.float32),
    mesh=_mesh,
    scratch_types=[
        pltpu.VMEM((_KCH, _B), jnp.int32),
        pltpu.VMEM((2, _B), jnp.int32),
        pltpu.VMEM((2, _B), jnp.int32),
        pltpu.VMEM((_B, _D), jnp.float32),
        pltpu.VMEM((_B, _D), jnp.float32),
        pltpu.VMEM_SHARED((_NACC, _D), jnp.float32),
        pltpu.SemaphoreType.DMA,
        pltpu.SemaphoreType.DMA,
    ],
)
def _spmm_sc(hd_hbm, pk_hbm, out_hbm, pk_v, src_c, dst_c, rb0, rb1, acc_s,
             sem0, sem1):
    c = lax.axis_index("c")
    s = lax.axis_index("s")
    wid = s * _NC + c

    pltpu.sync_copy(pk_hbm.at[wid], pk_v)

    def unpack(j, slot):
        def go(v, carry):
            pk = pk_v[j, pl.ds(v * 16, 16)]
            src_c[slot, pl.ds(v * 16, 16)] = jnp.bitwise_and(pk, 16383)
            dst_c[slot, pl.ds(v * 16, 16)] = lax.shift_right_logical(pk, 14)
            return carry

        lax.fori_loop(0, _B // 16, go, 0)

    _zero_fill(rb0, _B, _D)
    for k in range(_ZCH):
        pltpu.sync_copy(rb0, acc_s.at[pl.ds(s * _RPT + k * _B, _B)])
    plsc.subcore_barrier()

    _HB = _B // 2

    def gather_start(slot, rb, sem):
        pltpu.async_copy(hd_hbm.at[src_c.at[slot, pl.ds(0, _HB)]],
                         rb.at[pl.ds(0, _HB)], sem)
        pltpu.async_copy(hd_hbm.at[src_c.at[slot, pl.ds(_HB, _HB)]],
                         rb.at[pl.ds(_HB, _HB)], sem)

    def gather_wait(slot, rb, sem):
        pltpu.make_async_copy(hd_hbm.at[src_c.at[slot, pl.ds(0, _HB)]],
                              rb.at[pl.ds(0, _HB)], sem).wait()
        pltpu.make_async_copy(hd_hbm.at[src_c.at[slot, pl.ds(_HB, _HB)]],
                              rb.at[pl.ds(_HB, _HB)], sem).wait()

    unpack(0, 0)
    gather_start(0, rb0, sem0)

    def body(g, carry):
        j1 = 2 * g + 1
        unpack(j1, 1)
        gather_wait(0, rb0, sem0)
        gather_start(1, rb1, sem1)
        pltpu.sync_copy(rb0, acc_s.at[dst_c.at[0]], add=True)
        jn = lax.rem(2 * g + 2, _KCH)
        unpack(jn, 0)
        gather_start(0, rb0, sem0)
        gather_wait(1, rb1, sem1)
        pltpu.sync_copy(rb1, acc_s.at[dst_c.at[1]], add=True)
        return carry

    lax.fori_loop(0, _KCH // 2, body, 0)
    gather_wait(0, rb0, sem0)
    plsc.subcore_barrier()

    base = s * _RPT
    for k in range(_ZCH):
        r0 = base + k * _B
        pltpu.sync_copy(acc_s.at[pl.ds(r0, _B)], rb0)
        pltpu.sync_copy(rb0, out_hbm.at[c, pl.ds(r0, _B)])


def _pre_body(degp_ref, x_ref, w_ref, hd_ref, dinv_ref):
    d = degp_ref[...]
    deg = 1.0 + d[0, :_N, 0] + d[1, :_N, 0]
    dinv = lax.rsqrt(deg)[:, None]
    dinvb = jnp.broadcast_to(dinv, (_N, _D))
    h = jnp.dot(x_ref[...], w_ref[...], preferred_element_type=jnp.float32)
    hd_ref[...] = h * dinvb
    dinv_ref[...] = dinvb


_pre_tc = pl.pallas_call(
    _pre_body,
    out_shape=[
        jax.ShapeDtypeStruct((_N, _D), jnp.float32),
        jax.ShapeDtypeStruct((_N, _D), jnp.float32),
    ],
)


def _bn_relu(t, gamma, beta):
    m = jnp.mean(t, axis=0)
    v = jnp.mean((t - m[None, :]) ** 2, axis=0)
    t = (t - m[None, :]) * lax.rsqrt(v + 1e-5) * gamma[None, :] + beta[None, :]
    return jnp.maximum(t, 0.0)


def _mid_body(accp_ref, hd_ref, dinv_ref, b_ref, g_ref, be_ref, w_ref, o_ref):
    a = accp_ref[...]
    dinvb = dinv_ref[...]
    t = (a[0, :_N] + a[1, :_N] + hd_ref[...]) * dinvb + b_ref[...][None, :]
    t = _bn_relu(t, g_ref[...], be_ref[...])
    o_ref[...] = jnp.dot(t, w_ref[...], preferred_element_type=jnp.float32) * dinvb


_mid_tc = pl.pallas_call(
    _mid_body,
    out_shape=jax.ShapeDtypeStruct((_N, _D), jnp.float32),
)


def _fin_body(accp_ref, hd_ref, dinv_ref, b_ref, g_ref, be_ref, batch_ref,
              wa_ref, ba_ref, wb_ref, bb_ref, o_ref):
    a = accp_ref[...]
    t = (a[0, :_N] + a[1, :_N] + hd_ref[...]) * dinv_ref[...] + b_ref[...][None, :]
    t = _bn_relu(t, g_ref[...], be_ref[...])
    bvec = batch_ref[...]
    gids = lax.broadcasted_iota(jnp.int32, (_N, _G), 1)
    onehot = (bvec == gids).astype(jnp.float32)
    cnt = jnp.sum(onehot, axis=0)
    pooled_sum = jax.lax.dot_general(
        onehot, t, (((0,), (0,)), ((), ())),
        preferred_element_type=jnp.float32)
    pooled = pooled_sum / jnp.maximum(cnt, 1.0)[:, None]
    z = jnp.maximum(
        jnp.dot(pooled, wa_ref[...], preferred_element_type=jnp.float32)
        + ba_ref[...][None, :], 0.0)
    o_ref[...] = (jnp.dot(z, wb_ref[...], preferred_element_type=jnp.float32)
                  + bb_ref[...][None, :])


_fin_tc = pl.pallas_call(
    _fin_body,
    out_shape=jax.ShapeDtypeStruct((_G, 1), jnp.float32),
)


def kernel(x, edge_index, batch, W0, b0, W1, b1, W2, b2,
           g0, be0, g1, be1, g2, be2, Wa, ba, Wb, bb):
    src = edge_index[0].astype(jnp.int32)
    dst = edge_index[1].astype(jnp.int32)
    ppw = _EPW - _E // _NW
    dstp = jnp.concatenate(
        [dst.reshape(_NW, _E // _NW),
         jnp.full((_NW, ppw), _N, jnp.int32)], axis=1).reshape(
        _NW, _KCH, _B)
    pk = jnp.concatenate(
        [(dst * 16384 + src).reshape(_NW, _E // _NW),
         jnp.full((_NW, ppw), _N * 16384, jnp.int32)], axis=1).reshape(
        _NW, _KCH, _B)

    degp = _deg_sc(dstp)
    hd, dinvb = _pre_tc(degp, x, W0)
    acc = _spmm_sc(hd, pk)
    hd = _mid_tc(acc, hd, dinvb, b0, g0, be0, W1)
    acc = _spmm_sc(hd, pk)
    hd = _mid_tc(acc, hd, dinvb, b1, g1, be1, W2)
    acc = _spmm_sc(hd, pk)
    out = _fin_tc(acc, hd, dinvb, b2, g2, be2,
                  batch.astype(jnp.int32).reshape(_N, 1), Wa, ba, Wb, bb)
    return out

# --- scband reference (transcript-rebuilt; emitter-appended) ---
"""Pipeline reference for scband-stock-gnn-30760555774221 (READ-ONLY COPY).

The authoritative reference and input builder live on the scoring server;
editing this copy changes nothing except your own understanding.
"""

import jax, jax.numpy as jnp
import numpy as np

N = 10000
E = 320000
D = 128
H = 128
O = 1
G = 16


def setup_inputs(seed: int = 0):
    key = jax.random.key(seed)
    ks = jax.random.split(key, 24)
    x = jax.random.normal(ks[0], (N, D), dtype=jnp.float32)
    edge_index = jax.random.randint(ks[1], (2, E), 0, N)
    batch = jnp.sort(jax.random.randint(ks[2], (N,), 0, G))
    s = 0.05
    W0 = jax.random.normal(ks[3], (D, H), dtype=jnp.float32) * s
    b0 = jnp.zeros((H,), dtype=jnp.float32)
    W1 = jax.random.normal(ks[4], (H, H), dtype=jnp.float32) * s
    b1 = jnp.zeros((H,), dtype=jnp.float32)
    W2 = jax.random.normal(ks[5], (H, H), dtype=jnp.float32) * s
    b2 = jnp.zeros((H,), dtype=jnp.float32)
    g0 = jnp.ones((H,), dtype=jnp.float32)
    be0 = jnp.zeros((H,), dtype=jnp.float32)
    g1 = jnp.ones((H,), dtype=jnp.float32)
    be1 = jnp.zeros((H,), dtype=jnp.float32)
    g2 = jnp.ones((H,), dtype=jnp.float32)
    be2 = jnp.zeros((H,), dtype=jnp.float32)
    Wa = jax.random.normal(ks[6], (H, H), dtype=jnp.float32) * s
    ba = jnp.zeros((H,), dtype=jnp.float32)
    Wb = jax.random.normal(ks[7], (H, O), dtype=jnp.float32) * s
    bb = jnp.zeros((O,), dtype=jnp.float32)
    return {"x": x, "edge_index": edge_index, "batch": batch,
            "W0": W0, "b0": b0, "W1": W1, "b1": b1, "W2": W2, "b2": b2,
            "g0": g0, "be0": be0, "g1": g1, "be1": be1, "g2": g2, "be2": be2,
            "Wa": Wa, "ba": ba, "Wb": Wb, "bb": bb}


def _gcn_conv(x, edge_index, W, b):
    loops = jnp.arange(N)
    src = jnp.concatenate([edge_index[0], loops])
    dst = jnp.concatenate([edge_index[1], loops])
    deg = jax.ops.segment_sum(jnp.ones_like(src, dtype=x.dtype), dst, num_segments=N)
    dinv = jnp.where(deg > 0, jax.lax.rsqrt(jnp.maximum(deg, 1e-12)), 0.0)
    norm = dinv[src] * dinv[dst]
    h = x @ W
    out = jax.ops.segment_sum(h[src] * norm[:, None], dst, num_segments=N)
    return out + b


def _bn(x, g, b):
    m = x.mean(axis=0)
    v = x.var(axis=0)
    return (x - m) / jnp.sqrt(v + 1e-5) * g + b


def reference(x, edge_index, batch, W0, b0, W1, b1, W2, b2, g0, be0, g1, be1, g2, be2, Wa, ba, Wb, bb):
    # layer 0 (dropout is identity in eval)
    h = _gcn_conv(x, edge_index, W0, b0)
    h = jax.nn.relu(_bn(h, g0, be0))
    # layer 1
    h = _gcn_conv(h, edge_index, W1, b1)
    h = jax.nn.relu(_bn(h, g1, be1))
    # layer 2 (last conv)
    h = _gcn_conv(h, edge_index, W2, b2)
    h = jax.nn.relu(_bn(h, g2, be2))
    # global mean pool
    cnt = jax.ops.segment_sum(jnp.ones((N,), dtype=h.dtype), batch, num_segments=G)
    pooled = jax.ops.segment_sum(h, batch, num_segments=G) / jnp.maximum(cnt, 1.0)[:, None]
    # MLP head
    z = jax.nn.relu(pooled @ Wa + ba)
    out = z @ Wb + bb
    return out

if __name__ == "__main__":
    import jax
    _d = setup_inputs()
    print(jax.jit(kernel)(*tuple(_d.values())))

</pallas_src>

<mosaic_0001>
#map = affine_map<(d0, d1) -> (0, 0)>
#map1 = affine_map<(d0, d1) -> (0, 0, 0)>
module attributes {stable_mosaic.version = 14 : i64} {
  func.func @_spmm_sc(%arg0: i32, %arg1: i32, %arg2: memref<10000x128xf32, #tpu.memory_space<hbm>>, %arg3: memref<32x80x128xi32, #tpu.memory_space<hbm>>, %arg4: memref<2x10240x128xf32, #tpu.memory_space<hbm>>, %arg5: memref<80x128xi32, #tpu.memory_space<vmem>>, %arg6: memref<2x128xi32, #tpu.memory_space<vmem>>, %arg7: memref<2x128xi32, #tpu.memory_space<vmem>>, %arg8: memref<128x128xf32, #tpu.memory_space<vmem>>, %arg9: memref<128x128xf32, #tpu.memory_space<vmem>>, %arg10: memref<10240x128xf32, #tpu.memory_space<vmem_shared>>, %arg11: memref<!tpu.dma_semaphore, #tpu.memory_space<semaphore_mem>>, %arg12: memref<!tpu.dma_semaphore, #tpu.memory_space<semaphore_mem>>) attributes {dimension_semantics = [#tpu.dimension_semantics<core_parallel>, #tpu.dimension_semantics<subcore_parallel>], iteration_bounds = array<i64: 2, 16>, scalar_prefetch = 0 : i64, scratch_operands = 8 : i64, tpu.core_type = #tpu.core_type<sc_vector_subcore>, window_params = [{transform_indices = #map}, {transform_indices = #map1}, {transform_indices = #map1}]} {
    %mul3A = arith.constant 2 : i32
    %mul3A_0 = arith.muli %arg1, %mul3A : i32
    %add3A = arith.addi %mul3A_0, %arg0 : i32
    "tpu.region"() ({
      %run_scoped3A = tpu.sem_alloc : memref<!tpu.dma_semaphore, #tpu.memory_space<semaphore_mem>>
      %dma_start3A_89 = arith.constant 0 : i32
      %dma_start3A_90 = arith.constant 0 : i32
      %dma_start3A_91 = tpu.memref_slice %arg3[%add3A, %dma_start3A_89, %dma_start3A_90] : memref<32x80x128xi32, #tpu.memory_space<hbm>> -> memref<1x80x128xi32, #tpu.memory_space<hbm>>
      %dma_start3A_92 = tpu.memref_squeeze %dma_start3A_91 : memref<1x80x128xi32, #tpu.memory_space<hbm>> -> memref<80x128xi32, #tpu.memory_space<hbm>>
      %dma_start3A_93 = arith.constant 0 : i32
      %dma_start3A_94 = arith.constant 0 : i32
      %dma_start3A_95 = tpu.memref_slice %arg3[%add3A, %dma_start3A_93, %dma_start3A_94] : memref<32x80x128xi32, #tpu.memory_space<hbm>> -> memref<1x80x128xi32, #tpu.memory_space<hbm>>
      %dma_start3A_96 = tpu.memref_squeeze %dma_start3A_95 : memref<1x80x128xi32, #tpu.memory_space<hbm>> -> memref<80x128xi32, #tpu.memory_space<hbm>>
      tpu.enqueue_dma source(%dma_start3A_96 : memref<80x128xi32, #tpu.memory_space<hbm>>) target(%arg5 : memref<80x128xi32, #tpu.memory_space<vmem>>) target_semaphore(%run_scoped3A : memref<!tpu.dma_semaphore, #tpu.memory_space<semaphore_mem>>)
      %dma_wait3A_97 = arith.constant 0 : i32
      %dma_wait3A_98 = arith.constant 0 : i32
      %dma_wait3A_99 = tpu.memref_slice %arg3[%add3A, %dma_wait3A_97, %dma_wait3A_98] : memref<32x80x128xi32, #tpu.memory_space<hbm>> -> memref<1x80x128xi32, #tpu.memory_space<hbm>>
      %dma_wait3A_100 = tpu.memref_squeeze %dma_wait3A_99 : memref<1x80x128xi32, #tpu.memory_space<hbm>> -> memref<80x128xi32, #tpu.memory_space<hbm>>
      %dma_wait3A_101 = arith.constant 0 : i32
      %dma_wait3A_102 = arith.constant 0 : i32
      %dma_wait3A_103 = tpu.memref_slice %arg3[%add3A, %dma_wait3A_101, %dma_wait3A_102] : memref<32x80x128xi32, #tpu.memory_space<hbm>> -> memref<1x80x128xi32, #tpu.memory_space<hbm>>
      %dma_wait3A_104 = tpu.memref_squeeze %dma_wait3A_103 : memref<1x80x128xi32, #tpu.memory_space<hbm>> -> memref<80x128xi32, #tpu.memory_space<hbm>>
      tpu.wait_dma2 semaphore(%run_scoped3A : memref<!tpu.dma_semaphore, #tpu.memory_space<semaphore_mem>>) src(%dma_wait3A_104 : memref<80x128xi32, #tpu.memory_space<hbm>>) dst(%arg5 : memref<80x128xi32, #tpu.memory_space<vmem>>)
      tpu.yield
    }) : () -> ()
    %scan3A = arith.constant 0 : i32
    %scan3A_1 = arith.constant 0 : i32
    %scan3A_2 = arith.constant 1024 : i32
    %scan3A_3 = arith.addi %scan3A_1, %scan3A_2 : i32
    %scan3A_4 = arith.constant 1 : i32
    scf.for %scan3A_89 = %scan3A_1 to %scan3A_3 step %scan3A_4  : i32 {
      %jit3A = arith.constant 8 : i32
      %div3A = arith.divsi %scan3A_89, %jit3A : i32
      %sign3A = arith.constant 0 : i32
      %sign3A_90 = arith.cmpi sgt, %scan3A_89, %sign3A : i32
      %sign3A_91 = arith.extui %sign3A_90 : i1 to i32
      %sign3A_92 = arith.constant 0 : i32
      %sign3A_93 = arith.cmpi slt, %scan3A_89, %sign3A_92 : i32
      %sign3A_94 = arith.extui %sign3A_93 : i1 to i32
      %sign3A_95 = arith.subi %sign3A_91, %sign3A_94 : i32
      %sign3A_96 = arith.constant 0 : i32
      %sign3A_97 = arith.cmpi sgt, %jit3A, %sign3A_96 : i32
      %sign3A_98 = arith.extui %sign3A_97 : i1 to i32
      %sign3A_99 = arith.constant 0 : i32
      %sign3A_100 = arith.cmpi slt, %jit3A, %sign3A_99 : i32
      %sign3A_101 = arith.extui %sign3A_100 : i1 to i32
      %sign3A_102 = arith.subi %sign3A_98, %sign3A_101 : i32
      %ne3A = arith.cmpi ne, %sign3A_95, %sign3A_102 : i32
      %rem3A = arith.remsi %scan3A_89, %jit3A : i32
      %ne3A_103 = arith.constant 0 : i32
      %ne3A_104 = arith.cmpi ne, %rem3A, %ne3A_103 : i32
      %and3A = arith.andi %ne3A, %ne3A_104 : i1
      %sub3A = arith.constant 1 : i32
      %sub3A_105 = arith.subi %div3A, %sub3A : i32
      %select_n3A = arith.select %and3A, %sub3A_105, %div3A : i32
      %jit3A_106 = arith.constant 8 : i32
      %eq3A = arith.constant 0 : i32
      %eq3A_107 = arith.cmpi eq, %jit3A_106, %eq3A : i32
      %jit3A_108 = arith.constant 1 : i32
      %select_n3A_109 = arith.select %eq3A_107, %jit3A_108, %jit3A_106 : i32
      %rem3A_110 = arith.remsi %scan3A_89, %select_n3A_109 : i32
      %ne3A_111 = arith.constant 0 : i32
      %ne3A_112 = arith.cmpi ne, %rem3A_110, %ne3A_111 : i32
      %lt3A = arith.constant 0 : i32
      %lt3A_113 = arith.cmpi slt, %rem3A_110, %lt3A : i32
      %lt3A_114 = arith.constant 0 : i32
      %lt3A_115 = arith.cmpi slt, %select_n3A_109, %lt3A_114 : i32
      %ne3A_116 = arith.xori %lt3A_113, %lt3A_115 : i1
      %and3A_117 = arith.andi %ne3A_116, %ne3A_112 : i1
      %add3A_118 = arith.addi %rem3A_110, %select_n3A_109 : i32
      %select_n3A_119 = arith.select %and3A_117, %add3A_118, %rem3A_110 : i32
      %mul3A_120 = arith.constant 16 : i32
      %mul3A_121 = arith.muli %select_n3A_119, %mul3A_120 : i32
      %broadcast_in_dim3A = arith.constant 0.000000e+00 : f32
      %broadcast_in_dim3A_122 = vector.broadcast %broadcast_in_dim3A : f32 to vector<16xf32>
      %swap3A = arith.index_cast %select_n3A : i32 to index
      %swap3A_123 = arith.index_cast %mul3A_121 : i32 to index
      %swap3A_124 = tpu.vector_load %arg8[%swap3A, %swap3A_123] {strides = array<i32>} : memref<128x128xf32, #tpu.memory_space<vmem>>, vector<1x16xf32>,
      %swap3A_125 = vector.shape_cast %swap3A_124 : vector<1x16xf32> to vector<16xf32>
      %swap3A_126 = vector.shape_cast %broadcast_in_dim3A_122 : vector<16xf32> to vector<1x16xf32>
      tpu.vector_store %arg8[%swap3A, %swap3A_123], %swap3A_126 {strides = array<i32>} : memref<128x128xf32, #tpu.memory_space<vmem>>, vector<1x16xf32>,
    }
    %scan3A_5 = arith.constant 1024 : i32
    %mul3A_6 = arith.constant 640 : i32
    %mul3A_7 = arith.muli %arg1, %mul3A_6 : i32
    %add3A_8 = arith.constant 0 : i32
    %add3A_9 = arith.addi %mul3A_7, %add3A_8 : i32
    "tpu.region"() ({
      %run_scoped3A = tpu.sem_alloc : memref<!tpu.dma_semaphore, #tpu.memory_space<semaphore_mem>>
      %dma_start3A_89 = arith.constant 0 : i32
      %dma_start3A_90 = tpu.memref_slice %arg10[%add3A_9, %dma_start3A_89] : memref<10240x128xf32, #tpu.memory_space<vmem_shared>> -> memref<128x128xf32, #tpu.memory_space<vmem_shared>>
      %dma_start3A_91 = arith.constant 0 : i32
      %dma_start3A_92 = tpu.memref_slice %arg10[%add3A_9, %dma_start3A_91] : memref<10240x128xf32, #tpu.memory_space<vmem_shared>> -> memref<128x128xf32, #tpu.memory_space<vmem_shared>>
      tpu.enqueue_dma source(%arg8 : memref<128x128xf32, #tpu.memory_space<vmem>>) target(%dma_start3A_92 : memref<128x128xf32, #tpu.memory_space<vmem_shared>>) target_semaphore(%run_scoped3A : memref<!tpu.dma_semaphore, #tpu.memory_space<semaphore_mem>>)
      %dma_wait3A_93 = arith.constant 0 : i32
      %dma_wait3A_94 = tpu.memref_slice %arg10[%add3A_9, %dma_wait3A_93] : memref<10240x128xf32, #tpu.memory_space<vmem_shared>> -> memref<128x128xf32, #tpu.memory_space<vmem_shared>>
      %dma_wait3A_95 = arith.constant 0 : i32
      %dma_wait3A_96 = tpu.memref_slice %arg10[%add3A_9, %dma_wait3A_95] : memref<10240x128xf32, #tpu.memory_space<vmem_shared>> -> memref<128x128xf32, #tpu.memory_space<vmem_shared>>
      tpu.wait_dma2 semaphore(%run_scoped3A : memref<!tpu.dma_semaphore, #tpu.memory_space<semaphore_mem>>) src(%arg8 : memref<128x128xf32, #tpu.memory_space<vmem>>) dst(%dma_wait3A_96 : memref<128x128xf32, #tpu.memory_space<vmem_shared>>)
      tpu.yield
    }) : () -> ()
    %mul3A_10 = arith.constant 640 : i32
    %mul3A_11 = arith.muli %arg1, %mul3A_10 : i32
    %add3A_12 = arith.constant 128 : i32
    %add3A_13 = arith.addi %mul3A_11, %add3A_12 : i32
    "tpu.region"() ({
      %run_scoped3A = tpu.sem_alloc : memref<!tpu.dma_semaphore, #tpu.memory_space<semaphore_mem>>
      %dma_start3A_89 = arith.constant 0 : i32
      %dma_start3A_90 = tpu.memref_slice %arg10[%add3A_13, %dma_start3A_89] : memref<10240x128xf32, #tpu.memory_space<vmem_shared>> -> memref<128x128xf32, #tpu.memory_space<vmem_shared>>
      %dma_start3A_91 = arith.constant 0 : i32
      %dma_start3A_92 = tpu.memref_slice %arg10[%add3A_13, %dma_start3A_91] : memref<10240x128xf32, #tpu.memory_space<vmem_shared>> -> memref<128x128xf32, #tpu.memory_space<vmem_shared>>
      tpu.enqueue_dma source(%arg8 : memref<128x128xf32, #tpu.memory_space<vmem>>) target(%dma_start3A_92 : memref<128x128xf32, #tpu.memory_space<vmem_shared>>) target_semaphore(%run_scoped3A : memref<!tpu.dma_semaphore, #tpu.memory_space<semaphore_mem>>)
      %dma_wait3A_93 = arith.constant 0 : i32
      %dma_wait3A_94 = tpu.memref_slice %arg10[%add3A_13, %dma_wait3A_93] : memref<10240x128xf32, #tpu.memory_space<vmem_shared>> -> memref<128x128xf32, #tpu.memory_space<vmem_shared>>
      %dma_wait3A_95 = arith.constant 0 : i32
      %dma_wait3A_96 = tpu.memref_slice %arg10[%add3A_13, %dma_wait3A_95] : memref<10240x128xf32, #tpu.memory_space<vmem_shared>> -> memref<128x128xf32, #tpu.memory_space<vmem_shared>>
      tpu.wait_dma2 semaphore(%run_scoped3A : memref<!tpu.dma_semaphore, #tpu.memory_space<semaphore_mem>>) src(%arg8 : memref<128x128xf32, #tpu.memory_space<vmem>>) dst(%dma_wait3A_96 : memref<128x128xf32, #tpu.memory_space<vmem_shared>>)
      tpu.yield
    }) : () -> ()
    %mul3A_14 = arith.constant 640 : i32
    %mul3A_15 = arith.muli %arg1, %mul3A_14 : i32
    %add3A_16 = arith.constant 256 : i32
    %add3A_17 = arith.addi %mul3A_15, %add3A_16 : i32
    "tpu.region"() ({
      %run_scoped3A = tpu.sem_alloc : memref<!tpu.dma_semaphore, #tpu.memory_space<semaphore_mem>>
      %dma_start3A_89 = arith.constant 0 : i32
      %dma_start3A_90 = tpu.memref_slice %arg10[%add3A_17, %dma_start3A_89] : memref<10240x128xf32, #tpu.memory_space<vmem_shared>> -> memref<128x128xf32, #tpu.memory_space<vmem_shared>>
      %dma_start3A_91 = arith.constant 0 : i32
      %dma_start3A_92 = tpu.memref_slice %arg10[%add3A_17, %dma_start3A_91] : memref<10240x128xf32, #tpu.memory_space<vmem_shared>> -> memref<128x128xf32, #tpu.memory_space<vmem_shared>>
      tpu.enqueue_dma source(%arg8 : memref<128x128xf32, #tpu.memory_space<vmem>>) target(%dma_start3A_92 : memref<128x128xf32, #tpu.memory_space<vmem_shared>>) target_semaphore(%run_scoped3A : memref<!tpu.dma_semaphore, #tpu.memory_space<semaphore_mem>>)
      %dma_wait3A_93 = arith.constant 0 : i32
      %dma_wait3A_94 = tpu.memref_slice %arg10[%add3A_17, %dma_wait3A_93] : memref<10240x128xf32, #tpu.memory_space<vmem_shared>> -> memref<128x128xf32, #tpu.memory_space<vmem_shared>>
      %dma_wait3A_95 = arith.constant 0 : i32
      %dma_wait3A_96 = tpu.memref_slice %arg10[%add3A_17, %dma_wait3A_95] : memref<10240x128xf32, #tpu.memory_space<vmem_shared>> -> memref<128x128xf32, #tpu.memory_space<vmem_shared>>
      tpu.wait_dma2 semaphore(%run_scoped3A : memref<!tpu.dma_semaphore, #tpu.memory_space<semaphore_mem>>) src(%arg8 : memref<128x128xf32, #tpu.memory_space<vmem>>) dst(%dma_wait3A_96 : memref<128x128xf32, #tpu.memory_space<vmem_shared>>)
      tpu.yield
    }) : () -> ()
    %mul3A_18 = arith.constant 640 : i32
    %mul3A_19 = arith.muli %arg1, %mul3A_18 : i32
    %add3A_20 = arith.constant 384 : i32
    %add3A_21 = arith.addi %mul3A_19, %add3A_20 : i32
    "tpu.region"() ({
      %run_scoped3A = tpu.sem_alloc : memref<!tpu.dma_semaphore, #tpu.memory_space<semaphore_mem>>
      %dma_start3A_89 = arith.constant 0 : i32
      %dma_start3A_90 = tpu.memref_slice %arg10[%add3A_21, %dma_start3A_89] : memref<10240x128xf32, #tpu.memory_space<vmem_shared>> -> memref<128x128xf32, #tpu.memory_space<vmem_shared>>
      %dma_start3A_91 = arith.constant 0 : i32
      %dma_start3A_92 = tpu.memref_slice %arg10[%add3A_21, %dma_start3A_91] : memref<10240x128xf32, #tpu.memory_space<vmem_shared>> -> memref<128x128xf32, #tpu.memory_space<vmem_shared>>
      tpu.enqueue_dma source(%arg8 : memref<128x128xf32, #tpu.memory_space<vmem>>) target(%dma_start3A_92 : memref<128x128xf32, #tpu.memory_space<vmem_shared>>) target_semaphore(%run_scoped3A : memref<!tpu.dma_semaphore, #tpu.memory_space<semaphore_mem>>)
      %dma_wait3A_93 = arith.constant 0 : i32
      %dma_wait3A_94 = tpu.memref_slice %arg10[%add3A_21, %dma_wait3A_93] : memref<10240x128xf32, #tpu.memory_space<vmem_shared>> -> memref<128x128xf32, #tpu.memory_space<vmem_shared>>
      %dma_wait3A_95 = arith.constant 0 : i32
      %dma_wait3A_96 = tpu.memref_slice %arg10[%add3A_21, %dma_wait3A_95] : memref<10240x128xf32, #tpu.memory_space<vmem_shared>> -> memref<128x128xf32, #tpu.memory_space<vmem_shared>>
      tpu.wait_dma2 semaphore(%run_scoped3A : memref<!tpu.dma_semaphore, #tpu.memory_space<semaphore_mem>>) src(%arg8 : memref<128x128xf32, #tpu.memory_space<vmem>>) dst(%dma_wait3A_96 : memref<128x128xf32, #tpu.memory_space<vmem_shared>>)
      tpu.yield
    }) : () -> ()
    %mul3A_22 = arith.constant 640 : i32
    %mul3A_23 = arith.muli %arg1, %mul3A_22 : i32
    %add3A_24 = arith.constant 512 : i32
    %add3A_25 = arith.addi %mul3A_23, %add3A_24 : i32
    "tpu.region"() ({
      %run_scoped3A = tpu.sem_alloc : memref<!tpu.dma_semaphore, #tpu.memory_space<semaphore_mem>>
      %dma_start3A_89 = arith.constant 0 : i32
      %dma_start3A_90 = tpu.memref_slice %arg10[%add3A_25, %dma_start3A_89] : memref<10240x128xf32, #tpu.memory_space<vmem_shared>> -> memref<128x128xf32, #tpu.memory_space<vmem_shared>>
      %dma_start3A_91 = arith.constant 0 : i32
      %dma_start3A_92 = tpu.memref_slice %arg10[%add3A_25, %dma_start3A_91] : memref<10240x128xf32, #tpu.memory_space<vmem_shared>> -> memref<128x128xf32, #tpu.memory_space<vmem_shared>>
      tpu.enqueue_dma source(%arg8 : memref<128x128xf32, #tpu.memory_space<vmem>>) target(%dma_start3A_92 : memref<128x128xf32, #tpu.memory_space<vmem_shared>>) target_semaphore(%run_scoped3A : memref<!tpu.dma_semaphore, #tpu.memory_space<semaphore_mem>>)
      %dma_wait3A_93 = arith.constant 0 : i32
      %dma_wait3A_94 = tpu.memref_slice %arg10[%add3A_25, %dma_wait3A_93] : memref<10240x128xf32, #tpu.memory_space<vmem_shared>> -> memref<128x128xf32, #tpu.memory_space<vmem_shared>>
      %dma_wait3A_95 = arith.constant 0 : i32
      %dma_wait3A_96 = tpu.memref_slice %arg10[%add3A_25, %dma_wait3A_95] : memref<10240x128xf32, #tpu.memory_space<vmem_shared>> -> memref<128x128xf32, #tpu.memory_space<vmem_shared>>
      tpu.wait_dma2 semaphore(%run_scoped3A : memref<!tpu.dma_semaphore, #tpu.memory_space<semaphore_mem>>) src(%arg8 : memref<128x128xf32, #tpu.memory_space<vmem>>) dst(%dma_wait3A_96 : memref<128x128xf32, #tpu.memory_space<vmem_shared>>)
      tpu.yield
    }) : () -> ()
    %barrier3A = arith.constant 0 : index
    tpu.barrier barrier_id(%barrier3A)
    %scan3A_26 = arith.constant 0 : i32
    %scan3A_27 = arith.constant 0 : i32
    %scan3A_28 = arith.constant 8 : i32
    %scan3A_29 = arith.addi %scan3A_27, %scan3A_28 : i32
    %scan3A_30 = arith.constant 1 : i32
    scf.for %scan3A_89 = %scan3A_27 to %scan3A_29 step %scan3A_30  : i32 {
      %mul3A_90 = arith.constant 16 : i32
      %mul3A_91 = arith.muli %scan3A_89, %mul3A_90 : i32
      %get3A = arith.constant 0 : i32
      %get3A_92 = arith.index_cast %get3A : i32 to index
      %get3A_93 = arith.index_cast %mul3A_91 : i32 to index
      %get3A_94 = tpu.vector_load %arg5[%get3A_92, %get3A_93] {strides = array<i32>} : memref<80x128xi32, #tpu.memory_space<vmem>>, vector<1x16xi32>,
      %get3A_95 = vector.shape_cast %get3A_94 : vector<1x16xi32> to vector<16xi32>
      %and3A = arith.constant 16383 : i32
      %and3A_96 = vector.broadcast %and3A : i32 to vector<16xi32>
      %and3A_97 = arith.andi %get3A_95, %and3A_96 : vector<16xi32>
      %mul3A_98 = arith.constant 16 : i32
      %mul3A_99 = arith.muli %scan3A_89, %mul3A_98 : i32
      %swap3A = arith.constant 0 : i32
      %swap3A_100 = arith.index_cast %swap3A : i32 to index
      %swap3A_101 = arith.index_cast %mul3A_99 : i32 to index
      %swap3A_102 = tpu.vector_load %arg6[%swap3A_100, %swap3A_101] {strides = array<i32>} : memref<2x128xi32, #tpu.memory_space<vmem>>, vector<1x16xi32>,
      %swap3A_103 = vector.shape_cast %swap3A_102 : vector<1x16xi32> to vector<16xi32>
      %swap3A_104 = vector.shape_cast %and3A_97 : vector<16xi32> to vector<1x16xi32>
      tpu.vector_store %arg6[%swap3A_100, %swap3A_101], %swap3A_104 {strides = array<i32>} : memref<2x128xi32, #tpu.memory_space<vmem>>, vector<1x16xi32>,
      %shift_right_logical3A = arith.constant 14 : i32
      %shift_right_logical3A_105 = vector.broadcast %shift_right_logical3A : i32 to vector<16xi32>
      %shift_right_logical3A_106 = arith.shrui %get3A_95, %shift_right_logical3A_105 : vector<16xi32>
      %mul3A_107 = arith.constant 16 : i32
      %mul3A_108 = arith.muli %scan3A_89, %mul3A_107 : i32
      %swap3A_109 = arith.constant 0 : i32
      %swap3A_110 = arith.index_cast %swap3A_109 : i32 to index
      %swap3A_111 = arith.index_cast %mul3A_108 : i32 to index
      %swap3A_112 = tpu.vector_load %arg7[%swap3A_110, %swap3A_111] {strides = array<i32>} : memref<2x128xi32, #tpu.memory_space<vmem>>, vector<1x16xi32>,
      %swap3A_113 = vector.shape_cast %swap3A_112 : vector<1x16xi32> to vector<16xi32>
      %swap3A_114 = vector.shape_cast %shift_right_logical3A_106 : vector<16xi32> to vector<1x16xi32>
      tpu.vector_store %arg7[%swap3A_110, %swap3A_111], %swap3A_114 {strides = array<i32>} : memref<2x128xi32, #tpu.memory_space<vmem>>, vector<1x16xi32>,
    }
    %scan3A_31 = arith.constant 8 : i32
    %dma_start3A = arith.constant 0 : i32
    %dma_start3A_32 = arith.constant 0 : i32
    %dma_start3A_33 = arith.constant 0 : i32
    %dma_start3A_34 = tpu.memref_slice %arg8[%dma_start3A_32, %dma_start3A_33] : memref<128x128xf32, #tpu.memory_space<vmem>> -> memref<64x128xf32, #tpu.memory_space<vmem>>
    %dma_start3A_35 = arith.constant 0 : i32
    %dma_start3A_36 = tpu.memref_slice %arg6[%dma_start3A, %dma_start3A_35] : memref<2x128xi32, #tpu.memory_space<vmem>> -> memref<1x64xi32, #tpu.memory_space<vmem>>
    %dma_start3A_37 = tpu.memref_squeeze %dma_start3A_36 : memref<1x64xi32, #tpu.memory_space<vmem>> -> memref<64xi32, #tpu.memory_space<vmem>>
    %dma_start3A_38 = arith.constant 0 : i32
    %dma_start3A_39 = arith.constant 0 : i32
    %dma_start3A_40 = tpu.memref_slice %arg2[%dma_start3A_38, %dma_start3A_39] : memref<10000x128xf32, #tpu.memory_space<hbm>> -> memref<10000x128xf32, #tpu.memory_space<hbm>>
    tpu.enqueue_indirect_dma source(%dma_start3A_40 : memref<10000x128xf32, #tpu.memory_space<hbm>>) target(%dma_start3A_34 : memref<64x128xf32, #tpu.memory_space<vmem>>) offsets(%dma_start3A_37 : memref<64xi32, #tpu.memory_space<vmem>>) semaphore(%arg11 : memref<!tpu.dma_semaphore, #tpu.memory_space<semaphore_mem>>)
    %dma_start3A_41 = arith.constant 0 : i32
    %dma_start3A_42 = arith.constant 64 : i32
    %dma_start3A_43 = arith.constant 0 : i32
    %dma_start3A_44 = tpu.memref_slice %arg8[%dma_start3A_42, %dma_start3A_43] : memref<128x128xf32, #tpu.memory_space<vmem>> -> memref<64x128xf32, #tpu.memory_space<vmem>>
    %dma_start3A_45 = arith.constant 64 : i32
    %dma_start3A_46 = tpu.memref_slice %arg6[%dma_start3A_41, %dma_start3A_45] : memref<2x128xi32, #tpu.memory_space<vmem>> -> memref<1x64xi32, #tpu.memory_space<vmem>>
    %dma_start3A_47 = tpu.memref_squeeze %dma_start3A_46 : memref<1x64xi32, #tpu.memory_space<vmem>> -> memref<64xi32, #tpu.memory_space<vmem>>
    %dma_start3A_48 = arith.constant 0 : i32
    %dma_start3A_49 = arith.constant 0 : i32
    %dma_start3A_50 = tpu.memref_slice %arg2[%dma_start3A_48, %dma_start3A_49] : memref<10000x128xf32, #tpu.memory_space<hbm>> -> memref<10000x128xf32, #tpu.memory_space<hbm>>
    tpu.enqueue_indirect_dma source(%dma_start3A_50 : memref<10000x128xf32, #tpu.memory_space<hbm>>) target(%dma_start3A_44 : memref<64x128xf32, #tpu.memory_space<vmem>>) offsets(%dma_start3A_47 : memref<64xi32, #tpu.memory_space<vmem>>) semaphore(%arg11 : memref<!tpu.dma_semaphore, #tpu.memory_space<semaphore_mem>>)
    %scan3A_51 = arith.constant 0 : i32
    %scan3A_52 = arith.constant 0 : i32
    %scan3A_53 = arith.constant 40 : i32
    %scan3A_54 = arith.addi %scan3A_52, %scan3A_53 : i32
    %scan3A_55 = arith.constant 1 : i32
    scf.for %scan3A_89 = %scan3A_52 to %scan3A_54 step %scan3A_55  : i32 {
      %mul3A_90 = arith.constant 2 : i32
      %mul3A_91 = arith.muli %mul3A_90, %scan3A_89 : i32
      %add3A_92 = arith.constant 1 : i32
      %add3A_93 = arith.addi %mul3A_91, %add3A_92 : i32
      %scan3A_94 = arith.constant 0 : i32
      %scan3A_95 = arith.constant 0 : i32
      %scan3A_96 = arith.constant 8 : i32
      %scan3A_97 = arith.addi %scan3A_95, %scan3A_96 : i32
      %scan3A_98 = arith.constant 1 : i32
      scf.for %scan3A_192 = %scan3A_95 to %scan3A_97 step %scan3A_98  : i32 {
        %mul3A_193 = arith.constant 16 : i32
        %mul3A_194 = arith.muli %scan3A_192, %mul3A_193 : i32
        %get3A = arith.index_cast %add3A_93 : i32 to index
        %get3A_195 = arith.index_cast %mul3A_194 : i32 to index
        %get3A_196 = tpu.vector_load %arg5[%get3A, %get3A_195] {strides = array<i32>} : memref<80x128xi32, #tpu.memory_space<vmem>>, vector<1x16xi32>,
        %get3A_197 = vector.shape_cast %get3A_196 : vector<1x16xi32> to vector<16xi32>
        %and3A = arith.constant 16383 : i32
        %and3A_198 = vector.broadcast %and3A : i32 to vector<16xi32>
        %and3A_199 = arith.andi %get3A_197, %and3A_198 : vector<16xi32>
        %mul3A_200 = arith.constant 16 : i32
        %mul3A_201 = arith.muli %scan3A_192, %mul3A_200 : i32
        %swap3A = arith.constant 1 : i32
        %swap3A_202 = arith.index_cast %swap3A : i32 to index
        %swap3A_203 = arith.index_cast %mul3A_201 : i32 to index
        %swap3A_204 = tpu.vector_load %arg6[%swap3A_202, %swap3A_203] {strides = array<i32>} : memref<2x128xi32, #tpu.memory_space<vmem>>, vector<1x16xi32>,
        %swap3A_205 = vector.shape_cast %swap3A_204 : vector<1x16xi32> to vector<16xi32>
        %swap3A_206 = vector.shape_cast %and3A_199 : vector<16xi32> to vector<1x16xi32>
        tpu.vector_store %arg6[%swap3A_202, %swap3A_203], %swap3A_206 {strides = array<i32>} : memref<2x128xi32, #tpu.memory_space<vmem>>, vector<1x16xi32>,
        %shift_right_logical3A = arith.constant 14 : i32
        %shift_right_logical3A_207 = vector.broadcast %shift_right_logical3A : i32 to vector<16xi32>
        %shift_right_logical3A_208 = arith.shrui %get3A_197, %shift_right_logical3A_207 : vector<16xi32>
        %mul3A_209 = arith.constant 16 : i32
        %mul3A_210 = arith.muli %scan3A_192, %mul3A_209 : i32
        %swap3A_211 = arith.constant 1 : i32
        %swap3A_212 = arith.index_cast %swap3A_211 : i32 to index
        %swap3A_213 = arith.index_cast %mul3A_210 : i32 to index
        %swap3A_214 = tpu.vector_load %arg7[%swap3A_212, %swap3A_213] {strides = array<i32>} : memref<2x128xi32, #tpu.memory_space<vmem>>, vector<1x16xi32>,
        %swap3A_215 = vector.shape_cast %swap3A_214 : vector<1x16xi32> to vector<16xi32>
        %swap3A_216 = vector.shape_cast %shift_right_logical3A_208 : vector<16xi32> to vector<1x16xi32>
        tpu.vector_store %arg7[%swap3A_212, %swap3A_213], %swap3A_216 {strides = array<i32>} : memref<2x128xi32, #tpu.memory_space<vmem>>, vector<1x16xi32>,
      }
      %scan3A_99 = arith.constant 8 : i32
      %dma_wait3A_100 = arith.constant 0 : i32
      %dma_wait3A_101 = arith.constant 0 : i32
      %dma_wait3A_102 = arith.constant 0 : i32
      %dma_wait3A_103 = tpu.memref_slice %arg8[%dma_wait3A_101, %dma_wait3A_102] : memref<128x128xf32, #tpu.memory_space<vmem>> -> memref<64x128xf32, #tpu.memory_space<vmem>>
      %dma_wait3A_104 = arith.constant 0 : i32
      %dma_wait3A_105 = tpu.memref_slice %arg6[%dma_wait3A_100, %dma_wait3A_104] : memref<2x128xi32, #tpu.memory_space<vmem>> -> memref<1x64xi32, #tpu.memory_space<vmem>>
      %dma_wait3A_106 = tpu.memref_squeeze %dma_wait3A_105 : memref<1x64xi32, #tpu.memory_space<vmem>> -> memref<64xi32, #tpu.memory_space<vmem>>
      %dma_wait3A_107 = arith.constant 0 : i32
      %dma_wait3A_108 = arith.constant 0 : i32
      %dma_wait3A_109 = tpu.memref_slice %arg2[%dma_wait3A_107, %dma_wait3A_108] : memref<10000x128xf32, #tpu.memory_space<hbm>> -> memref<10000x128xf32, #tpu.memory_space<hbm>>
      tpu.wait_indirect_dma semaphore(%arg11 : memref<!tpu.dma_semaphore, #tpu.memory_space<semaphore_mem>>) src(%dma_wait3A_109 : memref<10000x128xf32, #tpu.memory_space<hbm>>) dst(%dma_wait3A_103 : memref<64x128xf32, #tpu.memory_space<vmem>>)
      %dma_wait3A_110 = arith.constant 0 : i32
      %dma_wait3A_111 = arith.constant 64 : i32
      %dma_wait3A_112 = arith.constant 0 : i32
      %dma_wait3A_113 = tpu.memref_slice %arg8[%dma_wait3A_111, %dma_wait3A_112] : memref<128x128xf32, #tpu.memory_space<vmem>> -> memref<64x128xf32, #tpu.memory_space<vmem>>
      %dma_wait3A_114 = arith.constant 64 : i32
      %dma_wait3A_115 = tpu.memref_slice %arg6[%dma_wait3A_110, %dma_wait3A_114] : memref<2x128xi32, #tpu.memory_space<vmem>> -> memref<1x64xi32, #tpu.memory_space<vmem>>
      %dma_wait3A_116 = tpu.memref_squeeze %dma_wait3A_115 : memref<1x64xi32, #tpu.memory_space<vmem>> -> memref<64xi32, #tpu.memory_space<vmem>>
      %dma_wait3A_117 = arith.constant 0 : i32
      %dma_wait3A_118 = arith.constant 0 : i32
      %dma_wait3A_119 = tpu.memref_slice %arg2[%dma_wait3A_117, %dma_wait3A_118] : memref<10000x128xf32, #tpu.memory_space<hbm>> -> memref<10000x128xf32, #tpu.memory_space<hbm>>
      tpu.wait_indirect_dma semaphore(%arg11 : memref<!tpu.dma_semaphore, #tpu.memory_space<semaphore_mem>>) src(%dma_wait3A_119 : memref<10000x128xf32, #tpu.memory_space<hbm>>) dst(%dma_wait3A_113 : memref<64x128xf32, #tpu.memory_space<vmem>>)
      %dma_start3A_120 = arith.constant 1 : i32
      %dma_start3A_121 = arith.constant 0 : i32
      %dma_start3A_122 = arith.constant 0 : i32
      %dma_start3A_123 = tpu.memref_slice %arg9[%dma_start3A_121, %dma_start3A_122] : memref<128x128xf32, #tpu.memory_space<vmem>> -> memref<64x128xf32, #tpu.memory_space<vmem>>
      %dma_start3A_124 = arith.constant 0 : i32
      %dma_start3A_125 = tpu.memref_slice %arg6[%dma_start3A_120, %dma_start3A_124] : memref<2x128xi32, #tpu.memory_space<vmem>> -> memref<1x64xi32, #tpu.memory_space<vmem>>
      %dma_start3A_126 = tpu.memref_squeeze %dma_start3A_125 : memref<1x64xi32, #tpu.memory_space<vmem>> -> memref<64xi32, #tpu.memory_space<vmem>>
      %dma_start3A_127 = arith.constant 0 : i32
      %dma_start3A_128 = arith.constant 0 : i32
      %dma_start3A_129 = tpu.memref_slice %arg2[%dma_start3A_127, %dma_start3A_128] : memref<10000x128xf32, #tpu.memory_space<hbm>> -> memref<10000x128xf32, #tpu.memory_space<hbm>>
      tpu.enqueue_indirect_dma source(%dma_start3A_129 : memref<10000x128xf32, #tpu.memory_space<hbm>>) target(%dma_start3A_123 : memref<64x128xf32, #tpu.memory_space<vmem>>) offsets(%dma_start3A_126 : memref<64xi32, #tpu.memory_space<vmem>>) semaphore(%arg12 : memref<!tpu.dma_semaphore, #tpu.memory_space<semaphore_mem>>)
      %dma_start3A_130 = arith.constant 1 : i32
      %dma_start3A_131 = arith.constant 64 : i32
      %dma_start3A_132 = arith.constant 0 : i32
      %dma_start3A_133 = tpu.memref_slice %arg9[%dma_start3A_131, %dma_start3A_132] : memref<128x128xf32, #tpu.memory_space<vmem>> -> memref<64x128xf32, #tpu.memory_space<vmem>>
      %dma_start3A_134 = arith.constant 64 : i32
      %dma_start3A_135 = tpu.memref_slice %arg6[%dma_start3A_130, %dma_start3A_134] : memref<2x128xi32, #tpu.memory_space<vmem>> -> memref<1x64xi32, #tpu.memory_space<vmem>>
      %dma_start3A_136 = tpu.memref_squeeze %dma_start3A_135 : memref<1x64xi32, #tpu.memory_space<vmem>> -> memref<64xi32, #tpu.memory_space<vmem>>
      %dma_start3A_137 = arith.constant 0 : i32
      %dma_start3A_138 = arith.constant 0 : i32
      %dma_start3A_139 = tpu.memref_slice %arg2[%dma_start3A_137, %dma_start3A_138] : memref<10000x128xf32, #tpu.memory_space<hbm>> -> memref<10000x128xf32, #tpu.memory_space<hbm>>
      tpu.enqueue_indirect_dma source(%dma_start3A_139 : memref<10000x128xf32, #tpu.memory_space<hbm>>) target(%dma_start3A_133 : memref<64x128xf32, #tpu.memory_space<vmem>>) offsets(%dma_start3A_136 : memref<64xi32, #tpu.memory_space<vmem>>) semaphore(%arg12 : memref<!tpu.dma_semaphore, #tpu.memory_space<semaphore_mem>>)
      %run_scoped3A = arith.constant 0 : i32
      "tpu.region"() ({
        %run_scoped3A_192 = tpu.sem_alloc : memref<!tpu.dma_semaphore, #tpu.memory_space<semaphore_mem>>
        %dma_start3A_193 = arith.constant 0 : i32
        %dma_start3A_194 = tpu.memref_slice %arg7[%run_scoped3A, %dma_start3A_193] : memref<2x128xi32, #tpu.memory_space<vmem>> -> memref<1x128xi32, #tpu.memory_space<vmem>>
        %dma_start3A_195 = tpu.memref_squeeze %dma_start3A_194 : memref<1x128xi32, #tpu.memory_space<vmem>> -> memref<128xi32, #tpu.memory_space<vmem>>
        %dma_start3A_196 = arith.constant 0 : i32
        %dma_start3A_197 = arith.constant 0 : i32
        %dma_start3A_198 = tpu.memref_slice %arg10[%dma_start3A_196, %dma_start3A_197] : memref<10240x128xf32, #tpu.memory_space<vmem_shared>> -> memref<10240x128xf32, #tpu.memory_space<vmem_shared>>
        tpu.enqueue_indirect_dma source(%arg8 : memref<128x128xf32, #tpu.memory_space<vmem>>) target(%dma_start3A_198 : memref<10240x128xf32, #tpu.memory_space<vmem_shared>>) offsets(%dma_start3A_195 : memref<128xi32, #tpu.memory_space<vmem>>) semaphore(%run_scoped3A_192 : memref<!tpu.dma_semaphore, #tpu.memory_space<semaphore_mem>>) {add = true}
        %dma_wait3A_199 = arith.constant 0 : i32
        %dma_wait3A_200 = tpu.memref_slice %arg7[%run_scoped3A, %dma_wait3A_199] : memref<2x128xi32, #tpu.memory_space<vmem>> -> memref<1x128xi32, #tpu.memory_space<vmem>>
        %dma_wait3A_201 = tpu.memref_squeeze %dma_wait3A_200 : memref<1x128xi32, #tpu.memory_space<vmem>> -> memref<128xi32, #tpu.memory_space<vmem>>
        %dma_wait3A_202 = arith.constant 0 : i32
        %dma_wait3A_203 = arith.constant 0 : i32
        %dma_wait3A_204 = tpu.memref_slice %arg10[%dma_wait3A_202, %dma_wait3A_203] : memref<10240x128xf32, #tpu.memory_space<vmem_shared>> -> memref<10240x128xf32, #tpu.memory_space<vmem_shared>>
        tpu.wait_indirect_dma semaphore(%run_scoped3A_192 : memref<!tpu.dma_semaphore, #tpu.memory_space<semaphore_mem>>) src(%arg8 : memref<128x128xf32, #tpu.memory_space<vmem>>) dst(%dma_wait3A_204 : memref<10240x128xf32, #tpu.memory_space<vmem_shared>>)
        tpu.yield
      }) : () -> ()
      %mul3A_140 = arith.constant 2 : i32
      %mul3A_141 = arith.muli %mul3A_140, %scan3A_89 : i32
      %add3A_142 = arith.constant 2 : i32
      %add3A_143 = arith.addi %mul3A_141, %add3A_142 : i32
      %rem3A = arith.constant 80 : i32
      %rem3A_144 = arith.remsi %add3A_143, %rem3A : i32
      %scan3A_145 = arith.constant 0 : i32
      %scan3A_146 = arith.constant 0 : i32
      %scan3A_147 = arith.constant 8 : i32
      %scan3A_148 = arith.addi %scan3A_146, %scan3A_147 : i32
      %scan3A_149 = arith.constant 1 : i32
      scf.for %scan3A_192 = %scan3A_146 to %scan3A_148 step %scan3A_149  : i32 {
        %mul3A_193 = arith.constant 16 : i32
        %mul3A_194 = arith.muli %scan3A_192, %mul3A_193 : i32
        %get3A = arith.index_cast %rem3A_144 : i32 to index
        %get3A_195 = arith.index_cast %mul3A_194 : i32 to index
        %get3A_196 = tpu.vector_load %arg5[%get3A, %get3A_195] {strides = array<i32>} : memref<80x128xi32, #tpu.memory_space<vmem>>, vector<1x16xi32>,
        %get3A_197 = vector.shape_cast %get3A_196 : vector<1x16xi32> to vector<16xi32>
        %and3A = arith.constant 16383 : i32
        %and3A_198 = vector.broadcast %and3A : i32 to vector<16xi32>
        %and3A_199 = arith.andi %get3A_197, %and3A_198 : vector<16xi32>
        %mul3A_200 = arith.constant 16 : i32
        %mul3A_201 = arith.muli %scan3A_192, %mul3A_200 : i32
        %swap3A = arith.constant 0 : i32
        %swap3A_202 = arith.index_cast %swap3A : i32 to index
        %swap3A_203 = arith.index_cast %mul3A_201 : i32 to index
        %swap3A_204 = tpu.vector_load %arg6[%swap3A_202, %swap3A_203] {strides = array<i32>} : memref<2x128xi32, #tpu.memory_space<vmem>>, vector<1x16xi32>,
        %swap3A_205 = vector.shape_cast %swap3A_204 : vector<1x16xi32> to vector<16xi32>
        %swap3A_206 = vector.shape_cast %and3A_199 : vector<16xi32> to vector<1x16xi32>
        tpu.vector_store %arg6[%swap3A_202, %swap3A_203], %swap3A_206 {strides = array<i32>} : memref<2x128xi32, #tpu.memory_space<vmem>>, vector<1x16xi32>,
        %shift_right_logical3A = arith.constant 14 : i32
        %shift_right_logical3A_207 = vector.broadcast %shift_right_logical3A : i32 to vector<16xi32>
        %shift_right_logical3A_208 = arith.shrui %get3A_197, %shift_right_logical3A_207 : vector<16xi32>
        %mul3A_209 = arith.constant 16 : i32
        %mul3A_210 = arith.muli %scan3A_192, %mul3A_209 : i32
        %swap3A_211 = arith.constant 0 : i32
        %swap3A_212 = arith.index_cast %swap3A_211 : i32 to index
        %swap3A_213 = arith.index_cast %mul3A_210 : i32 to index
        %swap3A_214 = tpu.vector_load %arg7[%swap3A_212, %swap3A_213] {strides = array<i32>} : memref<2x128xi32, #tpu.memory_space<vmem>>, vector<1x16xi32>,
        %swap3A_215 = vector.shape_cast %swap3A_214 : vector<1x16xi32> to vector<16xi32>
        %swap3A_216 = vector.shape_cast %shift_right_logical3A_208 : vector<16xi32> to vector<1x16xi32>
        tpu.vector_store %arg7[%swap3A_212, %swap3A_213], %swap3A_216 {strides = array<i32>} : memref<2x128xi32, #tpu.memory_space<vmem>>, vector<1x16xi32>,
      }
      %scan3A_150 = arith.constant 8 : i32
      %dma_start3A_151 = arith.constant 0 : i32
      %dma_start3A_152 = arith.constant 0 : i32
      %dma_start3A_153 = arith.constant 0 : i32
      %dma_start3A_154 = tpu.memref_slice %arg8[%dma_start3A_152, %dma_start3A_153] : memref<128x128xf32, #tpu.memory_space<vmem>> -> memref<64x128xf32, #tpu.memory_space<vmem>>
      %dma_start3A_155 = arith.constant 0 : i32
      %dma_start3A_156 = tpu.memref_slice %arg6[%dma_start3A_151, %dma_start3A_155] : memref<2x128xi32, #tpu.memory_space<vmem>> -> memref<1x64xi32, #tpu.memory_space<vmem>>
      %dma_start3A_157 = tpu.memref_squeeze %dma_start3A_156 : memref<1x64xi32, #tpu.memory_space<vmem>> -> memref<64xi32, #tpu.memory_space<vmem>>
      %dma_start3A_158 = arith.constant 0 : i32
      %dma_start3A_159 = arith.constant 0 : i32
      %dma_start3A_160 = tpu.memref_slice %arg2[%dma_start3A_158, %dma_start3A_159] : memref<10000x128xf32, #tpu.memory_space<hbm>> -> memref<10000x128xf32, #tpu.memory_space<hbm>>
      tpu.enqueue_indirect_dma source(%dma_start3A_160 : memref<10000x128xf32, #tpu.memory_space<hbm>>) target(%dma_start3A_154 : memref<64x128xf32, #tpu.memory_space<vmem>>) offsets(%dma_start3A_157 : memref<64xi32, #tpu.memory_space<vmem>>) semaphore(%arg11 : memref<!tpu.dma_semaphore, #tpu.memory_space<semaphore_mem>>)
      %dma_start3A_161 = arith.constant 0 : i32
      %dma_start3A_162 = arith.constant 64 : i32
      %dma_start3A_163 = arith.constant 0 : i32
      %dma_start3A_164 = tpu.memref_slice %arg8[%dma_start3A_162, %dma_start3A_163] : memref<128x128xf32, #tpu.memory_space<vmem>> -> memref<64x128xf32, #tpu.memory_space<vmem>>
      %dma_start3A_165 = arith.constant 64 : i32
      %dma_start3A_166 = tpu.memref_slice %arg6[%dma_start3A_161, %dma_start3A_165] : memref<2x128xi32, #tpu.memory_space<vmem>> -> memref<1x64xi32, #tpu.memory_space<vmem>>
      %dma_start3A_167 = tpu.memref_squeeze %dma_start3A_166 : memref<1x64xi32, #tpu.memory_space<vmem>> -> memref<64xi32, #tpu.memory_space<vmem>>
      %dma_start3A_168 = arith.constant 0 : i32
      %dma_start3A_169 = arith.constant 0 : i32
      %dma_start3A_170 = tpu.memref_slice %arg2[%dma_start3A_168, %dma_start3A_169] : memref<10000x128xf32, #tpu.memory_space<hbm>> -> memref<10000x128xf32, #tpu.memory_space<hbm>>
      tpu.enqueue_indirect_dma source(%dma_start3A_170 : memref<10000x128xf32, #tpu.memory_space<hbm>>) target(%dma_start3A_164 : memref<64x128xf32, #tpu.memory_space<vmem>>) offsets(%dma_start3A_167 : memref<64xi32, #tpu.memory_space<vmem>>) semaphore(%arg11 : memref<!tpu.dma_semaphore, #tpu.memory_space<semaphore_mem>>)
      %dma_wait3A_171 = arith.constant 1 : i32
      %dma_wait3A_172 = arith.constant 0 : i32
      %dma_wait3A_173 = arith.constant 0 : i32
      %dma_wait3A_174 = tpu.memref_slice %arg9[%dma_wait3A_172, %dma_wait3A_173] : memref<128x128xf32, #tpu.memory_space<vmem>> -> memref<64x128xf32, #tpu.memory_space<vmem>>
      %dma_wait3A_175 = arith.constant 0 : i32
      %dma_wait3A_176 = tpu.memref_slice %arg6[%dma_wait3A_171, %dma_wait3A_175] : memref<2x128xi32, #tpu.memory_space<vmem>> -> memref<1x64xi32, #tpu.memory_space<vmem>>
      %dma_wait3A_177 = tpu.memref_squeeze %dma_wait3A_176 : memref<1x64xi32, #tpu.memory_space<vmem>> -> memref<64xi32, #tpu.memory_space<vmem>>
      %dma_wait3A_178 = arith.constant 0 : i32
      %dma_wait3A_179 = arith.constant 0 : i32
      %dma_wait3A_180 = tpu.memref_slice %arg2[%dma_wait3A_178, %dma_wait3A_179] : memref<10000x128xf32, #tpu.memory_space<hbm>> -> memref<10000x128xf32, #tpu.memory_space<hbm>>
      tpu.wait_indirect_dma semaphore(%arg12 : memref<!tpu.dma_semaphore, #tpu.memory_space<semaphore_mem>>) src(%dma_wait3A_180 : memref<10000x128xf32, #tpu.memory_space<hbm>>) dst(%dma_wait3A_174 : memref<64x128xf32, #tpu.memory_space<vmem>>)
      %dma_wait3A_181 = arith.constant 1 : i32
      %dma_wait3A_182 = arith.constant 64 : i32
      %dma_wait3A_183 = arith.constant 0 : i32
      %dma_wait3A_184 = tpu.memref_slice %arg9[%dma_wait3A_182, %dma_wait3A_183] : memref<128x128xf32, #tpu.memory_space<vmem>> -> memref<64x128xf32, #tpu.memory_space<vmem>>
      %dma_wait3A_185 = arith.constant 64 : i32
      %dma_wait3A_186 = tpu.memref_slice %arg6[%dma_wait3A_181, %dma_wait3A_185] : memref<2x128xi32, #tpu.memory_space<vmem>> -> memref<1x64xi32, #tpu.memory_space<vmem>>
      %dma_wait3A_187 = tpu.memref_squeeze %dma_wait3A_186 : memref<1x64xi32, #tpu.memory_space<vmem>> -> memref<64xi32, #tpu.memory_space<vmem>>
      %dma_wait3A_188 = arith.constant 0 : i32
      %dma_wait3A_189 = arith.constant 0 : i32
      %dma_wait3A_190 = tpu.memref_slice %arg2[%dma_wait3A_188, %dma_wait3A_189] : memref<10000x128xf32, #tpu.memory_space<hbm>> -> memref<10000x128xf32, #tpu.memory_space<hbm>>
      tpu.wait_indirect_dma semaphore(%arg12 : memref<!tpu.dma_semaphore, #tpu.memory_space<semaphore_mem>>) src(%dma_wait3A_190 : memref<10000x128xf32, #tpu.memory_space<hbm>>) dst(%dma_wait3A_184 : memref<64x128xf32, #tpu.memory_space<vmem>>)
      %run_scoped3A_191 = arith.constant 1 : i32
      "tpu.region"() ({
        %run_scoped3A_192 = tpu.sem_alloc : memref<!tpu.dma_semaphore, #tpu.memory_space<semaphore_mem>>
        %dma_start3A_193 = arith.constant 0 : i32
        %dma_start3A_194 = tpu.memref_slice %arg7[%run_scoped3A_191, %dma_start3A_193] : memref<2x128xi32, #tpu.memory_space<vmem>> -> memref<1x128xi32, #tpu.memory_space<vmem>>
        %dma_start3A_195 = tpu.memref_squeeze %dma_start3A_194 : memref<1x128xi32, #tpu.memory_space<vmem>> -> memref<128xi32, #tpu.memory_space<vmem>>
        %dma_start3A_196 = arith.constant 0 : i32
        %dma_start3A_197 = arith.constant 0 : i32
        %dma_start3A_198 = tpu.memref_slice %arg10[%dma_start3A_196, %dma_start3A_197] : memref<10240x128xf32, #tpu.memory_space<vmem_shared>> -> memref<10240x128xf32, #tpu.memory_space<vmem_shared>>
        tpu.enqueue_indirect_dma source(%arg9 : memref<128x128xf32, #tpu.memory_space<vmem>>) target(%dma_start3A_198 : memref<10240x128xf32, #tpu.memory_space<vmem_shared>>) offsets(%dma_start3A_195 : memref<128xi32, #tpu.memory_space<vmem>>) semaphore(%run_scoped3A_192 : memref<!tpu.dma_semaphore, #tpu.memory_space<semaphore_mem>>) {add = true}
        %dma_wait3A_199 = arith.constant 0 : i32
        %dma_wait3A_200 = tpu.memref_slice %arg7[%run_scoped3A_191, %dma_wait3A_199] : memref<2x128xi32, #tpu.memory_space<vmem>> -> memref<1x128xi32, #tpu.memory_space<vmem>>
        %dma_wait3A_201 = tpu.memref_squeeze %dma_wait3A_200 : memref<1x128xi32, #tpu.memory_space<vmem>> -> memref<128xi32, #tpu.memory_space<vmem>>
        %dma_wait3A_202 = arith.constant 0 : i32
        %dma_wait3A_203 = arith.constant 0 : i32
        %dma_wait3A_204 = tpu.memref_slice %arg10[%dma_wait3A_202, %dma_wait3A_203] : memref<10240x128xf32, #tpu.memory_space<vmem_shared>> -> memref<10240x128xf32, #tpu.memory_space<vmem_shared>>
        tpu.wait_indirect_dma semaphore(%run_scoped3A_192 : memref<!tpu.dma_semaphore, #tpu.memory_space<semaphore_mem>>) src(%arg9 : memref<128x128xf32, #tpu.memory_space<vmem>>) dst(%dma_wait3A_204 : memref<10240x128xf32, #tpu.memory_space<vmem_shared>>)
        tpu.yield
      }) : () -> ()
    }
    %scan3A_56 = arith.constant 40 : i32
    %dma_wait3A = arith.constant 0 : i32
    %dma_wait3A_57 = arith.constant 0 : i32
    %dma_wait3A_58 = arith.constant 0 : i32
    %dma_wait3A_59 = tpu.memref_slice %arg8[%dma_wait3A_57, %dma_wait3A_58] : memref<128x128xf32, #tpu.memory_space<vmem>> -> memref<64x128xf32, #tpu.memory_space<vmem>>
    %dma_wait3A_60 = arith.constant 0 : i32
    %dma_wait3A_61 = tpu.memref_slice %arg6[%dma_wait3A, %dma_wait3A_60] : memref<2x128xi32, #tpu.memory_space<vmem>> -> memref<1x64xi32, #tpu.memory_space<vmem>>
    %dma_wait3A_62 = tpu.memref_squeeze %dma_wait3A_61 : memref<1x64xi32, #tpu.memory_space<vmem>> -> memref<64xi32, #tpu.memory_space<vmem>>
    %dma_wait3A_63 = arith.constant 0 : i32
    %dma_wait3A_64 = arith.constant 0 : i32
    %dma_wait3A_65 = tpu.memref_slice %arg2[%dma_wait3A_63, %dma_wait3A_64] : memref<10000x128xf32, #tpu.memory_space<hbm>> -> memref<10000x128xf32, #tpu.memory_space<hbm>>
    tpu.wait_indirect_dma semaphore(%arg11 : memref<!tpu.dma_semaphore, #tpu.memory_space<semaphore_mem>>) src(%dma_wait3A_65 : memref<10000x128xf32, #tpu.memory_space<hbm>>) dst(%dma_wait3A_59 : memref<64x128xf32, #tpu.memory_space<vmem>>)
    %dma_wait3A_66 = arith.constant 0 : i32
    %dma_wait3A_67 = arith.constant 64 : i32
    %dma_wait3A_68 = arith.constant 0 : i32
    %dma_wait3A_69 = tpu.memref_slice %arg8[%dma_wait3A_67, %dma_wait3A_68] : memref<128x128xf32, #tpu.memory_space<vmem>> -> memref<64x128xf32, #tpu.memory_space<vmem>>
    %dma_wait3A_70 = arith.constant 64 : i32
    %dma_wait3A_71 = tpu.memref_slice %arg6[%dma_wait3A_66, %dma_wait3A_70] : memref<2x128xi32, #tpu.memory_space<vmem>> -> memref<1x64xi32, #tpu.memory_space<vmem>>
    %dma_wait3A_72 = tpu.memref_squeeze %dma_wait3A_71 : memref<1x64xi32, #tpu.memory_space<vmem>> -> memref<64xi32, #tpu.memory_space<vmem>>
    %dma_wait3A_73 = arith.constant 0 : i32
    %dma_wait3A_74 = arith.constant 0 : i32
    %dma_wait3A_75 = tpu.memref_slice %arg2[%dma_wait3A_73, %dma_wait3A_74] : memref<10000x128xf32, #tpu.memory_space<hbm>> -> memref<10000x128xf32, #tpu.memory_space<hbm>>
    tpu.wait_indirect_dma semaphore(%arg11 : memref<!tpu.dma_semaphore, #tpu.memory_space<semaphore_mem>>) src(%dma_wait3A_75 : memref<10000x128xf32, #tpu.memory_space<hbm>>) dst(%dma_wait3A_69 : memref<64x128xf32, #tpu.memory_space<vmem>>)
    %barrier3A_76 = arith.constant 0 : index
    tpu.barrier barrier_id(%barrier3A_76)
    %mul3A_77 = arith.constant 640 : i32
    %mul3A_78 = arith.muli %arg1, %mul3A_77 : i32
    %add3A_79 = arith.constant 0 : i32
    %add3A_80 = arith.addi %mul3A_78, %add3A_79 : i32
    "tpu.region"() ({
      %run_scoped3A = tpu.sem_alloc : memref<!tpu.dma_semaphore, #tpu.memory_space<semaphore_mem>>
      %dma_start3A_89 = arith.constant 0 : i32
      %dma_start3A_90 = tpu.memref_slice %arg10[%add3A_80, %dma_start3A_89] : memref<10240x128xf32, #tpu.memory_space<vmem_shared>> -> memref<128x128xf32, #tpu.memory_space<vmem_shared>>
      %dma_start3A_91 = arith.constant 0 : i32
      %dma_start3A_92 = tpu.memref_slice %arg10[%add3A_80, %dma_start3A_91] : memref<10240x128xf32, #tpu.memory_space<vmem_shared>> -> memref<128x128xf32, #tpu.memory_space<vmem_shared>>
      tpu.enqueue_dma source(%dma_start3A_92 : memref<128x128xf32, #tpu.memory_space<vmem_shared>>) target(%arg8 : memref<128x128xf32, #tpu.memory_space<vmem>>) target_semaphore(%run_scoped3A : memref<!tpu.dma_semaphore, #tpu.memory_space<semaphore_mem>>)
      %dma_wait3A_93 = arith.constant 0 : i32
      %dma_wait3A_94 = tpu.memref_slice %arg10[%add3A_80, %dma_wait3A_93] : memref<10240x128xf32, #tpu.memory_space<vmem_shared>> -> memref<128x128xf32, #tpu.memory_space<vmem_shared>>
      %dma_wait3A_95 = arith.constant 0 : i32
      %dma_wait3A_96 = tpu.memref_slice %arg10[%add3A_80, %dma_wait3A_95] : memref<10240x128xf32, #tpu.memory_space<vmem_shared>> -> memref<128x128xf32, #tpu.memory_space<vmem_shared>>
      tpu.wait_dma2 semaphore(%run_scoped3A : memref<!tpu.dma_semaphore, #tpu.memory_space<semaphore_mem>>) src(%dma_wait3A_96 : memref<128x128xf32, #tpu.memory_space<vmem_shared>>) dst(%arg8 : memref<128x128xf32, #tpu.memory_space<vmem>>)
      tpu.yield
    }) : () -> ()
    "tpu.region"() ({
      %run_scoped3A = tpu.sem_alloc : memref<!tpu.dma_semaphore, #tpu.memory_space<semaphore_mem>>
      %dma_start3A_89 = arith.constant 0 : i32
      %dma_start3A_90 = tpu.memref_slice %arg4[%arg0, %add3A_80, %dma_start3A_89] : memref<2x10240x128xf32, #tpu.memory_space<hbm>> -> memref<1x128x128xf32, #tpu.memory_space<hbm>>
      %dma_start3A_91 = tpu.memref_squeeze %dma_start3A_90 : memref<1x128x128xf32, #tpu.memory_space<hbm>> -> memref<128x128xf32, #tpu.memory_space<hbm>>
      %dma_start3A_92 = arith.constant 0 : i32
      %dma_start3A_93 = tpu.memref_slice %arg4[%arg0, %add3A_80, %dma_start3A_92] : memref<2x10240x128xf32, #tpu.memory_space<hbm>> -> memref<1x128x128xf32, #tpu.memory_space<hbm>>
      %dma_start3A_94 = tpu.memref_squeeze %dma_start3A_93 : memref<1x128x128xf32, #tpu.memory_space<hbm>> -> memref<128x128xf32, #tpu.memory_space<hbm>>
      tpu.enqueue_dma source(%arg8 : memref<128x128xf32, #tpu.memory_space<vmem>>) target(%dma_start3A_94 : memref<128x128xf32, #tpu.memory_space<hbm>>) target_semaphore(%run_scoped3A : memref<!tpu.dma_semaphore, #tpu.memory_space<semaphore_mem>>)
      %dma_wait3A_95 = arith.constant 0 : i32
      %dma_wait3A_96 = tpu.memref_slice %arg4[%arg0, %add3A_80, %dma_wait3A_95] : memref<2x10240x128xf32, #tpu.memory_space<hbm>> -> memref<1x128x128xf32, #tpu.memory_space<hbm>>
      %dma_wait3A_97 = tpu.memref_squeeze %dma_wait3A_96 : memref<1x128x128xf32, #tpu.memory_space<hbm>> -> memref<128x128xf32, #tpu.memory_space<hbm>>
      %dma_wait3A_98 = arith.constant 0 : i32
      %dma_wait3A_99 = tpu.memref_slice %arg4[%arg0, %add3A_80, %dma_wait3A_98] : memref<2x10240x128xf32, #tpu.memory_space<hbm>> -> memref<1x128x128xf32, #tpu.memory_space<hbm>>
      %dma_wait3A_100 = tpu.memref_squeeze %dma_wait3A_99 : memref<1x128x128xf32, #tpu.memory_space<hbm>> -> memref<128x128xf32, #tpu.memory_space<hbm>>
      tpu.wait_dma2 semaphore(%run_scoped3A : memref<!tpu.dma_semaphore, #tpu.memory_space<semaphore_mem>>) src(%arg8 : memref<128x128xf32, #tpu.memory_space<vmem>>) dst(%dma_wait3A_100 : memref<128x128xf32, #tpu.memory_space<hbm>>)
      tpu.yield
    }) : () -> ()
    %add3A_81 = arith.constant 128 : i32
    %add3A_82 = arith.addi %mul3A_78, %add3A_81 : i32
    "tpu.region"() ({
      %run_scoped3A = tpu.sem_alloc : memref<!tpu.dma_semaphore, #tpu.memory_space<semaphore_mem>>
      %dma_start3A_89 = arith.constant 0 : i32
      %dma_start3A_90 = tpu.memref_slice %arg10[%add3A_82, %dma_start3A_89] : memref<10240x128xf32, #tpu.memory_space<vmem_shared>> -> memref<128x128xf32, #tpu.memory_space<vmem_shared>>
      %dma_start3A_91 = arith.constant 0 : i32
      %dma_start3A_92 = tpu.memref_slice %arg10[%add3A_82, %dma_start3A_91] : memref<10240x128xf32, #tpu.memory_space<vmem_shared>> -> memref<128x128xf32, #tpu.memory_space<vmem_shared>>
      tpu.enqueue_dma source(%dma_start3A_92 : memref<128x128xf32, #tpu.memory_space<vmem_shared>>) target(%arg8 : memref<128x128xf32, #tpu.memory_space<vmem>>) target_semaphore(%run_scoped3A : memref<!tpu.dma_semaphore, #tpu.memory_space<semaphore_mem>>)
      %dma_wait3A_93 = arith.constant 0 : i32
      %dma_wait3A_94 = tpu.memref_slice %arg10[%add3A_82, %dma_wait3A_93] : memref<10240x128xf32, #tpu.memory_space<vmem_shared>> -> memref<128x128xf32, #tpu.memory_space<vmem_shared>>
      %dma_wait3A_95 = arith.constant 0 : i32
      %dma_wait3A_96 = tpu.memref_slice %arg10[%add3A_82, %dma_wait3A_95] : memref<10240x128xf32, #tpu.memory_space<vmem_shared>> -> memref<128x128xf32, #tpu.memory_space<vmem_shared>>
      tpu.wait_dma2 semaphore(%run_scoped3A : memref<!tpu.dma_semaphore, #tpu.memory_space<semaphore_mem>>) src(%dma_wait3A_96 : memref<128x128xf32, #tpu.memory_space<vmem_shared>>) dst(%arg8 : memref<128x128xf32, #tpu.memory_space<vmem>>)
      tpu.yield
    }) : () -> ()
    "tpu.region"() ({
      %run_scoped3A = tpu.sem_alloc : memref<!tpu.dma_semaphore, #tpu.memory_space<semaphore_mem>>
      %dma_start3A_89 = arith.constant 0 : i32
      %dma_start3A_90 = tpu.memref_slice %arg4[%arg0, %add3A_82, %dma_start3A_89] : memref<2x10240x128xf32, #tpu.memory_space<hbm>> -> memref<1x128x128xf32, #tpu.memory_space<hbm>>
      %dma_start3A_91 = tpu.memref_squeeze %dma_start3A_90 : memref<1x128x128xf32, #tpu.memory_space<hbm>> -> memref<128x128xf32, #tpu.memory_space<hbm>>
      %dma_start3A_92 = arith.constant 0 : i32
      %dma_start3A_93 = tpu.memref_slice %arg4[%arg0, %add3A_82, %dma_start3A_92] : memref<2x10240x128xf32, #tpu.memory_space<hbm>> -> memref<1x128x128xf32, #tpu.memory_space<hbm>>
      %dma_start3A_94 = tpu.memref_squeeze %dma_start3A_93 : memref<1x128x128xf32, #tpu.memory_space<hbm>> -> memref<128x128xf32, #tpu.memory_space<hbm>>
      tpu.enqueue_dma source(%arg8 : memref<128x128xf32, #tpu.memory_space<vmem>>) target(%dma_start3A_94 : memref<128x128xf32, #tpu.memory_space<hbm>>) target_semaphore(%run_scoped3A : memref<!tpu.dma_semaphore, #tpu.memory_space<semaphore_mem>>)
      %dma_wait3A_95 = arith.constant 0 : i32
      %dma_wait3A_96 = tpu.memref_slice %arg4[%arg0, %add3A_82, %dma_wait3A_95] : memref<2x10240x128xf32, #tpu.memory_space<hbm>> -> memref<1x128x128xf32, #tpu.memory_space<hbm>>
      %dma_wait3A_97 = tpu.memref_squeeze %dma_wait3A_96 : memref<1x128x128xf32, #tpu.memory_space<hbm>> -> memref<128x128xf32, #tpu.memory_space<hbm>>
      %dma_wait3A_98 = arith.constant 0 : i32
      %dma_wait3A_99 = tpu.memref_slice %arg4[%arg0, %add3A_82, %dma_wait3A_98] : memref<2x10240x128xf32, #tpu.memory_space<hbm>> -> memref<1x128x128xf32, #tpu.memory_space<hbm>>
      %dma_wait3A_100 = tpu.memref_squeeze %dma_wait3A_99 : memref<1x128x128xf32, #tpu.memory_space<hbm>> -> memref<128x128xf32, #tpu.memory_space<hbm>>
      tpu.wait_dma2 semaphore(%run_scoped3A : memref<!tpu.dma_semaphore, #tpu.memory_space<semaphore_mem>>) src(%arg8 : memref<128x128xf32, #tpu.memory_space<vmem>>) dst(%dma_wait3A_100 : memref<128x128xf32, #tpu.memory_space<hbm>>)
      tpu.yield
    }) : () -> ()
    %add3A_83 = arith.constant 256 : i32
    %add3A_84 = arith.addi %mul3A_78, %add3A_83 : i32
    "tpu.region"() ({
      %run_scoped3A = tpu.sem_alloc : memref<!tpu.dma_semaphore, #tpu.memory_space<semaphore_mem>>
      %dma_start3A_89 = arith.constant 0 : i32
      %dma_start3A_90 = tpu.memref_slice %arg10[%add3A_84, %dma_start3A_89] : memref<10240x128xf32, #tpu.memory_space<vmem_shared>> -> memref<128x128xf32, #tpu.memory_space<vmem_shared>>
      %dma_start3A_91 = arith.constant 0 : i32
      %dma_start3A_92 = tpu.memref_slice %arg10[%add3A_84, %dma_start3A_91] : memref<10240x128xf32, #tpu.memory_space<vmem_shared>> -> memref<128x128xf32, #tpu.memory_space<vmem_shared>>
      tpu.enqueue_dma source(%dma_start3A_92 : memref<128x128xf32, #tpu.memory_space<vmem_shared>>) target(%arg8 : memref<128x128xf32, #tpu.memory_space<vmem>>) target_semaphore(%run_scoped3A : memref<!tpu.dma_semaphore, #tpu.memory_space<semaphore_mem>>)
      %dma_wait3A_93 = arith.constant 0 : i32
      %dma_wait3A_94 = tpu.memref_slice %arg10[%add3A_84, %dma_wait3A_93] : memref<10240x128xf32, #tpu.memory_space<vmem_shared>> -> memref<128x128xf32, #tpu.memory_space<vmem_shared>>
      %dma_wait3A_95 = arith.constant 0 : i32
      %dma_wait3A_96 = tpu.memref_slice %arg10[%add3A_84, %dma_wait3A_95] : memref<10240x128xf32, #tpu.memory_space<vmem_shared>> -> memref<128x128xf32, #tpu.memory_space<vmem_shared>>
      tpu.wait_dma2 semaphore(%run_scoped3A : memref<!tpu.dma_semaphore, #tpu.memory_space<semaphore_mem>>) src(%dma_wait3A_96 : memref<128x128xf32, #tpu.memory_space<vmem_shared>>) dst(%arg8 : memref<128x128xf32, #tpu.memory_space<vmem>>)
      tpu.yield
    }) : () -> ()
    "tpu.region"() ({
      %run_scoped3A = tpu.sem_alloc : memref<!tpu.dma_semaphore, #tpu.memory_space<semaphore_mem>>
      %dma_start3A_89 = arith.constant 0 : i32
      %dma_start3A_90 = tpu.memref_slice %arg4[%arg0, %add3A_84, %dma_start3A_89] : memref<2x10240x128xf32, #tpu.memory_space<hbm>> -> memref<1x128x128xf32, #tpu.memory_space<hbm>>
      %dma_start3A_91 = tpu.memref_squeeze %dma_start3A_90 : memref<1x128x128xf32, #tpu.memory_space<hbm>> -> memref<128x128xf32, #tpu.memory_space<hbm>>
      %dma_start3A_92 = arith.constant 0 : i32
      %dma_start3A_93 = tpu.memref_slice %arg4[%arg0, %add3A_84, %dma_start3A_92] : memref<2x10240x128xf32, #tpu.memory_space<hbm>> -> memref<1x128x128xf32, #tpu.memory_space<hbm>>
      %dma_start3A_94 = tpu.memref_squeeze %dma_start3A_93 : memref<1x128x128xf32, #tpu.memory_space<hbm>> -> memref<128x128xf32, #tpu.memory_space<hbm>>
      tpu.enqueue_dma source(%arg8 : memref<128x128xf32, #tpu.memory_space<vmem>>) target(%dma_start3A_94 : memref<128x128xf32, #tpu.memory_space<hbm>>) target_semaphore(%run_scoped3A : memref<!tpu.dma_semaphore, #tpu.memory_space<semaphore_mem>>)
      %dma_wait3A_95 = arith.constant 0 : i32
      %dma_wait3A_96 = tpu.memref_slice %arg4[%arg0, %add3A_84, %dma_wait3A_95] : memref<2x10240x128xf32, #tpu.memory_space<hbm>> -> memref<1x128x128xf32, #tpu.memory_space<hbm>>
      %dma_wait3A_97 = tpu.memref_squeeze %dma_wait3A_96 : memref<1x128x128xf32, #tpu.memory_space<hbm>> -> memref<128x128xf32, #tpu.memory_space<hbm>>
      %dma_wait3A_98 = arith.constant 0 : i32
      %dma_wait3A_99 = tpu.memref_slice %arg4[%arg0, %add3A_84, %dma_wait3A_98] : memref<2x10240x128xf32, #tpu.memory_space<hbm>> -> memref<1x128x128xf32, #tpu.memory_space<hbm>>
      %dma_wait3A_100 = tpu.memref_squeeze %dma_wait3A_99 : memref<1x128x128xf32, #tpu.memory_space<hbm>> -> memref<128x128xf32, #tpu.memory_space<hbm>>
      tpu.wait_dma2 semaphore(%run_scoped3A : memref<!tpu.dma_semaphore, #tpu.memory_space<semaphore_mem>>) src(%arg8 : memref<128x128xf32, #tpu.memory_space<vmem>>) dst(%dma_wait3A_100 : memref<128x128xf32, #tpu.memory_space<hbm>>)
      tpu.yield
    }) : () -> ()
    %add3A_85 = arith.constant 384 : i32
    %add3A_86 = arith.addi %mul3A_78, %add3A_85 : i32
    "tpu.region"() ({
      %run_scoped3A = tpu.sem_alloc : memref<!tpu.dma_semaphore, #tpu.memory_space<semaphore_mem>>
      %dma_start3A_89 = arith.constant 0 : i32
      %dma_start3A_90 = tpu.memref_slice %arg10[%add3A_86, %dma_start3A_89] : memref<10240x128xf32, #tpu.memory_space<vmem_shared>> -> memref<128x128xf32, #tpu.memory_space<vmem_shared>>
      %dma_start3A_91 = arith.constant 0 : i32
      %dma_start3A_92 = tpu.memref_slice %arg10[%add3A_86, %dma_start3A_91] : memref<10240x128xf32, #tpu.memory_space<vmem_shared>> -> memref<128x128xf32, #tpu.memory_space<vmem_shared>>
      tpu.enqueue_dma source(%dma_start3A_92 : memref<128x128xf32, #tpu.memory_space<vmem_shared>>) target(%arg8 : memref<128x128xf32, #tpu.memory_space<vmem>>) target_semaphore(%run_scoped3A : memref<!tpu.dma_semaphore, #tpu.memory_space<semaphore_mem>>)
      %dma_wait3A_93 = arith.constant 0 : i32
      %dma_wait3A_94 = tpu.memref_slice %arg10[%add3A_86, %dma_wait3A_93] : memref<10240x128xf32, #tpu.memory_space<vmem_shared>> -> memref<128x128xf32, #tpu.memory_space<vmem_shared>>
      %dma_wait3A_95 = arith.constant 0 : i32
      %dma_wait3A_96 = tpu.memref_slice %arg10[%add3A_86, %dma_wait3A_95] : memref<10240x128xf32, #tpu.memory_space<vmem_shared>> -> memref<128x128xf32, #tpu.memory_space<vmem_shared>>
      tpu.wait_dma2 semaphore(%run_scoped3A : memref<!tpu.dma_semaphore, #tpu.memory_space<semaphore_mem>>) src(%dma_wait3A_96 : memref<128x128xf32, #tpu.memory_space<vmem_shared>>) dst(%arg8 : memref<128x128xf32, #tpu.memory_space<vmem>>)
      tpu.yield
    }) : () -> ()
    "tpu.region"() ({
      %run_scoped3A = tpu.sem_alloc : memref<!tpu.dma_semaphore, #tpu.memory_space<semaphore_mem>>
      %dma_start3A_89 = arith.constant 0 : i32
      %dma_start3A_90 = tpu.memref_slice %arg4[%arg0, %add3A_86, %dma_start3A_89] : memref<2x10240x128xf32, #tpu.memory_space<hbm>> -> memref<1x128x128xf32, #tpu.memory_space<hbm>>
      %dma_start3A_91 = tpu.memref_squeeze %dma_start3A_90 : memref<1x128x128xf32, #tpu.memory_space<hbm>> -> memref<128x128xf32, #tpu.memory_space<hbm>>
      %dma_start3A_92 = arith.constant 0 : i32
      %dma_start3A_93 = tpu.memref_slice %arg4[%arg0, %add3A_86, %dma_start3A_92] : memref<2x10240x128xf32, #tpu.memory_space<hbm>> -> memref<1x128x128xf32, #tpu.memory_space<hbm>>
      %dma_start3A_94 = tpu.memref_squeeze %dma_start3A_93 : memref<1x128x128xf32, #tpu.memory_space<hbm>> -> memref<128x128xf32, #tpu.memory_space<hbm>>
      tpu.enqueue_dma source(%arg8 : memref<128x128xf32, #tpu.memory_space<vmem>>) target(%dma_start3A_94 : memref<128x128xf32, #tpu.memory_space<hbm>>) target_semaphore(%run_scoped3A : memref<!tpu.dma_semaphore, #tpu.memory_space<semaphore_mem>>)
      %dma_wait3A_95 = arith.constant 0 : i32
      %dma_wait3A_96 = tpu.memref_slice %arg4[%arg0, %add3A_86, %dma_wait3A_95] : memref<2x10240x128xf32, #tpu.memory_space<hbm>> -> memref<1x128x128xf32, #tpu.memory_space<hbm>>
      %dma_wait3A_97 = tpu.memref_squeeze %dma_wait3A_96 : memref<1x128x128xf32, #tpu.memory_space<hbm>> -> memref<128x128xf32, #tpu.memory_space<hbm>>
      %dma_wait3A_98 = arith.constant 0 : i32
      %dma_wait3A_99 = tpu.memref_slice %arg4[%arg0, %add3A_86, %dma_wait3A_98] : memref<2x10240x128xf32, #tpu.memory_space<hbm>> -> memref<1x128x128xf32, #tpu.memory_space<hbm>>
      %dma_wait3A_100 = tpu.memref_squeeze %dma_wait3A_99 : memref<1x128x128xf32, #tpu.memory_space<hbm>> -> memref<128x128xf32, #tpu.memory_space<hbm>>
      tpu.wait_dma2 semaphore(%run_scoped3A : memref<!tpu.dma_semaphore, #tpu.memory_space<semaphore_mem>>) src(%arg8 : memref<128x128xf32, #tpu.memory_space<vmem>>) dst(%dma_wait3A_100 : memref<128x128xf32, #tpu.memory_space<hbm>>)
      tpu.yield
    }) : () -> ()
    %add3A_87 = arith.constant 512 : i32
    %add3A_88 = arith.addi %mul3A_78, %add3A_87 : i32
    "tpu.region"() ({
      %run_scoped3A = tpu.sem_alloc : memref<!tpu.dma_semaphore, #tpu.memory_space<semaphore_mem>>
      %dma_start3A_89 = arith.constant 0 : i32
      %dma_start3A_90 = tpu.memref_slice %arg10[%add3A_88, %dma_start3A_89] : memref<10240x128xf32, #tpu.memory_space<vmem_shared>> -> memref<128x128xf32, #tpu.memory_space<vmem_shared>>
      %dma_start3A_91 = arith.constant 0 : i32
      %dma_start3A_92 = tpu.memref_slice %arg10[%add3A_88, %dma_start3A_91] : memref<10240x128xf32, #tpu.memory_space<vmem_shared>> -> memref<128x128xf32, #tpu.memory_space<vmem_shared>>
      tpu.enqueue_dma source(%dma_start3A_92 : memref<128x128xf32, #tpu.memory_space<vmem_shared>>) target(%arg8 : memref<128x128xf32, #tpu.memory_space<vmem>>) target_semaphore(%run_scoped3A : memref<!tpu.dma_semaphore, #tpu.memory_space<semaphore_mem>>)
      %dma_wait3A_93 = arith.constant 0 : i32
      %dma_wait3A_94 = tpu.memref_slice %arg10[%add3A_88, %dma_wait3A_93] : memref<10240x128xf32, #tpu.memory_space<vmem_shared>> -> memref<128x128xf32, #tpu.memory_space<vmem_shared>>
      %dma_wait3A_95 = arith.constant 0 : i32
      %dma_wait3A_96 = tpu.memref_slice %arg10[%add3A_88, %dma_wait3A_95] : memref<10240x128xf32, #tpu.memory_space<vmem_shared>> -> memref<128x128xf32, #tpu.memory_space<vmem_shared>>
      tpu.wait_dma2 semaphore(%run_scoped3A : memref<!tpu.dma_semaphore, #tpu.memory_space<semaphore_mem>>) src(%dma_wait3A_96 : memref<128x128xf32, #tpu.memory_space<vmem_shared>>) dst(%arg8 : memref<128x128xf32, #tpu.memory_space<vmem>>)
      tpu.yield
    }) : () -> ()
    "tpu.region"() ({
      %run_scoped3A = tpu.sem_alloc : memref<!tpu.dma_semaphore, #tpu.memory_space<semaphore_mem>>
      %dma_start3A_89 = arith.constant 0 : i32
      %dma_start3A_90 = tpu.memref_slice %arg4[%arg0, %add3A_88, %dma_start3A_89] : memref<2x10240x128xf32, #tpu.memory_space<hbm>> -> memref<1x128x128xf32, #tpu.memory_space<hbm>>
      %dma_start3A_91 = tpu.memref_squeeze %dma_start3A_90 : memref<1x128x128xf32, #tpu.memory_space<hbm>> -> memref<128x128xf32, #tpu.memory_space<hbm>>
      %dma_start3A_92 = arith.constant 0 : i32
      %dma_start3A_93 = tpu.memref_slice %arg4[%arg0, %add3A_88, %dma_start3A_92] : memref<2x10240x128xf32, #tpu.memory_space<hbm>> -> memref<1x128x128xf32, #tpu.memory_space<hbm>>
      %dma_start3A_94 = tpu.memref_squeeze %dma_start3A_93 : memref<1x128x128xf32, #tpu.memory_space<hbm>> -> memref<128x128xf32, #tpu.memory_space<hbm>>
      tpu.enqueue_dma source(%arg8 : memref<128x128xf32, #tpu.memory_space<vmem>>) target(%dma_start3A_94 : memref<128x128xf32, #tpu.memory_space<hbm>>) target_semaphore(%run_scoped3A : memref<!tpu.dma_semaphore, #tpu.memory_space<semaphore_mem>>)
      %dma_wait3A_95 = arith.constant 0 : i32
      %dma_wait3A_96 = tpu.memref_slice %arg4[%arg0, %add3A_88, %dma_wait3A_95] : memref<2x10240x128xf32, #tpu.memory_space<hbm>> -> memref<1x128x128xf32, #tpu.memory_space<hbm>>
      %dma_wait3A_97 = tpu.memref_squeeze %dma_wait3A_96 : memref<1x128x128xf32, #tpu.memory_space<hbm>> -> memref<128x128xf32, #tpu.memory_space<hbm>>
      %dma_wait3A_98 = arith.constant 0 : i32
      %dma_wait3A_99 = tpu.memref_slice %arg4[%arg0, %add3A_88, %dma_wait3A_98] : memref<2x10240x128xf32, #tpu.memory_space<hbm>> -> memref<1x128x128xf32, #tpu.memory_space<hbm>>
      %dma_wait3A_100 = tpu.memref_squeeze %dma_wait3A_99 : memref<1x128x128xf32, #tpu.memory_space<hbm>> -> memref<128x128xf32, #tpu.memory_space<hbm>>
      tpu.wait_dma2 semaphore(%run_scoped3A : memref<!tpu.dma_semaphore, #tpu.memory_space<semaphore_mem>>) src(%arg8 : memref<128x128xf32, #tpu.memory_space<vmem>>) dst(%dma_wait3A_100 : memref<128x128xf32, #tpu.memory_space<hbm>>)
      tpu.yield
    }) : () -> ()
    return
  }
}

#map = affine_map<(d0, d1) -> (0, 0, 0)>
module attributes {stable_mosaic.version = 14 : i64} {
  func.func @_deg_sc(%arg0: i32, %arg1: i32, %arg2: memref<32x80x128xi32, #tpu.memory_space<hbm>>, %arg3: memref<2x10240x128xf32, #tpu.memory_space<hbm>>, %arg4: memref<80x128xi32, #tpu.memory_space<vmem>>, %arg5: memref<128x128xf32, #tpu.memory_space<vmem>>, %arg6: memref<10240x128xf32, #tpu.memory_space<vmem_shared>>) attributes {dimension_semantics = [#tpu.dimension_semantics<core_parallel>, #tpu.dimension_semantics<subcore_parallel>], iteration_bounds = array<i64: 2, 16>, scalar_prefetch = 0 : i64, scratch_operands = 3 : i64, tpu.core_type = #tpu.core_type<sc_vector_subcore>, window_params = [{transform_indices = #map}, {transform_indices = #map}]} {
    %mul3A = arith.constant 2 : i32
    %mul3A_0 = arith.muli %arg1, %mul3A : i32
    %add3A = arith.addi %mul3A_0, %arg0 : i32
    "tpu.region"() ({
      %run_scoped3A = tpu.sem_alloc : memref<!tpu.dma_semaphore, #tpu.memory_space<semaphore_mem>>
      %dma_start3A = arith.constant 0 : i32
      %dma_start3A_51 = arith.constant 0 : i32
      %dma_start3A_52 = tpu.memref_slice %arg2[%add3A, %dma_start3A, %dma_start3A_51] : memref<32x80x128xi32, #tpu.memory_space<hbm>> -> memref<1x80x128xi32, #tpu.memory_space<hbm>>
      %dma_start3A_53 = tpu.memref_squeeze %dma_start3A_52 : memref<1x80x128xi32, #tpu.memory_space<hbm>> -> memref<80x128xi32, #tpu.memory_space<hbm>>
      %dma_start3A_54 = arith.constant 0 : i32
      %dma_start3A_55 = arith.constant 0 : i32
      %dma_start3A_56 = tpu.memref_slice %arg2[%add3A, %dma_start3A_54, %dma_start3A_55] : memref<32x80x128xi32, #tpu.memory_space<hbm>> -> memref<1x80x128xi32, #tpu.memory_space<hbm>>
      %dma_start3A_57 = tpu.memref_squeeze %dma_start3A_56 : memref<1x80x128xi32, #tpu.memory_space<hbm>> -> memref<80x128xi32, #tpu.memory_space<hbm>>
      tpu.enqueue_dma source(%dma_start3A_57 : memref<80x128xi32, #tpu.memory_space<hbm>>) target(%arg4 : memref<80x128xi32, #tpu.memory_space<vmem>>) target_semaphore(%run_scoped3A : memref<!tpu.dma_semaphore, #tpu.memory_space<semaphore_mem>>)
      %dma_wait3A = arith.constant 0 : i32
      %dma_wait3A_58 = arith.constant 0 : i32
      %dma_wait3A_59 = tpu.memref_slice %arg2[%add3A, %dma_wait3A, %dma_wait3A_58] : memref<32x80x128xi32, #tpu.memory_space<hbm>> -> memref<1x80x128xi32, #tpu.memory_space<hbm>>
      %dma_wait3A_60 = tpu.memref_squeeze %dma_wait3A_59 : memref<1x80x128xi32, #tpu.memory_space<hbm>> -> memref<80x128xi32, #tpu.memory_space<hbm>>
      %dma_wait3A_61 = arith.constant 0 : i32
      %dma_wait3A_62 = arith.constant 0 : i32
      %dma_wait3A_63 = tpu.memref_slice %arg2[%add3A, %dma_wait3A_61, %dma_wait3A_62] : memref<32x80x128xi32, #tpu.memory_space<hbm>> -> memref<1x80x128xi32, #tpu.memory_space<hbm>>
      %dma_wait3A_64 = tpu.memref_squeeze %dma_wait3A_63 : memref<1x80x128xi32, #tpu.memory_space<hbm>> -> memref<80x128xi32, #tpu.memory_space<hbm>>
      tpu.wait_dma2 semaphore(%run_scoped3A : memref<!tpu.dma_semaphore, #tpu.memory_space<semaphore_mem>>) src(%dma_wait3A_64 : memref<80x128xi32, #tpu.memory_space<hbm>>) dst(%arg4 : memref<80x128xi32, #tpu.memory_space<vmem>>)
      tpu.yield
    }) : () -> ()
    %scan3A = arith.constant 0 : i32
    %scan3A_1 = arith.constant 0 : i32
    %scan3A_2 = arith.constant 1024 : i32
    %scan3A_3 = arith.addi %scan3A_1, %scan3A_2 : i32
    %scan3A_4 = arith.constant 1 : i32
    scf.for %scan3A_51 = %scan3A_1 to %scan3A_3 step %scan3A_4  : i32 {
      %jit3A = arith.constant 8 : i32
      %div3A = arith.divsi %scan3A_51, %jit3A : i32
      %sign3A = arith.constant 0 : i32
      %sign3A_52 = arith.cmpi sgt, %scan3A_51, %sign3A : i32
      %sign3A_53 = arith.extui %sign3A_52 : i1 to i32
      %sign3A_54 = arith.constant 0 : i32
      %sign3A_55 = arith.cmpi slt, %scan3A_51, %sign3A_54 : i32
      %sign3A_56 = arith.extui %sign3A_55 : i1 to i32
      %sign3A_57 = arith.subi %sign3A_53, %sign3A_56 : i32
      %sign3A_58 = arith.constant 0 : i32
      %sign3A_59 = arith.cmpi sgt, %jit3A, %sign3A_58 : i32
      %sign3A_60 = arith.extui %sign3A_59 : i1 to i32
      %sign3A_61 = arith.constant 0 : i32
      %sign3A_62 = arith.cmpi slt, %jit3A, %sign3A_61 : i32
      %sign3A_63 = arith.extui %sign3A_62 : i1 to i32
      %sign3A_64 = arith.subi %sign3A_60, %sign3A_63 : i32
      %ne3A = arith.cmpi ne, %sign3A_57, %sign3A_64 : i32
      %rem3A = arith.remsi %scan3A_51, %jit3A : i32
      %ne3A_65 = arith.constant 0 : i32
      %ne3A_66 = arith.cmpi ne, %rem3A, %ne3A_65 : i32
      %and3A = arith.andi %ne3A, %ne3A_66 : i1
      %sub3A = arith.constant 1 : i32
      %sub3A_67 = arith.subi %div3A, %sub3A : i32
      %select_n3A = arith.select %and3A, %sub3A_67, %div3A : i32
      %jit3A_68 = arith.constant 8 : i32
      %eq3A = arith.constant 0 : i32
      %eq3A_69 = arith.cmpi eq, %jit3A_68, %eq3A : i32
      %jit3A_70 = arith.constant 1 : i32
      %select_n3A_71 = arith.select %eq3A_69, %jit3A_70, %jit3A_68 : i32
      %rem3A_72 = arith.remsi %scan3A_51, %select_n3A_71 : i32
      %ne3A_73 = arith.constant 0 : i32
      %ne3A_74 = arith.cmpi ne, %rem3A_72, %ne3A_73 : i32
      %lt3A = arith.constant 0 : i32
      %lt3A_75 = arith.cmpi slt, %rem3A_72, %lt3A : i32
      %lt3A_76 = arith.constant 0 : i32
      %lt3A_77 = arith.cmpi slt, %select_n3A_71, %lt3A_76 : i32
      %ne3A_78 = arith.xori %lt3A_75, %lt3A_77 : i1
      %and3A_79 = arith.andi %ne3A_78, %ne3A_74 : i1
      %add3A_80 = arith.addi %rem3A_72, %select_n3A_71 : i32
      %select_n3A_81 = arith.select %and3A_79, %add3A_80, %rem3A_72 : i32
      %mul3A_82 = arith.constant 16 : i32
      %mul3A_83 = arith.muli %select_n3A_81, %mul3A_82 : i32
      %broadcast_in_dim3A = arith.constant 0.000000e+00 : f32
      %broadcast_in_dim3A_84 = vector.broadcast %broadcast_in_dim3A : f32 to vector<16xf32>
      %swap3A = arith.index_cast %select_n3A : i32 to index
      %swap3A_85 = arith.index_cast %mul3A_83 : i32 to index
      %swap3A_86 = tpu.vector_load %arg5[%swap3A, %swap3A_85] {strides = array<i32>} : memref<128x128xf32, #tpu.memory_space<vmem>>, vector<1x16xf32>,
      %swap3A_87 = vector.shape_cast %swap3A_86 : vector<1x16xf32> to vector<16xf32>
      %swap3A_88 = vector.shape_cast %broadcast_in_dim3A_84 : vector<16xf32> to vector<1x16xf32>
      tpu.vector_store %arg5[%swap3A, %swap3A_85], %swap3A_88 {strides = array<i32>} : memref<128x128xf32, #tpu.memory_space<vmem>>, vector<1x16xf32>,
    }
    %scan3A_5 = arith.constant 1024 : i32
    %mul3A_6 = arith.constant 640 : i32
    %mul3A_7 = arith.muli %arg1, %mul3A_6 : i32
    %add3A_8 = arith.constant 0 : i32
    %add3A_9 = arith.addi %mul3A_7, %add3A_8 : i32
    "tpu.region"() ({
      %run_scoped3A = tpu.sem_alloc : memref<!tpu.dma_semaphore, #tpu.memory_space<semaphore_mem>>
      %dma_start3A = arith.constant 0 : i32
      %dma_start3A_51 = tpu.memref_slice %arg6[%add3A_9, %dma_start3A] : memref<10240x128xf32, #tpu.memory_space<vmem_shared>> -> memref<128x128xf32, #tpu.memory_space<vmem_shared>>
      %dma_start3A_52 = arith.constant 0 : i32
      %dma_start3A_53 = tpu.memref_slice %arg6[%add3A_9, %dma_start3A_52] : memref<10240x128xf32, #tpu.memory_space<vmem_shared>> -> memref<128x128xf32, #tpu.memory_space<vmem_shared>>
      tpu.enqueue_dma source(%arg5 : memref<128x128xf32, #tpu.memory_space<vmem>>) target(%dma_start3A_53 : memref<128x128xf32, #tpu.memory_space<vmem_shared>>) target_semaphore(%run_scoped3A : memref<!tpu.dma_semaphore, #tpu.memory_space<semaphore_mem>>)
      %dma_wait3A = arith.constant 0 : i32
      %dma_wait3A_54 = tpu.memref_slice %arg6[%add3A_9, %dma_wait3A] : memref<10240x128xf32, #tpu.memory_space<vmem_shared>> -> memref<128x128xf32, #tpu.memory_space<vmem_shared>>
      %dma_wait3A_55 = arith.constant 0 : i32
      %dma_wait3A_56 = tpu.memref_slice %arg6[%add3A_9, %dma_wait3A_55] : memref<10240x128xf32, #tpu.memory_space<vmem_shared>> -> memref<128x128xf32, #tpu.memory_space<vmem_shared>>
      tpu.wait_dma2 semaphore(%run_scoped3A : memref<!tpu.dma_semaphore, #tpu.memory_space<semaphore_mem>>) src(%arg5 : memref<128x128xf32, #tpu.memory_space<vmem>>) dst(%dma_wait3A_56 : memref<128x128xf32, #tpu.memory_space<vmem_shared>>)
      tpu.yield
    }) : () -> ()
    %mul3A_10 = arith.constant 640 : i32
    %mul3A_11 = arith.muli %arg1, %mul3A_10 : i32
    %add3A_12 = arith.constant 128 : i32
    %add3A_13 = arith.addi %mul3A_11, %add3A_12 : i32
    "tpu.region"() ({
      %run_scoped3A = tpu.sem_alloc : memref<!tpu.dma_semaphore, #tpu.memory_space<semaphore_mem>>
      %dma_start3A = arith.constant 0 : i32
      %dma_start3A_51 = tpu.memref_slice %arg6[%add3A_13, %dma_start3A] : memref<10240x128xf32, #tpu.memory_space<vmem_shared>> -> memref<128x128xf32, #tpu.memory_space<vmem_shared>>
      %dma_start3A_52 = arith.constant 0 : i32
      %dma_start3A_53 = tpu.memref_slice %arg6[%add3A_13, %dma_start3A_52] : memref<10240x128xf32, #tpu.memory_space<vmem_shared>> -> memref<128x128xf32, #tpu.memory_space<vmem_shared>>
      tpu.enqueue_dma source(%arg5 : memref<128x128xf32, #tpu.memory_space<vmem>>) target(%dma_start3A_53 : memref<128x128xf32, #tpu.memory_space<vmem_shared>>) target_semaphore(%run_scoped3A : memref<!tpu.dma_semaphore, #tpu.memory_space<semaphore_mem>>)
      %dma_wait3A = arith.constant 0 : i32
      %dma_wait3A_54 = tpu.memref_slice %arg6[%add3A_13, %dma_wait3A] : memref<10240x128xf32, #tpu.memory_space<vmem_shared>> -> memref<128x128xf32, #tpu.memory_space<vmem_shared>>
      %dma_wait3A_55 = arith.constant 0 : i32
      %dma_wait3A_56 = tpu.memref_slice %arg6[%add3A_13, %dma_wait3A_55] : memref<10240x128xf32, #tpu.memory_space<vmem_shared>> -> memref<128x128xf32, #tpu.memory_space<vmem_shared>>
      tpu.wait_dma2 semaphore(%run_scoped3A : memref<!tpu.dma_semaphore, #tpu.memory_space<semaphore_mem>>) src(%arg5 : memref<128x128xf32, #tpu.memory_space<vmem>>) dst(%dma_wait3A_56 : memref<128x128xf32, #tpu.memory_space<vmem_shared>>)
      tpu.yield
    }) : () -> ()
    %mul3A_14 = arith.constant 640 : i32
    %mul3A_15 = arith.muli %arg1, %mul3A_14 : i32
    %add3A_16 = arith.constant 256 : i32
    %add3A_17 = arith.addi %mul3A_15, %add3A_16 : i32
    "tpu.region"() ({
      %run_scoped3A = tpu.sem_alloc : memref<!tpu.dma_semaphore, #tpu.memory_space<semaphore_mem>>
      %dma_start3A = arith.constant 0 : i32
      %dma_start3A_51 = tpu.memref_slice %arg6[%add3A_17, %dma_start3A] : memref<10240x128xf32, #tpu.memory_space<vmem_shared>> -> memref<128x128xf32, #tpu.memory_space<vmem_shared>>
      %dma_start3A_52 = arith.constant 0 : i32
      %dma_start3A_53 = tpu.memref_slice %arg6[%add3A_17, %dma_start3A_52] : memref<10240x128xf32, #tpu.memory_space<vmem_shared>> -> memref<128x128xf32, #tpu.memory_space<vmem_shared>>
      tpu.enqueue_dma source(%arg5 : memref<128x128xf32, #tpu.memory_space<vmem>>) target(%dma_start3A_53 : memref<128x128xf32, #tpu.memory_space<vmem_shared>>) target_semaphore(%run_scoped3A : memref<!tpu.dma_semaphore, #tpu.memory_space<semaphore_mem>>)
      %dma_wait3A = arith.constant 0 : i32
      %dma_wait3A_54 = tpu.memref_slice %arg6[%add3A_17, %dma_wait3A] : memref<10240x128xf32, #tpu.memory_space<vmem_shared>> -> memref<128x128xf32, #tpu.memory_space<vmem_shared>>
      %dma_wait3A_55 = arith.constant 0 : i32
      %dma_wait3A_56 = tpu.memref_slice %arg6[%add3A_17, %dma_wait3A_55] : memref<10240x128xf32, #tpu.memory_space<vmem_shared>> -> memref<128x128xf32, #tpu.memory_space<vmem_shared>>
      tpu.wait_dma2 semaphore(%run_scoped3A : memref<!tpu.dma_semaphore, #tpu.memory_space<semaphore_mem>>) src(%arg5 : memref<128x128xf32, #tpu.memory_space<vmem>>) dst(%dma_wait3A_56 : memref<128x128xf32, #tpu.memory_space<vmem_shared>>)
      tpu.yield
    }) : () -> ()
    %mul3A_18 = arith.constant 640 : i32
    %mul3A_19 = arith.muli %arg1, %mul3A_18 : i32
    %add3A_20 = arith.constant 384 : i32
    %add3A_21 = arith.addi %mul3A_19, %add3A_20 : i32
    "tpu.region"() ({
      %run_scoped3A = tpu.sem_alloc : memref<!tpu.dma_semaphore, #tpu.memory_space<semaphore_mem>>
      %dma_start3A = arith.constant 0 : i32
      %dma_start3A_51 = tpu.memref_slice %arg6[%add3A_21, %dma_start3A] : memref<10240x128xf32, #tpu.memory_space<vmem_shared>> -> memref<128x128xf32, #tpu.memory_space<vmem_shared>>
      %dma_start3A_52 = arith.constant 0 : i32
      %dma_start3A_53 = tpu.memref_slice %arg6[%add3A_21, %dma_start3A_52] : memref<10240x128xf32, #tpu.memory_space<vmem_shared>> -> memref<128x128xf32, #tpu.memory_space<vmem_shared>>
      tpu.enqueue_dma source(%arg5 : memref<128x128xf32, #tpu.memory_space<vmem>>) target(%dma_start3A_53 : memref<128x128xf32, #tpu.memory_space<vmem_shared>>) target_semaphore(%run_scoped3A : memref<!tpu.dma_semaphore, #tpu.memory_space<semaphore_mem>>)
      %dma_wait3A = arith.constant 0 : i32
      %dma_wait3A_54 = tpu.memref_slice %arg6[%add3A_21, %dma_wait3A] : memref<10240x128xf32, #tpu.memory_space<vmem_shared>> -> memref<128x128xf32, #tpu.memory_space<vmem_shared>>
      %dma_wait3A_55 = arith.constant 0 : i32
      %dma_wait3A_56 = tpu.memref_slice %arg6[%add3A_21, %dma_wait3A_55] : memref<10240x128xf32, #tpu.memory_space<vmem_shared>> -> memref<128x128xf32, #tpu.memory_space<vmem_shared>>
      tpu.wait_dma2 semaphore(%run_scoped3A : memref<!tpu.dma_semaphore, #tpu.memory_space<semaphore_mem>>) src(%arg5 : memref<128x128xf32, #tpu.memory_space<vmem>>) dst(%dma_wait3A_56 : memref<128x128xf32, #tpu.memory_space<vmem_shared>>)
      tpu.yield
    }) : () -> ()
    %mul3A_22 = arith.constant 640 : i32
    %mul3A_23 = arith.muli %arg1, %mul3A_22 : i32
    %add3A_24 = arith.constant 512 : i32
    %add3A_25 = arith.addi %mul3A_23, %add3A_24 : i32
    "tpu.region"() ({
      %run_scoped3A = tpu.sem_alloc : memref<!tpu.dma_semaphore, #tpu.memory_space<semaphore_mem>>
      %dma_start3A = arith.constant 0 : i32
      %dma_start3A_51 = tpu.memref_slice %arg6[%add3A_25, %dma_start3A] : memref<10240x128xf32, #tpu.memory_space<vmem_shared>> -> memref<128x128xf32, #tpu.memory_space<vmem_shared>>
      %dma_start3A_52 = arith.constant 0 : i32
      %dma_start3A_53 = tpu.memref_slice %arg6[%add3A_25, %dma_start3A_52] : memref<10240x128xf32, #tpu.memory_space<vmem_shared>> -> memref<128x128xf32, #tpu.memory_space<vmem_shared>>
      tpu.enqueue_dma source(%arg5 : memref<128x128xf32, #tpu.memory_space<vmem>>) target(%dma_start3A_53 : memref<128x128xf32, #tpu.memory_space<vmem_shared>>) target_semaphore(%run_scoped3A : memref<!tpu.dma_semaphore, #tpu.memory_space<semaphore_mem>>)
      %dma_wait3A = arith.constant 0 : i32
      %dma_wait3A_54 = tpu.memref_slice %arg6[%add3A_25, %dma_wait3A] : memref<10240x128xf32, #tpu.memory_space<vmem_shared>> -> memref<128x128xf32, #tpu.memory_space<vmem_shared>>
      %dma_wait3A_55 = arith.constant 0 : i32
      %dma_wait3A_56 = tpu.memref_slice %arg6[%add3A_25, %dma_wait3A_55] : memref<10240x128xf32, #tpu.memory_space<vmem_shared>> -> memref<128x128xf32, #tpu.memory_space<vmem_shared>>
      tpu.wait_dma2 semaphore(%run_scoped3A : memref<!tpu.dma_semaphore, #tpu.memory_space<semaphore_mem>>) src(%arg5 : memref<128x128xf32, #tpu.memory_space<vmem>>) dst(%dma_wait3A_56 : memref<128x128xf32, #tpu.memory_space<vmem_shared>>)
      tpu.yield
    }) : () -> ()
    %barrier3A = arith.constant 0 : index
    tpu.barrier barrier_id(%barrier3A)
    %scan3A_26 = arith.constant 0 : i32
    %scan3A_27 = arith.constant 0 : i32
    %scan3A_28 = arith.constant 1024 : i32
    %scan3A_29 = arith.addi %scan3A_27, %scan3A_28 : i32
    %scan3A_30 = arith.constant 1 : i32
    scf.for %scan3A_51 = %scan3A_27 to %scan3A_29 step %scan3A_30  : i32 {
      %jit3A = arith.constant 8 : i32
      %div3A = arith.divsi %scan3A_51, %jit3A : i32
      %sign3A = arith.constant 0 : i32
      %sign3A_52 = arith.cmpi sgt, %scan3A_51, %sign3A : i32
      %sign3A_53 = arith.extui %sign3A_52 : i1 to i32
      %sign3A_54 = arith.constant 0 : i32
      %sign3A_55 = arith.cmpi slt, %scan3A_51, %sign3A_54 : i32
      %sign3A_56 = arith.extui %sign3A_55 : i1 to i32
      %sign3A_57 = arith.subi %sign3A_53, %sign3A_56 : i32
      %sign3A_58 = arith.constant 0 : i32
      %sign3A_59 = arith.cmpi sgt, %jit3A, %sign3A_58 : i32
      %sign3A_60 = arith.extui %sign3A_59 : i1 to i32
      %sign3A_61 = arith.constant 0 : i32
      %sign3A_62 = arith.cmpi slt, %jit3A, %sign3A_61 : i32
      %sign3A_63 = arith.extui %sign3A_62 : i1 to i32
      %sign3A_64 = arith.subi %sign3A_60, %sign3A_63 : i32
      %ne3A = arith.cmpi ne, %sign3A_57, %sign3A_64 : i32
      %rem3A = arith.remsi %scan3A_51, %jit3A : i32
      %ne3A_65 = arith.constant 0 : i32
      %ne3A_66 = arith.cmpi ne, %rem3A, %ne3A_65 : i32
      %and3A = arith.andi %ne3A, %ne3A_66 : i1
      %sub3A = arith.constant 1 : i32
      %sub3A_67 = arith.subi %div3A, %sub3A : i32
      %select_n3A = arith.select %and3A, %sub3A_67, %div3A : i32
      %jit3A_68 = arith.constant 8 : i32
      %eq3A = arith.constant 0 : i32
      %eq3A_69 = arith.cmpi eq, %jit3A_68, %eq3A : i32
      %jit3A_70 = arith.constant 1 : i32
      %select_n3A_71 = arith.select %eq3A_69, %jit3A_70, %jit3A_68 : i32
      %rem3A_72 = arith.remsi %scan3A_51, %select_n3A_71 : i32
      %ne3A_73 = arith.constant 0 : i32
      %ne3A_74 = arith.cmpi ne, %rem3A_72, %ne3A_73 : i32
      %lt3A = arith.constant 0 : i32
      %lt3A_75 = arith.cmpi slt, %rem3A_72, %lt3A : i32
      %lt3A_76 = arith.constant 0 : i32
      %lt3A_77 = arith.cmpi slt, %select_n3A_71, %lt3A_76 : i32
      %ne3A_78 = arith.xori %lt3A_75, %lt3A_77 : i1
      %and3A_79 = arith.andi %ne3A_78, %ne3A_74 : i1
      %add3A_80 = arith.addi %rem3A_72, %select_n3A_71 : i32
      %select_n3A_81 = arith.select %and3A_79, %add3A_80, %rem3A_72 : i32
      %mul3A_82 = arith.constant 16 : i32
      %mul3A_83 = arith.muli %select_n3A_81, %mul3A_82 : i32
      %broadcast_in_dim3A = arith.constant 1.000000e+00 : f32
      %broadcast_in_dim3A_84 = vector.broadcast %broadcast_in_dim3A : f32 to vector<16xf32>
      %swap3A = arith.index_cast %select_n3A : i32 to index
      %swap3A_85 = arith.index_cast %mul3A_83 : i32 to index
      %swap3A_86 = tpu.vector_load %arg5[%swap3A, %swap3A_85] {strides = array<i32>} : memref<128x128xf32, #tpu.memory_space<vmem>>, vector<1x16xf32>,
      %swap3A_87 = vector.shape_cast %swap3A_86 : vector<1x16xf32> to vector<16xf32>
      %swap3A_88 = vector.shape_cast %broadcast_in_dim3A_84 : vector<16xf32> to vector<1x16xf32>
      tpu.vector_store %arg5[%swap3A, %swap3A_85], %swap3A_88 {strides = array<i32>} : memref<128x128xf32, #tpu.memory_space<vmem>>, vector<1x16xf32>,
    }
    %scan3A_31 = arith.constant 1024 : i32
    %scan3A_32 = arith.constant 0 : i32
    %scan3A_33 = arith.constant 0 : i32
    %scan3A_34 = arith.constant 80 : i32
    %scan3A_35 = arith.addi %scan3A_33, %scan3A_34 : i32
    %scan3A_36 = arith.constant 1 : i32
    scf.for %scan3A_51 = %scan3A_33 to %scan3A_35 step %scan3A_36  : i32 {
      "tpu.region"() ({
        %run_scoped3A = tpu.sem_alloc : memref<!tpu.dma_semaphore, #tpu.memory_space<semaphore_mem>>
        %dma_start3A = arith.constant 0 : i32
        %dma_start3A_52 = tpu.memref_slice %arg4[%scan3A_51, %dma_start3A] : memref<80x128xi32, #tpu.memory_space<vmem>> -> memref<1x128xi32, #tpu.memory_space<vmem>>
        %dma_start3A_53 = tpu.memref_squeeze %dma_start3A_52 : memref<1x128xi32, #tpu.memory_space<vmem>> -> memref<128xi32, #tpu.memory_space<vmem>>
        %dma_start3A_54 = arith.constant 0 : i32
        %dma_start3A_55 = arith.constant 0 : i32
        %dma_start3A_56 = tpu.memref_slice %arg6[%dma_start3A_54, %dma_start3A_55] : memref<10240x128xf32, #tpu.memory_space<vmem_shared>> -> memref<10240x128xf32, #tpu.memory_space<vmem_shared>>
        tpu.enqueue_indirect_dma source(%arg5 : memref<128x128xf32, #tpu.memory_space<vmem>>) target(%dma_start3A_56 : memref<10240x128xf32, #tpu.memory_space<vmem_shared>>) offsets(%dma_start3A_53 : memref<128xi32, #tpu.memory_space<vmem>>) semaphore(%run_scoped3A : memref<!tpu.dma_semaphore, #tpu.memory_space<semaphore_mem>>) {add = true}
        %dma_wait3A = arith.constant 0 : i32
        %dma_wait3A_57 = tpu.memref_slice %arg4[%scan3A_51, %dma_wait3A] : memref<80x128xi32, #tpu.memory_space<vmem>> -> memref<1x128xi32, #tpu.memory_space<vmem>>
        %dma_wait3A_58 = tpu.memref_squeeze %dma_wait3A_57 : memref<1x128xi32, #tpu.memory_space<vmem>> -> memref<128xi32, #tpu.memory_space<vmem>>
        %dma_wait3A_59 = arith.constant 0 : i32
        %dma_wait3A_60 = arith.constant 0 : i32
        %dma_wait3A_61 = tpu.memref_slice %arg6[%dma_wait3A_59, %dma_wait3A_60] : memref<10240x128xf32, #tpu.memory_space<vmem_shared>> -> memref<10240x128xf32, #tpu.memory_space<vmem_shared>>
        tpu.wait_indirect_dma semaphore(%run_scoped3A : memref<!tpu.dma_semaphore, #tpu.memory_space<semaphore_mem>>) src(%arg5 : memref<128x128xf32, #tpu.memory_space<vmem>>) dst(%dma_wait3A_61 : memref<10240x128xf32, #tpu.memory_space<vmem_shared>>)
        tpu.yield
      }) : () -> ()
    }
    %scan3A_37 = arith.constant 80 : i32
    %barrier3A_38 = arith.constant 0 : index
    tpu.barrier barrier_id(%barrier3A_38)
    %mul3A_39 = arith.constant 640 : i32
    %mul3A_40 = arith.muli %arg1, %mul3A_39 : i32
    %add3A_41 = arith.constant 0 : i32
    %add3A_42 = arith.addi %mul3A_40, %add3A_41 : i32
    "tpu.region"() ({
      %run_scoped3A = tpu.sem_alloc : memref<!tpu.dma_semaphore, #tpu.memory_space<semaphore_mem>>
      %dma_start3A = arith.constant 0 : i32
      %dma_start3A_51 = tpu.memref_slice %arg6[%add3A_42, %dma_start3A] : memref<10240x128xf32, #tpu.memory_space<vmem_shared>> -> memref<128x128xf32, #tpu.memory_space<vmem_shared>>
      %dma_start3A_52 = arith.constant 0 : i32
      %dma_start3A_53 = tpu.memref_slice %arg6[%add3A_42, %dma_start3A_52] : memref<10240x128xf32, #tpu.memory_space<vmem_shared>> -> memref<128x128xf32, #tpu.memory_space<vmem_shared>>
      tpu.enqueue_dma source(%dma_start3A_53 : memref<128x128xf32, #tpu.memory_space<vmem_shared>>) target(%arg5 : memref<128x128xf32, #tpu.memory_space<vmem>>) target_semaphore(%run_scoped3A : memref<!tpu.dma_semaphore, #tpu.memory_space<semaphore_mem>>)
      %dma_wait3A = arith.constant 0 : i32
      %dma_wait3A_54 = tpu.memref_slice %arg6[%add3A_42, %dma_wait3A] : memref<10240x128xf32, #tpu.memory_space<vmem_shared>> -> memref<128x128xf32, #tpu.memory_space<vmem_shared>>
      %dma_wait3A_55 = arith.constant 0 : i32
      %dma_wait3A_56 = tpu.memref_slice %arg6[%add3A_42, %dma_wait3A_55] : memref<10240x128xf32, #tpu.memory_space<vmem_shared>> -> memref<128x128xf32, #tpu.memory_space<vmem_shared>>
      tpu.wait_dma2 semaphore(%run_scoped3A : memref<!tpu.dma_semaphore, #tpu.memory_space<semaphore_mem>>) src(%dma_wait3A_56 : memref<128x128xf32, #tpu.memory_space<vmem_shared>>) dst(%arg5 : memref<128x128xf32, #tpu.memory_space<vmem>>)
      tpu.yield
    }) : () -> ()
    "tpu.region"() ({
      %run_scoped3A = tpu.sem_alloc : memref<!tpu.dma_semaphore, #tpu.memory_space<semaphore_mem>>
      %dma_start3A = arith.constant 0 : i32
      %dma_start3A_51 = tpu.memref_slice %arg3[%arg0, %add3A_42, %dma_start3A] : memref<2x10240x128xf32, #tpu.memory_space<hbm>> -> memref<1x128x128xf32, #tpu.memory_space<hbm>>
      %dma_start3A_52 = tpu.memref_squeeze %dma_start3A_51 : memref<1x128x128xf32, #tpu.memory_space<hbm>> -> memref<128x128xf32, #tpu.memory_space<hbm>>
      %dma_start3A_53 = arith.constant 0 : i32
      %dma_start3A_54 = tpu.memref_slice %arg3[%arg0, %add3A_42, %dma_start3A_53] : memref<2x10240x128xf32, #tpu.memory_space<hbm>> -> memref<1x128x128xf32, #tpu.memory_space<hbm>>
      %dma_start3A_55 = tpu.memref_squeeze %dma_start3A_54 : memref<1x128x128xf32, #tpu.memory_space<hbm>> -> memref<128x128xf32, #tpu.memory_space<hbm>>
      tpu.enqueue_dma source(%arg5 : memref<128x128xf32, #tpu.memory_space<vmem>>) target(%dma_start3A_55 : memref<128x128xf32, #tpu.memory_space<hbm>>) target_semaphore(%run_scoped3A : memref<!tpu.dma_semaphore, #tpu.memory_space<semaphore_mem>>)
      %dma_wait3A = arith.constant 0 : i32
      %dma_wait3A_56 = tpu.memref_slice %arg3[%arg0, %add3A_42, %dma_wait3A] : memref<2x10240x128xf32, #tpu.memory_space<hbm>> -> memref<1x128x128xf32, #tpu.memory_space<hbm>>
      %dma_wait3A_57 = tpu.memref_squeeze %dma_wait3A_56 : memref<1x128x128xf32, #tpu.memory_space<hbm>> -> memref<128x128xf32, #tpu.memory_space<hbm>>
      %dma_wait3A_58 = arith.constant 0 : i32
      %dma_wait3A_59 = tpu.memref_slice %arg3[%arg0, %add3A_42, %dma_wait3A_58] : memref<2x10240x128xf32, #tpu.memory_space<hbm>> -> memref<1x128x128xf32, #tpu.memory_space<hbm>>
      %dma_wait3A_60 = tpu.memref_squeeze %dma_wait3A_59 : memref<1x128x128xf32, #tpu.memory_space<hbm>> -> memref<128x128xf32, #tpu.memory_space<hbm>>
      tpu.wait_dma2 semaphore(%run_scoped3A : memref<!tpu.dma_semaphore, #tpu.memory_space<semaphore_mem>>) src(%arg5 : memref<128x128xf32, #tpu.memory_space<vmem>>) dst(%dma_wait3A_60 : memref<128x128xf32, #tpu.memory_space<hbm>>)
      tpu.yield
    }) : () -> ()
    %add3A_43 = arith.constant 128 : i32
    %add3A_44 = arith.addi %mul3A_40, %add3A_43 : i32
    "tpu.region"() ({
      %run_scoped3A = tpu.sem_alloc : memref<!tpu.dma_semaphore, #tpu.memory_space<semaphore_mem>>
      %dma_start3A = arith.constant 0 : i32
      %dma_start3A_51 = tpu.memref_slice %arg6[%add3A_44, %dma_start3A] : memref<10240x128xf32, #tpu.memory_space<vmem_shared>> -> memref<128x128xf32, #tpu.memory_space<vmem_shared>>
      %dma_start3A_52 = arith.constant 0 : i32
      %dma_start3A_53 = tpu.memref_slice %arg6[%add3A_44, %dma_start3A_52] : memref<10240x128xf32, #tpu.memory_space<vmem_shared>> -> memref<128x128xf32, #tpu.memory_space<vmem_shared>>
      tpu.enqueue_dma source(%dma_start3A_53 : memref<128x128xf32, #tpu.memory_space<vmem_shared>>) target(%arg5 : memref<128x128xf32, #tpu.memory_space<vmem>>) target_semaphore(%run_scoped3A : memref<!tpu.dma_semaphore, #tpu.memory_space<semaphore_mem>>)
      %dma_wait3A = arith.constant 0 : i32
      %dma_wait3A_54 = tpu.memref_slice %arg6[%add3A_44, %dma_wait3A] : memref<10240x128xf32, #tpu.memory_space<vmem_shared>> -> memref<128x128xf32, #tpu.memory_space<vmem_shared>>
      %dma_wait3A_55 = arith.constant 0 : i32
      %dma_wait3A_56 = tpu.memref_slice %arg6[%add3A_44, %dma_wait3A_55] : memref<10240x128xf32, #tpu.memory_space<vmem_shared>> -> memref<128x128xf32, #tpu.memory_space<vmem_shared>>
      tpu.wait_dma2 semaphore(%run_scoped3A : memref<!tpu.dma_semaphore, #tpu.memory_space<semaphore_mem>>) src(%dma_wait3A_56 : memref<128x128xf32, #tpu.memory_space<vmem_shared>>) dst(%arg5 : memref<128x128xf32, #tpu.memory_space<vmem>>)
      tpu.yield
    }) : () -> ()
    "tpu.region"() ({
      %run_scoped3A = tpu.sem_alloc : memref<!tpu.dma_semaphore, #tpu.memory_space<semaphore_mem>>
      %dma_start3A = arith.constant 0 : i32
      %dma_start3A_51 = tpu.memref_slice %arg3[%arg0, %add3A_44, %dma_start3A] : memref<2x10240x128xf32, #tpu.memory_space<hbm>> -> memref<1x128x128xf32, #tpu.memory_space<hbm>>
      %dma_start3A_52 = tpu.memref_squeeze %dma_start3A_51 : memref<1x128x128xf32, #tpu.memory_space<hbm>> -> memref<128x128xf32, #tpu.memory_space<hbm>>
      %dma_start3A_53 = arith.constant 0 : i32
      %dma_start3A_54 = tpu.memref_slice %arg3[%arg0, %add3A_44, %dma_start3A_53] : memref<2x10240x128xf32, #tpu.memory_space<hbm>> -> memref<1x128x128xf32, #tpu.memory_space<hbm>>
      %dma_start3A_55 = tpu.memref_squeeze %dma_start3A_54 : memref<1x128x128xf32, #tpu.memory_space<hbm>> -> memref<128x128xf32, #tpu.memory_space<hbm>>
      tpu.enqueue_dma source(%arg5 : memref<128x128xf32, #tpu.memory_space<vmem>>) target(%dma_start3A_55 : memref<128x128xf32, #tpu.memory_space<hbm>>) target_semaphore(%run_scoped3A : memref<!tpu.dma_semaphore, #tpu.memory_space<semaphore_mem>>)
      %dma_wait3A = arith.constant 0 : i32
      %dma_wait3A_56 = tpu.memref_slice %arg3[%arg0, %add3A_44, %dma_wait3A] : memref<2x10240x128xf32, #tpu.memory_space<hbm>> -> memref<1x128x128xf32, #tpu.memory_space<hbm>>
      %dma_wait3A_57 = tpu.memref_squeeze %dma_wait3A_56 : memref<1x128x128xf32, #tpu.memory_space<hbm>> -> memref<128x128xf32, #tpu.memory_space<hbm>>
      %dma_wait3A_58 = arith.constant 0 : i32
      %dma_wait3A_59 = tpu.memref_slice %arg3[%arg0, %add3A_44, %dma_wait3A_58] : memref<2x10240x128xf32, #tpu.memory_space<hbm>> -> memref<1x128x128xf32, #tpu.memory_space<hbm>>
      %dma_wait3A_60 = tpu.memref_squeeze %dma_wait3A_59 : memref<1x128x128xf32, #tpu.memory_space<hbm>> -> memref<128x128xf32, #tpu.memory_space<hbm>>
      tpu.wait_dma2 semaphore(%run_scoped3A : memref<!tpu.dma_semaphore, #tpu.memory_space<semaphore_mem>>) src(%arg5 : memref<128x128xf32, #tpu.memory_space<vmem>>) dst(%dma_wait3A_60 : memref<128x128xf32, #tpu.memory_space<hbm>>)
      tpu.yield
    }) : () -> ()
    %add3A_45 = arith.constant 256 : i32
    %add3A_46 = arith.addi %mul3A_40, %add3A_45 : i32
    "tpu.region"() ({
      %run_scoped3A = tpu.sem_alloc : memref<!tpu.dma_semaphore, #tpu.memory_space<semaphore_mem>>
      %dma_start3A = arith.constant 0 : i32
      %dma_start3A_51 = tpu.memref_slice %arg6[%add3A_46, %dma_start3A] : memref<10240x128xf32, #tpu.memory_space<vmem_shared>> -> memref<128x128xf32, #tpu.memory_space<vmem_shared>>
      %dma_start3A_52 = arith.constant 0 : i32
      %dma_start3A_53 = tpu.memref_slice %arg6[%add3A_46, %dma_start3A_52] : memref<10240x128xf32, #tpu.memory_space<vmem_shared>> -> memref<128x128xf32, #tpu.memory_space<vmem_shared>>
      tpu.enqueue_dma source(%dma_start3A_53 : memref<128x128xf32, #tpu.memory_space<vmem_shared>>) target(%arg5 : memref<128x128xf32, #tpu.memory_space<vmem>>) target_semaphore(%run_scoped3A : memref<!tpu.dma_semaphore, #tpu.memory_space<semaphore_mem>>)
      %dma_wait3A = arith.constant 0 : i32
      %dma_wait3A_54 = tpu.memref_slice %arg6[%add3A_46, %dma_wait3A] : memref<10240x128xf32, #tpu.memory_space<vmem_shared>> -> memref<128x128xf32, #tpu.memory_space<vmem_shared>>
      %dma_wait3A_55 = arith.constant 0 : i32
      %dma_wait3A_56 = tpu.memref_slice %arg6[%add3A_46, %dma_wait3A_55] : memref<10240x128xf32, #tpu.memory_space<vmem_shared>> -> memref<128x128xf32, #tpu.memory_space<vmem_shared>>
      tpu.wait_dma2 semaphore(%run_scoped3A : memref<!tpu.dma_semaphore, #tpu.memory_space<semaphore_mem>>) src(%dma_wait3A_56 : memref<128x128xf32, #tpu.memory_space<vmem_shared>>) dst(%arg5 : memref<128x128xf32, #tpu.memory_space<vmem>>)
      tpu.yield
    }) : () -> ()
    "tpu.region"() ({
      %run_scoped3A = tpu.sem_alloc : memref<!tpu.dma_semaphore, #tpu.memory_space<semaphore_mem>>
      %dma_start3A = arith.constant 0 : i32
      %dma_start3A_51 = tpu.memref_slice %arg3[%arg0, %add3A_46, %dma_start3A] : memref<2x10240x128xf32, #tpu.memory_space<hbm>> -> memref<1x128x128xf32, #tpu.memory_space<hbm>>
      %dma_start3A_52 = tpu.memref_squeeze %dma_start3A_51 : memref<1x128x128xf32, #tpu.memory_space<hbm>> -> memref<128x128xf32, #tpu.memory_space<hbm>>
      %dma_start3A_53 = arith.constant 0 : i32
      %dma_start3A_54 = tpu.memref_slice %arg3[%arg0, %add3A_46, %dma_start3A_53] : memref<2x10240x128xf32, #tpu.memory_space<hbm>> -> memref<1x128x128xf32, #tpu.memory_space<hbm>>
      %dma_start3A_55 = tpu.memref_squeeze %dma_start3A_54 : memref<1x128x128xf32, #tpu.memory_space<hbm>> -> memref<128x128xf32, #tpu.memory_space<hbm>>
      tpu.enqueue_dma source(%arg5 : memref<128x128xf32, #tpu.memory_space<vmem>>) target(%dma_start3A_55 : memref<128x128xf32, #tpu.memory_space<hbm>>) target_semaphore(%run_scoped3A : memref<!tpu.dma_semaphore, #tpu.memory_space<semaphore_mem>>)
      %dma_wait3A = arith.constant 0 : i32
      %dma_wait3A_56 = tpu.memref_slice %arg3[%arg0, %add3A_46, %dma_wait3A] : memref<2x10240x128xf32, #tpu.memory_space<hbm>> -> memref<1x128x128xf32, #tpu.memory_space<hbm>>
      %dma_wait3A_57 = tpu.memref_squeeze %dma_wait3A_56 : memref<1x128x128xf32, #tpu.memory_space<hbm>> -> memref<128x128xf32, #tpu.memory_space<hbm>>
      %dma_wait3A_58 = arith.constant 0 : i32
      %dma_wait3A_59 = tpu.memref_slice %arg3[%arg0, %add3A_46, %dma_wait3A_58] : memref<2x10240x128xf32, #tpu.memory_space<hbm>> -> memref<1x128x128xf32, #tpu.memory_space<hbm>>
      %dma_wait3A_60 = tpu.memref_squeeze %dma_wait3A_59 : memref<1x128x128xf32, #tpu.memory_space<hbm>> -> memref<128x128xf32, #tpu.memory_space<hbm>>
      tpu.wait_dma2 semaphore(%run_scoped3A : memref<!tpu.dma_semaphore, #tpu.memory_space<semaphore_mem>>) src(%arg5 : memref<128x128xf32, #tpu.memory_space<vmem>>) dst(%dma_wait3A_60 : memref<128x128xf32, #tpu.memory_space<hbm>>)
      tpu.yield
    }) : () -> ()
    %add3A_47 = arith.constant 384 : i32
    %add3A_48 = arith.addi %mul3A_40, %add3A_47 : i32
    "tpu.region"() ({
      %run_scoped3A = tpu.sem_alloc : memref<!tpu.dma_semaphore, #tpu.memory_space<semaphore_mem>>
      %dma_start3A = arith.constant 0 : i32
      %dma_start3A_51 = tpu.memref_slice %arg6[%add3A_48, %dma_start3A] : memref<10240x128xf32, #tpu.memory_space<vmem_shared>> -> memref<128x128xf32, #tpu.memory_space<vmem_shared>>
      %dma_start3A_52 = arith.constant 0 : i32
      %dma_start3A_53 = tpu.memref_slice %arg6[%add3A_48, %dma_start3A_52] : memref<10240x128xf32, #tpu.memory_space<vmem_shared>> -> memref<128x128xf32, #tpu.memory_space<vmem_shared>>
      tpu.enqueue_dma source(%dma_start3A_53 : memref<128x128xf32, #tpu.memory_space<vmem_shared>>) target(%arg5 : memref<128x128xf32, #tpu.memory_space<vmem>>) target_semaphore(%run_scoped3A : memref<!tpu.dma_semaphore, #tpu.memory_space<semaphore_mem>>)
      %dma_wait3A = arith.constant 0 : i32
      %dma_wait3A_54 = tpu.memref_slice %arg6[%add3A_48, %dma_wait3A] : memref<10240x128xf32, #tpu.memory_space<vmem_shared>> -> memref<128x128xf32, #tpu.memory_space<vmem_shared>>
      %dma_wait3A_55 = arith.constant 0 : i32
      %dma_wait3A_56 = tpu.memref_slice %arg6[%add3A_48, %dma_wait3A_55] : memref<10240x128xf32, #tpu.memory_space<vmem_shared>> -> memref<128x128xf32, #tpu.memory_space<vmem_shared>>
      tpu.wait_dma2 semaphore(%run_scoped3A : memref<!tpu.dma_semaphore, #tpu.memory_space<semaphore_mem>>) src(%dma_wait3A_56 : memref<128x128xf32, #tpu.memory_space<vmem_shared>>) dst(%arg5 : memref<128x128xf32, #tpu.memory_space<vmem>>)
      tpu.yield
    }) : () -> ()
    "tpu.region"() ({
      %run_scoped3A = tpu.sem_alloc : memref<!tpu.dma_semaphore, #tpu.memory_space<semaphore_mem>>
      %dma_start3A = arith.constant 0 : i32
      %dma_start3A_51 = tpu.memref_slice %arg3[%arg0, %add3A_48, %dma_start3A] : memref<2x10240x128xf32, #tpu.memory_space<hbm>> -> memref<1x128x128xf32, #tpu.memory_space<hbm>>
      %dma_start3A_52 = tpu.memref_squeeze %dma_start3A_51 : memref<1x128x128xf32, #tpu.memory_space<hbm>> -> memref<128x128xf32, #tpu.memory_space<hbm>>
      %dma_start3A_53 = arith.constant 0 : i32
      %dma_start3A_54 = tpu.memref_slice %arg3[%arg0, %add3A_48, %dma_start3A_53] : memref<2x10240x128xf32, #tpu.memory_space<hbm>> -> memref<1x128x128xf32, #tpu.memory_space<hbm>>
      %dma_start3A_55 = tpu.memref_squeeze %dma_start3A_54 : memref<1x128x128xf32, #tpu.memory_space<hbm>> -> memref<128x128xf32, #tpu.memory_space<hbm>>
      tpu.enqueue_dma source(%arg5 : memref<128x128xf32, #tpu.memory_space<vmem>>) target(%dma_start3A_55 : memref<128x128xf32, #tpu.memory_space<hbm>>) target_semaphore(%run_scoped3A : memref<!tpu.dma_semaphore, #tpu.memory_space<semaphore_mem>>)
      %dma_wait3A = arith.constant 0 : i32
      %dma_wait3A_56 = tpu.memref_slice %arg3[%arg0, %add3A_48, %dma_wait3A] : memref<2x10240x128xf32, #tpu.memory_space<hbm>> -> memref<1x128x128xf32, #tpu.memory_space<hbm>>
      %dma_wait3A_57 = tpu.memref_squeeze %dma_wait3A_56 : memref<1x128x128xf32, #tpu.memory_space<hbm>> -> memref<128x128xf32, #tpu.memory_space<hbm>>
      %dma_wait3A_58 = arith.constant 0 : i32
      %dma_wait3A_59 = tpu.memref_slice %arg3[%arg0, %add3A_48, %dma_wait3A_58] : memref<2x10240x128xf32, #tpu.memory_space<hbm>> -> memref<1x128x128xf32, #tpu.memory_space<hbm>>
      %dma_wait3A_60 = tpu.memref_squeeze %dma_wait3A_59 : memref<1x128x128xf32, #tpu.memory_space<hbm>> -> memref<128x128xf32, #tpu.memory_space<hbm>>
      tpu.wait_dma2 semaphore(%run_scoped3A : memref<!tpu.dma_semaphore, #tpu.memory_space<semaphore_mem>>) src(%arg5 : memref<128x128xf32, #tpu.memory_space<vmem>>) dst(%dma_wait3A_60 : memref<128x128xf32, #tpu.memory_space<hbm>>)
      tpu.yield
    }) : () -> ()
    %add3A_49 = arith.constant 512 : i32
    %add3A_50 = arith.addi %mul3A_40, %add3A_49 : i32
    "tpu.region"() ({
      %run_scoped3A = tpu.sem_alloc : memref<!tpu.dma_semaphore, #tpu.memory_space<semaphore_mem>>
      %dma_start3A = arith.constant 0 : i32
      %dma_start3A_51 = tpu.memref_slice %arg6[%add3A_50, %dma_start3A] : memref<10240x128xf32, #tpu.memory_space<vmem_shared>> -> memref<128x128xf32, #tpu.memory_space<vmem_shared>>
      %dma_start3A_52 = arith.constant 0 : i32
      %dma_start3A_53 = tpu.memref_slice %arg6[%add3A_50, %dma_start3A_52] : memref<10240x128xf32, #tpu.memory_space<vmem_shared>> -> memref<128x128xf32, #tpu.memory_space<vmem_shared>>
      tpu.enqueue_dma source(%dma_start3A_53 : memref<128x128xf32, #tpu.memory_space<vmem_shared>>) target(%arg5 : memref<128x128xf32, #tpu.memory_space<vmem>>) target_semaphore(%run_scoped3A : memref<!tpu.dma_semaphore, #tpu.memory_space<semaphore_mem>>)
      %dma_wait3A = arith.constant 0 : i32
      %dma_wait3A_54 = tpu.memref_slice %arg6[%add3A_50, %dma_wait3A] : memref<10240x128xf32, #tpu.memory_space<vmem_shared>> -> memref<128x128xf32, #tpu.memory_space<vmem_shared>>
      %dma_wait3A_55 = arith.constant 0 : i32
      %dma_wait3A_56 = tpu.memref_slice %arg6[%add3A_50, %dma_wait3A_55] : memref<10240x128xf32, #tpu.memory_space<vmem_shared>> -> memref<128x128xf32, #tpu.memory_space<vmem_shared>>
      tpu.wait_dma2 semaphore(%run_scoped3A : memref<!tpu.dma_semaphore, #tpu.memory_space<semaphore_mem>>) src(%dma_wait3A_56 : memref<128x128xf32, #tpu.memory_space<vmem_shared>>) dst(%arg5 : memref<128x128xf32, #tpu.memory_space<vmem>>)
      tpu.yield
    }) : () -> ()
    "tpu.region"() ({
      %run_scoped3A = tpu.sem_alloc : memref<!tpu.dma_semaphore, #tpu.memory_space<semaphore_mem>>
      %dma_start3A = arith.constant 0 : i32
      %dma_start3A_51 = tpu.memref_slice %arg3[%arg0, %add3A_50, %dma_start3A] : memref<2x10240x128xf32, #tpu.memory_space<hbm>> -> memref<1x128x128xf32, #tpu.memory_space<hbm>>
      %dma_start3A_52 = tpu.memref_squeeze %dma_start3A_51 : memref<1x128x128xf32, #tpu.memory_space<hbm>> -> memref<128x128xf32, #tpu.memory_space<hbm>>
      %dma_start3A_53 = arith.constant 0 : i32
      %dma_start3A_54 = tpu.memref_slice %arg3[%arg0, %add3A_50, %dma_start3A_53] : memref<2x10240x128xf32, #tpu.memory_space<hbm>> -> memref<1x128x128xf32, #tpu.memory_space<hbm>>
      %dma_start3A_55 = tpu.memref_squeeze %dma_start3A_54 : memref<1x128x128xf32, #tpu.memory_space<hbm>> -> memref<128x128xf32, #tpu.memory_space<hbm>>
      tpu.enqueue_dma source(%arg5 : memref<128x128xf32, #tpu.memory_space<vmem>>) target(%dma_start3A_55 : memref<128x128xf32, #tpu.memory_space<hbm>>) target_semaphore(%run_scoped3A : memref<!tpu.dma_semaphore, #tpu.memory_space<semaphore_mem>>)
      %dma_wait3A = arith.constant 0 : i32
      %dma_wait3A_56 = tpu.memref_slice %arg3[%arg0, %add3A_50, %dma_wait3A] : memref<2x10240x128xf32, #tpu.memory_space<hbm>> -> memref<1x128x128xf32, #tpu.memory_space<hbm>>
      %dma_wait3A_57 = tpu.memref_squeeze %dma_wait3A_56 : memref<1x128x128xf32, #tpu.memory_space<hbm>> -> memref<128x128xf32, #tpu.memory_space<hbm>>
      %dma_wait3A_58 = arith.constant 0 : i32
      %dma_wait3A_59 = tpu.memref_slice %arg3[%arg0, %add3A_50, %dma_wait3A_58] : memref<2x10240x128xf32, #tpu.memory_space<hbm>> -> memref<1x128x128xf32, #tpu.memory_space<hbm>>
      %dma_wait3A_60 = tpu.memref_squeeze %dma_wait3A_59 : memref<1x128x128xf32, #tpu.memory_space<hbm>> -> memref<128x128xf32, #tpu.memory_space<hbm>>
      tpu.wait_dma2 semaphore(%run_scoped3A : memref<!tpu.dma_semaphore, #tpu.memory_space<semaphore_mem>>) src(%arg5 : memref<128x128xf32, #tpu.memory_space<vmem>>) dst(%dma_wait3A_60 : memref<128x128xf32, #tpu.memory_space<hbm>>)
      tpu.yield
    }) : () -> ()
    return
  }
}

#map = affine_map<(d0, d1) -> (0, 0)>
#map1 = affine_map<(d0, d1) -> (0, 0, 0)>
module attributes {stable_mosaic.version = 14 : i64} {
  func.func @_spmm_sc(%arg0: i32, %arg1: i32, %arg2: memref<10000x128xf32, #tpu.memory_space<hbm>>, %arg3: memref<32x80x128xi32, #tpu.memory_space<hbm>>, %arg4: memref<2x10240x128xf32, #tpu.memory_space<hbm>>, %arg5: memref<80x128xi32, #tpu.memory_space<vmem>>, %arg6: memref<2x128xi32, #tpu.memory_space<vmem>>, %arg7: memref<2x128xi32, #tpu.memory_space<vmem>>, %arg8: memref<128x128xf32, #tpu.memory_space<vmem>>, %arg9: memref<128x128xf32, #tpu.memory_space<vmem>>, %arg10: memref<10240x128xf32, #tpu.memory_space<vmem_shared>>, %arg11: memref<!tpu.dma_semaphore, #tpu.memory_space<semaphore_mem>>, %arg12: memref<!tpu.dma_semaphore, #tpu.memory_space<semaphore_mem>>) attributes {dimension_semantics = [#tpu.dimension_semantics<core_parallel>, #tpu.dimension_semantics<subcore_parallel>], iteration_bounds = array<i64: 2, 16>, scalar_prefetch = 0 : i64, scratch_operands = 8 : i64, tpu.core_type = #tpu.core_type<sc_vector_subcore>, window_params = [{transform_indices = #map}, {transform_indices = #map1}, {transform_indices = #map1}]} {
    %mul3A = arith.constant 2 : i32
    %mul3A_0 = arith.muli %arg1, %mul3A : i32
    %add3A = arith.addi %mul3A_0, %arg0 : i32
    "tpu.region"() ({
      %run_scoped3A = tpu.sem_alloc : memref<!tpu.dma_semaphore, #tpu.memory_space<semaphore_mem>>
      %dma_start3A_89 = arith.constant 0 : i32
      %dma_start3A_90 = arith.constant 0 : i32
      %dma_start3A_91 = tpu.memref_slice %arg3[%add3A, %dma_start3A_89, %dma_start3A_90] : memref<32x80x128xi32, #tpu.memory_space<hbm>> -> memref<1x80x128xi32, #tpu.memory_space<hbm>>
      %dma_start3A_92 = tpu.memref_squeeze %dma_start3A_91 : memref<1x80x128xi32, #tpu.memory_space<hbm>> -> memref<80x128xi32, #tpu.memory_space<hbm>>
      %dma_start3A_93 = arith.constant 0 : i32
      %dma_start3A_94 = arith.constant 0 : i32
      %dma_start3A_95 = tpu.memref_slice %arg3[%add3A, %dma_start3A_93, %dma_start3A_94] : memref<32x80x128xi32, #tpu.memory_space<hbm>> -> memref<1x80x128xi32, #tpu.memory_space<hbm>>
      %dma_start3A_96 = tpu.memref_squeeze %dma_start3A_95 : memref<1x80x128xi32, #tpu.memory_space<hbm>> -> memref<80x128xi32, #tpu.memory_space<hbm>>
      tpu.enqueue_dma source(%dma_start3A_96 : memref<80x128xi32, #tpu.memory_space<hbm>>) target(%arg5 : memref<80x128xi32, #tpu.memory_space<vmem>>) target_semaphore(%run_scoped3A : memref<!tpu.dma_semaphore, #tpu.memory_space<semaphore_mem>>)
      %dma_wait3A_97 = arith.constant 0 : i32
      %dma_wait3A_98 = arith.constant 0 : i32
      %dma_wait3A_99 = tpu.memref_slice %arg3[%add3A, %dma_wait3A_97, %dma_wait3A_98] : memref<32x80x128xi32, #tpu.memory_space<hbm>> -> memref<1x80x128xi32, #tpu.memory_space<hbm>>
      %dma_wait3A_100 = tpu.memref_squeeze %dma_wait3A_99 : memref<1x80x128xi32, #tpu.memory_space<hbm>> -> memref<80x128xi32, #tpu.memory_space<hbm>>
      %dma_wait3A_101 = arith.constant 0 : i32
      %dma_wait3A_102 = arith.constant 0 : i32
      %dma_wait3A_103 = tpu.memref_slice %arg3[%add3A, %dma_wait3A_101, %dma_wait3A_102] : memref<32x80x128xi32, #tpu.memory_space<hbm>> -> memref<1x80x128xi32, #tpu.memory_space<hbm>>
      %dma_wait3A_104 = tpu.memref_squeeze %dma_wait3A_103 : memref<1x80x128xi32, #tpu.memory_space<hbm>> -> memref<80x128xi32, #tpu.memory_space<hbm>>
      tpu.wait_dma2 semaphore(%run_scoped3A : memref<!tpu.dma_semaphore, #tpu.memory_space<semaphore_mem>>) src(%dma_wait3A_104 : memref<80x128xi32, #tpu.memory_space<hbm>>) dst(%arg5 : memref<80x128xi32, #tpu.memory_space<vmem>>)
      tpu.yield
    }) : () -> ()
    %scan3A = arith.constant 0 : i32
    %scan3A_1 = arith.constant 0 : i32
    %scan3A_2 = arith.constant 1024 : i32
    %scan3A_3 = arith.addi %scan3A_1, %scan3A_2 : i32
    %scan3A_4 = arith.constant 1 : i32
    scf.for %scan3A_89 = %scan3A_1 to %scan3A_3 step %scan3A_4  : i32 {
      %jit3A = arith.constant 8 : i32
      %div3A = arith.divsi %scan3A_89, %jit3A : i32
      %sign3A = arith.constant 0 : i32
      %sign3A_90 = arith.cmpi sgt, %scan3A_89, %sign3A : i32
      %sign3A_91 = arith.extui %sign3A_90 : i1 to i32
      %sign3A_92 = arith.constant 0 : i32
      %sign3A_93 = arith.cmpi slt, %scan3A_89, %sign3A_92 : i32
      %sign3A_94 = arith.extui %sign3A_93 : i1 to i32
      %sign3A_95 = arith.subi %sign3A_91, %sign3A_94 : i32
      %sign3A_96 = arith.constant 0 : i32
      %sign3A_97 = arith.cmpi sgt, %jit3A, %sign3A_96 : i32
      %sign3A_98 = arith.extui %sign3A_97 : i1 to i32
      %sign3A_99 = arith.constant 0 : i32
      %sign3A_100 = arith.cmpi slt, %jit3A, %sign3A_99 : i32
      %sign3A_101 = arith.extui %sign3A_100 : i1 to i32
      %sign3A_102 = arith.subi %sign3A_98, %sign3A_101 : i32
      %ne3A = arith.cmpi ne, %sign3A_95, %sign3A_102 : i32
      %rem3A = arith.remsi %scan3A_89, %jit3A : i32
      %ne3A_103 = arith.constant 0 : i32
      %ne3A_104 = arith.cmpi ne, %rem3A, %ne3A_103 : i32
      %and3A = arith.andi %ne3A, %ne3A_104 : i1
      %sub3A = arith.constant 1 : i32
      %sub3A_105 = arith.subi %div3A, %sub3A : i32
      %select_n3A = arith.select %and3A, %sub3A_105, %div3A : i32
      %jit3A_106 = arith.constant 8 : i32
      %eq3A = arith.constant 0 : i32
      %eq3A_107 = arith.cmpi eq, %jit3A_106, %eq3A : i32
      %jit3A_108 = arith.constant 1 : i32
      %select_n3A_109 = arith.select %eq3A_107, %jit3A_108, %jit3A_106 : i32
      %rem3A_110 = arith.remsi %scan3A_89, %select_n3A_109 : i32
      %ne3A_111 = arith.constant 0 : i32
      %ne3A_112 = arith.cmpi ne, %rem3A_110, %ne3A_111 : i32
      %lt3A = arith.constant 0 : i32
      %lt3A_113 = arith.cmpi slt, %rem3A_110, %lt3A : i32
      %lt3A_114 = arith.constant 0 : i32
      %lt3A_115 = arith.cmpi slt, %select_n3A_109, %lt3A_114 : i32
      %ne3A_116 = arith.xori %lt3A_113, %lt3A_115 : i1
      %and3A_117 = arith.andi %ne3A_116, %ne3A_112 : i1
      %add3A_118 = arith.addi %rem3A_110, %select_n3A_109 : i32
      %select_n3A_119 = arith.select %and3A_117, %add3A_118, %rem3A_110 : i32
      %mul3A_120 = arith.constant 16 : i32
      %mul3A_121 = arith.muli %select_n3A_119, %mul3A_120 : i32
      %broadcast_in_dim3A = arith.constant 0.000000e+00 : f32
      %broadcast_in_dim3A_122 = vector.broadcast %broadcast_in_dim3A : f32 to vector<16xf32>
      %swap3A = arith.index_cast %select_n3A : i32 to index
      %swap3A_123 = arith.index_cast %mul3A_121 : i32 to index
      %swap3A_124 = tpu.vector_load %arg8[%swap3A, %swap3A_123] {strides = array<i32>} : memref<128x128xf32, #tpu.memory_space<vmem>>, vector<1x16xf32>,
      %swap3A_125 = vector.shape_cast %swap3A_124 : vector<1x16xf32> to vector<16xf32>
      %swap3A_126 = vector.shape_cast %broadcast_in_dim3A_122 : vector<16xf32> to vector<1x16xf32>
      tpu.vector_store %arg8[%swap3A, %swap3A_123], %swap3A_126 {strides = array<i32>} : memref<128x128xf32, #tpu.memory_space<vmem>>, vector<1x16xf32>,
    }
    %scan3A_5 = arith.constant 1024 : i32
    %mul3A_6 = arith.constant 640 : i32
    %mul3A_7 = arith.muli %arg1, %mul3A_6 : i32
    %add3A_8 = arith.constant 0 : i32
    %add3A_9 = arith.addi %mul3A_7, %add3A_8 : i32
    "tpu.region"() ({
      %run_scoped3A = tpu.sem_alloc : memref<!tpu.dma_semaphore, #tpu.memory_space<semaphore_mem>>
      %dma_start3A_89 = arith.constant 0 : i32
      %dma_start3A_90 = tpu.memref_slice %arg10[%add3A_9, %dma_start3A_89] : memref<10240x128xf32, #tpu.memory_space<vmem_shared>> -> memref<128x128xf32, #tpu.memory_space<vmem_shared>>
      %dma_start3A_91 = arith.constant 0 : i32
      %dma_start3A_92 = tpu.memref_slice %arg10[%add3A_9, %dma_start3A_91] : memref<10240x128xf32, #tpu.memory_space<vmem_shared>> -> memref<128x128xf32, #tpu.memory_space<vmem_shared>>
      tpu.enqueue_dma source(%arg8 : memref<128x128xf32, #tpu.memory_space<vmem>>) target(%dma_start3A_92 : memref<128x128xf32, #tpu.memory_space<vmem_shared>>) target_semaphore(%run_scoped3A : memref<!tpu.dma_semaphore, #tpu.memory_space<semaphore_mem>>)
      %dma_wait3A_93 = arith.constant 0 : i32
      %dma_wait3A_94 = tpu.memref_slice %arg10[%add3A_9, %dma_wait3A_93] : memref<10240x128xf32, #tpu.memory_space<vmem_shared>> -> memref<128x128xf32, #tpu.memory_space<vmem_shared>>
      %dma_wait3A_95 = arith.constant 0 : i32
      %dma_wait3A_96 = tpu.memref_slice %arg10[%add3A_9, %dma_wait3A_95] : memref<10240x128xf32, #tpu.memory_space<vmem_shared>> -> memref<128x128xf32, #tpu.memory_space<vmem_shared>>
      tpu.wait_dma2 semaphore(%run_scoped3A : memref<!tpu.dma_semaphore, #tpu.memory_space<semaphore_mem>>) src(%arg8 : memref<128x128xf32, #tpu.memory_space<vmem>>) dst(%dma_wait3A_96 : memref<128x128xf32, #tpu.memory_space<vmem_shared>>)
      tpu.yield
    }) : () -> ()
    %mul3A_10 = arith.constant 640 : i32
    %mul3A_11 = arith.muli %arg1, %mul3A_10 : i32
    %add3A_12 = arith.constant 128 : i32
    %add3A_13 = arith.addi %mul3A_11, %add3A_12 : i32
    "tpu.region"() ({
      %run_scoped3A = tpu.sem_alloc : memref<!tpu.dma_semaphore, #tpu.memory_space<semaphore_mem>>
      %dma_start3A_89 = arith.constant 0 : i32
      %dma_start3A_90 = tpu.memref_slice %arg10[%add3A_13, %dma_start3A_89] : memref<10240x128xf32, #tpu.memory_space<vmem_shared>> -> memref<128x128xf32, #tpu.memory_space<vmem_shared>>
      %dma_start3A_91 = arith.constant 0 : i32
      %dma_start3A_92 = tpu.memref_slice %arg10[%add3A_13, %dma_start3A_91] : memref<10240x128xf32, #tpu.memory_space<vmem_shared>> -> memref<128x128xf32, #tpu.memory_space<vmem_shared>>
      tpu.enqueue_dma source(%arg8 : memref<128x128xf32, #tpu.memory_space<vmem>>) target(%dma_start3A_92 : memref<128x128xf32, #tpu.memory_space<vmem_shared>>) target_semaphore(%run_scoped3A : memref<!tpu.dma_semaphore, #tpu.memory_space<semaphore_mem>>)
      %dma_wait3A_93 = arith.constant 0 : i32
      %dma_wait3A_94 = tpu.memref_slice %arg10[%add3A_13, %dma_wait3A_93] : memref<10240x128xf32, #tpu.memory_space<vmem_shared>> -> memref<128x128xf32, #tpu.memory_space<vmem_shared>>
      %dma_wait3A_95 = arith.constant 0 : i32
      %dma_wait3A_96 = tpu.memref_slice %arg10[%add3A_13, %dma_wait3A_95] : memref<10240x128xf32, #tpu.memory_space<vmem_shared>> -> memref<128x128xf32, #tpu.memory_space<vmem_shared>>
      tpu.wait_dma2 semaphore(%run_scoped3A : memref<!tpu.dma_semaphore, #tpu.memory_space<semaphore_mem>>) src(%arg8 : memref<128x128xf32, #tpu.memory_space<vmem>>) dst(%dma_wait3A_96 : memref<128x128xf32, #tpu.memory_space<vmem_shared>>)
      tpu.yield
    }) : () -> ()
    %mul3A_14 = arith.constant 640 : i32
    %mul3A_15 = arith.muli %arg1, %mul3A_14 : i32
    %add3A_16 = arith.constant 256 : i32
    %add3A_17 = arith.addi %mul3A_15, %add3A_16 : i32
    "tpu.region"() ({
      %run_scoped3A = tpu.sem_alloc : memref<!tpu.dma_semaphore, #tpu.memory_space<semaphore_mem>>
      %dma_start3A_89 = arith.constant 0 : i32
      %dma_start3A_90 = tpu.memref_slice %arg10[%add3A_17, %dma_start3A_89] : memref<10240x128xf32, #tpu.memory_space<vmem_shared>> -> memref<128x128xf32, #tpu.memory_space<vmem_shared>>
      %dma_start3A_91 = arith.constant 0 : i32
      %dma_start3A_92 = tpu.memref_slice %arg10[%add3A_17, %dma_start3A_91] : memref<10240x128xf32, #tpu.memory_space<vmem_shared>> -> memref<128x128xf32, #tpu.memory_space<vmem_shared>>
      tpu.enqueue_dma source(%arg8 : memref<128x128xf32, #tpu.memory_space<vmem>>) target(%dma_start3A_92 : memref<128x128xf32, #tpu.memory_space<vmem_shared>>) target_semaphore(%run_scoped3A : memref<!tpu.dma_semaphore, #tpu.memory_space<semaphore_mem>>)
      %dma_wait3A_93 = arith.constant 0 : i32
      %dma_wait3A_94 = tpu.memref_slice %arg10[%add3A_17, %dma_wait3A_93] : memref<10240x128xf32, #tpu.memory_space<vmem_shared>> -> memref<128x128xf32, #tpu.memory_space<vmem_shared>>
      %dma_wait3A_95 = arith.constant 0 : i32
      %dma_wait3A_96 = tpu.memref_slice %arg10[%add3A_17, %dma_wait3A_95] : memref<10240x128xf32, #tpu.memory_space<vmem_shared>> -> memref<128x128xf32, #tpu.memory_space<vmem_shared>>
      tpu.wait_dma2 semaphore(%run_scoped3A : memref<!tpu.dma_semaphore, #tpu.memory_space<semaphore_mem>>) src(%arg8 : memref<128x128xf32, #tpu.memory_space<vmem>>) dst(%dma_wait3A_96 : memref<128x128xf32, #tpu.memory_space<vmem_shared>>)
      tpu.yield
    }) : () -> ()
    %mul3A_18 = arith.constant 640 : i32
    %mul3A_19 = arith.muli %arg1, %mul3A_18 : i32
    %add3A_20 = arith.constant 384 : i32
    %add3A_21 = arith.addi %mul3A_19, %add3A_20 : i32
    "tpu.region"() ({
      %run_scoped3A = tpu.sem_alloc : memref<!tpu.dma_semaphore, #tpu.memory_space<semaphore_mem>>
      %dma_start3A_89 = arith.constant 0 : i32
      %dma_start3A_90 = tpu.memref_slice %arg10[%add3A_21, %dma_start3A_89] : memref<10240x128xf32, #tpu.memory_space<vmem_shared>> -> memref<128x128xf32, #tpu.memory_space<vmem_shared>>
      %dma_start3A_91 = arith.constant 0 : i32
      %dma_start3A_92 = tpu.memref_slice %arg10[%add3A_21, %dma_start3A_91] : memref<10240x128xf32, #tpu.memory_space<vmem_shared>> -> memref<128x128xf32, #tpu.memory_space<vmem_shared>>
      tpu.enqueue_dma source(%arg8 : memref<128x128xf32, #tpu.memory_space<vmem>>) target(%dma_start3A_92 : memref<128x128xf32, #tpu.memory_space<vmem_shared>>) target_semaphore(%run_scoped3A : memref<!tpu.dma_semaphore, #tpu.memory_space<semaphore_mem>>)
      %dma_wait3A_93 = arith.constant 0 : i32
      %dma_wait3A_94 = tpu.memref_slice %arg10[%add3A_21, %dma_wait3A_93] : memref<10240x128xf32, #tpu.memory_space<vmem_shared>> -> memref<128x128xf32, #tpu.memory_space<vmem_shared>>
      %dma_wait3A_95 = arith.constant 0 : i32
      %dma_wait3A_96 = tpu.memref_slice %arg10[%add3A_21, %dma_wait3A_95] : memref<10240x128xf32, #tpu.memory_space<vmem_shared>> -> memref<128x128xf32, #tpu.memory_space<vmem_shared>>
      tpu.wait_dma2 semaphore(%run_scoped3A : memref<!tpu.dma_semaphore, #tpu.memory_space<semaphore_mem>>) src(%arg8 : memref<128x128xf32, #tpu.memory_space<vmem>>) dst(%dma_wait3A_96 : memref<128x128xf32, #tpu.memory_space<vmem_shared>>)
      tpu.yield
    }) : () -> ()
    %mul3A_22 = arith.constant 640 : i32
    %mul3A_23 = arith.muli %arg1, %mul3A_22 : i32
    %add3A_24 = arith.constant 512 : i32
    %add3A_25 = arith.addi %mul3A_23, %add3A_24 : i32
    "tpu.region"() ({
      %run_scoped3A = tpu.sem_alloc : memref<!tpu.dma_semaphore, #tpu.memory_space<semaphore_mem>>
      %dma_start3A_89 = arith.constant 0 : i32
      %dma_start3A_90 = tpu.memref_slice %arg10[%add3A_25, %dma_start3A_89] : memref<10240x128xf32, #tpu.memory_space<vmem_shared>> -> memref<128x128xf32, #tpu.memory_space<vmem_shared>>
      %dma_start3A_91 = arith.constant 0 : i32
      %dma_start3A_92 = tpu.memref_slice %arg10[%add3A_25, %dma_start3A_91] : memref<10240x128xf32, #tpu.memory_space<vmem_shared>> -> memref<128x128xf32, #tpu.memory_space<vmem_shared>>
      tpu.enqueue_dma source(%arg8 : memref<128x128xf32, #tpu.memory_space<vmem>>) target(%dma_start3A_92 : memref<128x128xf32, #tpu.memory_space<vmem_shared>>) target_semaphore(%run_scoped3A : memref<!tpu.dma_semaphore, #tpu.memory_space<semaphore_mem>>)
      %dma_wait3A_93 = arith.constant 0 : i32
      %dma_wait3A_94 = tpu.memref_slice %arg10[%add3A_25, %dma_wait3A_93] : memref<10240x128xf32, #tpu.memory_space<vmem_shared>> -> memref<128x128xf32, #tpu.memory_space<vmem_shared>>
      %dma_wait3A_95 = arith.constant 0 : i32
      %dma_wait3A_96 = tpu.memref_slice %arg10[%add3A_25, %dma_wait3A_95] : memref<10240x128xf32, #tpu.memory_space<vmem_shared>> -> memref<128x128xf32, #tpu.memory_space<vmem_shared>>
      tpu.wait_dma2 semaphore(%run_scoped3A : memref<!tpu.dma_semaphore, #tpu.memory_space<semaphore_mem>>) src(%arg8 : memref<128x128xf32, #tpu.memory_space<vmem>>) dst(%dma_wait3A_96 : memref<128x128xf32, #tpu.memory_space<vmem_shared>>)
      tpu.yield
    }) : () -> ()
    %barrier3A = arith.constant 0 : index
    tpu.barrier barrier_id(%barrier3A)
    %scan3A_26 = arith.constant 0 : i32
    %scan3A_27 = arith.constant 0 : i32
    %scan3A_28 = arith.constant 8 : i32
    %scan3A_29 = arith.addi %scan3A_27, %scan3A_28 : i32
    %scan3A_30 = arith.constant 1 : i32
    scf.for %scan3A_89 = %scan3A_27 to %scan3A_29 step %scan3A_30  : i32 {
      %mul3A_90 = arith.constant 16 : i32
      %mul3A_91 = arith.muli %scan3A_89, %mul3A_90 : i32
      %get3A = arith.constant 0 : i32
      %get3A_92 = arith.index_cast %get3A : i32 to index
      %get3A_93 = arith.index_cast %mul3A_91 : i32 to index
      %get3A_94 = tpu.vector_load %arg5[%get3A_92, %get3A_93] {strides = array<i32>} : memref<80x128xi32, #tpu.memory_space<vmem>>, vector<1x16xi32>,
      %get3A_95 = vector.shape_cast %get3A_94 : vector<1x16xi32> to vector<16xi32>
      %and3A = arith.constant 16383 : i32
      %and3A_96 = vector.broadcast %and3A : i32 to vector<16xi32>
      %and3A_97 = arith.andi %get3A_95, %and3A_96 : vector<16xi32>
      %mul3A_98 = arith.constant 16 : i32
      %mul3A_99 = arith.muli %scan3A_89, %mul3A_98 : i32
      %swap3A = arith.constant 0 : i32
      %swap3A_100 = arith.index_cast %swap3A : i32 to index
      %swap3A_101 = arith.index_cast %mul3A_99 : i32 to index
      %swap3A_102 = tpu.vector_load %arg6[%swap3A_100, %swap3A_101] {strides = array<i32>} : memref<2x128xi32, #tpu.memory_space<vmem>>, vector<1x16xi32>,
      %swap3A_103 = vector.shape_cast %swap3A_102 : vector<1x16xi32> to vector<16xi32>
      %swap3A_104 = vector.shape_cast %and3A_97 : vector<16xi32> to vector<1x16xi32>
      tpu.vector_store %arg6[%swap3A_100, %swap3A_101], %swap3A_104 {strides = array<i32>} : memref<2x128xi32, #tpu.memory_space<vmem>>, vector<1x16xi32>,
      %shift_right_logical3A = arith.constant 14 : i32
      %shift_right_logical3A_105 = vector.broadcast %shift_right_logical3A : i32 to vector<16xi32>
      %shift_right_logical3A_106 = arith.shrui %get3A_95, %shift_right_logical3A_105 : vector<16xi32>
      %mul3A_107 = arith.constant 16 : i32
      %mul3A_108 = arith.muli %scan3A_89, %mul3A_107 : i32
      %swap3A_109 = arith.constant 0 : i32
      %swap3A_110 = arith.index_cast %swap3A_109 : i32 to index
      %swap3A_111 = arith.index_cast %mul3A_108 : i32 to index
      %swap3A_112 = tpu.vector_load %arg7[%swap3A_110, %swap3A_111] {strides = array<i32>} : memref<2x128xi32, #tpu.memory_space<vmem>>, vector<1x16xi32>,
      %swap3A_113 = vector.shape_cast %swap3A_112 : vector<1x16xi32> to vector<16xi32>
      %swap3A_114 = vector.shape_cast %shift_right_logical3A_106 : vector<16xi32> to vector<1x16xi32>
      tpu.vector_store %arg7[%swap3A_110, %swap3A_111], %swap3A_114 {strides = array<i32>} : memref<2x128xi32, #tpu.memory_space<vmem>>, vector<1x16xi32>,
    }
    %scan3A_31 = arith.constant 8 : i32
    %dma_start3A = arith.constant 0 : i32
    %dma_start3A_32 = arith.constant 0 : i32
    %dma_start3A_33 = arith.constant 0 : i32
    %dma_start3A_34 = tpu.memref_slice %arg8[%dma_start3A_32, %dma_start3A_33] : memref<128x128xf32, #tpu.memory_space<vmem>> -> memref<64x128xf32, #tpu.memory_space<vmem>>
    %dma_start3A_35 = arith.constant 0 : i32
    %dma_start3A_36 = tpu.memref_slice %arg6[%dma_start3A, %dma_start3A_35] : memref<2x128xi32, #tpu.memory_space<vmem>> -> memref<1x64xi32, #tpu.memory_space<vmem>>
    %dma_start3A_37 = tpu.memref_squeeze %dma_start3A_36 : memref<1x64xi32, #tpu.memory_space<vmem>> -> memref<64xi32, #tpu.memory_space<vmem>>
    %dma_start3A_38 = arith.constant 0 : i32
    %dma_start3A_39 = arith.constant 0 : i32
    %dma_start3A_40 = tpu.memref_slice %arg2[%dma_start3A_38, %dma_start3A_39] : memref<10000x128xf32, #tpu.memory_space<hbm>> -> memref<10000x128xf32, #tpu.memory_space<hbm>>
    tpu.enqueue_indirect_dma source(%dma_start3A_40 : memref<10000x128xf32, #tpu.memory_space<hbm>>) target(%dma_start3A_34 : memref<64x128xf32, #tpu.memory_space<vmem>>) offsets(%dma_start3A_37 : memref<64xi32, #tpu.memory_space<vmem>>) semaphore(%arg11 : memref<!tpu.dma_semaphore, #tpu.memory_space<semaphore_mem>>)
    %dma_start3A_41 = arith.constant 0 : i32
    %dma_start3A_42 = arith.constant 64 : i32
    %dma_start3A_43 = arith.constant 0 : i32
    %dma_start3A_44 = tpu.memref_slice %arg8[%dma_start3A_42, %dma_start3A_43] : memref<128x128xf32, #tpu.memory_space<vmem>> -> memref<64x128xf32, #tpu.memory_space<vmem>>
    %dma_start3A_45 = arith.constant 64 : i32
    %dma_start3A_46 = tpu.memref_slice %arg6[%dma_start3A_41, %dma_start3A_45] : memref<2x128xi32, #tpu.memory_space<vmem>> -> memref<1x64xi32, #tpu.memory_space<vmem>>
    %dma_start3A_47 = tpu.memref_squeeze %dma_start3A_46 : memref<1x64xi32, #tpu.memory_space<vmem>> -> memref<64xi32, #tpu.memory_space<vmem>>
    %dma_start3A_48 = arith.constant 0 : i32
    %dma_start3A_49 = arith.constant 0 : i32
    %dma_start3A_50 = tpu.memref_slice %arg2[%dma_start3A_48, %dma_start3A_49] : memref<10000x128xf32, #tpu.memory_space<hbm>> -> memref<10000x128xf32, #tpu.memory_space<hbm>>
    tpu.enqueue_indirect_dma source(%dma_start3A_50 : memref<10000x128xf32, #tpu.memory_space<hbm>>) target(%dma_start3A_44 : memref<64x128xf32, #tpu.memory_space<vmem>>) offsets(%dma_start3A_47 : memref<64xi32, #tpu.memory_space<vmem>>) semaphore(%arg11 : memref<!tpu.dma_semaphore, #tpu.memory_space<semaphore_mem>>)
    %scan3A_51 = arith.constant 0 : i32
    %scan3A_52 = arith.constant 0 : i32
    %scan3A_53 = arith.constant 40 : i32
    %scan3A_54 = arith.addi %scan3A_52, %scan3A_53 : i32
    %scan3A_55 = arith.constant 1 : i32
    scf.for %scan3A_89 = %scan3A_52 to %scan3A_54 step %scan3A_55  : i32 {
      %mul3A_90 = arith.constant 2 : i32
      %mul3A_91 = arith.muli %mul3A_90, %scan3A_89 : i32
      %add3A_92 = arith.constant 1 : i32
      %add3A_93 = arith.addi %mul3A_91, %add3A_92 : i32
      %scan3A_94 = arith.constant 0 : i32
      %scan3A_95 = arith.constant 0 : i32
      %scan3A_96 = arith.constant 8 : i32
      %scan3A_97 = arith.addi %scan3A_95, %scan3A_96 : i32
      %scan3A_98 = arith.constant 1 : i32
      scf.for %scan3A_192 = %scan3A_95 to %scan3A_97 step %scan3A_98  : i32 {
        %mul3A_193 = arith.constant 16 : i32
        %mul3A_194 = arith.muli %scan3A_192, %mul3A_193 : i32
        %get3A = arith.index_cast %add3A_93 : i32 to index
        %get3A_195 = arith.index_cast %mul3A_194 : i32 to index
        %get3A_196 = tpu.vector_load %arg5[%get3A, %get3A_195] {strides = array<i32>} : memref<80x128xi32, #tpu.memory_space<vmem>>, vector<1x16xi32>,
        %get3A_197 = vector.shape_cast %get3A_196 : vector<1x16xi32> to vector<16xi32>
        %and3A = arith.constant 16383 : i32
        %and3A_198 = vector.broadcast %and3A : i32 to vector<16xi32>
        %and3A_199 = arith.andi %get3A_197, %and3A_198 : vector<16xi32>
        %mul3A_200 = arith.constant 16 : i32
        %mul3A_201 = arith.muli %scan3A_192, %mul3A_200 : i32
        %swap3A = arith.constant 1 : i32
        %swap3A_202 = arith.index_cast %swap3A : i32 to index
        %swap3A_203 = arith.index_cast %mul3A_201 : i32 to index
        %swap3A_204 = tpu.vector_load %arg6[%swap3A_202, %swap3A_203] {strides = array<i32>} : memref<2x128xi32, #tpu.memory_space<vmem>>, vector<1x16xi32>,
        %swap3A_205 = vector.shape_cast %swap3A_204 : vector<1x16xi32> to vector<16xi32>
        %swap3A_206 = vector.shape_cast %and3A_199 : vector<16xi32> to vector<1x16xi32>
        tpu.vector_store %arg6[%swap3A_202, %swap3A_203], %swap3A_206 {strides = array<i32>} : memref<2x128xi32, #tpu.memory_space<vmem>>, vector<1x16xi32>,
        %shift_right_logical3A = arith.constant 14 : i32
        %shift_right_logical3A_207 = vector.broadcast %shift_right_logical3A : i32 to vector<16xi32>
        %shift_right_logical3A_208 = arith.shrui %get3A_197, %shift_right_logical3A_207 : vector<16xi32>
        %mul3A_209 = arith.constant 16 : i32
        %mul3A_210 = arith.muli %scan3A_192, %mul3A_209 : i32
        %swap3A_211 = arith.constant 1 : i32
        %swap3A_212 = arith.index_cast %swap3A_211 : i32 to index
        %swap3A_213 = arith.index_cast %mul3A_210 : i32 to index
        %swap3A_214 = tpu.vector_load %arg7[%swap3A_212, %swap3A_213] {strides = array<i32>} : memref<2x128xi32, #tpu.memory_space<vmem>>, vector<1x16xi32>,
        %swap3A_215 = vector.shape_cast %swap3A_214 : vector<1x16xi32> to vector<16xi32>
        %swap3A_216 = vector.shape_cast %shift_right_logical3A_208 : vector<16xi32> to vector<1x16xi32>
        tpu.vector_store %arg7[%swap3A_212, %swap3A_213], %swap3A_216 {strides = array<i32>} : memref<2x128xi32, #tpu.memory_space<vmem>>, vector<1x16xi32>,
      }
      %scan3A_99 = arith.constant 8 : i32
      %dma_wait3A_100 = arith.constant 0 : i32
      %dma_wait3A_101 = arith.constant 0 : i32
      %dma_wait3A_102 = arith.constant 0 : i32
      %dma_wait3A_103 = tpu.memref_slice %arg8[%dma_wait3A_101, %dma_wait3A_102] : memref<128x128xf32, #tpu.memory_space<vmem>> -> memref<64x128xf32, #tpu.memory_space<vmem>>
      %dma_wait3A_104 = arith.constant 0 : i32
      %dma_wait3A_105 = tpu.memref_slice %arg6[%dma_wait3A_100, %dma_wait3A_104] : memref<2x128xi32, #tpu.memory_space<vmem>> -> memref<1x64xi32, #tpu.memory_space<vmem>>
      %dma_wait3A_106 = tpu.memref_squeeze %dma_wait3A_105 : memref<1x64xi32, #tpu.memory_space<vmem>> -> memref<64xi32, #tpu.memory_space<vmem>>
      %dma_wait3A_107 = arith.constant 0 : i32
      %dma_wait3A_108 = arith.constant 0 : i32
      %dma_wait3A_109 = tpu.memref_slice %arg2[%dma_wait3A_107, %dma_wait3A_108] : memref<10000x128xf32, #tpu.memory_space<hbm>> -> memref<10000x128xf32, #tpu.memory_space<hbm>>
      tpu.wait_indirect_dma semaphore(%arg11 : memref<!tpu.dma_semaphore, #tpu.memory_space<semaphore_mem>>) src(%dma_wait3A_109 : memref<10000x128xf32, #tpu.memory_space<hbm>>) dst(%dma_wait3A_103 : memref<64x128xf32, #tpu.memory_space<vmem>>)
      %dma_wait3A_110 = arith.constant 0 : i32
      %dma_wait3A_111 = arith.constant 64 : i32
      %dma_wait3A_112 = arith.constant 0 : i32
      %dma_wait3A_113 = tpu.memref_slice %arg8[%dma_wait3A_111, %dma_wait3A_112] : memref<128x128xf32, #tpu.memory_space<vmem>> -> memref<64x128xf32, #tpu.memory_space<vmem>>
      %dma_wait3A_114 = arith.constant 64 : i32
      %dma_wait3A_115 = tpu.memref_slice %arg6[%dma_wait3A_110, %dma_wait3A_114] : memref<2x128xi32, #tpu.memory_space<vmem>> -> memref<1x64xi32, #tpu.memory_space<vmem>>
      %dma_wait3A_116 = tpu.memref_squeeze %dma_wait3A_115 : memref<1x64xi32, #tpu.memory_space<vmem>> -> memref<64xi32, #tpu.memory_space<vmem>>
      %dma_wait3A_117 = arith.constant 0 : i32
      %dma_wait3A_118 = arith.constant 0 : i32
      %dma_wait3A_119 = tpu.memref_slice %arg2[%dma_wait3A_117, %dma_wait3A_118] : memref<10000x128xf32, #tpu.memory_space<hbm>> -> memref<10000x128xf32, #tpu.memory_space<hbm>>
      tpu.wait_indirect_dma semaphore(%arg11 : memref<!tpu.dma_semaphore, #tpu.memory_space<semaphore_mem>>) src(%dma_wait3A_119 : memref<10000x128xf32, #tpu.memory_space<hbm>>) dst(%dma_wait3A_113 : memref<64x128xf32, #tpu.memory_space<vmem>>)
      %dma_start3A_120 = arith.constant 1 : i32
      %dma_start3A_121 = arith.constant 0 : i32
      %dma_start3A_122 = arith.constant 0 : i32
      %dma_start3A_123 = tpu.memref_slice %arg9[%dma_start3A_121, %dma_start3A_122] : memref<128x128xf32, #tpu.memory_space<vmem>> -> memref<64x128xf32, #tpu.memory_space<vmem>>
      %dma_start3A_124 = arith.constant 0 : i32
      %dma_start3A_125 = tpu.memref_slice %arg6[%dma_start3A_120, %dma_start3A_124] : memref<2x128xi32, #tpu.memory_space<vmem>> -> memref<1x64xi32, #tpu.memory_space<vmem>>
      %dma_start3A_126 = tpu.memref_squeeze %dma_start3A_125 : memref<1x64xi32, #tpu.memory_space<vmem>> -> memref<64xi32, #tpu.memory_space<vmem>>
      %dma_start3A_127 = arith.constant 0 : i32
      %dma_start3A_128 = arith.constant 0 : i32
      %dma_start3A_129 = tpu.memref_slice %arg2[%dma_start3A_127, %dma_start3A_128] : memref<10000x128xf32, #tpu.memory_space<hbm>> -> memref<10000x128xf32, #tpu.memory_space<hbm>>
      tpu.enqueue_indirect_dma source(%dma_start3A_129 : memref<10000x128xf32, #tpu.memory_space<hbm>>) target(%dma_start3A_123 : memref<64x128xf32, #tpu.memory_space<vmem>>) offsets(%dma_start3A_126 : memref<64xi32, #tpu.memory_space<vmem>>) semaphore(%arg12 : memref<!tpu.dma_semaphore, #tpu.memory_space<semaphore_mem>>)
      %dma_start3A_130 = arith.constant 1 : i32
      %dma_start3A_131 = arith.constant 64 : i32
      %dma_start3A_132 = arith.constant 0 : i32
      %dma_start3A_133 = tpu.memref_slice %arg9[%dma_start3A_131, %dma_start3A_132] : memref<128x128xf32, #tpu.memory_space<vmem>> -> memref<64x128xf32, #tpu.memory_space<vmem>>
      %dma_start3A_134 = arith.constant 64 : i32
      %dma_start3A_135 = tpu.memref_slice %arg6[%dma_start3A_130, %dma_start3A_134] : memref<2x128xi32, #tpu.memory_space<vmem>> -> memref<1x64xi32, #tpu.memory_space<vmem>>
      %dma_start3A_136 = tpu.memref_squeeze %dma_start3A_135 : memref<1x64xi32, #tpu.memory_space<vmem>> -> memref<64xi32, #tpu.memory_space<vmem>>
      %dma_start3A_137 = arith.constant 0 : i32
      %dma_start3A_138 = arith.constant 0 : i32
      %dma_start3A_139 = tpu.memref_slice %arg2[%dma_start3A_137, %dma_start3A_138] : memref<10000x128xf32, #tpu.memory_space<hbm>> -> memref<10000x128xf32, #tpu.memory_space<hbm>>
      tpu.enqueue_indirect_dma source(%dma_start3A_139 : memref<10000x128xf32, #tpu.memory_space<hbm>>) target(%dma_start3A_133 : memref<64x128xf32, #tpu.memory_space<vmem>>) offsets(%dma_start3A_136 : memref<64xi32, #tpu.memory_space<vmem>>) semaphore(%arg12 : memref<!tpu.dma_semaphore, #tpu.memory_space<semaphore_mem>>)
      %run_scoped3A = arith.constant 0 : i32
      "tpu.region"() ({
        %run_scoped3A_192 = tpu.sem_alloc : memref<!tpu.dma_semaphore, #tpu.memory_space<semaphore_mem>>
        %dma_start3A_193 = arith.constant 0 : i32
        %dma_start3A_194 = tpu.memref_slice %arg7[%run_scoped3A, %dma_start3A_193] : memref<2x128xi32, #tpu.memory_space<vmem>> -> memref<1x128xi32, #tpu.memory_space<vmem>>
        %dma_start3A_195 = tpu.memref_squeeze %dma_start3A_194 : memref<1x128xi32, #tpu.memory_space<vmem>> -> memref<128xi32, #tpu.memory_space<vmem>>
        %dma_start3A_196 = arith.constant 0 : i32
        %dma_start3A_197 = arith.constant 0 : i32
        %dma_start3A_198 = tpu.memref_slice %arg10[%dma_start3A_196, %dma_start3A_197] : memref<10240x128xf32, #tpu.memory_space<vmem_shared>> -> memref<10240x128xf32, #tpu.memory_space<vmem_shared>>
        tpu.enqueue_indirect_dma source(%arg8 : memref<128x128xf32, #tpu.memory_space<vmem>>) target(%dma_start3A_198 : memref<10240x128xf32, #tpu.memory_space<vmem_shared>>) offsets(%dma_start3A_195 : memref<128xi32, #tpu.memory_space<vmem>>) semaphore(%run_scoped3A_192 : memref<!tpu.dma_semaphore, #tpu.memory_space<semaphore_mem>>) {add = true}
        %dma_wait3A_199 = arith.constant 0 : i32
        %dma_wait3A_200 = tpu.memref_slice %arg7[%run_scoped3A, %dma_wait3A_199] : memref<2x128xi32, #tpu.memory_space<vmem>> -> memref<1x128xi32, #tpu.memory_space<vmem>>
        %dma_wait3A_201 = tpu.memref_squeeze %dma_wait3A_200 : memref<1x128xi32, #tpu.memory_space<vmem>> -> memref<128xi32, #tpu.memory_space<vmem>>
        %dma_wait3A_202 = arith.constant 0 : i32
        %dma_wait3A_203 = arith.constant 0 : i32
        %dma_wait3A_204 = tpu.memref_slice %arg10[%dma_wait3A_202, %dma_wait3A_203] : memref<10240x128xf32, #tpu.memory_space<vmem_shared>> -> memref<10240x128xf32, #tpu.memory_space<vmem_shared>>
        tpu.wait_indirect_dma semaphore(%run_scoped3A_192 : memref<!tpu.dma_semaphore, #tpu.memory_space<semaphore_mem>>) src(%arg8 : memref<128x128xf32, #tpu.memory_space<vmem>>) dst(%dma_wait3A_204 : memref<10240x128xf32, #tpu.memory_space<vmem_shared>>)
        tpu.yield
      }) : () -> ()
      %mul3A_140 = arith.constant 2 : i32
      %mul3A_141 = arith.muli %mul3A_140, %scan3A_89 : i32
      %add3A_142 = arith.constant 2 : i32
      %add3A_143 = arith.addi %mul3A_141, %add3A_142 : i32
      %rem3A = arith.constant 80 : i32
      %rem3A_144 = arith.remsi %add3A_143, %rem3A : i32
      %scan3A_145 = arith.constant 0 : i32
      %scan3A_146 = arith.constant 0 : i32
      %scan3A_147 = arith.constant 8 : i32
      %scan3A_148 = arith.addi %scan3A_146, %scan3A_147 : i32
      %scan3A_149 = arith.constant 1 : i32
      scf.for %scan3A_192 = %scan3A_146 to %scan3A_148 step %scan3A_149  : i32 {
        %mul3A_193 = arith.constant 16 : i32
        %mul3A_194 = arith.muli %scan3A_192, %mul3A_193 : i32
        %get3A = arith.index_cast %rem3A_144 : i32 to index
        %get3A_195 = arith.index_cast %mul3A_194 : i32 to index
        %get3A_196 = tpu.vector_load %arg5[%get3A, %get3A_195] {strides = array<i32>} : memref<80x128xi32, #tpu.memory_space<vmem>>, vector<1x16xi32>,
        %get3A_197 = vector.shape_cast %get3A_196 : vector<1x16xi32> to vector<16xi32>
        %and3A = arith.constant 16383 : i32
        %and3A_198 = vector.broadcast %and3A : i32 to vector<16xi32>
        %and3A_199 = arith.andi %get3A_197, %and3A_198 : vector<16xi32>
        %mul3A_200 = arith.constant 16 : i32
        %mul3A_201 = arith.muli %scan3A_192, %mul3A_200 : i32
        %swap3A = arith.constant 0 : i32
        %swap3A_202 = arith.index_cast %swap3A : i32 to index
        %swap3A_203 = arith.index_cast %mul3A_201 : i32 to index
        %swap3A_204 = tpu.vector_load %arg6[%swap3A_202, %swap3A_203] {strides = array<i32>} : memref<2x128xi32, #tpu.memory_space<vmem>>, vector<1x16xi32>,
        %swap3A_205 = vector.shape_cast %swap3A_204 : vector<1x16xi32> to vector<16xi32>
        %swap3A_206 = vector.shape_cast %and3A_199 : vector<16xi32> to vector<1x16xi32>
        tpu.vector_store %arg6[%swap3A_202, %swap3A_203], %swap3A_206 {strides = array<i32>} : memref<2x128xi32, #tpu.memory_space<vmem>>, vector<1x16xi32>,
        %shift_right_logical3A = arith.constant 14 : i32
        %shift_right_logical3A_207 = vector.broadcast %shift_right_logical3A : i32 to vector<16xi32>
        %shift_right_logical3A_208 = arith.shrui %get3A_197, %shift_right_logical3A_207 : vector<16xi32>
        %mul3A_209 = arith.constant 16 : i32
        %mul3A_210 = arith.muli %scan3A_192, %mul3A_209 : i32
        %swap3A_211 = arith.constant 0 : i32
        %swap3A_212 = arith.index_cast %swap3A_211 : i32 to index
        %swap3A_213 = arith.index_cast %mul3A_210 : i32 to index
        %swap3A_214 = tpu.vector_load %arg7[%swap3A_212, %swap3A_213] {strides = array<i32>} : memref<2x128xi32, #tpu.memory_space<vmem>>, vector<1x16xi32>,
        %swap3A_215 = vector.shape_cast %swap3A_214 : vector<1x16xi32> to vector<16xi32>
        %swap3A_216 = vector.shape_cast %shift_right_logical3A_208 : vector<16xi32> to vector<1x16xi32>
        tpu.vector_store %arg7[%swap3A_212, %swap3A_213], %swap3A_216 {strides = array<i32>} : memref<2x128xi32, #tpu.memory_space<vmem>>, vector<1x16xi32>,
      }
      %scan3A_150 = arith.constant 8 : i32
      %dma_start3A_151 = arith.constant 0 : i32
      %dma_start3A_152 = arith.constant 0 : i32
      %dma_start3A_153 = arith.constant 0 : i32
      %dma_start3A_154 = tpu.memref_slice %arg8[%dma_start3A_152, %dma_start3A_153] : memref<128x128xf32, #tpu.memory_space<vmem>> -> memref<64x128xf32, #tpu.memory_space<vmem>>
      %dma_start3A_155 = arith.constant 0 : i32
      %dma_start3A_156 = tpu.memref_slice %arg6[%dma_start3A_151, %dma_start3A_155] : memref<2x128xi32, #tpu.memory_space<vmem>> -> memref<1x64xi32, #tpu.memory_space<vmem>>
      %dma_start3A_157 = tpu.memref_squeeze %dma_start3A_156 : memref<1x64xi32, #tpu.memory_space<vmem>> -> memref<64xi32, #tpu.memory_space<vmem>>
      %dma_start3A_158 = arith.constant 0 : i32
      %dma_start3A_159 = arith.constant 0 : i32
      %dma_start3A_160 = tpu.memref_slice %arg2[%dma_start3A_158, %dma_start3A_159] : memref<10000x128xf32, #tpu.memory_space<hbm>> -> memref<10000x128xf32, #tpu.memory_space<hbm>>
      tpu.enqueue_indirect_dma source(%dma_start3A_160 : memref<10000x128xf32, #tpu.memory_space<hbm>>) target(%dma_start3A_154 : memref<64x128xf32, #tpu.memory_space<vmem>>) offsets(%dma_start3A_157 : memref<64xi32, #tpu.memory_space<vmem>>) semaphore(%arg11 : memref<!tpu.dma_semaphore, #tpu.memory_space<semaphore_mem>>)
      %dma_start3A_161 = arith.constant 0 : i32
      %dma_start3A_162 = arith.constant 64 : i32
      %dma_start3A_163 = arith.constant 0 : i32
      %dma_start3A_164 = tpu.memref_slice %arg8[%dma_start3A_162, %dma_start3A_163] : memref<128x128xf32, #tpu.memory_space<vmem>> -> memref<64x128xf32, #tpu.memory_space<vmem>>
      %dma_start3A_165 = arith.constant 64 : i32
      %dma_start3A_166 = tpu.memref_slice %arg6[%dma_start3A_161, %dma_start3A_165] : memref<2x128xi32, #tpu.memory_space<vmem>> -> memref<1x64xi32, #tpu.memory_space<vmem>>
      %dma_start3A_167 = tpu.memref_squeeze %dma_start3A_166 : memref<1x64xi32, #tpu.memory_space<vmem>> -> memref<64xi32, #tpu.memory_space<vmem>>
      %dma_start3A_168 = arith.constant 0 : i32
      %dma_start3A_169 = arith.constant 0 : i32
      %dma_start3A_170 = tpu.memref_slice %arg2[%dma_start3A_168, %dma_start3A_169] : memref<10000x128xf32, #tpu.memory_space<hbm>> -> memref<10000x128xf32, #tpu.memory_space<hbm>>
      tpu.enqueue_indirect_dma source(%dma_start3A_170 : memref<10000x128xf32, #tpu.memory_space<hbm>>) target(%dma_start3A_164 : memref<64x128xf32, #tpu.memory_space<vmem>>) offsets(%dma_start3A_167 : memref<64xi32, #tpu.memory_space<vmem>>) semaphore(%arg11 : memref<!tpu.dma_semaphore, #tpu.memory_space<semaphore_mem>>)
      %dma_wait3A_171 = arith.constant 1 : i32
      %dma_wait3A_172 = arith.constant 0 : i32
      %dma_wait3A_173 = arith.constant 0 : i32
      %dma_wait3A_174 = tpu.memref_slice %arg9[%dma_wait3A_172, %dma_wait3A_173] : memref<128x128xf32, #tpu.memory_space<vmem>> -> memref<64x128xf32, #tpu.memory_space<vmem>>
      %dma_wait3A_175 = arith.constant 0 : i32
      %dma_wait3A_176 = tpu.memref_slice %arg6[%dma_wait3A_171, %dma_wait3A_175] : memref<2x128xi32, #tpu.memory_space<vmem>> -> memref<1x64xi32, #tpu.memory_space<vmem>>
      %dma_wait3A_177 = tpu.memref_squeeze %dma_wait3A_176 : memref<1x64xi32, #tpu.memory_space<vmem>> -> memref<64xi32, #tpu.memory_space<vmem>>
      %dma_wait3A_178 = arith.constant 0 : i32
      %dma_wait3A_179 = arith.constant 0 : i32
      %dma_wait3A_180 = tpu.memref_slice %arg2[%dma_wait3A_178, %dma_wait3A_179] : memref<10000x128xf32, #tpu.memory_space<hbm>> -> memref<10000x128xf32, #tpu.memory_space<hbm>>
      tpu.wait_indirect_dma semaphore(%arg12 : memref<!tpu.dma_semaphore, #tpu.memory_space<semaphore_mem>>) src(%dma_wait3A_180 : memref<10000x128xf32, #tpu.memory_space<hbm>>) dst(%dma_wait3A_174 : memref<64x128xf32, #tpu.memory_space<vmem>>)
      %dma_wait3A_181 = arith.constant 1 : i32
      %dma_wait3A_182 = arith.constant 64 : i32
      %dma_wait3A_183 = arith.constant 0 : i32
      %dma_wait3A_184 = tpu.memref_slice %arg9[%dma_wait3A_182, %dma_wait3A_183] : memref<128x128xf32, #tpu.memory_space<vmem>> -> memref<64x128xf32, #tpu.memory_space<vmem>>
      %dma_wait3A_185 = arith.constant 64 : i32
      %dma_wait3A_186 = tpu.memref_slice %arg6[%dma_wait3A_181, %dma_wait3A_185] : memref<2x128xi32, #tpu.memory_space<vmem>> -> memref<1x64xi32, #tpu.memory_space<vmem>>
      %dma_wait3A_187 = tpu.memref_squeeze %dma_wait3A_186 : memref<1x64xi32, #tpu.memory_space<vmem>> -> memref<64xi32, #tpu.memory_space<vmem>>
      %dma_wait3A_188 = arith.constant 0 : i32
      %dma_wait3A_189 = arith.constant 0 : i32
      %dma_wait3A_190 = tpu.memref_slice %arg2[%dma_wait3A_188, %dma_wait3A_189] : memref<10000x128xf32, #tpu.memory_space<hbm>> -> memref<10000x128xf32, #tpu.memory_space<hbm>>
      tpu.wait_indirect_dma semaphore(%arg12 : memref<!tpu.dma_semaphore, #tpu.memory_space<semaphore_mem>>) src(%dma_wait3A_190 : memref<10000x128xf32, #tpu.memory_space<hbm>>) dst(%dma_wait3A_184 : memref<64x128xf32, #tpu.memory_space<vmem>>)
      %run_scoped3A_191 = arith.constant 1 : i32
      "tpu.region"() ({
        %run_scoped3A_192 = tpu.sem_alloc : memref<!tpu.dma_semaphore, #tpu.memory_space<semaphore_mem>>
        %dma_start3A_193 = arith.constant 0 : i32
        %dma_start3A_194 = tpu.memref_slice %arg7[%run_scoped3A_191, %dma_start3A_193] : memref<2x128xi32, #tpu.memory_space<vmem>> -> memref<1x128xi32, #tpu.memory_space<vmem>>
        %dma_start3A_195 = tpu.memref_squeeze %dma_start3A_194 : memref<1x128xi32, #tpu.memory_space<vmem>> -> memref<128xi32, #tpu.memory_space<vmem>>
        %dma_start3A_196 = arith.constant 0 : i32
        %dma_start3A_197 = arith.constant 0 : i32
        %dma_start3A_198 = tpu.memref_slice %arg10[%dma_start3A_196, %dma_start3A_197] : memref<10240x128xf32, #tpu.memory_space<vmem_shared>> -> memref<10240x128xf32, #tpu.memory_space<vmem_shared>>
        tpu.enqueue_indirect_dma source(%arg9 : memref<128x128xf32, #tpu.memory_space<vmem>>) target(%dma_start3A_198 : memref<10240x128xf32, #tpu.memory_space<vmem_shared>>) offsets(%dma_start3A_195 : memref<128xi32, #tpu.memory_space<vmem>>) semaphore(%run_scoped3A_192 : memref<!tpu.dma_semaphore, #tpu.memory_space<semaphore_mem>>) {add = true}
        %dma_wait3A_199 = arith.constant 0 : i32
        %dma_wait3A_200 = tpu.memref_slice %arg7[%run_scoped3A_191, %dma_wait3A_199] : memref<2x128xi32, #tpu.memory_space<vmem>> -> memref<1x128xi32, #tpu.memory_space<vmem>>
        %dma_wait3A_201 = tpu.memref_squeeze %dma_wait3A_200 : memref<1x128xi32, #tpu.memory_space<vmem>> -> memref<128xi32, #tpu.memory_space<vmem>>
        %dma_wait3A_202 = arith.constant 0 : i32
        %dma_wait3A_203 = arith.constant 0 : i32
        %dma_wait3A_204 = tpu.memref_slice %arg10[%dma_wait3A_202, %dma_wait3A_203] : memref<10240x128xf32, #tpu.memory_space<vmem_shared>> -> memref<10240x128xf32, #tpu.memory_space<vmem_shared>>
        tpu.wait_indirect_dma semaphore(%run_scoped3A_192 : memref<!tpu.dma_semaphore, #tpu.memory_space<semaphore_mem>>) src(%arg9 : memref<128x128xf32, #tpu.memory_space<vmem>>) dst(%dma_wait3A_204 : memref<10240x128xf32, #tpu.memory_space<vmem_shared>>)
        tpu.yield
      }) : () -> ()
    }
    %scan3A_56 = arith.constant 40 : i32
    %dma_wait3A = arith.constant 0 : i32
    %dma_wait3A_57 = arith.constant 0 : i32
    %dma_wait3A_58 = arith.constant 0 : i32
    %dma_wait3A_59 = tpu.memref_slice %arg8[%dma_wait3A_57, %dma_wait3A_58] : memref<128x128xf32, #tpu.memory_space<vmem>> -> memref<64x128xf32, #tpu.memory_space<vmem>>
    %dma_wait3A_60 = arith.constant 0 : i32
    %dma_wait3A_61 = tpu.memref_slice %arg6[%dma_wait3A, %dma_wait3A_60] : memref<2x128xi32, #tpu.memory_space<vmem>> -> memref<1x64xi32, #tpu.memory_space<vmem>>
    %dma_wait3A_62 = tpu.memref_squeeze %dma_wait3A_61 : memref<1x64xi32, #tpu.memory_space<vmem>> -> memref<64xi32, #tpu.memory_space<vmem>>
    %dma_wait3A_63 = arith.constant 0 : i32
    %dma_wait3A_64 = arith.constant 0 : i32
    %dma_wait3A_65 = tpu.memref_slice %arg2[%dma_wait3A_63, %dma_wait3A_64] : memref<10000x128xf32, #tpu.memory_space<hbm>> -> memref<10000x128xf32, #tpu.memory_space<hbm>>
    tpu.wait_indirect_dma semaphore(%arg11 : memref<!tpu.dma_semaphore, #tpu.memory_space<semaphore_mem>>) src(%dma_wait3A_65 : memref<10000x128xf32, #tpu.memory_space<hbm>>) dst(%dma_wait3A_59 : memref<64x128xf32, #tpu.memory_space<vmem>>)
    %dma_wait3A_66 = arith.constant 0 : i32
    %dma_wait3A_67 = arith.constant 64 : i32
    %dma_wait3A_68 = arith.constant 0 : i32
    %dma_wait3A_69 = tpu.memref_slice %arg8[%dma_wait3A_67, %dma_wait3A_68] : memref<128x128xf32, #tpu.memory_space<vmem>> -> memref<64x128xf32, #tpu.memory_space<vmem>>
    %dma_wait3A_70 = arith.constant 64 : i32
    %dma_wait3A_71 = tpu.memref_slice %arg6[%dma_wait3A_66, %dma_wait3A_70] : memref<2x128xi32, #tpu.memory_space<vmem>> -> memref<1x64xi32, #tpu.memory_space<vmem>>
    %dma_wait3A_72 = tpu.memref_squeeze %dma_wait3A_71 : memref<1x64xi32, #tpu.memory_space<vmem>> -> memref<64xi32, #tpu.memory_space<vmem>>
    %dma_wait3A_73 = arith.constant 0 : i32
    %dma_wait3A_74 = arith.constant 0 : i32
    %dma_wait3A_75 = tpu.memref_slice %arg2[%dma_wait3A_73, %dma_wait3A_74] : memref<10000x128xf32, #tpu.memory_space<hbm>> -> memref<10000x128xf32, #tpu.memory_space<hbm>>
    tpu.wait_indirect_dma semaphore(%arg11 : memref<!tpu.dma_semaphore, #tpu.memory_space<semaphore_mem>>) src(%dma_wait3A_75 : memref<10000x128xf32, #tpu.memory_space<hbm>>) dst(%dma_wait3A_69 : memref<64x128xf32, #tpu.memory_space<vmem>>)
    %barrier3A_76 = arith.constant 0 : index
    tpu.barrier barrier_id(%barrier3A_76)
    %mul3A_77 = arith.constant 640 : i32
    %mul3A_78 = arith.muli %arg1, %mul3A_77 : i32
    %add3A_79 = arith.constant 0 : i32
    %add3A_80 = arith.addi %mul3A_78, %add3A_79 : i32
    "tpu.region"() ({
      %run_scoped3A = tpu.sem_alloc : memref<!tpu.dma_semaphore, #tpu.memory_space<semaphore_mem>>
      %dma_start3A_89 = arith.constant 0 : i32
      %dma_start3A_90 = tpu.memref_slice %arg10[%add3A_80, %dma_start3A_89] : memref<10240x128xf32, #tpu.memory_space<vmem_shared>> -> memref<128x128xf32, #tpu.memory_space<vmem_shared>>
      %dma_start3A_91 = arith.constant 0 : i32
      %dma_start3A_92 = tpu.memref_slice %arg10[%add3A_80, %dma_start3A_91] : memref<10240x128xf32, #tpu.memory_space<vmem_shared>> -> memref<128x128xf32, #tpu.memory_space<vmem_shared>>
      tpu.enqueue_dma source(%dma_start3A_92 : memref<128x128xf32, #tpu.memory_space<vmem_shared>>) target(%arg8 : memref<128x128xf32, #tpu.memory_space<vmem>>) target_semaphore(%run_scoped3A : memref<!tpu.dma_semaphore, #tpu.memory_space<semaphore_mem>>)
      %dma_wait3A_93 = arith.constant 0 : i32
      %dma_wait3A_94 = tpu.memref_slice %arg10[%add3A_80, %dma_wait3A_93] : memref<10240x128xf32, #tpu.memory_space<vmem_shared>> -> memref<128x128xf32, #tpu.memory_space<vmem_shared>>
      %dma_wait3A_95 = arith.constant 0 : i32
      %dma_wait3A_96 = tpu.memref_slice %arg10[%add3A_80, %dma_wait3A_95] : memref<10240x128xf32, #tpu.memory_space<vmem_shared>> -> memref<128x128xf32, #tpu.memory_space<vmem_shared>>
      tpu.wait_dma2 semaphore(%run_scoped3A : memref<!tpu.dma_semaphore, #tpu.memory_space<semaphore_mem>>) src(%dma_wait3A_96 : memref<128x128xf32, #tpu.memory_space<vmem_shared>>) dst(%arg8 : memref<128x128xf32, #tpu.memory_space<vmem>>)
      tpu.yield
    }) : () -> ()
    "tpu.region"() ({
      %run_scoped3A = tpu.sem_alloc : memref<!tpu.dma_semaphore, #tpu.memory_space<semaphore_mem>>
      %dma_start3A_89 = arith.constant 0 : i32
      %dma_start3A_90 = tpu.memref_slice %arg4[%arg0, %add3A_80, %dma_start3A_89] : memref<2x10240x128xf32, #tpu.memory_space<hbm>> -> memref<1x128x128xf32, #tpu.memory_space<hbm>>
      %dma_start3A_91 = tpu.memref_squeeze %dma_start3A_90 : memref<1x128x128xf32, #tpu.memory_space<hbm>> -> memref<128x128xf32, #tpu.memory_space<hbm>>
      %dma_start3A_92 = arith.constant 0 : i32
      %dma_start3A_93 = tpu.memref_slice %arg4[%arg0, %add3A_80, %dma_start3A_92] : memref<2x10240x128xf32, #tpu.memory_space<hbm>> -> memref<1x128x128xf32, #tpu.memory_space<hbm>>
      %dma_start3A_94 = tpu.memref_squeeze %dma_start3A_93 : memref<1x128x128xf32, #tpu.memory_space<hbm>> -> memref<128x128xf32, #tpu.memory_space<hbm>>
      tpu.enqueue_dma source(%arg8 : memref<128x128xf32, #tpu.memory_space<vmem>>) target(%dma_start3A_94 : memref<128x128xf32, #tpu.memory_space<hbm>>) target_semaphore(%run_scoped3A : memref<!tpu.dma_semaphore, #tpu.memory_space<semaphore_mem>>)
      %dma_wait3A_95 = arith.constant 0 : i32
      %dma_wait3A_96 = tpu.memref_slice %arg4[%arg0, %add3A_80, %dma_wait3A_95] : memref<2x10240x128xf32, #tpu.memory_space<hbm>> -> memref<1x128x128xf32, #tpu.memory_space<hbm>>
      %dma_wait3A_97 = tpu.memref_squeeze %dma_wait3A_96 : memref<1x128x128xf32, #tpu.memory_space<hbm>> -> memref<128x128xf32, #tpu.memory_space<hbm>>
      %dma_wait3A_98 = arith.constant 0 : i32
      %dma_wait3A_99 = tpu.memref_slice %arg4[%arg0, %add3A_80, %dma_wait3A_98] : memref<2x10240x128xf32, #tpu.memory_space<hbm>> -> memref<1x128x128xf32, #tpu.memory_space<hbm>>
      %dma_wait3A_100 = tpu.memref_squeeze %dma_wait3A_99 : memref<1x128x128xf32, #tpu.memory_space<hbm>> -> memref<128x128xf32, #tpu.memory_space<hbm>>
      tpu.wait_dma2 semaphore(%run_scoped3A : memref<!tpu.dma_semaphore, #tpu.memory_space<semaphore_mem>>) src(%arg8 : memref<128x128xf32, #tpu.memory_space<vmem>>) dst(%dma_wait3A_100 : memref<128x128xf32, #tpu.memory_space<hbm>>)
      tpu.yield
    }) : () -> ()
    %add3A_81 = arith.constant 128 : i32
    %add3A_82 = arith.addi %mul3A_78, %add3A_81 : i32
    "tpu.region"() ({
      %run_scoped3A = tpu.sem_alloc : memref<!tpu.dma_semaphore, #tpu.memory_space<semaphore_mem>>
      %dma_start3A_89 = arith.constant 0 : i32
      %dma_start3A_90 = tpu.memref_slice %arg10[%add3A_82, %dma_start3A_89] : memref<10240x128xf32, #tpu.memory_space<vmem_shared>> -> memref<128x128xf32, #tpu.memory_space<vmem_shared>>
      %dma_start3A_91 = arith.constant 0 : i32
      %dma_start3A_92 = tpu.memref_slice %arg10[%add3A_82, %dma_start3A_91] : memref<10240x128xf32, #tpu.memory_space<vmem_shared>> -> memref<128x128xf32, #tpu.memory_space<vmem_shared>>
      tpu.enqueue_dma source(%dma_start3A_92 : memref<128x128xf32, #tpu.memory_space<vmem_shared>>) target(%arg8 : memref<128x128xf32, #tpu.memory_space<vmem>>) target_semaphore(%run_scoped3A : memref<!tpu.dma_semaphore, #tpu.memory_space<semaphore_mem>>)
      %dma_wait3A_93 = arith.constant 0 : i32
      %dma_wait3A_94 = tpu.memref_slice %arg10[%add3A_82, %dma_wait3A_93] : memref<10240x128xf32, #tpu.memory_space<vmem_shared>> -> memref<128x128xf32, #tpu.memory_space<vmem_shared>>
      %dma_wait3A_95 = arith.constant 0 : i32
      %dma_wait3A_96 = tpu.memref_slice %arg10[%add3A_82, %dma_wait3A_95] : memref<10240x128xf32, #tpu.memory_space<vmem_shared>> -> memref<128x128xf32, #tpu.memory_space<vmem_shared>>
      tpu.wait_dma2 semaphore(%run_scoped3A : memref<!tpu.dma_semaphore, #tpu.memory_space<semaphore_mem>>) src(%dma_wait3A_96 : memref<128x128xf32, #tpu.memory_space<vmem_shared>>) dst(%arg8 : memref<128x128xf32, #tpu.memory_space<vmem>>)
      tpu.yield
    }) : () -> ()
    "tpu.region"() ({
      %run_scoped3A = tpu.sem_alloc : memref<!tpu.dma_semaphore, #tpu.memory_space<semaphore_mem>>
      %dma_start3A_89 = arith.constant 0 : i32
      %dma_start3A_90 = tpu.memref_slice %arg4[%arg0, %add3A_82, %dma_start3A_89] : memref<2x10240x128xf32, #tpu.memory_space<hbm>> -> memref<1x128x128xf32, #tpu.memory_space<hbm>>
      %dma_start3A_91 = tpu.memref_squeeze %dma_start3A_90 : memref<1x128x128xf32, #tpu.memory_space<hbm>> -> memref<128x128xf32, #tpu.memory_space<hbm>>
      %dma_start3A_92 = arith.constant 0 : i32
      %dma_start3A_93 = tpu.memref_slice %arg4[%arg0, %add3A_82, %dma_start3A_92] : memref<2x10240x128xf32, #tpu.memory_space<hbm>> -> memref<1x128x128xf32, #tpu.memory_space<hbm>>
      %dma_start3A_94 = tpu.memref_squeeze %dma_start3A_93 : memref<1x128x128xf32, #tpu.memory_space<hbm>> -> memref<128x128xf32, #tpu.memory_space<hbm>>
      tpu.enqueue_dma source(%arg8 : memref<128x128xf32, #tpu.memory_space<vmem>>) target(%dma_start3A_94 : memref<128x128xf32, #tpu.memory_space<hbm>>) target_semaphore(%run_scoped3A : memref<!tpu.dma_semaphore, #tpu.memory_space<semaphore_mem>>)
      %dma_wait3A_95 = arith.constant 0 : i32
      %dma_wait3A_96 = tpu.memref_slice %arg4[%arg0, %add3A_82, %dma_wait3A_95] : memref<2x10240x128xf32, #tpu.memory_space<hbm>> -> memref<1x128x128xf32, #tpu.memory_space<hbm>>
      %dma_wait3A_97 = tpu.memref_squeeze %dma_wait3A_96 : memref<1x128x128xf32, #tpu.memory_space<hbm>> -> memref<128x128xf32, #tpu.memory_space<hbm>>
      %dma_wait3A_98 = arith.constant 0 : i32
      %dma_wait3A_99 = tpu.memref_slice %arg4[%arg0, %add3A_82, %dma_wait3A_98] : memref<2x10240x128xf32, #tpu.memory_space<hbm>> -> memref<1x128x128xf32, #tpu.memory_space<hbm>>
      %dma_wait3A_100 = tpu.memref_squeeze %dma_wait3A_99 : memref<1x128x128xf32, #tpu.memory_space<hbm>> -> memref<128x128xf32, #tpu.memory_space<hbm>>
      tpu.wait_dma2 semaphore(%run_scoped3A : memref<!tpu.dma_semaphore, #tpu.memory_space<semaphore_mem>>) src(%arg8 : memref<128x128xf32, #tpu.memory_space<vmem>>) dst(%dma_wait3A_100 : memref<128x128xf32, #tpu.memory_space<hbm>>)
      tpu.yield
    }) : () -> ()
    %add3A_83 = arith.constant 256 : i32
    %add3A_84 = arith.addi %mul3A_78, %add3A_83 : i32
    "tpu.region"() ({
      %run_scoped3A = tpu.sem_alloc : memref<!tpu.dma_semaphore, #tpu.memory_space<semaphore_mem>>
      %dma_start3A_89 = arith.constant 0 : i32
      %dma_start3A_90 = tpu.memref_slice %arg10[%add3A_84, %dma_start3A_89] : memref<10240x128xf32, #tpu.memory_space<vmem_shared>> -> memref<128x128xf32, #tpu.memory_space<vmem_shared>>
      %dma_start3A_91 = arith.constant 0 : i32
      %dma_start3A_92 = tpu.memref_slice %arg10[%add3A_84, %dma_start3A_91] : memref<10240x128xf32, #tpu.memory_space<vmem_shared>> -> memref<128x128xf32, #tpu.memory_space<vmem_shared>>
      tpu.enqueue_dma source(%dma_start3A_92 : memref<128x128xf32, #tpu.memory_space<vmem_shared>>) target(%arg8 : memref<128x128xf32, #tpu.memory_space<vmem>>) target_semaphore(%run_scoped3A : memref<!tpu.dma_semaphore, #tpu.memory_space<semaphore_mem>>)
      %dma_wait3A_93 = arith.constant 0 : i32
      %dma_wait3A_94 = tpu.memref_slice %arg10[%add3A_84, %dma_wait3A_93] : memref<10240x128xf32, #tpu.memory_space<vmem_shared>> -> memref<128x128xf32, #tpu.memory_space<vmem_shared>>
      %dma_wait3A_95 = arith.constant 0 : i32
      %dma_wait3A_96 = tpu.memref_slice %arg10[%add3A_84, %dma_wait3A_95] : memref<10240x128xf32, #tpu.memory_space<vmem_shared>> -> memref<128x128xf32, #tpu.memory_space<vmem_shared>>
      tpu.wait_dma2 semaphore(%run_scoped3A : memref<!tpu.dma_semaphore, #tpu.memory_space<semaphore_mem>>) src(%dma_wait3A_96 : memref<128x128xf32, #tpu.memory_space<vmem_shared>>) dst(%arg8 : memref<128x128xf32, #tpu.memory_space<vmem>>)
      tpu.yield
    }) : () -> ()
    "tpu.region"() ({
      %run_scoped3A = tpu.sem_alloc : memref<!tpu.dma_semaphore, #tpu.memory_space<semaphore_mem>>
      %dma_start3A_89 = arith.constant 0 : i32
      %dma_start3A_90 = tpu.memref_slice %arg4[%arg0, %add3A_84, %dma_start3A_89] : memref<2x10240x128xf32, #tpu.memory_space<hbm>> -> memref<1x128x128xf32, #tpu.memory_space<hbm>>
      %dma_start3A_91 = tpu.memref_squeeze %dma_start3A_90 : memref<1x128x128xf32, #tpu.memory_space<hbm>> -> memref<128x128xf32, #tpu.memory_space<hbm>>
      %dma_start3A_92 = arith.constant 0 : i32
      %dma_start3A_93 = tpu.memref_slice %arg4[%arg0, %add3A_84, %dma_start3A_92] : memref<2x10240x128xf32, #tpu.memory_space<hbm>> -> memref<1x128x128xf32, #tpu.memory_space<hbm>>
      %dma_start3A_94 = tpu.memref_squeeze %dma_start3A_93 : memref<1x128x128xf32, #tpu.memory_space<hbm>> -> memref<128x128xf32, #tpu.memory_space<hbm>>
      tpu.enqueue_dma source(%arg8 : memref<128x128xf32, #tpu.memory_space<vmem>>) target(%dma_start3A_94 : memref<128x128xf32, #tpu.memory_space<hbm>>) target_semaphore(%run_scoped3A : memref<!tpu.dma_semaphore, #tpu.memory_space<semaphore_mem>>)
      %dma_wait3A_95 = arith.constant 0 : i32
      %dma_wait3A_96 = tpu.memref_slice %arg4[%arg0, %add3A_84, %dma_wait3A_95] : memref<2x10240x128xf32, #tpu.memory_space<hbm>> -> memref<1x128x128xf32, #tpu.memory_space<hbm>>
      %dma_wait3A_97 = tpu.memref_squeeze %dma_wait3A_96 : memref<1x128x128xf32, #tpu.memory_space<hbm>> -> memref<128x128xf32, #tpu.memory_space<hbm>>
      %dma_wait3A_98 = arith.constant 0 : i32
      %dma_wait3A_99 = tpu.memref_slice %arg4[%arg0, %add3A_84, %dma_wait3A_98] : memref<2x10240x128xf32, #tpu.memory_space<hbm>> -> memref<1x128x128xf32, #tpu.memory_space<hbm>>
      %dma_wait3A_100 = tpu.memref_squeeze %dma_wait3A_99 : memref<1x128x128xf32, #tpu.memory_space<hbm>> -> memref<128x128xf32, #tpu.memory_space<hbm>>
      tpu.wait_dma2 semaphore(%run_scoped3A : memref<!tpu.dma_semaphore, #tpu.memory_space<semaphore_mem>>) src(%arg8 : memref<128x128xf32, #tpu.memory_space<vmem>>) dst(%dma_wait3A_100 : memref<128x128xf32, #tpu.memory_space<hbm>>)
      tpu.yield
    }) : () -> ()
    %add3A_85 = arith.constant 384 : i32
    %add3A_86 = arith.addi %mul3A_78, %add3A_85 : i32
    "tpu.region"() ({
      %run_scoped3A = tpu.sem_alloc : memref<!tpu.dma_semaphore, #tpu.memory_space<semaphore_mem>>
      %dma_start3A_89 = arith.constant 0 : i32
      %dma_start3A_90 = tpu.memref_slice %arg10[%add3A_86, %dma_start3A_89] : memref<10240x128xf32, #tpu.memory_space<vmem_shared>> -> memref<128x128xf32, #tpu.memory_space<vmem_shared>>
      %dma_start3A_91 = arith.constant 0 : i32
      %dma_start3A_92 = tpu.memref_slice %arg10[%add3A_86, %dma_start3A_91] : memref<10240x128xf32, #tpu.memory_space<vmem_shared>> -> memref<128x128xf32, #tpu.memory_space<vmem_shared>>
      tpu.enqueue_dma source(%dma_start3A_92 : memref<128x128xf32, #tpu.memory_space<vmem_shared>>) target(%arg8 : memref<128x128xf32, #tpu.memory_space<vmem>>) target_semaphore(%run_scoped3A : memref<!tpu.dma_semaphore, #tpu.memory_space<semaphore_mem>>)
      %dma_wait3A_93 = arith.constant 0 : i32
      %dma_wait3A_94 = tpu.memref_slice %arg10[%add3A_86, %dma_wait3A_93] : memref<10240x128xf32, #tpu.memory_space<vmem_shared>> -> memref<128x128xf32, #tpu.memory_space<vmem_shared>>
      %dma_wait3A_95 = arith.constant 0 : i32
      %dma_wait3A_96 = tpu.memref_slice %arg10[%add3A_86, %dma_wait3A_95] : memref<10240x128xf32, #tpu.memory_space<vmem_shared>> -> memref<128x128xf32, #tpu.memory_space<vmem_shared>>
      tpu.wait_dma2 semaphore(%run_scoped3A : memref<!tpu.dma_semaphore, #tpu.memory_space<semaphore_mem>>) src(%dma_wait3A_96 : memref<128x128xf32, #tpu.memory_space<vmem_shared>>) dst(%arg8 : memref<128x128xf32, #tpu.memory_space<vmem>>)
      tpu.yield
    }) : () -> ()
    "tpu.region"() ({
      %run_scoped3A = tpu.sem_alloc : memref<!tpu.dma_semaphore, #tpu.memory_space<semaphore_mem>>
      %dma_start3A_89 = arith.constant 0 : i32
      %dma_start3A_90 = tpu.memref_slice %arg4[%arg0, %add3A_86, %dma_start3A_89] : memref<2x10240x128xf32, #tpu.memory_space<hbm>> -> memref<1x128x128xf32, #tpu.memory_space<hbm>>
      %dma_start3A_91 = tpu.memref_squeeze %dma_start3A_90 : memref<1x128x128xf32, #tpu.memory_space<hbm>> -> memref<128x128xf32, #tpu.memory_space<hbm>>
      %dma_start3A_92 = arith.constant 0 : i32
      %dma_start3A_93 = tpu.memref_slice %arg4[%arg0, %add3A_86, %dma_start3A_92] : memref<2x10240x128xf32, #tpu.memory_space<hbm>> -> memref<1x128x128xf32, #tpu.memory_space<hbm>>
      %dma_start3A_94 = tpu.memref_squeeze %dma_start3A_93 : memref<1x128x128xf32, #tpu.memory_space<hbm>> -> memref<128x128xf32, #tpu.memory_space<hbm>>
      tpu.enqueue_dma source(%arg8 : memref<128x128xf32, #tpu.memory_space<vmem>>) target(%dma_start3A_94 : memref<128x128xf32, #tpu.memory_space<hbm>>) target_semaphore(%run_scoped3A : memref<!tpu.dma_semaphore, #tpu.memory_space<semaphore_mem>>)
      %dma_wait3A_95 = arith.constant 0 : i32
      %dma_wait3A_96 = tpu.memref_slice %arg4[%arg0, %add3A_86, %dma_wait3A_95] : memref<2x10240x128xf32, #tpu.memory_space<hbm>> -> memref<1x128x128xf32, #tpu.memory_space<hbm>>
      %dma_wait3A_97 = tpu.memref_squeeze %dma_wait3A_96 : memref<1x128x128xf32, #tpu.memory_space<hbm>> -> memref<128x128xf32, #tpu.memory_space<hbm>>
      %dma_wait3A_98 = arith.constant 0 : i32
      %dma_wait3A_99 = tpu.memref_slice %arg4[%arg0, %add3A_86, %dma_wait3A_98] : memref<2x10240x128xf32, #tpu.memory_space<hbm>> -> memref<1x128x128xf32, #tpu.memory_space<hbm>>
      %dma_wait3A_100 = tpu.memref_squeeze %dma_wait3A_99 : memref<1x128x128xf32, #tpu.memory_space<hbm>> -> memref<128x128xf32, #tpu.memory_space<hbm>>
      tpu.wait_dma2 semaphore(%run_scoped3A : memref<!tpu.dma_semaphore, #tpu.memory_space<semaphore_mem>>) src(%arg8 : memref<128x128xf32, #tpu.memory_space<vmem>>) dst(%dma_wait3A_100 : memref<128x128xf32, #tpu.memory_space<hbm>>)
      tpu.yield
    }) : () -> ()
    %add3A_87 = arith.constant 512 : i32
    %add3A_88 = arith.addi %mul3A_78, %add3A_87 : i32
    "tpu.region"() ({
      %run_scoped3A = tpu.sem_alloc : memref<!tpu.dma_semaphore, #tpu.memory_space<semaphore_mem>>
      %dma_start3A_89 = arith.constant 0 : i32
      %dma_start3A_90 = tpu.memref_slice %arg10[%add3A_88, %dma_start3A_89] : memref<10240x128xf32, #tpu.memory_space<vmem_shared>> -> memref<128x128xf32, #tpu.memory_space<vmem_shared>>
      %dma_start3A_91 = arith.constant 0 : i32
      %dma_start3A_92 = tpu.memref_slice %arg10[%add3A_88, %dma_start3A_91] : memref<10240x128xf32, #tpu.memory_space<vmem_shared>> -> memref<128x128xf32, #tpu.memory_space<vmem_shared>>
      tpu.enqueue_dma source(%dma_start3A_92 : memref<128x128xf32, #tpu.memory_space<vmem_shared>>) target(%arg8 : memref<128x128xf32, #tpu.memory_space<vmem>>) target_semaphore(%run_scoped3A : memref<!tpu.dma_semaphore, #tpu.memory_space<semaphore_mem>>)
      %dma_wait3A_93 = arith.constant 0 : i32
      %dma_wait3A_94 = tpu.memref_slice %arg10[%add3A_88, %dma_wait3A_93] : memref<10240x128xf32, #tpu.memory_space<vmem_shared>> -> memref<128x128xf32, #tpu.memory_space<vmem_shared>>
      %dma_wait3A_95 = arith.constant 0 : i32
      %dma_wait3A_96 = tpu.memref_slice %arg10[%add3A_88, %dma_wait3A_95] : memref<10240x128xf32, #tpu.memory_space<vmem_shared>> -> memref<128x128xf32, #tpu.memory_space<vmem_shared>>
      tpu.wait_dma2 semaphore(%run_scoped3A : memref<!tpu.dma_semaphore, #tpu.memory_space<semaphore_mem>>) src(%dma_wait3A_96 : memref<128x128xf32, #tpu.memory_space<vmem_shared>>) dst(%arg8 : memref<128x128xf32, #tpu.memory_space<vmem>>)
      tpu.yield
    }) : () -> ()
    "tpu.region"() ({
      %run_scoped3A = tpu.sem_alloc : memref<!tpu.dma_semaphore, #tpu.memory_space<semaphore_mem>>
      %dma_start3A_89 = arith.constant 0 : i32
      %dma_start3A_90 = tpu.memref_slice %arg4[%arg0, %add3A_88, %dma_start3A_89] : memref<2x10240x128xf32, #tpu.memory_space<hbm>> -> memref<1x128x128xf32, #tpu.memory_space<hbm>>
      %dma_start3A_91 = tpu.memref_squeeze %dma_start3A_90 : memref<1x128x128xf32, #tpu.memory_space<hbm>> -> memref<128x128xf32, #tpu.memory_space<hbm>>
      %dma_start3A_92 = arith.constant 0 : i32
      %dma_start3A_93 = tpu.memref_slice %arg4[%arg0, %add3A_88, %dma_start3A_92] : memref<2x10240x128xf32, #tpu.memory_space<hbm>> -> memref<1x128x128xf32, #tpu.memory_space<hbm>>
      %dma_start3A_94 = tpu.memref_squeeze %dma_start3A_93 : memref<1x128x128xf32, #tpu.memory_space<hbm>> -> memref<128x128xf32, #tpu.memory_space<hbm>>
      tpu.enqueue_dma source(%arg8 : memref<128x128xf32, #tpu.memory_space<vmem>>) target(%dma_start3A_94 : memref<128x128xf32, #tpu.memory_space<hbm>>) target_semaphore(%run_scoped3A : memref<!tpu.dma_semaphore, #tpu.memory_space<semaphore_mem>>)
      %dma_wait3A_95 = arith.constant 0 : i32
      %dma_wait3A_96 = tpu.memref_slice %arg4[%arg0, %add3A_88, %dma_wait3A_95] : memref<2x10240x128xf32, #tpu.memory_space<hbm>> -> memref<1x128x128xf32, #tpu.memory_space<hbm>>
      %dma_wait3A_97 = tpu.memref_squeeze %dma_wait3A_96 : memref<1x128x128xf32, #tpu.memory_space<hbm>> -> memref<128x128xf32, #tpu.memory_space<hbm>>
      %dma_wait3A_98 = arith.constant 0 : i32
      %dma_wait3A_99 = tpu.memref_slice %arg4[%arg0, %add3A_88, %dma_wait3A_98] : memref<2x10240x128xf32, #tpu.memory_space<hbm>> -> memref<1x128x128xf32, #tpu.memory_space<hbm>>
      %dma_wait3A_100 = tpu.memref_squeeze %dma_wait3A_99 : memref<1x128x128xf32, #tpu.memory_space<hbm>> -> memref<128x128xf32, #tpu.memory_space<hbm>>
      tpu.wait_dma2 semaphore(%run_scoped3A : memref<!tpu.dma_semaphore, #tpu.memory_space<semaphore_mem>>) src(%arg8 : memref<128x128xf32, #tpu.memory_space<vmem>>) dst(%dma_wait3A_100 : memref<128x128xf32, #tpu.memory_space<hbm>>)
      tpu.yield
    }) : () -> ()
    return
  }
}

#map = affine_map<(d0, d1) -> (0, 0)>
#map1 = affine_map<(d0, d1) -> (0, 0, 0)>
module attributes {stable_mosaic.version = 14 : i64} {
  func.func @_spmm_sc(%arg0: i32, %arg1: i32, %arg2: memref<10000x128xf32, #tpu.memory_space<hbm>>, %arg3: memref<32x80x128xi32, #tpu.memory_space<hbm>>, %arg4: memref<2x10240x128xf32, #tpu.memory_space<hbm>>, %arg5: memref<80x128xi32, #tpu.memory_space<vmem>>, %arg6: memref<2x128xi32, #tpu.memory_space<vmem>>, %arg7: memref<2x128xi32, #tpu.memory_space<vmem>>, %arg8: memref<128x128xf32, #tpu.memory_space<vmem>>, %arg9: memref<128x128xf32, #tpu.memory_space<vmem>>, %arg10: memref<10240x128xf32, #tpu.memory_space<vmem_shared>>, %arg11: memref<!tpu.dma_semaphore, #tpu.memory_space<semaphore_mem>>, %arg12: memref<!tpu.dma_semaphore, #tpu.memory_space<semaphore_mem>>) attributes {dimension_semantics = [#tpu.dimension_semantics<core_parallel>, #tpu.dimension_semantics<subcore_parallel>], iteration_bounds = array<i64: 2, 16>, scalar_prefetch = 0 : i64, scratch_operands = 8 : i64, tpu.core_type = #tpu.core_type<sc_vector_subcore>, window_params = [{transform_indices = #map}, {transform_indices = #map1}, {transform_indices = #map1}]} {
    %mul3A = arith.constant 2 : i32
    %mul3A_0 = arith.muli %arg1, %mul3A : i32
    %add3A = arith.addi %mul3A_0, %arg0 : i32
    "tpu.region"() ({
      %run_scoped3A = tpu.sem_alloc : memref<!tpu.dma_semaphore, #tpu.memory_space<semaphore_mem>>
      %dma_start3A_89 = arith.constant 0 : i32
      %dma_start3A_90 = arith.constant 0 : i32
      %dma_start3A_91 = tpu.memref_slice %arg3[%add3A, %dma_start3A_89, %dma_start3A_90] : memref<32x80x128xi32, #tpu.memory_space<hbm>> -> memref<1x80x128xi32, #tpu.memory_space<hbm>>
      %dma_start3A_92 = tpu.memref_squeeze %dma_start3A_91 : memref<1x80x128xi32, #tpu.memory_space<hbm>> -> memref<80x128xi32, #tpu.memory_space<hbm>>
      %dma_start3A_93 = arith.constant 0 : i32
      %dma_start3A_94 = arith.constant 0 : i32
      %dma_start3A_95 = tpu.memref_slice %arg3[%add3A, %dma_start3A_93, %dma_start3A_94] : memref<32x80x128xi32, #tpu.memory_space<hbm>> -> memref<1x80x128xi32, #tpu.memory_space<hbm>>
      %dma_start3A_96 = tpu.memref_squeeze %dma_start3A_95 : memref<1x80x128xi32, #tpu.memory_space<hbm>> -> memref<80x128xi32, #tpu.memory_space<hbm>>
      tpu.enqueue_dma source(%dma_start3A_96 : memref<80x128xi32, #tpu.memory_space<hbm>>) target(%arg5 : memref<80x128xi32, #tpu.memory_space<vmem>>) target_semaphore(%run_scoped3A : memref<!tpu.dma_semaphore, #tpu.memory_space<semaphore_mem>>)
      %dma_wait3A_97 = arith.constant 0 : i32
      %dma_wait3A_98 = arith.constant 0 : i32
      %dma_wait3A_99 = tpu.memref_slice %arg3[%add3A, %dma_wait3A_97, %dma_wait3A_98] : memref<32x80x128xi32, #tpu.memory_space<hbm>> -> memref<1x80x128xi32, #tpu.memory_space<hbm>>
      %dma_wait3A_100 = tpu.memref_squeeze %dma_wait3A_99 : memref<1x80x128xi32, #tpu.memory_space<hbm>> -> memref<80x128xi32, #tpu.memory_space<hbm>>
      %dma_wait3A_101 = arith.constant 0 : i32
      %dma_wait3A_102 = arith.constant 0 : i32
      %dma_wait3A_103 = tpu.memref_slice %arg3[%add3A, %dma_wait3A_101, %dma_wait3A_102] : memref<32x80x128xi32, #tpu.memory_space<hbm>> -> memref<1x80x128xi32, #tpu.memory_space<hbm>>
      %dma_wait3A_104 = tpu.memref_squeeze %dma_wait3A_103 : memref<1x80x128xi32, #tpu.memory_space<hbm>> -> memref<80x128xi32, #tpu.memory_space<hbm>>
      tpu.wait_dma2 semaphore(%run_scoped3A : memref<!tpu.dma_semaphore, #tpu.memory_space<semaphore_mem>>) src(%dma_wait3A_104 : memref<80x128xi32, #tpu.memory_space<hbm>>) dst(%arg5 : memref<80x128xi32, #tpu.memory_space<vmem>>)
      tpu.yield
    }) : () -> ()
    %scan3A = arith.constant 0 : i32
    %scan3A_1 = arith.constant 0 : i32
    %scan3A_2 = arith.constant 1024 : i32
    %scan3A_3 = arith.addi %scan3A_1, %scan3A_2 : i32
    %scan3A_4 = arith.constant 1 : i32
    scf.for %scan3A_89 = %scan3A_1 to %scan3A_3 step %scan3A_4  : i32 {
      %jit3A = arith.constant 8 : i32
      %div3A = arith.divsi %scan3A_89, %jit3A : i32
      %sign3A = arith.constant 0 : i32
      %sign3A_90 = arith.cmpi sgt, %scan3A_89, %sign3A : i32
      %sign3A_91 = arith.extui %sign3A_90 : i1 to i32
      %sign3A_92 = arith.constant 0 : i32
      %sign3A_93 = arith.cmpi slt, %scan3A_89, %sign3A_92 : i32
      %sign3A_94 = arith.extui %sign3A_93 : i1 to i32
      %sign3A_95 = arith.subi %sign3A_91, %sign3A_94 : i32
      %sign3A_96 = arith.constant 0 : i32
      %sign3A_97 = arith.cmpi sgt, %jit3A, %sign3A_96 : i32
      %sign3A_98 = arith.extui %sign3A_97 : i1 to i32
      %sign3A_99 = arith.constant 0 : i32
      %sign3A_100 = arith.cmpi slt, %jit3A, %sign3A_99 : i32
      %sign3A_101 = arith.extui %sign3A_100 : i1 to i32
      %sign3A_102 = arith.subi %sign3A_98, %sign3A_101 : i32
      %ne3A = arith.cmpi ne, %sign3A_95, %sign3A_102 : i32
      %rem3A = arith.remsi %scan3A_89, %jit3A : i32
      %ne3A_103 = arith.constant 0 : i32
      %ne3A_104 = arith.cmpi ne, %rem3A, %ne3A_103 : i32
      %and3A = arith.andi %ne3A, %ne3A_104 : i1
      %sub3A = arith.constant 1 : i32
      %sub3A_105 = arith.subi %div3A, %sub3A : i32
      %select_n3A = arith.select %and3A, %sub3A_105, %div3A : i32
      %jit3A_106 = arith.constant 8 : i32
      %eq3A = arith.constant 0 : i32
      %eq3A_107 = arith.cmpi eq, %jit3A_106, %eq3A : i32
      %jit3A_108 = arith.constant 1 : i32
      %select_n3A_109 = arith.select %eq3A_107, %jit3A_108, %jit3A_106 : i32
      %rem3A_110 = arith.remsi %scan3A_89, %select_n3A_109 : i32
      %ne3A_111 = arith.constant 0 : i32
      %ne3A_112 = arith.cmpi ne, %rem3A_110, %ne3A_111 : i32
      %lt3A = arith.constant 0 : i32
      %lt3A_113 = arith.cmpi slt, %rem3A_110, %lt3A : i32
      %lt3A_114 = arith.constant 0 : i32
      %lt3A_115 = arith.cmpi slt, %select_n3A_109, %lt3A_114 : i32
      %ne3A_116 = arith.xori %lt3A_113, %lt3A_115 : i1
      %and3A_117 = arith.andi %ne3A_116, %ne3A_112 : i1
      %add3A_118 = arith.addi %rem3A_110, %select_n3A_109 : i32
      %select_n3A_119 = arith.select %and3A_117, %add3A_118, %rem3A_110 : i32
      %mul3A_120 = arith.constant 16 : i32
      %mul3A_121 = arith.muli %select_n3A_119, %mul3A_120 : i32
      %broadcast_in_dim3A = arith.constant 0.000000e+00 : f32
      %broadcast_in_dim3A_122 = vector.broadcast %broadcast_in_dim3A : f32 to vector<16xf32>
      %swap3A = arith.index_cast %select_n3A : i32 to index
      %swap3A_123 = arith.index_cast %mul3A_121 : i32 to index
      %swap3A_124 = tpu.vector_load %arg8[%swap3A, %swap3A_123] {strides = array<i32>} : memref<128x128xf32, #tpu.memory_space<vmem>>, vector<1x16xf32>,
      %swap3A_125 = vector.shape_cast %swap3A_124 : vector<1x16xf32> to vector<16xf32>
      %swap3A_126 = vector.shape_cast %broadcast_in_dim3A_122 : vector<16xf32> to vector<1x16xf32>
      tpu.vector_store %arg8[%swap3A, %swap3A_123], %swap3A_126 {strides = array<i32>} : memref<128x128xf32, #tpu.memory_space<vmem>>, vector<1x16xf32>,
    }
    %scan3A_5 = arith.constant 1024 : i32
    %mul3A_6 = arith.constant 640 : i32
    %mul3A_7 = arith.muli %arg1, %mul3A_6 : i32
    %add3A_8 = arith.constant 0 : i32
    %add3A_9 = arith.addi %mul3A_7, %add3A_8 : i32
    "tpu.region"() ({
      %run_scoped3A = tpu.sem_alloc : memref<!tpu.dma_semaphore, #tpu.memory_space<semaphore_mem>>
      %dma_start3A_89 = arith.constant 0 : i32
      %dma_start3A_90 = tpu.memref_slice %arg10[%add3A_9, %dma_start3A_89] : memref<10240x128xf32, #tpu.memory_space<vmem_shared>> -> memref<128x128xf32, #tpu.memory_space<vmem_shared>>
      %dma_start3A_91 = arith.constant 0 : i32
      %dma_start3A_92 = tpu.memref_slice %arg10[%add3A_9, %dma_start3A_91] : memref<10240x128xf32, #tpu.memory_space<vmem_shared>> -> memref<128x128xf32, #tpu.memory_space<vmem_shared>>
      tpu.enqueue_dma source(%arg8 : memref<128x128xf32, #tpu.memory_space<vmem>>) target(%dma_start3A_92 : memref<128x128xf32, #tpu.memory_space<vmem_shared>>) target_semaphore(%run_scoped3A : memref<!tpu.dma_semaphore, #tpu.memory_space<semaphore_mem>>)
      %dma_wait3A_93 = arith.constant 0 : i32
      %dma_wait3A_94 = tpu.memref_slice %arg10[%add3A_9, %dma_wait3A_93] : memref<10240x128xf32, #tpu.memory_space<vmem_shared>> -> memref<128x128xf32, #tpu.memory_space<vmem_shared>>
      %dma_wait3A_95 = arith.constant 0 : i32
      %dma_wait3A_96 = tpu.memref_slice %arg10[%add3A_9, %dma_wait3A_95] : memref<10240x128xf32, #tpu.memory_space<vmem_shared>> -> memref<128x128xf32, #tpu.memory_space<vmem_shared>>
      tpu.wait_dma2 semaphore(%run_scoped3A : memref<!tpu.dma_semaphore, #tpu.memory_space<semaphore_mem>>) src(%arg8 : memref<128x128xf32, #tpu.memory_space<vmem>>) dst(%dma_wait3A_96 : memref<128x128xf32, #tpu.memory_space<vmem_shared>>)
      tpu.yield
    }) : () -> ()
    %mul3A_10 = arith.constant 640 : i32
    %mul3A_11 = arith.muli %arg1, %mul3A_10 : i32
    %add3A_12 = arith.constant 128 : i32
    %add3A_13 = arith.addi %mul3A_11, %add3A_12 : i32
    "tpu.region"() ({
      %run_scoped3A = tpu.sem_alloc : memref<!tpu.dma_semaphore, #tpu.memory_space<semaphore_mem>>
      %dma_start3A_89 = arith.constant 0 : i32
      %dma_start3A_90 = tpu.memref_slice %arg10[%add3A_13, %dma_start3A_89] : memref<10240x128xf32, #tpu.memory_space<vmem_shared>> -> memref<128x128xf32, #tpu.memory_space<vmem_shared>>
      %dma_start3A_91 = arith.constant 0 : i32
      %dma_start3A_92 = tpu.memref_slice %arg10[%add3A_13, %dma_start3A_91] : memref<10240x128xf32, #tpu.memory_space<vmem_shared>> -> memref<128x128xf32, #tpu.memory_space<vmem_shared>>
      tpu.enqueue_dma source(%arg8 : memref<128x128xf32, #tpu.memory_space<vmem>>) target(%dma_start3A_92 : memref<128x128xf32, #tpu.memory_space<vmem_shared>>) target_semaphore(%run_scoped3A : memref<!tpu.dma_semaphore, #tpu.memory_space<semaphore_mem>>)
      %dma_wait3A_93 = arith.constant 0 : i32
      %dma_wait3A_94 = tpu.memref_slice %arg10[%add3A_13, %dma_wait3A_93] : memref<10240x128xf32, #tpu.memory_space<vmem_shared>> -> memref<128x128xf32, #tpu.memory_space<vmem_shared>>
      %dma_wait3A_95 = arith.constant 0 : i32
      %dma_wait3A_96 = tpu.memref_slice %arg10[%add3A_13, %dma_wait3A_95] : memref<10240x128xf32, #tpu.memory_space<vmem_shared>> -> memref<128x128xf32, #tpu.memory_space<vmem_shared>>
      tpu.wait_dma2 semaphore(%run_scoped3A : memref<!tpu.dma_semaphore, #tpu.memory_space<semaphore_mem>>) src(%arg8 : memref<128x128xf32, #tpu.memory_space<vmem>>) dst(%dma_wait3A_96 : memref<128x128xf32, #tpu.memory_space<vmem_shared>>)
      tpu.yield
    }) : () -> ()
    %mul3A_14 = arith.constant 640 : i32
    %mul3A_15 = arith.muli %arg1, %mul3A_14 : i32
    %add3A_16 = arith.constant 256 : i32
    %add3A_17 = arith.addi %mul3A_15, %add3A_16 : i32
    "tpu.region"() ({
      %run_scoped3A = tpu.sem_alloc : memref<!tpu.dma_semaphore, #tpu.memory_space<semaphore_mem>>
      %dma_start3A_89 = arith.constant 0 : i32
      %dma_start3A_90 = tpu.memref_slice %arg10[%add3A_17, %dma_start3A_89] : memref<10240x128xf32, #tpu.memory_space<vmem_shared>> -> memref<128x128xf32, #tpu.memory_space<vmem_shared>>
      %dma_start3A_91 = arith.constant 0 : i32
      %dma_start3A_92 = tpu.memref_slice %arg10[%add3A_17, %dma_start3A_91] : memref<10240x128xf32, #tpu.memory_space<vmem_shared>> -> memref<128x128xf32, #tpu.memory_space<vmem_shared>>
      tpu.enqueue_dma source(%arg8 : memref<128x128xf32, #tpu.memory_space<vmem>>) target(%dma_start3A_92 : memref<128x128xf32, #tpu.memory_space<vmem_shared>>) target_semaphore(%run_scoped3A : memref<!tpu.dma_semaphore, #tpu.memory_space<semaphore_mem>>)
      %dma_wait3A_93 = arith.constant 0 : i32
      %dma_wait3A_94 = tpu.memref_slice %arg10[%add3A_17, %dma_wait3A_93] : memref<10240x128xf32, #tpu.memory_space<vmem_shared>> -> memref<128x128xf32, #tpu.memory_space<vmem_shared>>
      %dma_wait3A_95 = arith.constant 0 : i32
      %dma_wait3A_96 = tpu.memref_slice %arg10[%add3A_17, %dma_wait3A_95] : memref<10240x128xf32, #tpu.memory_space<vmem_shared>> -> memref<128x128xf32, #tpu.memory_space<vmem_shared>>
      tpu.wait_dma2 semaphore(%run_scoped3A : memref<!tpu.dma_semaphore, #tpu.memory_space<semaphore_mem>>) src(%arg8 : memref<128x128xf32, #tpu.memory_space<vmem>>) dst(%dma_wait3A_96 : memref<128x128xf32, #tpu.memory_space<vmem_shared>>)
      tpu.yield
    }) : () -> ()
    %mul3A_18 = arith.constant 640 : i32
    %mul3A_19 = arith.muli %arg1, %mul3A_18 : i32
    %add3A_20 = arith.constant 384 : i32
    %add3A_21 = arith.addi %mul3A_19, %add3A_20 : i32
    "tpu.region"() ({
      %run_scoped3A = tpu.sem_alloc : memref<!tpu.dma_semaphore, #tpu.memory_space<semaphore_mem>>
      %dma_start3A_89 = arith.constant 0 : i32
      %dma_start3A_90 = tpu.memref_slice %arg10[%add3A_21, %dma_start3A_89] : memref<10240x128xf32, #tpu.memory_space<vmem_shared>> -> memref<128x128xf32, #tpu.memory_space<vmem_shared>>
      %dma_start3A_91 = arith.constant 0 : i32
      %dma_start3A_92 = tpu.memref_slice %arg10[%add3A_21, %dma_start3A_91] : memref<10240x128xf32, #tpu.memory_space<vmem_shared>> -> memref<128x128xf32, #tpu.memory_space<vmem_shared>>
      tpu.enqueue_dma source(%arg8 : memref<128x128xf32, #tpu.memory_space<vmem>>) target(%dma_start3A_92 : memref<128x128xf32, #tpu.memory_space<vmem_shared>>) target_semaphore(%run_scoped3A : memref<!tpu.dma_semaphore, #tpu.memory_space<semaphore_mem>>)
      %dma_wait3A_93 = arith.constant 0 : i32
      %dma_wait3A_94 = tpu.memref_slice %arg10[%add3A_21, %dma_wait3A_93] : memref<10240x128xf32, #tpu.memory_space<vmem_shared>> -> memref<128x128xf32, #tpu.memory_space<vmem_shared>>
      %dma_wait3A_95 = arith.constant 0 : i32
      %dma_wait3A_96 = tpu.memref_slice %arg10[%add3A_21, %dma_wait3A_95] : memref<10240x128xf32, #tpu.memory_space<vmem_shared>> -> memref<128x128xf32, #tpu.memory_space<vmem_shared>>
      tpu.wait_dma2 semaphore(%run_scoped3A : memref<!tpu.dma_semaphore, #tpu.memory_space<semaphore_mem>>) src(%arg8 : memref<128x128xf32, #tpu.memory_space<vmem>>) dst(%dma_wait3A_96 : memref<128x128xf32, #tpu.memory_space<vmem_shared>>)
      tpu.yield
    }) : () -> ()
    %mul3A_22 = arith.constant 640 : i32
    %mul3A_23 = arith.muli %arg1, %mul3A_22 : i32
    %add3A_24 = arith.constant 512 : i32
    %add3A_25 = arith.addi %mul3A_23, %add3A_24 : i32
    "tpu.region"() ({
      %run_scoped3A = tpu.sem_alloc : memref<!tpu.dma_semaphore, #tpu.memory_space<semaphore_mem>>
      %dma_start3A_89 = arith.constant 0 : i32
      %dma_start3A_90 = tpu.memref_slice %arg10[%add3A_25, %dma_start3A_89] : memref<10240x128xf32, #tpu.memory_space<vmem_shared>> -> memref<128x128xf32, #tpu.memory_space<vmem_shared>>
      %dma_start3A_91 = arith.constant 0 : i32
      %dma_start3A_92 = tpu.memref_slice %arg10[%add3A_25, %dma_start3A_91] : memref<10240x128xf32, #tpu.memory_space<vmem_shared>> -> memref<128x128xf32, #tpu.memory_space<vmem_shared>>
      tpu.enqueue_dma source(%arg8 : memref<128x128xf32, #tpu.memory_space<vmem>>) target(%dma_start3A_92 : memref<128x128xf32, #tpu.memory_space<vmem_shared>>) target_semaphore(%run_scoped3A : memref<!tpu.dma_semaphore, #tpu.memory_space<semaphore_mem>>)
      %dma_wait3A_93 = arith.constant 0 : i32
      %dma_wait3A_94 = tpu.memref_slice %arg10[%add3A_25, %dma_wait3A_93] : memref<10240x128xf32, #tpu.memory_space<vmem_shared>> -> memref<128x128xf32, #tpu.memory_space<vmem_shared>>
      %dma_wait3A_95 = arith.constant 0 : i32
      %dma_wait3A_96 = tpu.memref_slice %arg10[%add3A_25, %dma_wait3A_95] : memref<10240x128xf32, #tpu.memory_space<vmem_shared>> -> memref<128x128xf32, #tpu.memory_space<vmem_shared>>
      tpu.wait_dma2 semaphore(%run_scoped3A : memref<!tpu.dma_semaphore, #tpu.memory_space<semaphore_mem>>) src(%arg8 : memref<128x128xf32, #tpu.memory_space<vmem>>) dst(%dma_wait3A_96 : memref<128x128xf32, #tpu.memory_space<vmem_shared>>)
      tpu.yield
    }) : () -> ()
    %barrier3A = arith.constant 0 : index
    tpu.barrier barrier_id(%barrier3A)
    %scan3A_26 = arith.constant 0 : i32
    %scan3A_27 = arith.constant 0 : i32
    %scan3A_28 = arith.constant 8 : i32
    %scan3A_29 = arith.addi %scan3A_27, %scan3A_28 : i32
    %scan3A_30 = arith.constant 1 : i32
    scf.for %scan3A_89 = %scan3A_27 to %scan3A_29 step %scan3A_30  : i32 {
      %mul3A_90 = arith.constant 16 : i32
      %mul3A_91 = arith.muli %scan3A_89, %mul3A_90 : i32
      %get3A = arith.constant 0 : i32
      %get3A_92 = arith.index_cast %get3A : i32 to index
      %get3A_93 = arith.index_cast %mul3A_91 : i32 to index
      %get3A_94 = tpu.vector_load %arg5[%get3A_92, %get3A_93] {strides = array<i32>} : memref<80x128xi32, #tpu.memory_space<vmem>>, vector<1x16xi32>,
      %get3A_95 = vector.shape_cast %get3A_94 : vector<1x16xi32> to vector<16xi32>
      %and3A = arith.constant 16383 : i32
      %and3A_96 = vector.broadcast %and3A : i32 to vector<16xi32>
      %and3A_97 = arith.andi %get3A_95, %and3A_96 : vector<16xi32>
      %mul3A_98 = arith.constant 16 : i32
      %mul3A_99 = arith.muli %scan3A_89, %mul3A_98 : i32
      %swap3A = arith.constant 0 : i32
      %swap3A_100 = arith.index_cast %swap3A : i32 to index
      %swap3A_101 = arith.index_cast %mul3A_99 : i32 to index
      %swap3A_102 = tpu.vector_load %arg6[%swap3A_100, %swap3A_101] {strides = array<i32>} : memref<2x128xi32, #tpu.memory_space<vmem>>, vector<1x16xi32>,
      %swap3A_103 = vector.shape_cast %swap3A_102 : vector<1x16xi32> to vector<16xi32>
      %swap3A_104 = vector.shape_cast %and3A_97 : vector<16xi32> to vector<1x16xi32>
      tpu.vector_store %arg6[%swap3A_100, %swap3A_101], %swap3A_104 {strides = array<i32>} : memref<2x128xi32, #tpu.memory_space<vmem>>, vector<1x16xi32>,
      %shift_right_logical3A = arith.constant 14 : i32
      %shift_right_logical3A_105 = vector.broadcast %shift_right_logical3A : i32 to vector<16xi32>
      %shift_right_logical3A_106 = arith.shrui %get3A_95, %shift_right_logical3A_105 : vector<16xi32>
      %mul3A_107 = arith.constant 16 : i32
      %mul3A_108 = arith.muli %scan3A_89, %mul3A_107 : i32
      %swap3A_109 = arith.constant 0 : i32
      %swap3A_110 = arith.index_cast %swap3A_109 : i32 to index
      %swap3A_111 = arith.index_cast %mul3A_108 : i32 to index
      %swap3A_112 = tpu.vector_load %arg7[%swap3A_110, %swap3A_111] {strides = array<i32>} : memref<2x128xi32, #tpu.memory_space<vmem>>, vector<1x16xi32>,
      %swap3A_113 = vector.shape_cast %swap3A_112 : vector<1x16xi32> to vector<16xi32>
      %swap3A_114 = vector.shape_cast %shift_right_logical3A_106 : vector<16xi32> to vector<1x16xi32>
      tpu.vector_store %arg7[%swap3A_110, %swap3A_111], %swap3A_114 {strides = array<i32>} : memref<2x128xi32, #tpu.memory_space<vmem>>, vector<1x16xi32>,
    }
    %scan3A_31 = arith.constant 8 : i32
    %dma_start3A = arith.constant 0 : i32
    %dma_start3A_32 = arith.constant 0 : i32
    %dma_start3A_33 = arith.constant 0 : i32
    %dma_start3A_34 = tpu.memref_slice %arg8[%dma_start3A_32, %dma_start3A_33] : memref<128x128xf32, #tpu.memory_space<vmem>> -> memref<64x128xf32, #tpu.memory_space<vmem>>
    %dma_start3A_35 = arith.constant 0 : i32
    %dma_start3A_36 = tpu.memref_slice %arg6[%dma_start3A, %dma_start3A_35] : memref<2x128xi32, #tpu.memory_space<vmem>> -> memref<1x64xi32, #tpu.memory_space<vmem>>
    %dma_start3A_37 = tpu.memref_squeeze %dma_start3A_36 : memref<1x64xi32, #tpu.memory_space<vmem>> -> memref<64xi32, #tpu.memory_space<vmem>>
    %dma_start3A_38 = arith.constant 0 : i32
    %dma_start3A_39 = arith.constant 0 : i32
    %dma_start3A_40 = tpu.memref_slice %arg2[%dma_start3A_38, %dma_start3A_39] : memref<10000x128xf32, #tpu.memory_space<hbm>> -> memref<10000x128xf32, #tpu.memory_space<hbm>>
    tpu.enqueue_indirect_dma source(%dma_start3A_40 : memref<10000x128xf32, #tpu.memory_space<hbm>>) target(%dma_start3A_34 : memref<64x128xf32, #tpu.memory_space<vmem>>) offsets(%dma_start3A_37 : memref<64xi32, #tpu.memory_space<vmem>>) semaphore(%arg11 : memref<!tpu.dma_semaphore, #tpu.memory_space<semaphore_mem>>)
    %dma_start3A_41 = arith.constant 0 : i32
    %dma_start3A_42 = arith.constant 64 : i32
    %dma_start3A_43 = arith.constant 0 : i32
    %dma_start3A_44 = tpu.memref_slice %arg8[%dma_start3A_42, %dma_start3A_43] : memref<128x128xf32, #tpu.memory_space<vmem>> -> memref<64x128xf32, #tpu.memory_space<vmem>>
    %dma_start3A_45 = arith.constant 64 : i32
    %dma_start3A_46 = tpu.memref_slice %arg6[%dma_start3A_41, %dma_start3A_45] : memref<2x128xi32, #tpu.memory_space<vmem>> -> memref<1x64xi32, #tpu.memory_space<vmem>>
    %dma_start3A_47 = tpu.memref_squeeze %dma_start3A_46 : memref<1x64xi32, #tpu.memory_space<vmem>> -> memref<64xi32, #tpu.memory_space<vmem>>
    %dma_start3A_48 = arith.constant 0 : i32
    %dma_start3A_49 = arith.constant 0 : i32
    %dma_start3A_50 = tpu.memref_slice %arg2[%dma_start3A_48, %dma_start3A_49] : memref<10000x128xf32, #tpu.memory_space<hbm>> -> memref<10000x128xf32, #tpu.memory_space<hbm>>
    tpu.enqueue_indirect_dma source(%dma_start3A_50 : memref<10000x128xf32, #tpu.memory_space<hbm>>) target(%dma_start3A_44 : memref<64x128xf32, #tpu.memory_space<vmem>>) offsets(%dma_start3A_47 : memref<64xi32, #tpu.memory_space<vmem>>) semaphore(%arg11 : memref<!tpu.dma_semaphore, #tpu.memory_space<semaphore_mem>>)
    %scan3A_51 = arith.constant 0 : i32
    %scan3A_52 = arith.constant 0 : i32
    %scan3A_53 = arith.constant 40 : i32
    %scan3A_54 = arith.addi %scan3A_52, %scan3A_53 : i32
    %scan3A_55 = arith.constant 1 : i32
    scf.for %scan3A_89 = %scan3A_52 to %scan3A_54 step %scan3A_55  : i32 {
      %mul3A_90 = arith.constant 2 : i32
      %mul3A_91 = arith.muli %mul3A_90, %scan3A_89 : i32
      %add3A_92 = arith.constant 1 : i32
      %add3A_93 = arith.addi %mul3A_91, %add3A_92 : i32
      %scan3A_94 = arith.constant 0 : i32
      %scan3A_95 = arith.constant 0 : i32
      %scan3A_96 = arith.constant 8 : i32
      %scan3A_97 = arith.addi %scan3A_95, %scan3A_96 : i32
      %scan3A_98 = arith.constant 1 : i32
      scf.for %scan3A_192 = %scan3A_95 to %scan3A_97 step %scan3A_98  : i32 {
        %mul3A_193 = arith.constant 16 : i32
        %mul3A_194 = arith.muli %scan3A_192, %mul3A_193 : i32
        %get3A = arith.index_cast %add3A_93 : i32 to index
        %get3A_195 = arith.index_cast %mul3A_194 : i32 to index
        %get3A_196 = tpu.vector_load %arg5[%get3A, %get3A_195] {strides = array<i32>} : memref<80x128xi32, #tpu.memory_space<vmem>>, vector<1x16xi32>,
        %get3A_197 = vector.shape_cast %get3A_196 : vector<1x16xi32> to vector<16xi32>
        %and3A = arith.constant 16383 : i32
        %and3A_198 = vector.broadcast %and3A : i32 to vector<16xi32>
        %and3A_199 = arith.andi %get3A_197, %and3A_198 : vector<16xi32>
        %mul3A_200 = arith.constant 16 : i32
        %mul3A_201 = arith.muli %scan3A_192, %mul3A_200 : i32
        %swap3A = arith.constant 1 : i32
        %swap3A_202 = arith.index_cast %swap3A : i32 to index
        %swap3A_203 = arith.index_cast %mul3A_201 : i32 to index
        %swap3A_204 = tpu.vector_load %arg6[%swap3A_202, %swap3A_203] {strides = array<i32>} : memref<2x128xi32, #tpu.memory_space<vmem>>, vector<1x16xi32>,
        %swap3A_205 = vector.shape_cast %swap3A_204 : vector<1x16xi32> to vector<16xi32>
        %swap3A_206 = vector.shape_cast %and3A_199 : vector<16xi32> to vector<1x16xi32>
        tpu.vector_store %arg6[%swap3A_202, %swap3A_203], %swap3A_206 {strides = array<i32>} : memref<2x128xi32, #tpu.memory_space<vmem>>, vector<1x16xi32>,
        %shift_right_logical3A = arith.constant 14 : i32
        %shift_right_logical3A_207 = vector.broadcast %shift_right_logical3A : i32 to vector<16xi32>
        %shift_right_logical3A_208 = arith.shrui %get3A_197, %shift_right_logical3A_207 : vector<16xi32>
        %mul3A_209 = arith.constant 16 : i32
        %mul3A_210 = arith.muli %scan3A_192, %mul3A_209 : i32
        %swap3A_211 = arith.constant 1 : i32
        %swap3A_212 = arith.index_cast %swap3A_211 : i32 to index
        %swap3A_213 = arith.index_cast %mul3A_210 : i32 to index
        %swap3A_214 = tpu.vector_load %arg7[%swap3A_212, %swap3A_213] {strides = array<i32>} : memref<2x128xi32, #tpu.memory_space<vmem>>, vector<1x16xi32>,
        %swap3A_215 = vector.shape_cast %swap3A_214 : vector<1x16xi32> to vector<16xi32>
        %swap3A_216 = vector.shape_cast %shift_right_logical3A_208 : vector<16xi32> to vector<1x16xi32>
        tpu.vector_store %arg7[%swap3A_212, %swap3A_213], %swap3A_216 {strides = array<i32>} : memref<2x128xi32, #tpu.memory_space<vmem>>, vector<1x16xi32>,
      }
      %scan3A_99 = arith.constant 8 : i32
      %dma_wait3A_100 = arith.constant 0 : i32
      %dma_wait3A_101 = arith.constant 0 : i32
      %dma_wait3A_102 = arith.constant 0 : i32
      %dma_wait3A_103 = tpu.memref_slice %arg8[%dma_wait3A_101, %dma_wait3A_102] : memref<128x128xf32, #tpu.memory_space<vmem>> -> memref<64x128xf32, #tpu.memory_space<vmem>>
      %dma_wait3A_104 = arith.constant 0 : i32
      %dma_wait3A_105 = tpu.memref_slice %arg6[%dma_wait3A_100, %dma_wait3A_104] : memref<2x128xi32, #tpu.memory_space<vmem>> -> memref<1x64xi32, #tpu.memory_space<vmem>>
      %dma_wait3A_106 = tpu.memref_squeeze %dma_wait3A_105 : memref<1x64xi32, #tpu.memory_space<vmem>> -> memref<64xi32, #tpu.memory_space<vmem>>
      %dma_wait3A_107 = arith.constant 0 : i32
      %dma_wait3A_108 = arith.constant 0 : i32
      %dma_wait3A_109 = tpu.memref_slice %arg2[%dma_wait3A_107, %dma_wait3A_108] : memref<10000x128xf32, #tpu.memory_space<hbm>> -> memref<10000x128xf32, #tpu.memory_space<hbm>>
      tpu.wait_indirect_dma semaphore(%arg11 : memref<!tpu.dma_semaphore, #tpu.memory_space<semaphore_mem>>) src(%dma_wait3A_109 : memref<10000x128xf32, #tpu.memory_space<hbm>>) dst(%dma_wait3A_103 : memref<64x128xf32, #tpu.memory_space<vmem>>)
      %dma_wait3A_110 = arith.constant 0 : i32
      %dma_wait3A_111 = arith.constant 64 : i32
      %dma_wait3A_112 = arith.constant 0 : i32
      %dma_wait3A_113 = tpu.memref_slice %arg8[%dma_wait3A_111, %dma_wait3A_112] : memref<128x128xf32, #tpu.memory_space<vmem>> -> memref<64x128xf32, #tpu.memory_space<vmem>>
      %dma_wait3A_114 = arith.constant 64 : i32
      %dma_wait3A_115 = tpu.memref_slice %arg6[%dma_wait3A_110, %dma_wait3A_114] : memref<2x128xi32, #tpu.memory_space<vmem>> -> memref<1x64xi32, #tpu.memory_space<vmem>>
      %dma_wait3A_116 = tpu.memref_squeeze %dma_wait3A_115 : memref<1x64xi32, #tpu.memory_space<vmem>> -> memref<64xi32, #tpu.memory_space<vmem>>
      %dma_wait3A_117 = arith.constant 0 : i32
      %dma_wait3A_118 = arith.constant 0 : i32
      %dma_wait3A_119 = tpu.memref_slice %arg2[%dma_wait3A_117, %dma_wait3A_118] : memref<10000x128xf32, #tpu.memory_space<hbm>> -> memref<10000x128xf32, #tpu.memory_space<hbm>>
      tpu.wait_indirect_dma semaphore(%arg11 : memref<!tpu.dma_semaphore, #tpu.memory_space<semaphore_mem>>) src(%dma_wait3A_119 : memref<10000x128xf32, #tpu.memory_space<hbm>>) dst(%dma_wait3A_113 : memref<64x128xf32, #tpu.memory_space<vmem>>)
      %dma_start3A_120 = arith.constant 1 : i32
      %dma_start3A_121 = arith.constant 0 : i32
      %dma_start3A_122 = arith.constant 0 : i32
      %dma_start3A_123 = tpu.memref_slice %arg9[%dma_start3A_121, %dma_start3A_122] : memref<128x128xf32, #tpu.memory_space<vmem>> -> memref<64x128xf32, #tpu.memory_space<vmem>>
      %dma_start3A_124 = arith.constant 0 : i32
      %dma_start3A_125 = tpu.memref_slice %arg6[%dma_start3A_120, %dma_start3A_124] : memref<2x128xi32, #tpu.memory_space<vmem>> -> memref<1x64xi32, #tpu.memory_space<vmem>>
      %dma_start3A_126 = tpu.memref_squeeze %dma_start3A_125 : memref<1x64xi32, #tpu.memory_space<vmem>> -> memref<64xi32, #tpu.memory_space<vmem>>
      %dma_start3A_127 = arith.constant 0 : i32
      %dma_start3A_128 = arith.constant 0 : i32
      %dma_start3A_129 = tpu.memref_slice %arg2[%dma_start3A_127, %dma_start3A_128] : memref<10000x128xf32, #tpu.memory_space<hbm>> -> memref<10000x128xf32, #tpu.memory_space<hbm>>
      tpu.enqueue_indirect_dma source(%dma_start3A_129 : memref<10000x128xf32, #tpu.memory_space<hbm>>) target(%dma_start3A_123 : memref<64x128xf32, #tpu.memory_space<vmem>>) offsets(%dma_start3A_126 : memref<64xi32, #tpu.memory_space<vmem>>) semaphore(%arg12 : memref<!tpu.dma_semaphore, #tpu.memory_space<semaphore_mem>>)
      %dma_start3A_130 = arith.constant 1 : i32
      %dma_start3A_131 = arith.constant 64 : i32
      %dma_start3A_132 = arith.constant 0 : i32
      %dma_start3A_133 = tpu.memref_slice %arg9[%dma_start3A_131, %dma_start3A_132] : memref<128x128xf32, #tpu.memory_space<vmem>> -> memref<64x128xf32, #tpu.memory_space<vmem>>
      %dma_start3A_134 = arith.constant 64 : i32
      %dma_start3A_135 = tpu.memref_slice %arg6[%dma_start3A_130, %dma_start3A_134] : memref<2x128xi32, #tpu.memory_space<vmem>> -> memref<1x64xi32, #tpu.memory_space<vmem>>
      %dma_start3A_136 = tpu.memref_squeeze %dma_start3A_135 : memref<1x64xi32, #tpu.memory_space<vmem>> -> memref<64xi32, #tpu.memory_space<vmem>>
      %dma_start3A_137 = arith.constant 0 : i32
      %dma_start3A_138 = arith.constant 0 : i32
      %dma_start3A_139 = tpu.memref_slice %arg2[%dma_start3A_137, %dma_start3A_138] : memref<10000x128xf32, #tpu.memory_space<hbm>> -> memref<10000x128xf32, #tpu.memory_space<hbm>>
      tpu.enqueue_indirect_dma source(%dma_start3A_139 : memref<10000x128xf32, #tpu.memory_space<hbm>>) target(%dma_start3A_133 : memref<64x128xf32, #tpu.memory_space<vmem>>) offsets(%dma_start3A_136 : memref<64xi32, #tpu.memory_space<vmem>>) semaphore(%arg12 : memref<!tpu.dma_semaphore, #tpu.memory_space<semaphore_mem>>)
      %run_scoped3A = arith.constant 0 : i32
      "tpu.region"() ({
        %run_scoped3A_192 = tpu.sem_alloc : memref<!tpu.dma_semaphore, #tpu.memory_space<semaphore_mem>>
        %dma_start3A_193 = arith.constant 0 : i32
        %dma_start3A_194 = tpu.memref_slice %arg7[%run_scoped3A, %dma_start3A_193] : memref<2x128xi32, #tpu.memory_space<vmem>> -> memref<1x128xi32, #tpu.memory_space<vmem>>
        %dma_start3A_195 = tpu.memref_squeeze %dma_start3A_194 : memref<1x128xi32, #tpu.memory_space<vmem>> -> memref<128xi32, #tpu.memory_space<vmem>>
        %dma_start3A_196 = arith.constant 0 : i32
        %dma_start3A_197 = arith.constant 0 : i32
        %dma_start3A_198 = tpu.memref_slice %arg10[%dma_start3A_196, %dma_start3A_197] : memref<10240x128xf32, #tpu.memory_space<vmem_shared>> -> memref<10240x128xf32, #tpu.memory_space<vmem_shared>>
        tpu.enqueue_indirect_dma source(%arg8 : memref<128x128xf32, #tpu.memory_space<vmem>>) target(%dma_start3A_198 : memref<10240x128xf32, #tpu.memory_space<vmem_shared>>) offsets(%dma_start3A_195 : memref<128xi32, #tpu.memory_space<vmem>>) semaphore(%run_scoped3A_192 : memref<!tpu.dma_semaphore, #tpu.memory_space<semaphore_mem>>) {add = true}
        %dma_wait3A_199 = arith.constant 0 : i32
        %dma_wait3A_200 = tpu.memref_slice %arg7[%run_scoped3A, %dma_wait3A_199] : memref<2x128xi32, #tpu.memory_space<vmem>> -> memref<1x128xi32, #tpu.memory_space<vmem>>
        %dma_wait3A_201 = tpu.memref_squeeze %dma_wait3A_200 : memref<1x128xi32, #tpu.memory_space<vmem>> -> memref<128xi32, #tpu.memory_space<vmem>>
        %dma_wait3A_202 = arith.constant 0 : i32
        %dma_wait3A_203 = arith.constant 0 : i32
        %dma_wait3A_204 = tpu.memref_slice %arg10[%dma_wait3A_202, %dma_wait3A_203] : memref<10240x128xf32, #tpu.memory_space<vmem_shared>> -> memref<10240x128xf32, #tpu.memory_space<vmem_shared>>
        tpu.wait_indirect_dma semaphore(%run_scoped3A_192 : memref<!tpu.dma_semaphore, #tpu.memory_space<semaphore_mem>>) src(%arg8 : memref<128x128xf32, #tpu.memory_space<vmem>>) dst(%dma_wait3A_204 : memref<10240x128xf32, #tpu.memory_space<vmem_shared>>)
        tpu.yield
      }) : () -> ()
      %mul3A_140 = arith.constant 2 : i32
      %mul3A_141 = arith.muli %mul3A_140, %scan3A_89 : i32
      %add3A_142 = arith.constant 2 : i32
      %add3A_143 = arith.addi %mul3A_141, %add3A_142 : i32
      %rem3A = arith.constant 80 : i32
      %rem3A_144 = arith.remsi %add3A_143, %rem3A : i32
      %scan3A_145 = arith.constant 0 : i32
      %scan3A_146 = arith.constant 0 : i32
      %scan3A_147 = arith.constant 8 : i32
      %scan3A_148 = arith.addi %scan3A_146, %scan3A_147 : i32
      %scan3A_149 = arith.constant 1 : i32
      scf.for %scan3A_192 = %scan3A_146 to %scan3A_148 step %scan3A_149  : i32 {
        %mul3A_193 = arith.constant 16 : i32
        %mul3A_194 = arith.muli %scan3A_192, %mul3A_193 : i32
        %get3A = arith.index_cast %rem3A_144 : i32 to index
        %get3A_195 = arith.index_cast %mul3A_194 : i32 to index
        %get3A_196 = tpu.vector_load %arg5[%get3A, %get3A_195] {strides = array<i32>} : memref<80x128xi32, #tpu.memory_space<vmem>>, vector<1x16xi32>,
        %get3A_197 = vector.shape_cast %get3A_196 : vector<1x16xi32> to vector<16xi32>
        %and3A = arith.constant 16383 : i32
        %and3A_198 = vector.broadcast %and3A : i32 to vector<16xi32>
        %and3A_199 = arith.andi %get3A_197, %and3A_198 : vector<16xi32>
        %mul3A_200 = arith.constant 16 : i32
        %mul3A_201 = arith.muli %scan3A_192, %mul3A_200 : i32
        %swap3A = arith.constant 0 : i32
        %swap3A_202 = arith.index_cast %swap3A : i32 to index
        %swap3A_203 = arith.index_cast %mul3A_201 : i32 to index
        %swap3A_204 = tpu.vector_load %arg6[%swap3A_202, %swap3A_203] {strides = array<i32>} : memref<2x128xi32, #tpu.memory_space<vmem>>, vector<1x16xi32>,
        %swap3A_205 = vector.shape_cast %swap3A_204 : vector<1x16xi32> to vector<16xi32>
        %swap3A_206 = vector.shape_cast %and3A_199 : vector<16xi32> to vector<1x16xi32>
        tpu.vector_store %arg6[%swap3A_202, %swap3A_203], %swap3A_206 {strides = array<i32>} : memref<2x128xi32, #tpu.memory_space<vmem>>, vector<1x16xi32>,
        %shift_right_logical3A = arith.constant 14 : i32
        %shift_right_logical3A_207 = vector.broadcast %shift_right_logical3A : i32 to vector<16xi32>
        %shift_right_logical3A_208 = arith.shrui %get3A_197, %shift_right_logical3A_207 : vector<16xi32>
        %mul3A_209 = arith.constant 16 : i32
        %mul3A_210 = arith.muli %scan3A_192, %mul3A_209 : i32
        %swap3A_211 = arith.constant 0 : i32
        %swap3A_212 = arith.index_cast %swap3A_211 : i32 to index
        %swap3A_213 = arith.index_cast %mul3A_210 : i32 to index
        %swap3A_214 = tpu.vector_load %arg7[%swap3A_212, %swap3A_213] {strides = array<i32>} : memref<2x128xi32, #tpu.memory_space<vmem>>, vector<1x16xi32>,
        %swap3A_215 = vector.shape_cast %swap3A_214 : vector<1x16xi32> to vector<16xi32>
        %swap3A_216 = vector.shape_cast %shift_right_logical3A_208 : vector<16xi32> to vector<1x16xi32>
        tpu.vector_store %arg7[%swap3A_212, %swap3A_213], %swap3A_216 {strides = array<i32>} : memref<2x128xi32, #tpu.memory_space<vmem>>, vector<1x16xi32>,
      }
      %scan3A_150 = arith.constant 8 : i32
      %dma_start3A_151 = arith.constant 0 : i32
      %dma_start3A_152 = arith.constant 0 : i32
      %dma_start3A_153 = arith.constant 0 : i32
      %dma_start3A_154 = tpu.memref_slice %arg8[%dma_start3A_152, %dma_start3A_153] : memref<128x128xf32, #tpu.memory_space<vmem>> -> memref<64x128xf32, #tpu.memory_space<vmem>>
      %dma_start3A_155 = arith.constant 0 : i32
      %dma_start3A_156 = tpu.memref_slice %arg6[%dma_start3A_151, %dma_start3A_155] : memref<2x128xi32, #tpu.memory_space<vmem>> -> memref<1x64xi32, #tpu.memory_space<vmem>>
      %dma_start3A_157 = tpu.memref_squeeze %dma_start3A_156 : memref<1x64xi32, #tpu.memory_space<vmem>> -> memref<64xi32, #tpu.memory_space<vmem>>
      %dma_start3A_158 = arith.constant 0 : i32
      %dma_start3A_159 = arith.constant 0 : i32
      %dma_start3A_160 = tpu.memref_slice %arg2[%dma_start3A_158, %dma_start3A_159] : memref<10000x128xf32, #tpu.memory_space<hbm>> -> memref<10000x128xf32, #tpu.memory_space<hbm>>
      tpu.enqueue_indirect_dma source(%dma_start3A_160 : memref<10000x128xf32, #tpu.memory_space<hbm>>) target(%dma_start3A_154 : memref<64x128xf32, #tpu.memory_space<vmem>>) offsets(%dma_start3A_157 : memref<64xi32, #tpu.memory_space<vmem>>) semaphore(%arg11 : memref<!tpu.dma_semaphore, #tpu.memory_space<semaphore_mem>>)
      %dma_start3A_161 = arith.constant 0 : i32
      %dma_start3A_162 = arith.constant 64 : i32
      %dma_start3A_163 = arith.constant 0 : i32
      %dma_start3A_164 = tpu.memref_slice %arg8[%dma_start3A_162, %dma_start3A_163] : memref<128x128xf32, #tpu.memory_space<vmem>> -> memref<64x128xf32, #tpu.memory_space<vmem>>
      %dma_start3A_165 = arith.constant 64 : i32
      %dma_start3A_166 = tpu.memref_slice %arg6[%dma_start3A_161, %dma_start3A_165] : memref<2x128xi32, #tpu.memory_space<vmem>> -> memref<1x64xi32, #tpu.memory_space<vmem>>
      %dma_start3A_167 = tpu.memref_squeeze %dma_start3A_166 : memref<1x64xi32, #tpu.memory_space<vmem>> -> memref<64xi32, #tpu.memory_space<vmem>>
      %dma_start3A_168 = arith.constant 0 : i32
      %dma_start3A_169 = arith.constant 0 : i32
      %dma_start3A_170 = tpu.memref_slice %arg2[%dma_start3A_168, %dma_start3A_169] : memref<10000x128xf32, #tpu.memory_space<hbm>> -> memref<10000x128xf32, #tpu.memory_space<hbm>>
      tpu.enqueue_indirect_dma source(%dma_start3A_170 : memref<10000x128xf32, #tpu.memory_space<hbm>>) target(%dma_start3A_164 : memref<64x128xf32, #tpu.memory_space<vmem>>) offsets(%dma_start3A_167 : memref<64xi32, #tpu.memory_space<vmem>>) semaphore(%arg11 : memref<!tpu.dma_semaphore, #tpu.memory_space<semaphore_mem>>)
      %dma_wait3A_171 = arith.constant 1 : i32
      %dma_wait3A_172 = arith.constant 0 : i32
      %dma_wait3A_173 = arith.constant 0 : i32
      %dma_wait3A_174 = tpu.memref_slice %arg9[%dma_wait3A_172, %dma_wait3A_173] : memref<128x128xf32, #tpu.memory_space<vmem>> -> memref<64x128xf32, #tpu.memory_space<vmem>>
      %dma_wait3A_175 = arith.constant 0 : i32
      %dma_wait3A_176 = tpu.memref_slice %arg6[%dma_wait3A_171, %dma_wait3A_175] : memref<2x128xi32, #tpu.memory_space<vmem>> -> memref<1x64xi32, #tpu.memory_space<vmem>>
      %dma_wait3A_177 = tpu.memref_squeeze %dma_wait3A_176 : memref<1x64xi32, #tpu.memory_space<vmem>> -> memref<64xi32, #tpu.memory_space<vmem>>
      %dma_wait3A_178 = arith.constant 0 : i32
      %dma_wait3A_179 = arith.constant 0 : i32
      %dma_wait3A_180 = tpu.memref_slice %arg2[%dma_wait3A_178, %dma_wait3A_179] : memref<10000x128xf32, #tpu.memory_space<hbm>> -> memref<10000x128xf32, #tpu.memory_space<hbm>>
      tpu.wait_indirect_dma semaphore(%arg12 : memref<!tpu.dma_semaphore, #tpu.memory_space<semaphore_mem>>) src(%dma_wait3A_180 : memref<10000x128xf32, #tpu.memory_space<hbm>>) dst(%dma_wait3A_174 : memref<64x128xf32, #tpu.memory_space<vmem>>)
      %dma_wait3A_181 = arith.constant 1 : i32
      %dma_wait3A_182 = arith.constant 64 : i32
      %dma_wait3A_183 = arith.constant 0 : i32
      %dma_wait3A_184 = tpu.memref_slice %arg9[%dma_wait3A_182, %dma_wait3A_183] : memref<128x128xf32, #tpu.memory_space<vmem>> -> memref<64x128xf32, #tpu.memory_space<vmem>>
      %dma_wait3A_185 = arith.constant 64 : i32
      %dma_wait3A_186 = tpu.memref_slice %arg6[%dma_wait3A_181, %dma_wait3A_185] : memref<2x128xi32, #tpu.memory_space<vmem>> -> memref<1x64xi32, #tpu.memory_space<vmem>>
      %dma_wait3A_187 = tpu.memref_squeeze %dma_wait3A_186 : memref<1x64xi32, #tpu.memory_space<vmem>> -> memref<64xi32, #tpu.memory_space<vmem>>
      %dma_wait3A_188 = arith.constant 0 : i32
      %dma_wait3A_189 = arith.constant 0 : i32
      %dma_wait3A_190 = tpu.memref_slice %arg2[%dma_wait3A_188, %dma_wait3A_189] : memref<10000x128xf32, #tpu.memory_space<hbm>> -> memref<10000x128xf32, #tpu.memory_space<hbm>>
      tpu.wait_indirect_dma semaphore(%arg12 : memref<!tpu.dma_semaphore, #tpu.memory_space<semaphore_mem>>) src(%dma_wait3A_190 : memref<10000x128xf32, #tpu.memory_space<hbm>>) dst(%dma_wait3A_184 : memref<64x128xf32, #tpu.memory_space<vmem>>)
      %run_scoped3A_191 = arith.constant 1 : i32
      "tpu.region"() ({
        %run_scoped3A_192 = tpu.sem_alloc : memref<!tpu.dma_semaphore, #tpu.memory_space<semaphore_mem>>
        %dma_start3A_193 = arith.constant 0 : i32
        %dma_start3A_194 = tpu.memref_slice %arg7[%run_scoped3A_191, %dma_start3A_193] : memref<2x128xi32, #tpu.memory_space<vmem>> -> memref<1x128xi32, #tpu.memory_space<vmem>>
        %dma_start3A_195 = tpu.memref_squeeze %dma_start3A_194 : memref<1x128xi32, #tpu.memory_space<vmem>> -> memref<128xi32, #tpu.memory_space<vmem>>
        %dma_start3A_196 = arith.constant 0 : i32
        %dma_start3A_197 = arith.constant 0 : i32
        %dma_start3A_198 = tpu.memref_slice %arg10[%dma_start3A_196, %dma_start3A_197] : memref<10240x128xf32, #tpu.memory_space<vmem_shared>> -> memref<10240x128xf32, #tpu.memory_space<vmem_shared>>
        tpu.enqueue_indirect_dma source(%arg9 : memref<128x128xf32, #tpu.memory_space<vmem>>) target(%dma_start3A_198 : memref<10240x128xf32, #tpu.memory_space<vmem_shared>>) offsets(%dma_start3A_195 : memref<128xi32, #tpu.memory_space<vmem>>) semaphore(%run_scoped3A_192 : memref<!tpu.dma_semaphore, #tpu.memory_space<semaphore_mem>>) {add = true}
        %dma_wait3A_199 = arith.constant 0 : i32
        %dma_wait3A_200 = tpu.memref_slice %arg7[%run_scoped3A_191, %dma_wait3A_199] : memref<2x128xi32, #tpu.memory_space<vmem>> -> memref<1x128xi32, #tpu.memory_space<vmem>>
        %dma_wait3A_201 = tpu.memref_squeeze %dma_wait3A_200 : memref<1x128xi32, #tpu.memory_space<vmem>> -> memref<128xi32, #tpu.memory_space<vmem>>
        %dma_wait3A_202 = arith.constant 0 : i32
        %dma_wait3A_203 = arith.constant 0 : i32
        %dma_wait3A_204 = tpu.memref_slice %arg10[%dma_wait3A_202, %dma_wait3A_203] : memref<10240x128xf32, #tpu.memory_space<vmem_shared>> -> memref<10240x128xf32, #tpu.memory_space<vmem_shared>>
        tpu.wait_indirect_dma semaphore(%run_scoped3A_192 : memref<!tpu.dma_semaphore, #tpu.memory_space<semaphore_mem>>) src(%arg9 : memref<128x128xf32, #tpu.memory_space<vmem>>) dst(%dma_wait3A_204 : memref<10240x128xf32, #tpu.memory_space<vmem_shared>>)
        tpu.yield
      }) : () -> ()
    }
    %scan3A_56 = arith.constant 40 : i32
    %dma_wait3A = arith.constant 0 : i32
    %dma_wait3A_57 = arith.constant 0 : i32
    %dma_wait3A_58 = arith.constant 0 : i32
    %dma_wait3A_59 = tpu.memref_slice %arg8[%dma_wait3A_57, %dma_wait3A_58] : memref<128x128xf32, #tpu.memory_space<vmem>> -> memref<64x128xf32, #tpu.memory_space<vmem>>
    %dma_wait3A_60 = arith.constant 0 : i32
    %dma_wait3A_61 = tpu.memref_slice %arg6[%dma_wait3A, %dma_wait3A_60] : memref<2x128xi32, #tpu.memory_space<vmem>> -> memref<1x64xi32, #tpu.memory_space<vmem>>
    %dma_wait3A_62 = tpu.memref_squeeze %dma_wait3A_61 : memref<1x64xi32, #tpu.memory_space<vmem>> -> memref<64xi32, #tpu.memory_space<vmem>>
    %dma_wait3A_63 = arith.constant 0 : i32
    %dma_wait3A_64 = arith.constant 0 : i32
    %dma_wait3A_65 = tpu.memref_slice %arg2[%dma_wait3A_63, %dma_wait3A_64] : memref<10000x128xf32, #tpu.memory_space<hbm>> -> memref<10000x128xf32, #tpu.memory_space<hbm>>
    tpu.wait_indirect_dma semaphore(%arg11 : memref<!tpu.dma_semaphore, #tpu.memory_space<semaphore_mem>>) src(%dma_wait3A_65 : memref<10000x128xf32, #tpu.memory_space<hbm>>) dst(%dma_wait3A_59 : memref<64x128xf32, #tpu.memory_space<vmem>>)
    %dma_wait3A_66 = arith.constant 0 : i32
    %dma_wait3A_67 = arith.constant 64 : i32
    %dma_wait3A_68 = arith.constant 0 : i32
    %dma_wait3A_69 = tpu.memref_slice %arg8[%dma_wait3A_67, %dma_wait3A_68] : memref<128x128xf32, #tpu.memory_space<vmem>> -> memref<64x128xf32, #tpu.memory_space<vmem>>
    %dma_wait3A_70 = arith.constant 64 : i32
    %dma_wait3A_71 = tpu.memref_slice %arg6[%dma_wait3A_66, %dma_wait3A_70] : memref<2x128xi32, #tpu.memory_space<vmem>> -> memref<1x64xi32, #tpu.memory_space<vmem>>
    %dma_wait3A_72 = tpu.memref_squeeze %dma_wait3A_71 : memref<1x64xi32, #tpu.memory_space<vmem>> -> memref<64xi32, #tpu.memory_space<vmem>>
    %dma_wait3A_73 = arith.constant 0 : i32
    %dma_wait3A_74 = arith.constant 0 : i32
    %dma_wait3A_75 = tpu.memref_slice %arg2[%dma_wait3A_73, %dma_wait3A_74] : memref<10000x128xf32, #tpu.memory_space<hbm>> -> memref<10000x128xf32, #tpu.memory_space<hbm>>
    tpu.wait_indirect_dma semaphore(%arg11 : memref<!tpu.dma_semaphore, #tpu.memory_space<semaphore_mem>>) src(%dma_wait3A_75 : memref<10000x128xf32, #tpu.memory_space<hbm>>) dst(%dma_wait3A_69 : memref<64x128xf32, #tpu.memory_space<vmem>>)
    %barrier3A_76 = arith.constant 0 : index
    tpu.barrier barrier_id(%barrier3A_76)
    %mul3A_77 = arith.constant 640 : i32
    %mul3A_78 = arith.muli %arg1, %mul3A_77 : i32
    %add3A_79 = arith.constant 0 : i32
    %add3A_80 = arith.addi %mul3A_78, %add3A_79 : i32
    "tpu.region"() ({
      %run_scoped3A = tpu.sem_alloc : memref<!tpu.dma_semaphore, #tpu.memory_space<semaphore_mem>>
      %dma_start3A_89 = arith.constant 0 : i32
      %dma_start3A_90 = tpu.memref_slice %arg10[%add3A_80, %dma_start3A_89] : memref<10240x128xf32, #tpu.memory_space<vmem_shared>> -> memref<128x128xf32, #tpu.memory_space<vmem_shared>>
      %dma_start3A_91 = arith.constant 0 : i32
      %dma_start3A_92 = tpu.memref_slice %arg10[%add3A_80, %dma_start3A_91] : memref<10240x128xf32, #tpu.memory_space<vmem_shared>> -> memref<128x128xf32, #tpu.memory_space<vmem_shared>>
      tpu.enqueue_dma source(%dma_start3A_92 : memref<128x128xf32, #tpu.memory_space<vmem_shared>>) target(%arg8 : memref<128x128xf32, #tpu.memory_space<vmem>>) target_semaphore(%run_scoped3A : memref<!tpu.dma_semaphore, #tpu.memory_space<semaphore_mem>>)
      %dma_wait3A_93 = arith.constant 0 : i32
      %dma_wait3A_94 = tpu.memref_slice %arg10[%add3A_80, %dma_wait3A_93] : memref<10240x128xf32, #tpu.memory_space<vmem_shared>> -> memref<128x128xf32, #tpu.memory_space<vmem_shared>>
      %dma_wait3A_95 = arith.constant 0 : i32
      %dma_wait3A_96 = tpu.memref_slice %arg10[%add3A_80, %dma_wait3A_95] : memref<10240x128xf32, #tpu.memory_space<vmem_shared>> -> memref<128x128xf32, #tpu.memory_space<vmem_shared>>
      tpu.wait_dma2 semaphore(%run_scoped3A : memref<!tpu.dma_semaphore, #tpu.memory_space<semaphore_mem>>) src(%dma_wait3A_96 : memref<128x128xf32, #tpu.memory_space<vmem_shared>>) dst(%arg8 : memref<128x128xf32, #tpu.memory_space<vmem>>)
      tpu.yield
    }) : () -> ()
    "tpu.region"() ({
      %run_scoped3A = tpu.sem_alloc : memref<!tpu.dma_semaphore, #tpu.memory_space<semaphore_mem>>
      %dma_start3A_89 = arith.constant 0 : i32
      %dma_start3A_90 = tpu.memref_slice %arg4[%arg0, %add3A_80, %dma_start3A_89] : memref<2x10240x128xf32, #tpu.memory_space<hbm>> -> memref<1x128x128xf32, #tpu.memory_space<hbm>>
      %dma_start3A_91 = tpu.memref_squeeze %dma_start3A_90 : memref<1x128x128xf32, #tpu.memory_space<hbm>> -> memref<128x128xf32, #tpu.memory_space<hbm>>
      %dma_start3A_92 = arith.constant 0 : i32
      %dma_start3A_93 = tpu.memref_slice %arg4[%arg0, %add3A_80, %dma_start3A_92] : memref<2x10240x128xf32, #tpu.memory_space<hbm>> -> memref<1x128x128xf32, #tpu.memory_space<hbm>>
      %dma_start3A_94 = tpu.memref_squeeze %dma_start3A_93 : memref<1x128x128xf32, #tpu.memory_space<hbm>> -> memref<128x128xf32, #tpu.memory_space<hbm>>
      tpu.enqueue_dma source(%arg8 : memref<128x128xf32, #tpu.memory_space<vmem>>) target(%dma_start3A_94 : memref<128x128xf32, #tpu.memory_space<hbm>>) target_semaphore(%run_scoped3A : memref<!tpu.dma_semaphore, #tpu.memory_space<semaphore_mem>>)
      %dma_wait3A_95 = arith.constant 0 : i32
      %dma_wait3A_96 = tpu.memref_slice %arg4[%arg0, %add3A_80, %dma_wait3A_95] : memref<2x10240x128xf32, #tpu.memory_space<hbm>> -> memref<1x128x128xf32, #tpu.memory_space<hbm>>
      %dma_wait3A_97 = tpu.memref_squeeze %dma_wait3A_96 : memref<1x128x128xf32, #tpu.memory_space<hbm>> -> memref<128x128xf32, #tpu.memory_space<hbm>>
      %dma_wait3A_98 = arith.constant 0 : i32
      %dma_wait3A_99 = tpu.memref_slice %arg4[%arg0, %add3A_80, %dma_wait3A_98] : memref<2x10240x128xf32, #tpu.memory_space<hbm>> -> memref<1x128x128xf32, #tpu.memory_space<hbm>>
      %dma_wait3A_100 = tpu.memref_squeeze %dma_wait3A_99 : memref<1x128x128xf32, #tpu.memory_space<hbm>> -> memref<128x128xf32, #tpu.memory_space<hbm>>
      tpu.wait_dma2 semaphore(%run_scoped3A : memref<!tpu.dma_semaphore, #tpu.memory_space<semaphore_mem>>) src(%arg8 : memref<128x128xf32, #tpu.memory_space<vmem>>) dst(%dma_wait3A_100 : memref<128x128xf32, #tpu.memory_space<hbm>>)
      tpu.yield
    }) : () -> ()
    %add3A_81 = arith.constant 128 : i32
    %add3A_82 = arith.addi %mul3A_78, %add3A_81 : i32
    "tpu.region"() ({
      %run_scoped3A = tpu.sem_alloc : memref<!tpu.dma_semaphore, #tpu.memory_space<semaphore_mem>>
      %dma_start3A_89 = arith.constant 0 : i32
      %dma_start3A_90 = tpu.memref_slice %arg10[%add3A_82, %dma_start3A_89] : memref<10240x128xf32, #tpu.memory_space<vmem_shared>> -> memref<128x128xf32, #tpu.memory_space<vmem_shared>>
      %dma_start3A_91 = arith.constant 0 : i32
      %dma_start3A_92 = tpu.memref_slice %arg10[%add3A_82, %dma_start3A_91] : memref<10240x128xf32, #tpu.memory_space<vmem_shared>> -> memref<128x128xf32, #tpu.memory_space<vmem_shared>>
      tpu.enqueue_dma source(%dma_start3A_92 : memref<128x128xf32, #tpu.memory_space<vmem_shared>>) target(%arg8 : memref<128x128xf32, #tpu.memory_space<vmem>>) target_semaphore(%run_scoped3A : memref<!tpu.dma_semaphore, #tpu.memory_space<semaphore_mem>>)
      %dma_wait3A_93 = arith.constant 0 : i32
      %dma_wait3A_94 = tpu.memref_slice %arg10[%add3A_82, %dma_wait3A_93] : memref<10240x128xf32, #tpu.memory_space<vmem_shared>> -> memref<128x128xf32, #tpu.memory_space<vmem_shared>>
      %dma_wait3A_95 = arith.constant 0 : i32
      %dma_wait3A_96 = tpu.memref_slice %arg10[%add3A_82, %dma_wait3A_95] : memref<10240x128xf32, #tpu.memory_space<vmem_shared>> -> memref<128x128xf32, #tpu.memory_space<vmem_shared>>
      tpu.wait_dma2 semaphore(%run_scoped3A : memref<!tpu.dma_semaphore, #tpu.memory_space<semaphore_mem>>) src(%dma_wait3A_96 : memref<128x128xf32, #tpu.memory_space<vmem_shared>>) dst(%arg8 : memref<128x128xf32, #tpu.memory_space<vmem>>)
      tpu.yield
    }) : () -> ()
    "tpu.region"() ({
      %run_scoped3A = tpu.sem_alloc : memref<!tpu.dma_semaphore, #tpu.memory_space<semaphore_mem>>
      %dma_start3A_89 = arith.constant 0 : i32
      %dma_start3A_90 = tpu.memref_slice %arg4[%arg0, %add3A_82, %dma_start3A_89] : memref<2x10240x128xf32, #tpu.memory_space<hbm>> -> memref<1x128x128xf32, #tpu.memory_space<hbm>>
      %dma_start3A_91 = tpu.memref_squeeze %dma_start3A_90 : memref<1x128x128xf32, #tpu.memory_space<hbm>> -> memref<128x128xf32, #tpu.memory_space<hbm>>
      %dma_start3A_92 = arith.constant 0 : i32
      %dma_start3A_93 = tpu.memref_slice %arg4[%arg0, %add3A_82, %dma_start3A_92] : memref<2x10240x128xf32, #tpu.memory_space<hbm>> -> memref<1x128x128xf32, #tpu.memory_space<hbm>>
      %dma_start3A_94 = tpu.memref_squeeze %dma_start3A_93 : memref<1x128x128xf32, #tpu.memory_space<hbm>> -> memref<128x128xf32, #tpu.memory_space<hbm>>
      tpu.enqueue_dma source(%arg8 : memref<128x128xf32, #tpu.memory_space<vmem>>) target(%dma_start3A_94 : memref<128x128xf32, #tpu.memory_space<hbm>>) target_semaphore(%run_scoped3A : memref<!tpu.dma_semaphore, #tpu.memory_space<semaphore_mem>>)
      %dma_wait3A_95 = arith.constant 0 : i32
      %dma_wait3A_96 = tpu.memref_slice %arg4[%arg0, %add3A_82, %dma_wait3A_95] : memref<2x10240x128xf32, #tpu.memory_space<hbm>> -> memref<1x128x128xf32, #tpu.memory_space<hbm>>
      %dma_wait3A_97 = tpu.memref_squeeze %dma_wait3A_96 : memref<1x128x128xf32, #tpu.memory_space<hbm>> -> memref<128x128xf32, #tpu.memory_space<hbm>>
      %dma_wait3A_98 = arith.constant 0 : i32
      %dma_wait3A_99 = tpu.memref_slice %arg4[%arg0, %add3A_82, %dma_wait3A_98] : memref<2x10240x128xf32, #tpu.memory_space<hbm>> -> memref<1x128x128xf32, #tpu.memory_space<hbm>>
      %dma_wait3A_100 = tpu.memref_squeeze %dma_wait3A_99 : memref<1x128x128xf32, #tpu.memory_space<hbm>> -> memref<128x128xf32, #tpu.memory_space<hbm>>
      tpu.wait_dma2 semaphore(%run_scoped3A : memref<!tpu.dma_semaphore, #tpu.memory_space<semaphore_mem>>) src(%arg8 : memref<128x128xf32, #tpu.memory_space<vmem>>) dst(%dma_wait3A_100 : memref<128x128xf32, #tpu.memory_space<hbm>>)
      tpu.yield
    }) : () -> ()
    %add3A_83 = arith.constant 256 : i32
    %add3A_84 = arith.addi %mul3A_78, %add3A_83 : i32
    "tpu.region"() ({
      %run_scoped3A = tpu.sem_alloc : memref<!tpu.dma_semaphore, #tpu.memory_space<semaphore_mem>>
      %dma_start3A_89 = arith.constant 0 : i32
      %dma_start3A_90 = tpu.memref_slice %arg10[%add3A_84, %dma_start3A_89] : memref<10240x128xf32, #tpu.memory_space<vmem_shared>> -> memref<128x128xf32, #tpu.memory_space<vmem_shared>>
      %dma_start3A_91 = arith.constant 0 : i32
      %dma_start3A_92 = tpu.memref_slice %arg10[%add3A_84, %dma_start3A_91] : memref<10240x128xf32, #tpu.memory_space<vmem_shared>> -> memref<128x128xf32, #tpu.memory_space<vmem_shared>>
      tpu.enqueue_dma source(%dma_start3A_92 : memref<128x128xf32, #tpu.memory_space<vmem_shared>>) target(%arg8 : memref<128x128xf32, #tpu.memory_space<vmem>>) target_semaphore(%run_scoped3A : memref<!tpu.dma_semaphore, #tpu.memory_space<semaphore_mem>>)
      %dma_wait3A_93 = arith.constant 0 : i32
      %dma_wait3A_94 = tpu.memref_slice %arg10[%add3A_84, %dma_wait3A_93] : memref<10240x128xf32, #tpu.memory_space<vmem_shared>> -> memref<128x128xf32, #tpu.memory_space<vmem_shared>>
      %dma_wait3A_95 = arith.constant 0 : i32
      %dma_wait3A_96 = tpu.memref_slice %arg10[%add3A_84, %dma_wait3A_95] : memref<10240x128xf32, #tpu.memory_space<vmem_shared>> -> memref<128x128xf32, #tpu.memory_space<vmem_shared>>
      tpu.wait_dma2 semaphore(%run_scoped3A : memref<!tpu.dma_semaphore, #tpu.memory_space<semaphore_mem>>) src(%dma_wait3A_96 : memref<128x128xf32, #tpu.memory_space<vmem_shared>>) dst(%arg8 : memref<128x128xf32, #tpu.memory_space<vmem>>)
      tpu.yield
    }) : () -> ()
    "tpu.region"() ({
      %run_scoped3A = tpu.sem_alloc : memref<!tpu.dma_semaphore, #tpu.memory_space<semaphore_mem>>
      %dma_start3A_89 = arith.constant 0 : i32
      %dma_start3A_90 = tpu.memref_slice %arg4[%arg0, %add3A_84, %dma_start3A_89] : memref<2x10240x128xf32, #tpu.memory_space<hbm>> -> memref<1x128x128xf32, #tpu.memory_space<hbm>>
      %dma_start3A_91 = tpu.memref_squeeze %dma_start3A_90 : memref<1x128x128xf32, #tpu.memory_space<hbm>> -> memref<128x128xf32, #tpu.memory_space<hbm>>
      %dma_start3A_92 = arith.constant 0 : i32
      %dma_start3A_93 = tpu.memref_slice %arg4[%arg0, %add3A_84, %dma_start3A_92] : memref<2x10240x128xf32, #tpu.memory_space<hbm>> -> memref<1x128x128xf32, #tpu.memory_space<hbm>>
      %dma_start3A_94 = tpu.memref_squeeze %dma_start3A_93 : memref<1x128x128xf32, #tpu.memory_space<hbm>> -> memref<128x128xf32, #tpu.memory_space<hbm>>
      tpu.enqueue_dma source(%arg8 : memref<128x128xf32, #tpu.memory_space<vmem>>) target(%dma_start3A_94 : memref<128x128xf32, #tpu.memory_space<hbm>>) target_semaphore(%run_scoped3A : memref<!tpu.dma_semaphore, #tpu.memory_space<semaphore_mem>>)
      %dma_wait3A_95 = arith.constant 0 : i32
      %dma_wait3A_96 = tpu.memref_slice %arg4[%arg0, %add3A_84, %dma_wait3A_95] : memref<2x10240x128xf32, #tpu.memory_space<hbm>> -> memref<1x128x128xf32, #tpu.memory_space<hbm>>
      %dma_wait3A_97 = tpu.memref_squeeze %dma_wait3A_96 : memref<1x128x128xf32, #tpu.memory_space<hbm>> -> memref<128x128xf32, #tpu.memory_space<hbm>>
      %dma_wait3A_98 = arith.constant 0 : i32
      %dma_wait3A_99 = tpu.memref_slice %arg4[%arg0, %add3A_84, %dma_wait3A_98] : memref<2x10240x128xf32, #tpu.memory_space<hbm>> -> memref<1x128x128xf32, #tpu.memory_space<hbm>>
      %dma_wait3A_100 = tpu.memref_squeeze %dma_wait3A_99 : memref<1x128x128xf32, #tpu.memory_space<hbm>> -> memref<128x128xf32, #tpu.memory_space<hbm>>
      tpu.wait_dma2 semaphore(%run_scoped3A : memref<!tpu.dma_semaphore, #tpu.memory_space<semaphore_mem>>) src(%arg8 : memref<128x128xf32, #tpu.memory_space<vmem>>) dst(%dma_wait3A_100 : memref<128x128xf32, #tpu.memory_space<hbm>>)
      tpu.yield
    }) : () -> ()
    %add3A_85 = arith.constant 384 : i32
    %add3A_86 = arith.addi %mul3A_78, %add3A_85 : i32
    "tpu.region"() ({
      %run_scoped3A = tpu.sem_alloc : memref<!tpu.dma_semaphore, #tpu.memory_space<semaphore_mem>>
      %dma_start3A_89 = arith.constant 0 : i32
      %dma_start3A_90 = tpu.memref_slice %arg10[%add3A_86, %dma_start3A_89] : memref<10240x128xf32, #tpu.memory_space<vmem_shared>> -> memref<128x128xf32, #tpu.memory_space<vmem_shared>>
      %dma_start3A_91 = arith.constant 0 : i32
      %dma_start3A_92 = tpu.memref_slice %arg10[%add3A_86, %dma_start3A_91] : memref<10240x128xf32, #tpu.memory_space<vmem_shared>> -> memref<128x128xf32, #tpu.memory_space<vmem_shared>>
      tpu.enqueue_dma source(%dma_start3A_92 : memref<128x128xf32, #tpu.memory_space<vmem_shared>>) target(%arg8 : memref<128x128xf32, #tpu.memory_space<vmem>>) target_semaphore(%run_scoped3A : memref<!tpu.dma_semaphore, #tpu.memory_space<semaphore_mem>>)
      %dma_wait3A_93 = arith.constant 0 : i32
      %dma_wait3A_94 = tpu.memref_slice %arg10[%add3A_86, %dma_wait3A_93] : memref<10240x128xf32, #tpu.memory_space<vmem_shared>> -> memref<128x128xf32, #tpu.memory_space<vmem_shared>>
      %dma_wait3A_95 = arith.constant 0 : i32
      %dma_wait3A_96 = tpu.memref_slice %arg10[%add3A_86, %dma_wait3A_95] : memref<10240x128xf32, #tpu.memory_space<vmem_shared>> -> memref<128x128xf32, #tpu.memory_space<vmem_shared>>
      tpu.wait_dma2 semaphore(%run_scoped3A : memref<!tpu.dma_semaphore, #tpu.memory_space<semaphore_mem>>) src(%dma_wait3A_96 : memref<128x128xf32, #tpu.memory_space<vmem_shared>>) dst(%arg8 : memref<128x128xf32, #tpu.memory_space<vmem>>)
      tpu.yield
    }) : () -> ()
    "tpu.region"() ({
      %run_scoped3A = tpu.sem_alloc : memref<!tpu.dma_semaphore, #tpu.memory_space<semaphore_mem>>
      %dma_start3A_89 = arith.constant 0 : i32
      %dma_start3A_90 = tpu.memref_slice %arg4[%arg0, %add3A_86, %dma_start3A_89] : memref<2x10240x128xf32, #tpu.memory_space<hbm>> -> memref<1x128x128xf32, #tpu.memory_space<hbm>>
      %dma_start3A_91 = tpu.memref_squeeze %dma_start3A_90 : memref<1x128x128xf32, #tpu.memory_space<hbm>> -> memref<128x128xf32, #tpu.memory_space<hbm>>
      %dma_start3A_92 = arith.constant 0 : i32
      %dma_start3A_93 = tpu.memref_slice %arg4[%arg0, %add3A_86, %dma_start3A_92] : memref<2x10240x128xf32, #tpu.memory_space<hbm>> -> memref<1x128x128xf32, #tpu.memory_space<hbm>>
      %dma_start3A_94 = tpu.memref_squeeze %dma_start3A_93 : memref<1x128x128xf32, #tpu.memory_space<hbm>> -> memref<128x128xf32, #tpu.memory_space<hbm>>
      tpu.enqueue_dma source(%arg8 : memref<128x128xf32, #tpu.memory_space<vmem>>) target(%dma_start3A_94 : memref<128x128xf32, #tpu.memory_space<hbm>>) target_semaphore(%run_scoped3A : memref<!tpu.dma_semaphore, #tpu.memory_space<semaphore_mem>>)
      %dma_wait3A_95 = arith.constant 0 : i32
      %dma_wait3A_96 = tpu.memref_slice %arg4[%arg0, %add3A_86, %dma_wait3A_95] : memref<2x10240x128xf32, #tpu.memory_space<hbm>> -> memref<1x128x128xf32, #tpu.memory_space<hbm>>
      %dma_wait3A_97 = tpu.memref_squeeze %dma_wait3A_96 : memref<1x128x128xf32, #tpu.memory_space<hbm>> -> memref<128x128xf32, #tpu.memory_space<hbm>>
      %dma_wait3A_98 = arith.constant 0 : i32
      %dma_wait3A_99 = tpu.memref_slice %arg4[%arg0, %add3A_86, %dma_wait3A_98] : memref<2x10240x128xf32, #tpu.memory_space<hbm>> -> memref<1x128x128xf32, #tpu.memory_space<hbm>>
      %dma_wait3A_100 = tpu.memref_squeeze %dma_wait3A_99 : memref<1x128x128xf32, #tpu.memory_space<hbm>> -> memref<128x128xf32, #tpu.memory_space<hbm>>
      tpu.wait_dma2 semaphore(%run_scoped3A : memref<!tpu.dma_semaphore, #tpu.memory_space<semaphore_mem>>) src(%arg8 : memref<128x128xf32, #tpu.memory_space<vmem>>) dst(%dma_wait3A_100 : memref<128x128xf32, #tpu.memory_space<hbm>>)
      tpu.yield
    }) : () -> ()
    %add3A_87 = arith.constant 512 : i32
    %add3A_88 = arith.addi %mul3A_78, %add3A_87 : i32
    "tpu.region"() ({
      %run_scoped3A = tpu.sem_alloc : memref<!tpu.dma_semaphore, #tpu.memory_space<semaphore_mem>>
      %dma_start3A_89 = arith.constant 0 : i32
      %dma_start3A_90 = tpu.memref_slice %arg10[%add3A_88, %dma_start3A_89] : memref<10240x128xf32, #tpu.memory_space<vmem_shared>> -> memref<128x128xf32, #tpu.memory_space<vmem_shared>>
      %dma_start3A_91 = arith.constant 0 : i32
      %dma_start3A_92 = tpu.memref_slice %arg10[%add3A_88, %dma_start3A_91] : memref<10240x128xf32, #tpu.memory_space<vmem_shared>> -> memref<128x128xf32, #tpu.memory_space<vmem_shared>>
      tpu.enqueue_dma source(%dma_start3A_92 : memref<128x128xf32, #tpu.memory_space<vmem_shared>>) target(%arg8 : memref<128x128xf32, #tpu.memory_space<vmem>>) target_semaphore(%run_scoped3A : memref<!tpu.dma_semaphore, #tpu.memory_space<semaphore_mem>>)
      %dma_wait3A_93 = arith.constant 0 : i32
      %dma_wait3A_94 = tpu.memref_slice %arg10[%add3A_88, %dma_wait3A_93] : memref<10240x128xf32, #tpu.memory_space<vmem_shared>> -> memref<128x128xf32, #tpu.memory_space<vmem_shared>>
      %dma_wait3A_95 = arith.constant 0 : i32
      %dma_wait3A_96 = tpu.memref_slice %arg10[%add3A_88, %dma_wait3A_95] : memref<10240x128xf32, #tpu.memory_space<vmem_shared>> -> memref<128x128xf32, #tpu.memory_space<vmem_shared>>
      tpu.wait_dma2 semaphore(%run_scoped3A : memref<!tpu.dma_semaphore, #tpu.memory_space<semaphore_mem>>) src(%dma_wait3A_96 : memref<128x128xf32, #tpu.memory_space<vmem_shared>>) dst(%arg8 : memref<128x128xf32, #tpu.memory_space<vmem>>)
      tpu.yield
    }) : () -> ()
    "tpu.region"() ({
      %run_scoped3A = tpu.sem_alloc : memref<!tpu.dma_semaphore, #tpu.memory_space<semaphore_mem>>
      %dma_start3A_89 = arith.constant 0 : i32
      %dma_start3A_90 = tpu.memref_slice %arg4[%arg0, %add3A_88, %dma_start3A_89] : memref<2x10240x128xf32, #tpu.memory_space<hbm>> -> memref<1x128x128xf32, #tpu.memory_space<hbm>>
      %dma_start3A_91 = tpu.memref_squeeze %dma_start3A_90 : memref<1x128x128xf32, #tpu.memory_space<hbm>> -> memref<128x128xf32, #tpu.memory_space<hbm>>
      %dma_start3A_92 = arith.constant 0 : i32
      %dma_start3A_93 = tpu.memref_slice %arg4[%arg0, %add3A_88, %dma_start3A_92] : memref<2x10240x128xf32, #tpu.memory_space<hbm>> -> memref<1x128x128xf32, #tpu.memory_space<hbm>>
      %dma_start3A_94 = tpu.memref_squeeze %dma_start3A_93 : memref<1x128x128xf32, #tpu.memory_space<hbm>> -> memref<128x128xf32, #tpu.memory_space<hbm>>
      tpu.enqueue_dma source(%arg8 : memref<128x128xf32, #tpu.memory_space<vmem>>) target(%dma_start3A_94 : memref<128x128xf32, #tpu.memory_space<hbm>>) target_semaphore(%run_scoped3A : memref<!tpu.dma_semaphore, #tpu.memory_space<semaphore_mem>>)
      %dma_wait3A_95 = arith.constant 0 : i32
      %dma_wait3A_96 = tpu.memref_slice %arg4[%arg0, %add3A_88, %dma_wait3A_95] : memref<2x10240x128xf32, #tpu.memory_space<hbm>> -> memref<1x128x128xf32, #tpu.memory_space<hbm>>
      %dma_wait3A_97 = tpu.memref_squeeze %dma_wait3A_96 : memref<1x128x128xf32, #tpu.memory_space<hbm>> -> memref<128x128xf32, #tpu.memory_space<hbm>>
      %dma_wait3A_98 = arith.constant 0 : i32
      %dma_wait3A_99 = tpu.memref_slice %arg4[%arg0, %add3A_88, %dma_wait3A_98] : memref<2x10240x128xf32, #tpu.memory_space<hbm>> -> memref<1x128x128xf32, #tpu.memory_space<hbm>>
      %dma_wait3A_100 = tpu.memref_squeeze %dma_wait3A_99 : memref<1x128x128xf32, #tpu.memory_space<hbm>> -> memref<128x128xf32, #tpu.memory_space<hbm>>
      tpu.wait_dma2 semaphore(%run_scoped3A : memref<!tpu.dma_semaphore, #tpu.memory_space<semaphore_mem>>) src(%arg8 : memref<128x128xf32, #tpu.memory_space<vmem>>) dst(%dma_wait3A_100 : memref<128x128xf32, #tpu.memory_space<hbm>>)
      tpu.yield
    }) : () -> ()
    return
  }
}

module attributes {stable_mosaic.version = 14 : i64} {
  func.func @_pre_body(%arg0: memref<2x10240x128xf32, #tpu.memory_space<vmem>>, %arg1: memref<10000x128xf32, #tpu.memory_space<vmem>>, %arg2: memref<128x128xf32, #tpu.memory_space<vmem>>, %arg3: memref<10000x128xf32, #tpu.memory_space<vmem>>, %arg4: memref<10000x128xf32, #tpu.memory_space<vmem>>) attributes {dimension_semantics = [], scalar_prefetch = 0 : i64, scratch_operands = 0 : i64, tpu.core_type = #tpu.core_type<tc>} {
    %get3A = arith.constant 0 : index
    %get3A_0 = arith.constant 0 : index
    %get3A_1 = arith.constant 0 : index
    %get3A_2 = vector.load %arg0[%get3A, %get3A_0, %get3A_1] : memref<2x10240x128xf32, #tpu.memory_space<vmem>>, vector<2x10240x128xf32>
    %slice3A = vector.extract_strided_slice %get3A_2 {offsets = [0, 0, 0], sizes = [1, 10000, 1], strides = [1, 1, 1]} : vector<2x10240x128xf32> to vector<1x10000x1xf32>
    %squeeze3A = vector.shape_cast %slice3A : vector<1x10000x1xf32> to vector<10000xf32>
    %add3A = arith.constant 1.000000e+00 : f32
    %add3A_3 = vector.broadcast %add3A : f32 to vector<10000xf32>
    %add3A_4 = arith.addf %add3A_3, %squeeze3A : vector<10000xf32>
    %slice3A_5 = vector.extract_strided_slice %get3A_2 {offsets = [1, 0, 0], sizes = [1, 10000, 1], strides = [1, 1, 1]} : vector<2x10240x128xf32> to vector<1x10000x1xf32>
    %squeeze3A_6 = vector.shape_cast %slice3A_5 : vector<1x10000x1xf32> to vector<10000xf32>
    %add3A_7 = arith.addf %add3A_4, %squeeze3A_6 : vector<10000xf32>
    %rsqrt3A = math.rsqrt %add3A_7 : vector<10000xf32>
    %broadcast_in_dim3A = vector.shape_cast %rsqrt3A : vector<10000xf32> to vector<10000x1xf32>
    %broadcast_in_dim3A_8 = vector.shape_cast %broadcast_in_dim3A : vector<10000x1xf32> to vector<10000x1xf32>
    %broadcast_in_dim3A_9 = vector.broadcast %broadcast_in_dim3A_8 : vector<10000x1xf32> to vector<10000x128xf32>
    %get3A_10 = arith.constant 0 : index
    %get3A_11 = arith.constant 0 : index
    %get3A_12 = vector.load %arg1[%get3A_10, %get3A_11] : memref<10000x128xf32, #tpu.memory_space<vmem>>, vector<10000x128xf32>
    %get3A_13 = arith.constant 0 : index
    %get3A_14 = arith.constant 0 : index
    %get3A_15 = vector.load %arg2[%get3A_13, %get3A_14] : memref<128x128xf32, #tpu.memory_space<vmem>>, vector<128x128xf32>
    %dot_general3A = arith.constant dense<0.000000e+00> : vector<10000x128xf32>
    %dot_general3A_16 = tpu.matmul %get3A_12, %get3A_15, %dot_general3A {dimension_numbers = #tpu.dot_dimension_numbers<[1], [0], [0], [1], [0, 0, 1, 1], [], []>, transpose_lhs_hint = false} : vector<10000x128xf32>, vector<128x128xf32>, vector<10000x128xf32> -> vector<10000x128xf32>
    %mul3A = arith.mulf %dot_general3A_16, %broadcast_in_dim3A_9 : vector<10000x128xf32>
    %swap3A = arith.constant 0 : index
    %swap3A_17 = arith.constant 0 : index
    %swap3A_18 = vector.load %arg3[%swap3A, %swap3A_17] : memref<10000x128xf32, #tpu.memory_space<vmem>>, vector<10000x128xf32>
    tpu.vector_store %arg3[%swap3A, %swap3A_17], %mul3A {strides = array<i32>} : memref<10000x128xf32, #tpu.memory_space<vmem>>, vector<10000x128xf32>,
    %swap3A_19 = arith.constant 0 : index
    %swap3A_20 = arith.constant 0 : index
    %swap3A_21 = vector.load %arg4[%swap3A_19, %swap3A_20] : memref<10000x128xf32, #tpu.memory_space<vmem>>, vector<10000x128xf32>
    tpu.vector_store %arg4[%swap3A_19, %swap3A_20], %broadcast_in_dim3A_9 {strides = array<i32>} : memref<10000x128xf32, #tpu.memory_space<vmem>>, vector<10000x128xf32>,
    return
  }
}

module attributes {stable_mosaic.version = 14 : i64} {
  func.func @_mid_body(%arg0: memref<2x10240x128xf32, #tpu.memory_space<vmem>>, %arg1: memref<10000x128xf32, #tpu.memory_space<vmem>>, %arg2: memref<10000x128xf32, #tpu.memory_space<vmem>>, %arg3: memref<128xf32, #tpu.memory_space<vmem>>, %arg4: memref<128xf32, #tpu.memory_space<vmem>>, %arg5: memref<128xf32, #tpu.memory_space<vmem>>, %arg6: memref<128x128xf32, #tpu.memory_space<vmem>>, %arg7: memref<10000x128xf32, #tpu.memory_space<vmem>>) attributes {dimension_semantics = [], scalar_prefetch = 0 : i64, scratch_operands = 0 : i64, tpu.core_type = #tpu.core_type<tc>} {
    %get3A = arith.constant 0 : index
    %get3A_0 = arith.constant 0 : index
    %get3A_1 = arith.constant 0 : index
    %get3A_2 = vector.load %arg0[%get3A, %get3A_0, %get3A_1] : memref<2x10240x128xf32, #tpu.memory_space<vmem>>, vector<2x10240x128xf32>
    %get3A_3 = arith.constant 0 : index
    %get3A_4 = arith.constant 0 : index
    %get3A_5 = vector.load %arg2[%get3A_3, %get3A_4] : memref<10000x128xf32, #tpu.memory_space<vmem>>, vector<10000x128xf32>
    %slice3A = vector.extract_strided_slice %get3A_2 {offsets = [0, 0, 0], sizes = [1, 10000, 128], strides = [1, 1, 1]} : vector<2x10240x128xf32> to vector<1x10000x128xf32>
    %squeeze3A = vector.shape_cast %slice3A : vector<1x10000x128xf32> to vector<10000x128xf32>
    %slice3A_6 = vector.extract_strided_slice %get3A_2 {offsets = [1, 0, 0], sizes = [1, 10000, 128], strides = [1, 1, 1]} : vector<2x10240x128xf32> to vector<1x10000x128xf32>
    %squeeze3A_7 = vector.shape_cast %slice3A_6 : vector<1x10000x128xf32> to vector<10000x128xf32>
    %add3A = arith.addf %squeeze3A, %squeeze3A_7 : vector<10000x128xf32>
    %get3A_8 = arith.constant 0 : index
    %get3A_9 = arith.constant 0 : index
    %get3A_10 = vector.load %arg1[%get3A_8, %get3A_9] : memref<10000x128xf32, #tpu.memory_space<vmem>>, vector<10000x128xf32>
    %add3A_11 = arith.addf %add3A, %get3A_10 : vector<10000x128xf32>
    %mul3A = arith.mulf %add3A_11, %get3A_5 : vector<10000x128xf32>
    %get3A_12 = arith.constant 0 : index
    %get3A_13 = vector.load %arg3[%get3A_12] : memref<128xf32, #tpu.memory_space<vmem>>, vector<128xf32>
    %broadcast_in_dim3A = vector.shape_cast %get3A_13 : vector<128xf32> to vector<1x128xf32>
    %add3A_14 = vector.broadcast %broadcast_in_dim3A : vector<1x128xf32> to vector<10000x128xf32>
    %add3A_15 = arith.addf %mul3A, %add3A_14 : vector<10000x128xf32>
    %get3A_16 = arith.constant 0 : index
    %get3A_17 = vector.load %arg4[%get3A_16] : memref<128xf32, #tpu.memory_space<vmem>>, vector<128xf32>
    %get3A_18 = arith.constant 0 : index
    %get3A_19 = vector.load %arg5[%get3A_18] : memref<128xf32, #tpu.memory_space<vmem>>, vector<128xf32>
    %reduce_sum3A = arith.constant dense<0.000000e+00> : vector<128xf32>
    %reduce_sum3A_20 = vector.multi_reduction <add>, %add3A_15, %reduce_sum3A [0] : vector<10000x128xf32> to vector<128xf32>
    %div3A = arith.constant 1.000000e+04 : f32
    %div3A_21 = vector.broadcast %div3A : f32 to vector<128xf32>
    %div3A_22 = arith.divf %reduce_sum3A_20, %div3A_21 : vector<128xf32>
    %broadcast_in_dim3A_23 = vector.shape_cast %div3A_22 : vector<128xf32> to vector<1x128xf32>
    %sub3A = vector.broadcast %broadcast_in_dim3A_23 : vector<1x128xf32> to vector<10000x128xf32>
    %sub3A_24 = arith.subf %add3A_15, %sub3A : vector<10000x128xf32>
    %integer_pow3A = arith.mulf %sub3A_24, %sub3A_24 : vector<10000x128xf32>
    %reduce_sum3A_25 = arith.constant dense<0.000000e+00> : vector<128xf32>
    %reduce_sum3A_26 = vector.multi_reduction <add>, %integer_pow3A, %reduce_sum3A_25 [0] : vector<10000x128xf32> to vector<128xf32>
    %div3A_27 = arith.constant 1.000000e+04 : f32
    %div3A_28 = vector.broadcast %div3A_27 : f32 to vector<128xf32>
    %div3A_29 = arith.divf %reduce_sum3A_26, %div3A_28 : vector<128xf32>
    %broadcast_in_dim3A_30 = vector.shape_cast %div3A_22 : vector<128xf32> to vector<1x128xf32>
    %sub3A_31 = vector.broadcast %broadcast_in_dim3A_30 : vector<1x128xf32> to vector<10000x128xf32>
    %sub3A_32 = arith.subf %add3A_15, %sub3A_31 : vector<10000x128xf32>
    %add3A_33 = arith.constant 9.99999974E-6 : f32
    %add3A_34 = vector.broadcast %add3A_33 : f32 to vector<128xf32>
    %add3A_35 = arith.addf %div3A_29, %add3A_34 : vector<128xf32>
    %rsqrt3A = math.rsqrt %add3A_35 : vector<128xf32>
    %broadcast_in_dim3A_36 = vector.shape_cast %rsqrt3A : vector<128xf32> to vector<1x128xf32>
    %mul3A_37 = vector.broadcast %broadcast_in_dim3A_36 : vector<1x128xf32> to vector<10000x128xf32>
    %mul3A_38 = arith.mulf %sub3A_32, %mul3A_37 : vector<10000x128xf32>
    %broadcast_in_dim3A_39 = vector.shape_cast %get3A_17 : vector<128xf32> to vector<1x128xf32>
    %mul3A_40 = vector.broadcast %broadcast_in_dim3A_39 : vector<1x128xf32> to vector<10000x128xf32>
    %mul3A_41 = arith.mulf %mul3A_38, %mul3A_40 : vector<10000x128xf32>
    %broadcast_in_dim3A_42 = vector.shape_cast %get3A_19 : vector<128xf32> to vector<1x128xf32>
    %add3A_43 = vector.broadcast %broadcast_in_dim3A_42 : vector<1x128xf32> to vector<10000x128xf32>
    %add3A_44 = arith.addf %mul3A_41, %add3A_43 : vector<10000x128xf32>
    %max3A = arith.constant 0.000000e+00 : f32
    %max3A_45 = vector.broadcast %max3A : f32 to vector<10000x128xf32>
    %max3A_46 = arith.maximumf %add3A_44, %max3A_45 : vector<10000x128xf32>
    %get3A_47 = arith.constant 0 : index
    %get3A_48 = arith.constant 0 : index
    %get3A_49 = vector.load %arg6[%get3A_47, %get3A_48] : memref<128x128xf32, #tpu.memory_space<vmem>>, vector<128x128xf32>
    %dot_general3A = arith.constant dense<0.000000e+00> : vector<10000x128xf32>
    %dot_general3A_50 = tpu.matmul %max3A_46, %get3A_49, %dot_general3A {dimension_numbers = #tpu.dot_dimension_numbers<[1], [0], [0], [1], [0, 0, 1, 1], [], []>, transpose_lhs_hint = false} : vector<10000x128xf32>, vector<128x128xf32>, vector<10000x128xf32> -> vector<10000x128xf32>
    %mul3A_51 = arith.mulf %dot_general3A_50, %get3A_5 : vector<10000x128xf32>
    %swap3A = arith.constant 0 : index
    %swap3A_52 = arith.constant 0 : index
    %swap3A_53 = vector.load %arg7[%swap3A, %swap3A_52] : memref<10000x128xf32, #tpu.memory_space<vmem>>, vector<10000x128xf32>
    tpu.vector_store %arg7[%swap3A, %swap3A_52], %mul3A_51 {strides = array<i32>} : memref<10000x128xf32, #tpu.memory_space<vmem>>, vector<10000x128xf32>,
    return
  }
}

module attributes {stable_mosaic.version = 14 : i64} {
  func.func @_fin_body(%arg0: memref<2x10240x128xf32, #tpu.memory_space<vmem>>, %arg1: memref<10000x128xf32, #tpu.memory_space<vmem>>, %arg2: memref<10000x128xf32, #tpu.memory_space<vmem>>, %arg3: memref<128xf32, #tpu.memory_space<vmem>>, %arg4: memref<128xf32, #tpu.memory_space<vmem>>, %arg5: memref<128xf32, #tpu.memory_space<vmem>>, %arg6: memref<10000x1xi32, #tpu.memory_space<vmem>>, %arg7: memref<128x128xf32, #tpu.memory_space<vmem>>, %arg8: memref<128xf32, #tpu.memory_space<vmem>>, %arg9: memref<128x1xf32, #tpu.memory_space<vmem>>, %arg10: memref<1xf32, #tpu.memory_space<vmem>>, %arg11: memref<16x1xf32, #tpu.memory_space<vmem>>) attributes {dimension_semantics = [], scalar_prefetch = 0 : i64, scratch_operands = 0 : i64, tpu.core_type = #tpu.core_type<tc>} {
    %get3A = arith.constant 0 : index
    %get3A_0 = arith.constant 0 : index
    %get3A_1 = arith.constant 0 : index
    %get3A_2 = vector.load %arg0[%get3A, %get3A_0, %get3A_1] : memref<2x10240x128xf32, #tpu.memory_space<vmem>>, vector<2x10240x128xf32>
    %slice3A = vector.extract_strided_slice %get3A_2 {offsets = [0, 0, 0], sizes = [1, 10000, 128], strides = [1, 1, 1]} : vector<2x10240x128xf32> to vector<1x10000x128xf32>
    %squeeze3A = vector.shape_cast %slice3A : vector<1x10000x128xf32> to vector<10000x128xf32>
    %slice3A_3 = vector.extract_strided_slice %get3A_2 {offsets = [1, 0, 0], sizes = [1, 10000, 128], strides = [1, 1, 1]} : vector<2x10240x128xf32> to vector<1x10000x128xf32>
    %squeeze3A_4 = vector.shape_cast %slice3A_3 : vector<1x10000x128xf32> to vector<10000x128xf32>
    %add3A = arith.addf %squeeze3A, %squeeze3A_4 : vector<10000x128xf32>
    %get3A_5 = arith.constant 0 : index
    %get3A_6 = arith.constant 0 : index
    %get3A_7 = vector.load %arg1[%get3A_5, %get3A_6] : memref<10000x128xf32, #tpu.memory_space<vmem>>, vector<10000x128xf32>
    %add3A_8 = arith.addf %add3A, %get3A_7 : vector<10000x128xf32>
    %get3A_9 = arith.constant 0 : index
    %get3A_10 = arith.constant 0 : index
    %get3A_11 = vector.load %arg2[%get3A_9, %get3A_10] : memref<10000x128xf32, #tpu.memory_space<vmem>>, vector<10000x128xf32>
    %mul3A = arith.mulf %add3A_8, %get3A_11 : vector<10000x128xf32>
    %get3A_12 = arith.constant 0 : index
    %get3A_13 = vector.load %arg3[%get3A_12] : memref<128xf32, #tpu.memory_space<vmem>>, vector<128xf32>
    %broadcast_in_dim3A = vector.shape_cast %get3A_13 : vector<128xf32> to vector<1x128xf32>
    %add3A_14 = vector.broadcast %broadcast_in_dim3A : vector<1x128xf32> to vector<10000x128xf32>
    %add3A_15 = arith.addf %mul3A, %add3A_14 : vector<10000x128xf32>
    %get3A_16 = arith.constant 0 : index
    %get3A_17 = vector.load %arg4[%get3A_16] : memref<128xf32, #tpu.memory_space<vmem>>, vector<128xf32>
    %get3A_18 = arith.constant 0 : index
    %get3A_19 = vector.load %arg5[%get3A_18] : memref<128xf32, #tpu.memory_space<vmem>>, vector<128xf32>
    %reduce_sum3A = arith.constant dense<0.000000e+00> : vector<128xf32>
    %reduce_sum3A_20 = vector.multi_reduction <add>, %add3A_15, %reduce_sum3A [0] : vector<10000x128xf32> to vector<128xf32>
    %div3A = arith.constant 1.000000e+04 : f32
    %div3A_21 = vector.broadcast %div3A : f32 to vector<128xf32>
    %div3A_22 = arith.divf %reduce_sum3A_20, %div3A_21 : vector<128xf32>
    %broadcast_in_dim3A_23 = vector.shape_cast %div3A_22 : vector<128xf32> to vector<1x128xf32>
    %sub3A = vector.broadcast %broadcast_in_dim3A_23 : vector<1x128xf32> to vector<10000x128xf32>
    %sub3A_24 = arith.subf %add3A_15, %sub3A : vector<10000x128xf32>
    %integer_pow3A = arith.mulf %sub3A_24, %sub3A_24 : vector<10000x128xf32>
    %reduce_sum3A_25 = arith.constant dense<0.000000e+00> : vector<128xf32>
    %reduce_sum3A_26 = vector.multi_reduction <add>, %integer_pow3A, %reduce_sum3A_25 [0] : vector<10000x128xf32> to vector<128xf32>
    %div3A_27 = arith.constant 1.000000e+04 : f32
    %div3A_28 = vector.broadcast %div3A_27 : f32 to vector<128xf32>
    %div3A_29 = arith.divf %reduce_sum3A_26, %div3A_28 : vector<128xf32>
    %broadcast_in_dim3A_30 = vector.shape_cast %div3A_22 : vector<128xf32> to vector<1x128xf32>
    %sub3A_31 = vector.broadcast %broadcast_in_dim3A_30 : vector<1x128xf32> to vector<10000x128xf32>
    %sub3A_32 = arith.subf %add3A_15, %sub3A_31 : vector<10000x128xf32>
    %add3A_33 = arith.constant 9.99999974E-6 : f32
    %add3A_34 = vector.broadcast %add3A_33 : f32 to vector<128xf32>
    %add3A_35 = arith.addf %div3A_29, %add3A_34 : vector<128xf32>
    %rsqrt3A = math.rsqrt %add3A_35 : vector<128xf32>
    %broadcast_in_dim3A_36 = vector.shape_cast %rsqrt3A : vector<128xf32> to vector<1x128xf32>
    %mul3A_37 = vector.broadcast %broadcast_in_dim3A_36 : vector<1x128xf32> to vector<10000x128xf32>
    %mul3A_38 = arith.mulf %sub3A_32, %mul3A_37 : vector<10000x128xf32>
    %broadcast_in_dim3A_39 = vector.shape_cast %get3A_17 : vector<128xf32> to vector<1x128xf32>
    %mul3A_40 = vector.broadcast %broadcast_in_dim3A_39 : vector<1x128xf32> to vector<10000x128xf32>
    %mul3A_41 = arith.mulf %mul3A_38, %mul3A_40 : vector<10000x128xf32>
    %broadcast_in_dim3A_42 = vector.shape_cast %get3A_19 : vector<128xf32> to vector<1x128xf32>
    %add3A_43 = vector.broadcast %broadcast_in_dim3A_42 : vector<1x128xf32> to vector<10000x128xf32>
    %add3A_44 = arith.addf %mul3A_41, %add3A_43 : vector<10000x128xf32>
    %max3A = arith.constant 0.000000e+00 : f32
    %max3A_45 = vector.broadcast %max3A : f32 to vector<10000x128xf32>
    %max3A_46 = arith.maximumf %add3A_44, %max3A_45 : vector<10000x128xf32>
    %get3A_47 = arith.constant 0 : index
    %get3A_48 = arith.constant 0 : index
    %get3A_49 = vector.load %arg6[%get3A_47, %get3A_48] : memref<10000x1xi32, #tpu.memory_space<vmem>>, vector<10000x1xi32>
    %iota3A = tpu.iota {dimensions = array<i32: 1>} : vector<10000x16xi32>
    %eq3A = vector.broadcast %get3A_49 : vector<10000x1xi32> to vector<10000x16xi32>
    %eq3A_50 = arith.cmpi eq, %eq3A, %iota3A : vector<10000x16xi32>
    %convert_element_type3A = arith.extui %eq3A_50 : vector<10000x16xi1> to vector<10000x16xi32>
    %convert_element_type3A_51 = arith.sitofp %convert_element_type3A : vector<10000x16xi32> to vector<10000x16xf32>
    %reduce_sum3A_52 = arith.constant dense<0.000000e+00> : vector<16xf32>
    %reduce_sum3A_53 = vector.multi_reduction <add>, %convert_element_type3A_51, %reduce_sum3A_52 [0] : vector<10000x16xf32> to vector<16xf32>
    %dot_general3A = arith.constant dense<0.000000e+00> : vector<16x128xf32>
    %dot_general3A_54 = tpu.matmul %convert_element_type3A_51, %max3A_46, %dot_general3A {dimension_numbers = #tpu.dot_dimension_numbers<[0], [0], [1], [1], [0, 1, 1, 1], [], []>, transpose_lhs_hint = false} : vector<10000x16xf32>, vector<10000x128xf32>, vector<16x128xf32> -> vector<16x128xf32>
    %max3A_55 = arith.constant 1.000000e+00 : f32
    %max3A_56 = vector.broadcast %max3A_55 : f32 to vector<16xf32>
    %max3A_57 = arith.maximumf %reduce_sum3A_53, %max3A_56 : vector<16xf32>
    %broadcast_in_dim3A_58 = vector.shape_cast %max3A_57 : vector<16xf32> to vector<16x1xf32>
    %div3A_59 = vector.broadcast %broadcast_in_dim3A_58 : vector<16x1xf32> to vector<16x128xf32>
    %div3A_60 = arith.divf %dot_general3A_54, %div3A_59 : vector<16x128xf32>
    %get3A_61 = arith.constant 0 : index
    %get3A_62 = arith.constant 0 : index
    %get3A_63 = vector.load %arg7[%get3A_61, %get3A_62] : memref<128x128xf32, #tpu.memory_space<vmem>>, vector<128x128xf32>
    %dot_general3A_64 = arith.constant dense<0.000000e+00> : vector<16x128xf32>
    %dot_general3A_65 = tpu.matmul %div3A_60, %get3A_63, %dot_general3A_64 {dimension_numbers = #tpu.dot_dimension_numbers<[1], [0], [0], [1], [0, 0, 1, 1], [], []>, transpose_lhs_hint = false} : vector<16x128xf32>, vector<128x128xf32>, vector<16x128xf32> -> vector<16x128xf32>
    %get3A_66 = arith.constant 0 : index
    %get3A_67 = vector.load %arg8[%get3A_66] : memref<128xf32, #tpu.memory_space<vmem>>, vector<128xf32>
    %broadcast_in_dim3A_68 = vector.shape_cast %get3A_67 : vector<128xf32> to vector<1x128xf32>
    %add3A_69 = vector.broadcast %broadcast_in_dim3A_68 : vector<1x128xf32> to vector<16x128xf32>
    %add3A_70 = arith.addf %dot_general3A_65, %add3A_69 : vector<16x128xf32>
    %max3A_71 = arith.constant 0.000000e+00 : f32
    %max3A_72 = vector.broadcast %max3A_71 : f32 to vector<16x128xf32>
    %max3A_73 = arith.maximumf %add3A_70, %max3A_72 : vector<16x128xf32>
    %get3A_74 = arith.constant 0 : index
    %get3A_75 = arith.constant 0 : index
    %get3A_76 = vector.load %arg9[%get3A_74, %get3A_75] : memref<128x1xf32, #tpu.memory_space<vmem>>, vector<128x1xf32>
    %dot_general3A_77 = arith.constant dense<0.000000e+00> : vector<16x1xf32>
    %dot_general3A_78 = tpu.matmul %max3A_73, %get3A_76, %dot_general3A_77 {dimension_numbers = #tpu.dot_dimension_numbers<[1], [0], [0], [1], [0, 0, 1, 1], [], []>, transpose_lhs_hint = false} : vector<16x128xf32>, vector<128x1xf32>, vector<16x1xf32> -> vector<16x1xf32>
    %get3A_79 = arith.constant 0 : index
    %get3A_80 = vector.load %arg10[%get3A_79] : memref<1xf32, #tpu.memory_space<vmem>>, vector<1xf32>
    %broadcast_in_dim3A_81 = vector.shape_cast %get3A_80 : vector<1xf32> to vector<1x1xf32>
    %add3A_82 = vector.broadcast %broadcast_in_dim3A_81 : vector<1x1xf32> to vector<16x1xf32>
    %add3A_83 = arith.addf %dot_general3A_78, %add3A_82 : vector<16x1xf32>
    %swap3A = arith.constant 0 : index
    %swap3A_84 = arith.constant 0 : index
    %swap3A_85 = vector.load %arg11[%swap3A, %swap3A_84] : memref<16x1xf32, #tpu.memory_space<vmem>>, vector<16x1xf32>
    tpu.vector_store %arg11[%swap3A, %swap3A_84], %add3A_83 {strides = array<i32>} : memref<16x1xf32, #tpu.memory_space<vmem>>, vector<16x1xf32>,
    return
  }
}

</mosaic_0001>

<sc_bundles>
// kernel: kernel.10.cloned.1.call-start
scs
__scs_entry_jumppad:
0x0: {  	(pc) =	sbr.rel $0x88, $3  }
0x1: {  	(tag) =	ssettag $0x0;
	lr =	simm.s32 $0x1  }
0x2: {  	[smem:$0x3F8E] =	sst lr;
	_ =	strace $0xD0000000  }
0x3: {  	_ = 	snop  }
0x4: {  	_ = 	snop  }
0x5: {  	_ = 	snop  }
0x6: {  	_ = 	snop  }
0x7: {  	_ = 	snop  }
__scs_overlays_trampoline_lowered:
0x8: {  	[smem:$0x3F9D] =	sst s0  }
0x9: {  	[smem:$0x3F9E] =	sst s1  }
0xa: {  	[smem:$0x3F9F] =	sst s2  }
0xb: {  	[smem:$0x3FA0] =	sst s3  }
0xc: {  	[smem:$0x3FA1] =	sst s4  }
0xd: {  	[smem:$0x3FA2] =	sst s5  }
0xe: {  	[smem:$0x3FA3] =	sst s6  }
0xf: {  	[smem:$0x3FA4] =	sst s7  }
0x10: {  	[smem:$0x3FA5] =	sst s8  }
0x11: {  	[smem:$0x3FA6] =	sst s9;
	s0 =	simm.s32 @!p0 $0x0  }
0x12: {  	s1 =	sld [smem:$0x3F8C];
	s0 =	simm.s32 @p0 $0x1  }
0x13: {  	[smem:$0x3FA7] =	sst s0;
	s0 =	simm.s32 @!p1 $0x0  }
0x14: {  	s2 =	sld [smem:$0x3F8B];
	s0 =	simm.s32 @p1 $0x1  }
0x15: {  	[smem:$0x3FA8] =	sst s0;
	s0 =	simm.s32 @!p2 $0x0  }
0x16: {  	s3 =	sld [smem:$0x3FDB];
	s0 =	simm.s32 @p2 $0x1  }
0x17: {  	s4 =	simm.s32 $0x1BF5;
	[smem:$0x3FAA] =	sst s0  }
0x18: {  	s0 =	sld [smem:$0x3F8D];
	_ =	swait.ge [sflag:s4], $0x0  }
0x19: {  	s7 =	sld [smem:$0x3F8E]  }
0x1a: {  	s8 =	sadd.s32 $0xFFFFE003, lr  }
0x1b: {  	s9 =	sadd.s32 $0xFFFFFEF7, lr;
	s5 =	simm.s32 $0xFFFFFFFF;
	p2 =	slt.u32 s8, $0xFFFFF086  }
0x1c: {  	p1 =	slt.u32 s9, $0xF7A;
	s5 =	simm.s32 @!p2 $0x0  }
0x1d: {  	s5 =	simm.s32 @p1 $0x1;
	p0 =	seq.s32 s7, s2  }
0x1e: {  	s7 =	smul.u32 @!p0 $0xF7A, s2;
	p2 =	seq.s32 @!p0 s5, $0x0  }
0x1f: {  	s9 =	smul.u32 $0xF7A, s1;
	s8 =	simm.s32 @!p0 $0x1BF5;
	p2 =	por !p2, p0  }
0x20: {  	[sflag:s8] =	ssyncset.s32 @!p0 $0xFFFFF086;
	s6 =	sadd.s32 @!p0 s3, s7;
	s7 =	simm.s32 @!p0 $0x108  }
0x21: {  	s3 =	sadd.s32 s3, s9;
	s6 =	sadd.s32 @!p0 $0x88, s6;
	s7 =	simm.s32 @p2 $0x1082  }
0x22: {  	[simem:s7], [sflag:s8] =	dma.local @!p0 [hbm:s6], $0xF7A  }
0x23: {  	s9 =	sor.u32 $0xD0000000, s2;
	s6 =	simm.s32 $0x108;
	_ =	swait.ge @!p0 [sflag:s8], $0x0  }
0x24: {  	s3 =	sadd.s32 $0x88, s3;
	s6 =	simm.s32 @!p1 $0x1082;
	[sflag:s4] =	ssyncset.s32 $0xFFFFF086  }
0x25: {  	[simem:s6], [sflag:s4] =	dma.local [hbm:s3], $0xF7A  }
0x26: {  	[smem:$0x3F8E] =	sst s1;
	(tag) =	ssettag s2;
	_ =	strace s9  }
0x27: {  	s1 =	sld [smem:$0x3F9E]  }
0x28: {  	s2 =	sld [smem:$0x3F9F]  }
0x29: {  	s4 =	sld [smem:$0x3FA1]  }
0x2a: {  	p0 =	seq.s32 s5, $0x0;
	s5 =	sld [smem:$0x3FA2]  }
0x2b: {  	s6 =	sld [smem:$0x3FA3]  }
0x2c: {  	s7 =	sld [smem:$0x3FA4]  }
0x2d: {  	s3 =	simm.s32 $0x108;
	s8 =	sld [smem:$0x3FA5]  }
0x2e: {  	s3 =	simm.s32 @!p0 $0x1082;
	s9 =	sld [smem:$0x3FA6]  }
0x2f: {  	lr =	sadd.s32 s0, s3;
	s0 =	sld [smem:$0x3F9D]  }
0x30: {  	s3 =	sld [smem:$0x3FA0]  }
0x31: {  	[smem:$0x3FA9] =	sst s10  }
0x32: {  	s10 =	sld [smem:$0x3FA7];
	_ =	sdelay $0x3  }
0x33: {  	p0 =	seq.s32 s10, $0x1;
	s10 =	sld [smem:$0x3FA9];
	_ =	sdelay $0x3  }
0x34: {  	[smem:$0x3FA9] =	sst s10  }
0x35: {  	s10 =	sld [smem:$0x3FA8];
	_ =	sdelay $0x3  }
0x36: {  	p1 =	seq.s32 s10, $0x1;
	s10 =	sld [smem:$0x3FA9];
	_ =	sdelay $0x3  }
0x37: {  	[smem:$0x3FA9] =	sst s10  }
0x38: {  	s10 =	sld [smem:$0x3FAA]  }
0x39: {  	_ = 	snop;
	(pc) =	sbr.ind lr, $3  }
0x3a: {  	_ = 	snop  }
0x3b: {  	_ = 	snop  }
0x3c: {  	p2 =	seq.s32 s10, $0x1;
	s10 =	sld [smem:$0x3FA9]  }
0x3d: {  	_ =	shalt  }
0x3e: {  	_ =	shalt  }
0x3f: {  	_ =	shalt  }
0x40: {  	_ =	shalt  }
0x41: {  	_ =	shalt  }
0x42: {  	_ =	shalt  }
0x43: {  	_ =	shalt  }
0x44: {  	_ =	shalt  }
0x45: {  	_ =	shalt  }
0x46: {  	_ =	shalt  }
0x47: {  	_ =	shalt  }
0x48: {  	_ =	shalt  }
0x49: {  	_ =	shalt  }
0x4a: {  	_ =	shalt  }
0x4b: {  	_ =	shalt  }
0x4c: {  	_ =	shalt  }
0x4d: {  	_ =	shalt  }
0x4e: {  	_ =	shalt  }
0x4f: {  	_ =	shalt  }
0x50: {  	_ =	shalt  }
0x51: {  	_ =	shalt  }
0x52: {  	_ =	shalt  }
0x53: {  	_ =	shalt  }
0x54: {  	_ =	shalt  }
0x55: {  	_ =	shalt  }
0x56: {  	_ =	shalt  }
0x57: {  	_ =	shalt  }
0x58: {  	_ =	shalt  }
0x59: {  	_ =	shalt  }
0x5a: {  	_ =	shalt  }
0x5b: {  	_ =	shalt  }
0x5c: {  	_ =	shalt  }
0x5d: {  	_ =	shalt  }
0x5e: {  	_ =	shalt  }
0x5f: {  	_ =	shalt  }
0x60: {  	_ =	shalt  }
0x61: {  	_ =	shalt  }
0x62: {  	_ =	shalt  }
0x63: {  	_ =	shalt  }
0x64: {  	_ =	shalt  }
0x65: {  	_ =	shalt  }
0x66: {  	_ =	shalt  }
0x67: {  	_ =	shalt  }
0x68: {  	_ =	shalt  }
0x69: {  	_ =	shalt  }
0x6a: {  	_ =	shalt  }
0x6b: {  	_ =	shalt  }
0x6c: {  	_ =	shalt  }
0x6d: {  	_ =	shalt  }
0x6e: {  	_ =	shalt  }
0x6f: {  	_ =	shalt  }
0x70: {  	_ =	shalt  }
0x71: {  	_ =	shalt  }
0x72: {  	_ =	shalt  }
0x73: {  	_ =	shalt  }
0x74: {  	_ =	shalt  }
0x75: {  	_ =	shalt  }
0x76: {  	_ =	shalt  }
0x77: {  	_ =	shalt  }
0x78: {  	_ =	shalt  }
0x79: {  	_ =	shalt  }
0x7a: {  	_ =	shalt  }
0x7b: {  	_ =	shalt  }
0x7c: {  	_ =	shalt  }
0x7d: {  	_ =	shalt  }
0x7e: {  	_ =	shalt  }
0x7f: {  	_ =	shalt  }
0x80: {  	_ =	shalt  }
0x81: {  	_ =	shalt  }
0x82: {  	_ =	shalt  }
0x83: {  	_ =	shalt  }
0x84: {  	_ =	shalt  }
0x85: {  	_ =	shalt  }
0x86: {  	_ =	shalt  }
0x87: {  	_ =	shalt  }
.Lfunc_end0:
.L_simem_size_0:
called_computation_lowered:
.L_overlay_start_0:
0x88: {  	s2 =	sld [smem:$0x3FD9]  }
0x89: {  	s3 =	sld [smem:$0x3FFE];
	_ =	sdelay $0x1  }
0x8a: {  	s1 =	srdreg.scid  }
0x8b: {  	s0 =	sand.u32 $0x1, s1  }
0x8c: {  	s16 =	sshll.u32 s0, $0xA;
	s2 =	sadd.s32 s3, s2  }
0x8d: {  	s2 =	sadd.s32 s2, s16  }
0x8e: {  	[smem:$0x3FB5] =	sst s2  }
0x8f: {  	_ = 	snop  }
0x90: {  	(tm) =	ssettm $0x1  }
0x91: {  	s17 =	sld [smem:$0x3FFB];
	_ =	sdelay $0x3  }
0x92: {  	_ =	strace s17  }
0x93: {  	s2 =	sld [smem:$0x3FFC];
	_ =	sdelay $0x3  }
0x94: {  	_ =	strace s2  }
0x95: {  	s2 =	sld [smem:$0x3FFD];
	_ =	sdelay $0x3  }
0x96: {  	_ =	strace s2  }
0x97: {  	_ =	strace $0x8FFFFFFF  }
0x98: {  	s18 =	sld [smem:$0x3FDB];
	_ =	sdelay $0x1  }
0x99: {  	s19 =	simm.s32 $_scs_section_size  }
0x9a: {  	s4 =	simm.s32 $_size__tile_overlayer_lowered;
	s5 =	simm.s32 $_tile_overlayer_lowered  }
0x9b: {  	s22 =	simm.s32 $0x1BFF;
	s21 =	sshll.u32 s5, $0x1;
	s2 =	sadd.s32 s19, s18  }
0x9c: {  	s6 =	simm.s32 $0x0;
	s20 =	sshll.u32 s4, $0x1;
	s4 =	sadd.s32 s21, s2  }
0x9d: {  	[timem:s6], [sflag:s22] =	dma.local [hbm:s4], s20  }
0x9e: {  	_ =	swait.ge [sflag:s22], s20  }
0x9f: {  	s3 =	ssub.s32 $0x0, s20;
	[sflag:s22] =	ssyncset.done $0x0  }
0xa0: {  	[sflag:s22] =	ssyncadd.s32 s3;
	_ =	sdelay $0x1  }
0xa1: {  	s23 =	simm.s32 $0x1B8B  }
0xa2: {  	_ =	swait.ge [sflag:s23], $0x1  }
0xa3: {  	[sflag:s23] =	ssyncset.done $0x0  }
0xa4: {  	s25 =	simm.s32 $0x1B8E;
	s24 =	sld [smem:$0x3FFE];
	[sflag:s23] =	ssyncadd.s32 $0xFFFFFFFF  }
0xa5: {  	s26 =	simm.s32 $execute0_lowered;
	[smem:$0x3FD2] =	sst s25  }
0xa6: {  	s4 =	sshll.u32 s26, $0x1;
	_ =	strace $0x80000046;
	[dreg:$0x1] =	wrdreg $0xFFFFFFFF  }
0xa7: {  	s28 =	simm.s32 $_size_execute0_lowered;
	s2 =	sadd.s32 s2, s4;
	[dreg:$0x0] =	wrdreg $0x0  }
0xa8: {  	s4 =	sshll.u32 s28, $0x1;
	[dreg:$0x2] =	wrdreg s2  }
0xa9: {  	[dreg:$0x3] =	wrdreg s4  }
0xaa: {  	[dreg:$0x4] =	wrdreg $0xC0  }
0xab: {  	_ =	task [dreg:s6], $0x5FFFF  }
0xac: {  	[dreg:$0x1] =	wrdreg $0xFFFFFFFF  }
0xad: {  	[dreg:$0x0] =	wrdreg $0x60  }
0xae: {  	[dreg:$0x2] =	wrdreg s24  }
0xaf: {  	[dreg:$0x3] =	wrdreg $0x68000  }
0xb0: {  	[dreg:$0x4] =	wrdreg $0x9  }
0xb1: {  	_ =	task.clear_ibuf [dreg:s6], $0x5FFFF;
	_ =	strace $0x90000046  }
0xb2: {  	s29 =	simm.s32 $0x9;
	_ =	strace $0x80000048  }
0xb3: {  	_ =	swait.ge [sflag:s29], $0x1  }
0xb4: {  	[sflag:s29] =	ssyncadd.s32 $0xFFFFFFFF  }
0xb5: {  	_ =	strace $0x90000048  }
0xb6: {  	_ =	sfence  }
0xb7: {  	s30 =	sld [smem:$0x0];
	_ =	sdelay $0x2  }
0xb8: {  	s31 =	sshll.u32 s1, $0xD;
	s1 =	sshrl.u32 s1, $0x2  }
0xb9: {  	s3 =	sand.u32 $0x4000, s31;
	s1 =	sadd.s32 s1, s30  }
0xba: {  	s0 =	sor.u32 s3, s0;
	s1 =	sshll.u32 s1, $0x11  }
0xbb: {  	s0 =	sor.u32 s1, s0  }
0xbc: {  	s0 =	sadd.s32 $0x8F2B, s0  }
0xbd: {  	[sflag:s0] =	ssyncadd.remote.s32 $0x1  }
0xbe: {  	_ =	sfence.sel $0xFFFF  }
0xbf: {  	[dreg:$0x0] =	wrdreg $0xFFFFFFFF;
	(pc) =	sbr.abs _section_cstart, $3  }
0xc0: {  	[dreg:$0x1] =	wrdreg $0xFFFFFFFF  }
0xc1: {  	_ =	task.clear_ibuf [dreg:s6], $0x2FFFF;
	_ =	strace $0x9FFFFFFF  }
0xc2: {  	(tm) =	ssettm $0x7FFFFFFF  }
0xc3: {  	_ =	shalt  }
tec
execute0_lowered:
.L_overlay_start_1:
0x0: {  	(tag) =	ssettag $0x1  }
0x1: {  	s4 =	rddreg [dreg:$0x0]  }
0x2: {  	s1 =	srdreg.scid;
	s0 =	stileid.u32  }
0x3: {  	s2 =	rddreg [dreg:$0x1];
	s3 =	simm.s32 $0x0;
	s19 =	simm.s32 $0x0  }
0x4: {  	s6 =	sand.u32 $0x1, s1;
	s1 =	rddreg [dreg:$0x2];
	s8 =	smul.u32 $0x50000, s0  }
0x5: {  	s5 =	sshll.u32 s0, $0x1;
	[smem:$0x7FF] =	sst s3;
	s9 =	smul.u32 $0x14000, s0  }
0x6: {  	s14 =	sadd.s32 $0xE400, s4;
	s5 =	sor.u32 s6, s5;
	s12 =	smul.u32 $0x140000, s6  }
0x7: {  	_ =	strace $0x80000047;
	s7 =	ssub.s32 $0x2, s6;
	s5 =	smul.u32 $0x500, s5  }
0x8: {  	s28 =	sshrl.u32 s7, $0x1;
	s29 =	sshrl.u32 s8, $0x2;
	s10 =	sadd.s32 $0x4000, s9  }
0x9: {  	s13 =	sadd.s32 $0x8000, s9;
	s16 =	sadd.s32 $0xC000, s9;
	s17 =	sadd.s32 $0x10000, s9  }
0xa: {  	s15 =	ssub.s32 s7, s28;
	s6 =	sadd.s32 s10, s2;
	s7 =	sadd.s32 s13, s2  }
0xb: {  	s8 =	sadd.s32 s16, s2;
	s11 =	sadd.s32 s9, s12;
	s18 =	sadd.s32 s12, s10  }
0xc: {  	s9 =	sadd.s32 s17, s2;
	s13 =	sadd.s32 s12, s13;
	s16 =	sadd.s32 s12, s16  }
0xd: {  	s17 =	sadd.s32 s12, s17;
	s5 =	sadd.s32 s5, s4;
	s11 =	sshrl.u32 s11, $0x3  }
0xe: {  	s30 =	sshrl.u32 s18, $0x3;
	s13 =	sshrl.u32 s13, $0x3;
	s16 =	sshrl.u32 s16, $0x3  }
0xf: {  	s31 =	sshrl.u32 s17, $0x3;
	s15 =	smax.u32 s15, $0x1;
	s17 =	simm.s32 $0x2800  }
0x10: {  	s18 =	simm.s32 $0x80;
	s4 =	sadd.s32 $0x4400, s5;
	s5 =	sadd.s32 s29, s2  }
0x11: {  	s10 =	sadd.s32 s14, s11;
	s11 =	sadd.s32 s14, s30;
	s12 =	sadd.s32 s14, s13  }
0x12: {  	v0 =	vimm.f32 $0.0e+00;
	v1 =	vimm.f32 $1.000000000e+00;
	s13 =	sadd.s32 s14, s16;
	s14 =	sadd.s32 s14, s31;
	s16 =	simm.s32 $0x1  }
.LBB2_1:
0x13: {  	[tilespmem:s3], [sflag:$0x1] =	stream.linear.gather [hbm4b:s4+s3], $0x2800, $0x38;
	[tilespmem:$0x1A800] =	vst v63  }
0x14: {  	s20 =	sand.u32 $0xFE00, s3;
	s21 =	sand.u32 $0x70, s3;
	_ =	swait.ge [sflag:s16], $0x2800  }
0x15: {  	s22 =	sshrl.u32 s20, $0x2;
	s20 =	simm.s32 $0x40;
	[sflag:s16] =	ssyncset.done $0x0  }
0x16: {  	s22 =	sor.u32 s21, s22;
	s21 =	simm.s32 $0x0;
	[sflag:s16] =	ssyncadd.s32 $0xFFFFD800  }
.LBB2_2:
0x17: {  	p0 =	sne.s32 s20, $0xFFC0  }
0x18: {  	[tilespmem:s22+$0x2800] =	vst v0;
	s21 =	sadd.s32 $0x10, s21;
	s22 =	smov.u32 s20;
	s20 =	sadd.s32 $0x40, s20  }
.Ltmp0:
0x19: {  	(pc) =	sbr.rel @p0 .LBB2_2-.Ltmp0, $4  }
0x1a: {  	_ = 	snop  }
0x1b: {  	s22 =	sand.u32 $0xFE00, s22  }
0x1c: {  	s23 =	sand.u32 $0x70, s21;
	s22 =	sshrl.u32 s22, $0x2  }
0x1d: {  	s22 =	sor.u32 s23, s22  }
0x1e: {  	[tilespmem:s22+$0x2800] =	vst v0  }
0x1f: {  	[spmem:s5] =	stream.linear.scatter [tilespmem:s17], [sflag:$0x1], $0x4000, $0x38;
	[tilespmem:$0x1A800] =	vst v63  }
0x20: {  	_ =	swait.ge [sflag:s16], $0x4000  }
0x21: {  	[sflag:s16] =	ssyncset.done $0x0  }
0x22: {  	[sflag:s16] =	ssyncadd.s32 $0xFFFFC000  }
0x23: {  	[spmem:s6] =	stream.linear.scatter [tilespmem:s17], [sflag:$0x1], $0x4000, $0x38;
	[tilespmem:$0x1A800] =	vst v63  }
0x24: {  	_ =	swait.ge [sflag:s16], $0x4000  }
0x25: {  	[sflag:s16] =	ssyncset.done $0x0  }
0x26: {  	[sflag:s16] =	ssyncadd.s32 $0xFFFFC000  }
0x27: {  	[spmem:s7] =	stream.linear.scatter [tilespmem:s17], [sflag:$0x1], $0x4000, $0x38;
	[tilespmem:$0x1A800] =	vst v63  }
0x28: {  	_ =	swait.ge [sflag:s16], $0x4000  }
0x29: {  	[sflag:s16] =	ssyncset.done $0x0  }
0x2a: {  	[sflag:s16] =	ssyncadd.s32 $0xFFFFC000  }
0x2b: {  	[spmem:s8] =	stream.linear.scatter [tilespmem:s17], [sflag:$0x1], $0x4000, $0x38;
	[tilespmem:$0x1A800] =	vst v63  }
0x2c: {  	_ =	swait.ge [sflag:s16], $0x4000  }
0x2d: {  	[sflag:s16] =	ssyncset.done $0x0  }
0x2e: {  	[sflag:s16] =	ssyncadd.s32 $0xFFFFC000  }
0x2f: {  	[spmem:s9] =	stream.linear.scatter [tilespmem:s17], [sflag:$0x1], $0x4000, $0x38;
	[tilespmem:$0x1A800] =	vst v63  }
0x30: {  	s20 =	simm.s32 $0x0;
	_ =	swait.ge [sflag:s16], $0x4000  }
0x31: {  	s21 =	sand.u32 $0xFE00, s20;
	[sflag:s16] =	ssyncset.done $0x0  }
0x32: {  	s31 =	sand.u32 $0x70, s20;
	s23 =	sshrl.u32 s21, $0x2;
	[sflag:s16] =	ssyncadd.s32 $0xFFFFC000  }
0x33: {  	s21 =	simm.s32 $0x40;
	s22 =	sor.u32 s31, s23;
	[bflag:$0x0] =	sbarrier.arrive $0xFFFF  }
.LBB2_4:
0x34: {  	p0 =	sne.s32 s21, $0xFFC0  }
0x35: {  	[tilespmem:s22+$0x2800] =	vst v1;
	s20 =	sadd.s32 $0x10, s20;
	s22 =	smov.u32 s21;
	s21 =	sadd.s32 $0x40, s21  }
.Ltmp1:
0x36: {  	(pc) =	sbr.rel @p0 .LBB2_4-.Ltmp1, $4  }
0x37: {  	_ = 	snop  }
0x38: {  	s22 =	sand.u32 $0xFE00, s22  }
0x39: {  	s23 =	sand.u32 $0x70, s20;
	s22 =	sshrl.u32 s22, $0x2  }
0x3a: {  	s22 =	sor.u32 s23, s22  }
0x3b: {  	[tilespmem:s22+$0x2800] =	vst v1;
	s20 =	simm.s32 $0x0  }
0x3c: {  	[spmem:s2] =	stream.indirect.scatter.add.f32 [tilespmem:s17], [sflag:$0x1], $0x80, s20, s18, $0xb8;
	[tilespmem:$0x1A800] =	vst v63  }
0x3d: {  	_ =	swait.ge [sflag:s16], $0x4000  }
0x3e: {  	s20 =	simm.s32 $0x200;
	[sflag:s16] =	ssyncset.done $0x0  }
.LBB2_6:
0x3f: {  	s21 =	sshra.s32 s20, $0x2;
	[sflag:s16] =	ssyncadd.s32 $0xFFFFC000;
	p0 =	sne.s32 s20, $0x9E00  }
0x40: {  	[spmem:s2] =	stream.indirect.scatter.add.f32 [tilespmem:s17], [sflag:$0x1], $0x80, s21, s18, $0xb8;
	[tilespmem:$0x1A800] =	vst v63  }
.Ltmp2:
0x41: {  	_ = 	snop;
	(pc) =	sbr.rel @p0 .LBB2_6-.Ltmp2, $4  }
0x42: {  	_ = 	snop  }
0x43: {  	s20 =	sadd.s32 $0x200, s20  }
0x44: {  	_ =	swait.ge [sflag:s16], $0x4000  }
0x45: {  	[sflag:s16] =	ssyncset.done $0x0  }
0x46: {  	[sflag:s16] =	ssyncadd.s32 $0xFFFFC000  }
0x47: {  	[bflag:$0x0] =	sbarrier.arrive $0xFFFF  }
0x48: {  	[tilespmem:s17], [sflag:$0x1] =	stream.linear.gather [spmem:s5], $0x4000, $0x38;
	[tilespmem:$0x1A800] =	vst v63  }
0x49: {  	_ =	swait.ge [sflag:s16], $0x4000  }
0x4a: {  	[sflag:s16] =	ssyncset.done $0x0  }
0x4b: {  	[sflag:s16] =	ssyncadd.s32 $0xFFFFC000  }
0x4c: {  	[hbm4b:s10+s3] =	stream.linear.scatter [tilespmem:s17], [sflag:$0x1], $0x4000, $0x38;
	[tilespmem:$0x1A800] =	vst v63  }
0x4d: {  	_ =	swait.ge [sflag:s16], $0x4000  }
0x4e: {  	[sflag:s16] =	ssyncset.done $0x0  }
0x4f: {  	[sflag:s16] =	ssyncadd.s32 $0xFFFFC000  }
0x50: {  	[tilespmem:s17], [sflag:$0x1] =	stream.linear.gather [spmem:s6], $0x4000, $0x38;
	[tilespmem:$0x1A800] =	vst v63  }
0x51: {  	_ =	swait.ge [sflag:s16], $0x4000  }
0x52: {  	[sflag:s16] =	ssyncset.done $0x0  }
0x53: {  	[sflag:s16] =	ssyncadd.s32 $0xFFFFC000  }
0x54: {  	[hbm4b:s11+s3] =	stream.linear.scatter [tilespmem:s17], [sflag:$0x1], $0x4000, $0x38;
	[tilespmem:$0x1A800] =	vst v63  }
0x55: {  	_ =	swait.ge [sflag:s16], $0x4000  }
0x56: {  	[sflag:s16] =	ssyncset.done $0x0  }
0x57: {  	[sflag:s16] =	ssyncadd.s32 $0xFFFFC000  }
0x58: {  	[tilespmem:s17], [sflag:$0x1] =	stream.linear.gather [spmem:s7], $0x4000, $0x38;
	[tilespmem:$0x1A800] =	vst v63  }
0x59: {  	_ =	swait.ge [sflag:s16], $0x4000  }
0x5a: {  	[sflag:s16] =	ssyncset.done $0x0  }
0x5b: {  	[sflag:s16] =	ssyncadd.s32 $0xFFFFC000  }
0x5c: {  	[hbm4b:s12+s3] =	stream.linear.scatter [tilespmem:s17], [sflag:$0x1], $0x4000, $0x38;
	[tilespmem:$0x1A800] =	vst v63  }
0x5d: {  	_ =	swait.ge [sflag:s16], $0x4000  }
0x5e: {  	[sflag:s16] =	ssyncset.done $0x0  }
0x5f: {  	[sflag:s16] =	ssyncadd.s32 $0xFFFFC000  }
0x60: {  	[tilespmem:s17], [sflag:$0x1] =	stream.linear.gather [spmem:s8], $0x4000, $0x38;
	[tilespmem:$0x1A800] =	vst v63  }
0x61: {  	_ =	swait.ge [sflag:s16], $0x4000  }
0x62: {  	[sflag:s16] =	ssyncset.done $0x0  }
0x63: {  	[sflag:s16] =	ssyncadd.s32 $0xFFFFC000  }
0x64: {  	[hbm4b:s13+s3] =	stream.linear.scatter [tilespmem:s17], [sflag:$0x1], $0x4000, $0x38;
	[tilespmem:$0x1A800] =	vst v63  }
0x65: {  	_ =	swait.ge [sflag:s16], $0x4000  }
0x66: {  	[sflag:s16] =	ssyncset.done $0x0  }
0x67: {  	[sflag:s16] =	ssyncadd.s32 $0xFFFFC000  }
0x68: {  	[tilespmem:s17], [sflag:$0x1] =	stream.linear.gather [spmem:s9], $0x4000, $0x38;
	[tilespmem:$0x1A800] =	vst v63  }
0x69: {  	s19 =	sadd.s32 $0x1, s19;
	_ =	swait.ge [sflag:s16], $0x4000  }
0x6a: {  	p0 =	sne.s32 s19, s15;
	[sflag:s16] =	ssyncset.done $0x0  }
.Ltmp3:
0x6b: {  	[sflag:s16] =	ssyncadd.s32 $0xFFFFC000;
	(pc) =	sbr.rel @p0 .LBB2_1-.Ltmp3, $4  }
0x6c: {  	[hbm4b:s14+s3] =	stream.linear.scatter [tilespmem:s17], [sflag:$0x1], $0x4000, $0x38;
	[tilespmem:$0x1A800] =	vst v63  }
0x6d: {  	_ =	swait.ge [sflag:s16], $0x4000  }
0x6e: {  	[sflag:s16] =	ssyncset.done $0x0  }
0x6f: {  	[sflag:s16] =	ssyncadd.s32 $0xFFFFC000  }
0x70: {  	_ =	sfence.sel $0x180000  }
0x71: {  	[bflag:$0x0] =	sbarrier.arrive $0xFFFF  }
0x72: {  	p0 =	sne.s32 s0, $0x0;
	_ =	strace $0x90000047  }
0x73: {  	s0 =	sadd.s32 @!p0 $0x100000, s1;
	[bflag:$0x2] =	sbarrier.arrive $0xFFFF  }
0x74: {  	[sflag:s0] =	ssyncadd.tile.s32 @!p0 $0x1;
	_ =	shalt  }
.Lfunc_end2:
_tile_overlayer_lowered:
.L_overlay_start_2:
0x75: {  	(tag) =	ssettag $0x2  }
0x76: {  	s0 =	rddreg [dreg:$0x0];
	s2 =	stileid.u32  }
0x77: {  	s1 =	rddreg [dreg:$0x1];
	p0 =	sne.s32 s2, $0x0  }
0x78: {  	s3 =	rddreg [dreg:$0x2];
	[bflag:$0x3] =	sbarrier.arrive $0xFFFF;
	s2 =	simm.s32 @!p0 $0x1C01  }
0x79: {  	[timem:s3], [sflag:s2] =	dma.local @!p0 [hbm:s0], s1  }
0x7a: {  	s0 =	simm.s32 @!p0 $0x1  }
0x7b: {  	_ =	swait.ge @!p0 [sflag:s0], s1  }
0x7c: {  	s1 =	ssub.s32 @!p0 $0x0, s1;
	[sflag:s0] =	ssyncset.done @!p0 $0x0  }
0x7d: {  	[sflag:s0] =	ssyncadd.s32 @!p0 s1  }
0x7e: {  	[bflag:$0x3] =	sbarrier.arrive $0xFFFF  }
0x7f: {  	_ =	shalt  }

// kernel: kernel.13.cloned.1.call-start
scs
__scs_entry_jumppad:
0x0: {  	(pc) =	sbr.rel $0x88, $3  }
0x1: {  	(tag) =	ssettag $0x0;
	lr =	simm.s32 $0x1  }
0x2: {  	[smem:$0x3F8E] =	sst lr;
	_ =	strace $0xD0000000  }
0x3: {  	_ = 	snop  }
0x4: {  	_ = 	snop  }
0x5: {  	_ = 	snop  }
0x6: {  	_ = 	snop  }
0x7: {  	_ = 	snop  }
__scs_overlays_trampoline_lowered:
0x8: {  	[smem:$0x3F9D] =	sst s0  }
0x9: {  	[smem:$0x3F9E] =	sst s1  }
0xa: {  	[smem:$0x3F9F] =	sst s2  }
0xb: {  	[smem:$0x3FA0] =	sst s3  }
0xc: {  	[smem:$0x3FA1] =	sst s4  }
0xd: {  	[smem:$0x3FA2] =	sst s5  }
0xe: {  	[smem:$0x3FA3] =	sst s6  }
0xf: {  	[smem:$0x3FA4] =	sst s7  }
0x10: {  	[smem:$0x3FA5] =	sst s8  }
0x11: {  	[smem:$0x3FA6] =	sst s9;
	s0 =	simm.s32 @!p0 $0x0  }
0x12: {  	s1 =	sld [smem:$0x3F8C];
	s0 =	simm.s32 @p0 $0x1  }
0x13: {  	[smem:$0x3FA7] =	sst s0;
	s0 =	simm.s32 @!p1 $0x0  }
0x14: {  	s2 =	sld [smem:$0x3F8B];
	s0 =	simm.s32 @p1 $0x1  }
0x15: {  	[smem:$0x3FA8] =	sst s0;
	s0 =	simm.s32 @!p2 $0x0  }
0x16: {  	s3 =	sld [smem:$0x3FDB];
	s0 =	simm.s32 @p2 $0x1  }
0x17: {  	s4 =	simm.s32 $0x1BF5;
	[smem:$0x3FAA] =	sst s0  }
0x18: {  	s0 =	sld [smem:$0x3F8D];
	_ =	swait.ge [sflag:s4], $0x0  }
0x19: {  	s7 =	sld [smem:$0x3F8E]  }
0x1a: {  	s8 =	sadd.s32 $0xFFFFE003, lr  }
0x1b: {  	s9 =	sadd.s32 $0xFFFFFEF7, lr;
	s5 =	simm.s32 $0xFFFFFFFF;
	p2 =	slt.u32 s8, $0xFFFFF086  }
0x1c: {  	p1 =	slt.u32 s9, $0xF7A;
	s5 =	simm.s32 @!p2 $0x0  }
0x1d: {  	s5 =	simm.s32 @p1 $0x1;
	p0 =	seq.s32 s7, s2  }
0x1e: {  	s7 =	smul.u32 @!p0 $0xF7A, s2;
	p2 =	seq.s32 @!p0 s5, $0x0  }
0x1f: {  	s9 =	smul.u32 $0xF7A, s1;
	s8 =	simm.s32 @!p0 $0x1BF5;
	p2 =	por !p2, p0  }
0x20: {  	[sflag:s8] =	ssyncset.s32 @!p0 $0xFFFFF086;
	s6 =	sadd.s32 @!p0 s3, s7;
	s7 =	simm.s32 @!p0 $0x108  }
0x21: {  	s3 =	sadd.s32 s3, s9;
	s6 =	sadd.s32 @!p0 $0x88, s6;
	s7 =	simm.s32 @p2 $0x1082  }
0x22: {  	[simem:s7], [sflag:s8] =	dma.local @!p0 [hbm:s6], $0xF7A  }
0x23: {  	s9 =	sor.u32 $0xD0000000, s2;
	s6 =	simm.s32 $0x108;
	_ =	swait.ge @!p0 [sflag:s8], $0x0  }
0x24: {  	s3 =	sadd.s32 $0x88, s3;
	s6 =	simm.s32 @!p1 $0x1082;
	[sflag:s4] =	ssyncset.s32 $0xFFFFF086  }
0x25: {  	[simem:s6], [sflag:s4] =	dma.local [hbm:s3], $0xF7A  }
0x26: {  	[smem:$0x3F8E] =	sst s1;
	(tag) =	ssettag s2;
	_ =	strace s9  }
0x27: {  	s1 =	sld [smem:$0x3F9E]  }
0x28: {  	s2 =	sld [smem:$0x3F9F]  }
0x29: {  	s4 =	sld [smem:$0x3FA1]  }
0x2a: {  	p0 =	seq.s32 s5, $0x0;
	s5 =	sld [smem:$0x3FA2]  }
0x2b: {  	s6 =	sld [smem:$0x3FA3]  }
0x2c: {  	s7 =	sld [smem:$0x3FA4]  }
0x2d: {  	s3 =	simm.s32 $0x108;
	s8 =	sld [smem:$0x3FA5]  }
0x2e: {  	s3 =	simm.s32 @!p0 $0x1082;
	s9 =	sld [smem:$0x3FA6]  }
0x2f: {  	lr =	sadd.s32 s0, s3;
	s0 =	sld [smem:$0x3F9D]  }
0x30: {  	s3 =	sld [smem:$0x3FA0]  }
0x31: {  	[smem:$0x3FA9] =	sst s10  }
0x32: {  	s10 =	sld [smem:$0x3FA7];
	_ =	sdelay $0x3  }
0x33: {  	p0 =	seq.s32 s10, $0x1;
	s10 =	sld [smem:$0x3FA9];
	_ =	sdelay $0x3  }
0x34: {  	[smem:$0x3FA9] =	sst s10  }
0x35: {  	s10 =	sld [smem:$0x3FA8];
	_ =	sdelay $0x3  }
0x36: {  	p1 =	seq.s32 s10, $0x1;
	s10 =	sld [smem:$0x3FA9];
	_ =	sdelay $0x3  }
0x37: {  	[smem:$0x3FA9] =	sst s10  }
0x38: {  	s10 =	sld [smem:$0x3FAA]  }
0x39: {  	_ = 	snop;
	(pc) =	sbr.ind lr, $3  }
0x3a: {  	_ = 	snop  }
0x3b: {  	_ = 	snop  }
0x3c: {  	p2 =	seq.s32 s10, $0x1;
	s10 =	sld [smem:$0x3FA9]  }
0x3d: {  	_ =	shalt  }
0x3e: {  	_ =	shalt  }
0x3f: {  	_ =	shalt  }
0x40: {  	_ =	shalt  }
0x41: {  	_ =	shalt  }
0x42: {  	_ =	shalt  }
0x43: {  	_ =	shalt  }
0x44: {  	_ =	shalt  }
0x45: {  	_ =	shalt  }
0x46: {  	_ =	shalt  }
0x47: {  	_ =	shalt  }
0x48: {  	_ =	shalt  }
0x49: {  	_ =	shalt  }
0x4a: {  	_ =	shalt  }
0x4b: {  	_ =	shalt  }
0x4c: {  	_ =	shalt  }
0x4d: {  	_ =	shalt  }
0x4e: {  	_ =	shalt  }
0x4f: {  	_ =	shalt  }
0x50: {  	_ =	shalt  }
0x51: {  	_ =	shalt  }
0x52: {  	_ =	shalt  }
0x53: {  	_ =	shalt  }
0x54: {  	_ =	shalt  }
0x55: {  	_ =	shalt  }
0x56: {  	_ =	shalt  }
0x57: {  	_ =	shalt  }
0x58: {  	_ =	shalt  }
0x59: {  	_ =	shalt  }
0x5a: {  	_ =	shalt  }
0x5b: {  	_ =	shalt  }
0x5c: {  	_ =	shalt  }
0x5d: {  	_ =	shalt  }
0x5e: {  	_ =	shalt  }
0x5f: {  	_ =	shalt  }
0x60: {  	_ =	shalt  }
0x61: {  	_ =	shalt  }
0x62: {  	_ =	shalt  }
0x63: {  	_ =	shalt  }
0x64: {  	_ =	shalt  }
0x65: {  	_ =	shalt  }
0x66: {  	_ =	shalt  }
0x67: {  	_ =	shalt  }
0x68: {  	_ =	shalt  }
0x69: {  	_ =	shalt  }
0x6a: {  	_ =	shalt  }
0x6b: {  	_ =	shalt  }
0x6c: {  	_ =	shalt  }
0x6d: {  	_ =	shalt  }
0x6e: {  	_ =	shalt  }
0x6f: {  	_ =	shalt  }
0x70: {  	_ =	shalt  }
0x71: {  	_ =	shalt  }
0x72: {  	_ =	shalt  }
0x73: {  	_ =	shalt  }
0x74: {  	_ =	shalt  }
0x75: {  	_ =	shalt  }
0x76: {  	_ =	shalt  }
0x77: {  	_ =	shalt  }
0x78: {  	_ =	shalt  }
0x79: {  	_ =	shalt  }
0x7a: {  	_ =	shalt  }
0x7b: {  	_ =	shalt  }
0x7c: {  	_ =	shalt  }
0x7d: {  	_ =	shalt  }
0x7e: {  	_ =	shalt  }
0x7f: {  	_ =	shalt  }
0x80: {  	_ =	shalt  }
0x81: {  	_ =	shalt  }
0x82: {  	_ =	shalt  }
0x83: {  	_ =	shalt  }
0x84: {  	_ =	shalt  }
0x85: {  	_ =	shalt  }
0x86: {  	_ =	shalt  }
0x87: {  	_ =	shalt  }
.Lfunc_end0:
.L_simem_size_0:
called_computation.1_lowered:
.L_overlay_start_0:
0x88: {  	s2 =	sld [smem:$0x3FD9]  }
0x89: {  	s3 =	sld [smem:$0x3FFE];
	_ =	sdelay $0x1  }
0x8a: {  	s1 =	srdreg.scid  }
0x8b: {  	s0 =	sand.u32 $0x1, s1  }
0x8c: {  	s16 =	sshll.u32 s0, $0xA;
	s2 =	sadd.s32 s3, s2  }
0x8d: {  	s2 =	sadd.s32 s2, s16  }
0x8e: {  	[smem:$0x3FB5] =	sst s2  }
0x8f: {  	_ = 	snop  }
0x90: {  	(tm) =	ssettm $0x1  }
0x91: {  	s17 =	sld [smem:$0x3FFB];
	_ =	sdelay $0x3  }
0x92: {  	_ =	strace s17  }
0x93: {  	s2 =	sld [smem:$0x3FFC];
	_ =	sdelay $0x3  }
0x94: {  	_ =	strace s2  }
0x95: {  	s2 =	sld [smem:$0x3FFD];
	_ =	sdelay $0x3  }
0x96: {  	_ =	strace s2  }
0x97: {  	_ =	strace $0x8FFFFFFF  }
0x98: {  	s18 =	sld [smem:$0x3FDB];
	_ =	sdelay $0x1  }
0x99: {  	s19 =	simm.s32 $_scs_section_size  }
0x9a: {  	s4 =	simm.s32 $_size__tile_overlayer_lowered;
	s5 =	simm.s32 $_tile_overlayer_lowered  }
0x9b: {  	s22 =	simm.s32 $0x1BFF;
	s21 =	sshll.u32 s5, $0x1;
	s2 =	sadd.s32 s19, s18  }
0x9c: {  	s6 =	simm.s32 $0x0;
	s20 =	sshll.u32 s4, $0x1;
	s4 =	sadd.s32 s21, s2  }
0x9d: {  	[timem:s6], [sflag:s22] =	dma.local [hbm:s4], s20  }
0x9e: {  	_ =	swait.ge [sflag:s22], s20  }
0x9f: {  	s3 =	ssub.s32 $0x0, s20;
	[sflag:s22] =	ssyncset.done $0x0  }
0xa0: {  	[sflag:s22] =	ssyncadd.s32 s3;
	_ =	sdelay $0x1  }
0xa1: {  	s23 =	simm.s32 $0x1B8B  }
0xa2: {  	_ =	swait.ge [sflag:s23], $0x1  }
0xa3: {  	[sflag:s23] =	ssyncset.done $0x0  }
0xa4: {  	s25 =	simm.s32 $0x1B8E;
	s24 =	sld [smem:$0x3FFE];
	[sflag:s23] =	ssyncadd.s32 $0xFFFFFFFF  }
0xa5: {  	s26 =	simm.s32 $execute0_lowered;
	[smem:$0x3FD2] =	sst s25  }
0xa6: {  	s4 =	sshll.u32 s26, $0x1;
	_ =	strace $0x80000049;
	[dreg:$0x1] =	wrdreg $0xFFFFFFFF  }
0xa7: {  	s28 =	simm.s32 $_size_execute0_lowered;
	s2 =	sadd.s32 s2, s4;
	[dreg:$0x0] =	wrdreg $0x0  }
0xa8: {  	s4 =	sshll.u32 s28, $0x1;
	[dreg:$0x2] =	wrdreg s2  }
0xa9: {  	[dreg:$0x3] =	wrdreg s4  }
0xaa: {  	[dreg:$0x4] =	wrdreg $0xC0  }
0xab: {  	_ =	task [dreg:s6], $0x5FFFF  }
0xac: {  	[dreg:$0x1] =	wrdreg $0xFFFFFFFF  }
0xad: {  	[dreg:$0x0] =	wrdreg $0x60  }
0xae: {  	[dreg:$0x2] =	wrdreg s24  }
0xaf: {  	[dreg:$0x3] =	wrdreg $0xAA000  }
0xb0: {  	[dreg:$0x4] =	wrdreg $0x9  }
0xb1: {  	_ =	task.clear_ibuf [dreg:s6], $0x5FFFF;
	_ =	strace $0x90000049  }
0xb2: {  	s29 =	simm.s32 $0x9;
	_ =	strace $0x8000004B  }
0xb3: {  	_ =	swait.ge [sflag:s29], $0x1  }
0xb4: {  	[sflag:s29] =	ssyncadd.s32 $0xFFFFFFFF  }
0xb5: {  	_ =	strace $0x9000004B  }
0xb6: {  	_ =	sfence  }
0xb7: {  	s30 =	sld [smem:$0x0];
	_ =	sdelay $0x2  }
0xb8: {  	s31 =	sshll.u32 s1, $0xD;
	s1 =	sshrl.u32 s1, $0x2  }
0xb9: {  	s3 =	sand.u32 $0x4000, s31;
	s1 =	sadd.s32 s1, s30  }
0xba: {  	s0 =	sor.u32 s3, s0;
	s1 =	sshll.u32 s1, $0x11  }
0xbb: {  	s0 =	sor.u32 s1, s0  }
0xbc: {  	s0 =	sadd.s32 $0x8F2B, s0  }
0xbd: {  	[sflag:s0] =	ssyncadd.remote.s32 $0x1  }
0xbe: {  	_ =	sfence.sel $0xFFFF  }
0xbf: {  	[dreg:$0x0] =	wrdreg $0xFFFFFFFF;
	(pc) =	sbr.abs _section_cstart, $3  }
0xc0: {  	[dreg:$0x1] =	wrdreg $0xFFFFFFFF  }
0xc1: {  	_ =	task.clear_ibuf [dreg:s6], $0x2FFFF;
	_ =	strace $0x9FFFFFFF  }
0xc2: {  	(tm) =	ssettm $0x7FFFFFFF  }
0xc3: {  	_ =	shalt  }
tec
execute0_lowered:
.L_overlay_start_1:
0x0: {  	(tag) =	ssettag $0x1  }
0x1: {  	s0 =	rddreg [dreg:$0x0];
	s1 =	srdreg.scid  }
0x2: {  	s9 =	stileid.u32;
	s2 =	rddreg [dreg:$0x1]  }
0x3: {  	s3 =	simm.s32 $0x0;
	s17 =	simm.s32 $0x3;
	s18 =	simm.s32 $0x2A00  }
0x4: {  	s19 =	simm.s32 $0x40;
	s20 =	simm.s32 $0x2800;
	s21 =	simm.s32 $0x2840  }
0x5: {  	s22 =	simm.s32 $0x4A00;
	s28 =	simm.s32 $0x8A00;
	s29 =	simm.s32 $0x80  }
0x6: {  	s30 =	simm.s32 $0x2900;
	s1 =	sand.u32 $0x1, s1;
	s7 =	smul.u32 $0x50000, s9  }
0x7: {  	s4 =	sshll.u32 s9, $0x1;
	[smem:$0x7FF] =	sst s3;
	s10 =	smul.u32 $0x14000, s9  }
0x8: {  	s4 =	sor.u32 s1, s4;
	s6 =	ssub.s32 $0x2, s1;
	s1 =	smul.u32 $0x140000, s1  }
0x9: {  	s31 =	simm.s32 $0x2;
	_ =	strace $0x8000004A;
	s5 =	smul.u32 $0x500, s4  }
0xa: {  	s4 =	sadd.s32 $0x4400, s0;
	s8 =	sshrl.u32 s6, $0x1;
	s23 =	sshrl.u32 s7, $0x2  }
0xb: {  	s24 =	sadd.s32 $0x4000, s10;
	s12 =	sadd.s32 $0x8000, s10;
	s13 =	sadd.s32 $0xC000, s10  }
0xc: {  	s15 =	sadd.s32 $0x10000, s10;
	s11 =	ssub.s32 s6, s8;
	s6 =	sadd.s32 s23, s2  }
0xd: {  	s7 =	sadd.s32 s24, s2;
	s8 =	sadd.s32 s12, s2;
	s9 =	sadd.s32 s13, s2  }
0xe: {  	s14 =	sadd.s32 s10, s1;
	s10 =	sadd.s32 s15, s2;
	s25 =	sadd.s32 s1, s12  }
0xf: {  	s26 =	sadd.s32 s1, s13;
	s23 =	simm.s32 $0x1;
	s5 =	sadd.s32 s5, s0  }
0x10: {  	s0 =	sadd.s32 $0x68400, s0;
	s14 =	sshrl.u32 s14, $0x3;
	s12 =	sshrl.u32 s26, $0x3  }
0x11: {  	s16 =	smax.u32 s11, $0x1;
	s26 =	simm.s32 $0x28C0;
	s5 =	sadd.s32 $0x5E400, s5  }
0x12: {  	s14 =	sadd.s32 s0, s14;
	[dreg:$0x3] =	wrdreg s5;
	s5 =	sadd.s32 s1, s24  }
0x13: {  	[dreg:$0x4] =	wrdreg s14;
	s1 =	sadd.s32 s1, s15;
	s5 =	sshrl.u32 s5, $0x3  }
0x14: {  	s14 =	sadd.s32 s0, s12;
	s24 =	simm.s32 $0x2880;
	s5 =	sadd.s32 s0, s5  }
0x15: {  	s1 =	sshrl.u32 s1, $0x3;
	[dreg:$0x5] =	wrdreg s5;
	s5 =	sshrl.u32 s25, $0x3  }
0x16: {  	s15 =	sadd.s32 s0, s1;
	s1 =	simm.s32 $0x2980;
	s5 =	sadd.s32 s0, s5  }
0x17: {  	v0 =	vimm.f32 $0.0e+00;
	s25 =	simm.s32 $0x6A00;
	s0 =	simm.s32 $0x0;
	[dreg:$0x6] =	wrdreg s5  }
.LBB2_1:
0x18: {  	s5 =	rddreg [dreg:$0x3]  }
0x19: {  	[tilespmem:s3], [sflag:$0x3] =	stream.linear.gather [hbm4b:s5+s3], $0x2800, $0x38;
	[tilespmem:$0x1EA00] =	vst v63  }
0x1a: {  	s13 =	sand.u32 $0xFE00, s3;
	s11 =	sand.u32 $0x70, s3;
	_ =	swait.ge [sflag:s17], $0x2800  }
0x1b: {  	s12 =	sshrl.u32 s13, $0x2;
	s5 =	simm.s32 $0x40;
	[sflag:s17] =	ssyncset.done $0x0  }
0x1c: {  	s12 =	sor.u32 s11, s12;
	s11 =	simm.s32 $0x0;
	[sflag:s17] =	ssyncadd.s32 $0xFFFFD800  }
.LBB2_2:
0x1d: {  	p0 =	sne.s32 s5, $0xFFC0  }
0x1e: {  	[tilespmem:s12+$0x2A00] =	vst v0;
	s11 =	sadd.s32 $0x10, s11;
	s12 =	smov.u32 s5;
	s5 =	sadd.s32 $0x40, s5  }
.Ltmp0:
0x1f: {  	(pc) =	sbr.rel @p0 .LBB2_2-.Ltmp0, $4  }
0x20: {  	_ = 	snop  }
0x21: {  	s12 =	sand.u32 $0xFE00, s12  }
0x22: {  	s13 =	sand.u32 $0x70, s11;
	s12 =	sshrl.u32 s12, $0x2  }
0x23: {  	s12 =	sor.u32 s13, s12  }
0x24: {  	[tilespmem:s12+$0x2A00] =	vst v0  }
0x25: {  	[spmem:s6] =	stream.linear.scatter [tilespmem:s18], [sflag:$0x3], $0x4000, $0x38;
	[tilespmem:$0x1EA00] =	vst v63  }
0x26: {  	_ =	swait.ge [sflag:s17], $0x4000  }
0x27: {  	[sflag:s17] =	ssyncset.done $0x0  }
0x28: {  	[sflag:s17] =	ssyncadd.s32 $0xFFFFC000  }
0x29: {  	[spmem:s7] =	stream.linear.scatter [tilespmem:s18], [sflag:$0x3], $0x4000, $0x38;
	[tilespmem:$0x1EA00] =	vst v63  }
0x2a: {  	_ =	swait.ge [sflag:s17], $0x4000  }
0x2b: {  	[sflag:s17] =	ssyncset.done $0x0  }
0x2c: {  	[sflag:s17] =	ssyncadd.s32 $0xFFFFC000  }
0x2d: {  	[spmem:s8] =	stream.linear.scatter [tilespmem:s18], [sflag:$0x3], $0x4000, $0x38;
	[tilespmem:$0x1EA00] =	vst v63  }
0x2e: {  	_ =	swait.ge [sflag:s17], $0x4000  }
0x2f: {  	[sflag:s17] =	ssyncset.done $0x0  }
0x30: {  	[sflag:s17] =	ssyncadd.s32 $0xFFFFC000  }
0x31: {  	[spmem:s9] =	stream.linear.scatter [tilespmem:s18], [sflag:$0x3], $0x4000, $0x38;
	[tilespmem:$0x1EA00] =	vst v63  }
0x32: {  	_ =	swait.ge [sflag:s17], $0x4000  }
0x33: {  	[sflag:s17] =	ssyncset.done $0x0  }
0x34: {  	[sflag:s17] =	ssyncadd.s32 $0xFFFFC000  }
0x35: {  	[spmem:s10] =	stream.linear.scatter [tilespmem:s18], [sflag:$0x3], $0x4000, $0x38;
	[tilespmem:$0x1EA00] =	vst v63  }
0x36: {  	_ =	swait.ge [sflag:s17], $0x4000  }
0x37: {  	[sflag:s17] =	ssyncset.done $0x0  }
0x38: {  	[sflag:s17] =	ssyncadd.s32 $0xFFFFC000  }
0x39: {  	[bflag:$0x0] =	sbarrier.arrive $0xFFFF  }
0x3a: {  	v1 =	vld [tilespmem:$0x0];
	_ =	sdelay $0x1  }
0x3b: {  	v2 =	vld [tilespmem:$0x10];
	_ =	sdelay $0x1  }
0x3c: {  	v3 =	vld [tilespmem:$0x20]  }
0x3d: {  	v4 =	vand.u32 $0x3FFF, v1  }
0x3e: {  	v62 =	vld [tilespmem:$0x30];
	v1 =	vshrl.u32 v1, $0xE;
	[tilespmem:$0x2800] =	vst v4  }
0x3f: {  	[tilespmem:$0x2900] =	vst v1;
	v1 =	vand.u32 $0x3FFF, v2  }
0x40: {  	[tilespmem:$0x2810] =	vst v1;
	v1 =	vshrl.u32 v2, $0xE;
	v2 =	vld [tilespmem:$0x40]  }
0x41: {  	[tilespmem:$0x2910] =	vst v1;
	v1 =	vand.u32 $0x3FFF, v3  }
0x42: {  	[tilespmem:$0x2820] =	vst v1;
	v1 =	vshrl.u32 v3, $0xE;
	v3 =	vld [tilespmem:$0x50]  }
0x43: {  	[tilespmem:$0x2920] =	vst v1;
	v1 =	vand.u32 $0x3FFF, v62  }
0x44: {  	v63 =	vld [tilespmem:$0x60];
	[tilespmem:$0x2830] =	vst v1;
	v1 =	vshrl.u32 v62, $0xE  }
0x45: {  	[tilespmem:$0x2930] =	vst v1;
	v1 =	vand.u32 $0x3FFF, v2  }
0x46: {  	[tilespmem:$0x2840] =	vst v1;
	v1 =	vshrl.u32 v2, $0xE;
	v2 =	vld [tilespmem:$0x70]  }
0x47: {  	[tilespmem:$0x2940] =	vst v1;
	v1 =	vand.u32 $0x3FFF, v3  }
0x48: {  	[tilespmem:$0x2850] =	vst v1;
	v1 =	vshrl.u32 v3, $0xE  }
0x49: {  	[tilespmem:$0x2950] =	vst v1;
	v1 =	vand.u32 $0x3FFF, v63  }
0x4a: {  	[tilespmem:$0x2860] =	vst v1;
	v1 =	vshrl.u32 v63, $0xE  }
0x4b: {  	[tilespmem:$0x2960] =	vst v1;
	v1 =	vand.u32 $0x3FFF, v2  }
0x4c: {  	[tilespmem:$0x2870] =	vst v1;
	v1 =	vshrl.u32 v2, $0xE  }
0x4d: {  	[tilespmem:$0x2970] =	vst v1  }
0x4e: {  	[tilespmem:s18], [sflag:$0x1] =	stream.indirect.gather [hbm4b:s4+s19], $0x80, s20, s19, $0xb8;
	[tilespmem:$0x1EA00] =	vst v63  }
0x4f: {  	s5 =	simm.s32 $0x0  }
0x50: {  	[tilespmem:s22], [sflag:$0x1] =	stream.indirect.gather [hbm4b:s4+s19], $0x80, s21, s19, $0xb8;
	[tilespmem:$0x1EA00] =	vst v63  }
0x51: {  	v1 =	vld [tilespmem:s5+$0x80];
	_ =	sdelay $0x4  }
0x52: {  	v2 =	vand.u32 $0x3FFF, v1  }
0x53: {  	v1 =	vshrl.u32 v1, $0xE;
	[tilespmem:$0x2880] =	vst v2  }
0x54: {  	[tilespmem:$0x2980] =	vst v1  }
0x55: {  	v1 =	vld [tilespmem:s5+$0x90];
	_ =	sdelay $0x4  }
0x56: {  	v2 =	vand.u32 $0x3FFF, v1  }
0x57: {  	v1 =	vshrl.u32 v1, $0xE;
	[tilespmem:$0x2890] =	vst v2  }
0x58: {  	[tilespmem:$0x2990] =	vst v1  }
0x59: {  	v1 =	vld [tilespmem:s5+$0xA0];
	_ =	sdelay $0x4  }
0x5a: {  	v2 =	vand.u32 $0x3FFF, v1  }
0x5b: {  	v1 =	vshrl.u32 v1, $0xE;
	[tilespmem:$0x28A0] =	vst v2  }
0x5c: {  	[tilespmem:$0x29A0] =	vst v1  }
0x5d: {  	v1 =	vld [tilespmem:s5+$0xB0];
	_ =	sdelay $0x4  }
0x5e: {  	v2 =	vand.u32 $0x3FFF, v1  }
0x5f: {  	v1 =	vshrl.u32 v1, $0xE;
	[tilespmem:$0x28B0] =	vst v2  }
0x60: {  	[tilespmem:$0x29B0] =	vst v1  }
0x61: {  	v1 =	vld [tilespmem:s5+$0xC0];
	_ =	sdelay $0x4  }
0x62: {  	v2 =	vand.u32 $0x3FFF, v1  }
0x63: {  	v1 =	vshrl.u32 v1, $0xE;
	[tilespmem:$0x28C0] =	vst v2  }
0x64: {  	[tilespmem:$0x29C0] =	vst v1  }
0x65: {  	v1 =	vld [tilespmem:s5+$0xD0];
	_ =	sdelay $0x4  }
0x66: {  	v2 =	vand.u32 $0x3FFF, v1  }
0x67: {  	v1 =	vshrl.u32 v1, $0xE;
	[tilespmem:$0x28D0] =	vst v2  }
0x68: {  	[tilespmem:$0x29D0] =	vst v1  }
0x69: {  	v1 =	vld [tilespmem:s5+$0xE0];
	_ =	sdelay $0x4  }
0x6a: {  	v2 =	vand.u32 $0x3FFF, v1  }
0x6b: {  	v1 =	vshrl.u32 v1, $0xE;
	[tilespmem:$0x28E0] =	vst v2  }
0x6c: {  	[tilespmem:$0x29E0] =	vst v1  }
0x6d: {  	v1 =	vld [tilespmem:s5+$0xF0];
	_ =	sdelay $0x4  }
0x6e: {  	v2 =	vand.u32 $0x3FFF, v1  }
0x6f: {  	v1 =	vshrl.u32 v1, $0xE;
	[tilespmem:$0x28F0] =	vst v2  }
0x70: {  	[tilespmem:$0x29F0] =	vst v1  }
0x71: {  	_ =	swait.ge [sflag:s23], $0x2000  }
0x72: {  	[sflag:s23] =	ssyncset.done $0x0  }
0x73: {  	[sflag:s23] =	ssyncadd.s32 $0xFFFFE000  }
0x74: {  	_ =	swait.ge [sflag:s23], $0x2000  }
0x75: {  	[sflag:s23] =	ssyncset.done $0x0  }
0x76: {  	[sflag:s23] =	ssyncadd.s32 $0xFFFFE000  }
0x77: {  	[tilespmem:s25], [sflag:$0x2] =	stream.indirect.gather [hbm4b:s4+s19], $0x80, s24, s19, $0xb8;
	[tilespmem:$0x1EA00] =	vst v63  }
0x78: {  	_ = 	snop  }
0x79: {  	[tilespmem:s28], [sflag:$0x2] =	stream.indirect.gather [hbm4b:s4+s19], $0x80, s26, s19, $0xb8;
	[tilespmem:$0x1EA00] =	vst v63  }
0x7a: {  	_ = 	snop  }
0x7b: {  	[spmem:s2] =	stream.indirect.scatter.add.f32 [tilespmem:s18], [sflag:$0x3], $0x80, s30, s29, $0xb8;
	[tilespmem:$0x1EA00] =	vst v63  }
0x7c: {  	p0 =	por $0x0, $0x0;
	s5 =	simm.s32 $0x400;
	_ =	swait.ge [sflag:s17], $0x4000  }
0x7d: {  	s5 =	simm.s32 @p0 $0x0;
	[sflag:s17] =	ssyncset.done $0x0  }
0x7e: {  	s11 =	sshra.s32 s5, $0x2;
	[sflag:s17] =	ssyncadd.s32 $0xFFFFC000  }
0x7f: {  	v1 =	vld [tilespmem:s11+$0x0];
	_ =	sdelay $0x4  }
0x80: {  	v2 =	vand.u32 $0x3FFF, v1  }
0x81: {  	v1 =	vshrl.u32 v1, $0xE;
	[tilespmem:$0x2800] =	vst v2  }
0x82: {  	[tilespmem:$0x2900] =	vst v1  }
0x83: {  	v1 =	vld [tilespmem:s11+$0x10];
	_ =	sdelay $0x4  }
0x84: {  	v2 =	vand.u32 $0x3FFF, v1  }
0x85: {  	v1 =	vshrl.u32 v1, $0xE;
	[tilespmem:$0x2810] =	vst v2  }
0x86: {  	[tilespmem:$0x2910] =	vst v1  }
0x87: {  	v1 =	vld [tilespmem:s11+$0x20];
	_ =	sdelay $0x4  }
0x88: {  	v2 =	vand.u32 $0x3FFF, v1  }
0x89: {  	v1 =	vshrl.u32 v1, $0xE;
	[tilespmem:$0x2820] =	vst v2  }
0x8a: {  	[tilespmem:$0x2920] =	vst v1  }
0x8b: {  	v1 =	vld [tilespmem:s11+$0x30];
	_ =	sdelay $0x4  }
0x8c: {  	v2 =	vand.u32 $0x3FFF, v1  }
0x8d: {  	v1 =	vshrl.u32 v1, $0xE;
	[tilespmem:$0x2830] =	vst v2  }
0x8e: {  	[tilespmem:$0x2930] =	vst v1  }
0x8f: {  	v1 =	vld [tilespmem:s11+$0x40];
	_ =	sdelay $0x4  }
0x90: {  	v2 =	vand.u32 $0x3FFF, v1  }
0x91: {  	v1 =	vshrl.u32 v1, $0xE;
	[tilespmem:$0x2840] =	vst v2  }
0x92: {  	[tilespmem:$0x2940] =	vst v1  }
0x93: {  	v1 =	vld [tilespmem:s11+$0x50];
	_ =	sdelay $0x4  }
0x94: {  	v2 =	vand.u32 $0x3FFF, v1  }
0x95: {  	v1 =	vshrl.u32 v1, $0xE;
	[tilespmem:$0x2850] =	vst v2  }
0x96: {  	[tilespmem:$0x2950] =	vst v1  }
0x97: {  	v1 =	vld [tilespmem:s11+$0x60];
	_ =	sdelay $0x4  }
0x98: {  	v2 =	vand.u32 $0x3FFF, v1  }
0x99: {  	v1 =	vshrl.u32 v1, $0xE;
	[tilespmem:$0x2860] =	vst v2  }
0x9a: {  	[tilespmem:$0x2960] =	vst v1  }
0x9b: {  	s5 =	simm.s32 $0x400;
	v1 =	vld [tilespmem:s11+$0x70]  }
.LBB2_4:
0x9c: {  	_ =	sdelay $0x2  }
0x9d: {  	p0 =	sne.s32 s5, $0x9C00;
	s11 =	smov.u32 s5;
	s5 =	sadd.s32 $0x400, s5  }
0x9e: {  	v2 =	vand.u32 $0x3FFF, v1;
	v1 =	vshrl.u32 v1, $0xE  }
0x9f: {  	[tilespmem:$0x2870] =	vst v2  }
0xa0: {  	[tilespmem:$0x2970] =	vst v1  }
0xa1: {  	[tilespmem:s18], [sflag:$0x1] =	stream.indirect.gather [hbm4b:s4+s19], $0x80, s20, s19, $0xb8;
	[tilespmem:$0x1EA00] =	vst v63  }
0xa2: {  	_ = 	snop  }
0xa3: {  	[tilespmem:s22], [sflag:$0x1] =	stream.indirect.gather [hbm4b:s4+s19], $0x80, s21, s19, $0xb8;
	[tilespmem:$0x1EA00] =	vst v63  }
0xa4: {  	_ =	swait.ge [sflag:s31], $0x2000  }
0xa5: {  	[sflag:s31] =	ssyncset.done $0x0  }
0xa6: {  	[sflag:s31] =	ssyncadd.s32 $0xFFFFE000  }
0xa7: {  	_ =	swait.ge [sflag:s31], $0x2000  }
0xa8: {  	[sflag:s31] =	ssyncset.done $0x0  }
0xa9: {  	[sflag:s31] =	ssyncadd.s32 $0xFFFFE000  }
0xaa: {  	[spmem:s2] =	stream.indirect.scatter.add.f32 [tilespmem:s25], [sflag:$0x3], $0x80, s1, s29, $0xb8;
	[tilespmem:$0x1EA00] =	vst v63  }
0xab: {  	_ =	swait.ge [sflag:s17], $0x4000  }
0xac: {  	[sflag:s17] =	ssyncset.done $0x0  }
0xad: {  	s12 =	sshra.s32 s11, $0x2;
	[sflag:s17] =	ssyncadd.s32 $0xFFFFC000  }
0xae: {  	v1 =	vld [tilespmem:s12+$0x80];
	_ =	sdelay $0x4  }
0xaf: {  	v2 =	vand.u32 $0x3FFF, v1;
	v1 =	vshrl.u32 v1, $0xE  }
0xb0: {  	[tilespmem:$0x2880] =	vst v2  }
0xb1: {  	[tilespmem:$0x2980] =	vst v1  }
0xb2: {  	v1 =	vld [tilespmem:s12+$0x90];
	_ =	sdelay $0x4  }
0xb3: {  	v2 =	vand.u32 $0x3FFF, v1;
	v1 =	vshrl.u32 v1, $0xE  }
0xb4: {  	[tilespmem:$0x2890] =	vst v2  }
0xb5: {  	[tilespmem:$0x2990] =	vst v1  }
0xb6: {  	v1 =	vld [tilespmem:s12+$0xA0];
	_ =	sdelay $0x4  }
0xb7: {  	v2 =	vand.u32 $0x3FFF, v1;
	v1 =	vshrl.u32 v1, $0xE  }
0xb8: {  	[tilespmem:$0x28A0] =	vst v2  }
0xb9: {  	[tilespmem:$0x29A0] =	vst v1  }
0xba: {  	v1 =	vld [tilespmem:s12+$0xB0];
	_ =	sdelay $0x4  }
0xbb: {  	v2 =	vand.u32 $0x3FFF, v1;
	v1 =	vshrl.u32 v1, $0xE  }
0xbc: {  	[tilespmem:$0x28B0] =	vst v2  }
0xbd: {  	[tilespmem:$0x29B0] =	vst v1  }
0xbe: {  	v1 =	vld [tilespmem:s12+$0xC0];
	_ =	sdelay $0x4  }
0xbf: {  	v2 =	vand.u32 $0x3FFF, v1;
	v1 =	vshrl.u32 v1, $0xE  }
0xc0: {  	[tilespmem:$0x28C0] =	vst v2  }
0xc1: {  	[tilespmem:$0x29C0] =	vst v1  }
0xc2: {  	v1 =	vld [tilespmem:s12+$0xD0];
	_ =	sdelay $0x4  }
0xc3: {  	v2 =	vand.u32 $0x3FFF, v1;
	v1 =	vshrl.u32 v1, $0xE  }
0xc4: {  	[tilespmem:$0x28D0] =	vst v2  }
0xc5: {  	[tilespmem:$0x29D0] =	vst v1  }
0xc6: {  	v1 =	vld [tilespmem:s12+$0xE0];
	_ =	sdelay $0x4  }
0xc7: {  	v2 =	vand.u32 $0x3FFF, v1;
	v1 =	vshrl.u32 v1, $0xE  }
0xc8: {  	[tilespmem:$0x28E0] =	vst v2  }
0xc9: {  	[tilespmem:$0x29E0] =	vst v1  }
0xca: {  	v1 =	vld [tilespmem:s12+$0xF0];
	_ =	sdelay $0x4  }
0xcb: {  	v2 =	vand.u32 $0x3FFF, v1;
	v1 =	vshrl.u32 v1, $0xE  }
0xcc: {  	[tilespmem:$0x28F0] =	vst v2  }
0xcd: {  	[tilespmem:$0x29F0] =	vst v1  }
0xce: {  	_ =	swait.ge [sflag:s23], $0x2000  }
0xcf: {  	[sflag:s23] =	ssyncset.done $0x0  }
0xd0: {  	[sflag:s23] =	ssyncadd.s32 $0xFFFFE000  }
0xd1: {  	p1 =	seq.s32 s11, $0x9C00;
	s11 =	smov.u32 s5;
	_ =	swait.ge [sflag:s23], $0x2000  }
0xd2: {  	s11 =	simm.s32 @p1 $0x0;
	[sflag:s23] =	ssyncset.done $0x0  }
0xd3: {  	s11 =	sshra.s32 s11, $0x2;
	[sflag:s23] =	ssyncadd.s32 $0xFFFFE000  }
0xd4: {  	[tilespmem:s25], [sflag:$0x2] =	stream.indirect.gather [hbm4b:s4+s19], $0x80, s24, s19, $0xb8;
	[tilespmem:$0x1EA00] =	vst v63  }
0xd5: {  	_ = 	snop  }
0xd6: {  	[tilespmem:s28], [sflag:$0x2] =	stream.indirect.gather [hbm4b:s4+s19], $0x80, s26, s19, $0xb8;
	[tilespmem:$0x1EA00] =	vst v63  }
0xd7: {  	_ = 	snop  }
0xd8: {  	[spmem:s2] =	stream.indirect.scatter.add.f32 [tilespmem:s18], [sflag:$0x3], $0x80, s30, s29, $0xb8;
	[tilespmem:$0x1EA00] =	vst v63  }
0xd9: {  	_ =	swait.ge [sflag:s17], $0x4000  }
0xda: {  	[sflag:s17] =	ssyncset.done $0x0  }
0xdb: {  	[sflag:s17] =	ssyncadd.s32 $0xFFFFC000  }
0xdc: {  	v1 =	vld [tilespmem:s11+$0x0];
	_ =	sdelay $0x4  }
0xdd: {  	v2 =	vand.u32 $0x3FFF, v1;
	v1 =	vshrl.u32 v1, $0xE  }
0xde: {  	[tilespmem:$0x2800] =	vst v2  }
0xdf: {  	[tilespmem:$0x2900] =	vst v1  }
0xe0: {  	v1 =	vld [tilespmem:s11+$0x10];
	_ =	sdelay $0x4  }
0xe1: {  	v2 =	vand.u32 $0x3FFF, v1;
	v1 =	vshrl.u32 v1, $0xE  }
0xe2: {  	[tilespmem:$0x2810] =	vst v2  }
0xe3: {  	[tilespmem:$0x2910] =	vst v1  }
0xe4: {  	v1 =	vld [tilespmem:s11+$0x20];
	_ =	sdelay $0x4  }
0xe5: {  	v2 =	vand.u32 $0x3FFF, v1;
	v1 =	vshrl.u32 v1, $0xE  }
0xe6: {  	[tilespmem:$0x2820] =	vst v2  }
0xe7: {  	[tilespmem:$0x2920] =	vst v1  }
0xe8: {  	v1 =	vld [tilespmem:s11+$0x30];
	_ =	sdelay $0x4  }
0xe9: {  	v2 =	vand.u32 $0x3FFF, v1;
	v1 =	vshrl.u32 v1, $0xE  }
0xea: {  	[tilespmem:$0x2830] =	vst v2  }
0xeb: {  	[tilespmem:$0x2930] =	vst v1  }
0xec: {  	v1 =	vld [tilespmem:s11+$0x40];
	_ =	sdelay $0x4  }
0xed: {  	v2 =	vand.u32 $0x3FFF, v1;
	v1 =	vshrl.u32 v1, $0xE  }
0xee: {  	[tilespmem:$0x2840] =	vst v2  }
0xef: {  	[tilespmem:$0x2940] =	vst v1  }
0xf0: {  	v1 =	vld [tilespmem:s11+$0x50];
	_ =	sdelay $0x4  }
0xf1: {  	v2 =	vand.u32 $0x3FFF, v1;
	v1 =	vshrl.u32 v1, $0xE  }
0xf2: {  	[tilespmem:$0x2850] =	vst v2  }
0xf3: {  	[tilespmem:$0x2950] =	vst v1  }
0xf4: {  	v1 =	vld [tilespmem:s11+$0x60];
	_ =	sdelay $0x3  }
.Ltmp1:
0xf5: {  	(pc) =	sbr.rel @p0 .LBB2_4-.Ltmp1, $4  }
0xf6: {  	v2 =	vand.u32 $0x3FFF, v1;
	v1 =	vshrl.u32 v1, $0xE  }
0xf7: {  	[tilespmem:$0x2860] =	vst v2  }
0xf8: {  	[tilespmem:$0x2960] =	vst v1  }
0xf9: {  	v1 =	vld [tilespmem:s11+$0x70]  }
0xfa: {  	_ =	sdelay $0x3  }
0xfb: {  	v2 =	vand.u32 $0x3FFF, v1  }
0xfc: {  	v1 =	vshrl.u32 v1, $0xE;
	[tilespmem:$0x2870] =	vst v2  }
0xfd: {  	[tilespmem:$0x2970] =	vst v1  }
0xfe: {  	[tilespmem:s18], [sflag:$0x1] =	stream.indirect.gather [hbm4b:s4+s19], $0x80, s20, s19, $0xb8;
	[tilespmem:$0x1EA00] =	vst v63  }
0xff: {  	_ = 	snop  }
0x100: {  	[tilespmem:s22], [sflag:$0x1] =	stream.indirect.gather [hbm4b:s4+s19], $0x80, s21, s19, $0xb8;
	[tilespmem:$0x1EA00] =	vst v63  }
0x101: {  	_ =	swait.ge [sflag:s31], $0x2000  }
0x102: {  	[sflag:s31] =	ssyncset.done $0x0  }
0x103: {  	[sflag:s31] =	ssyncadd.s32 $0xFFFFE000  }
0x104: {  	_ =	swait.ge [sflag:s31], $0x2000  }
0x105: {  	[sflag:s31] =	ssyncset.done $0x0  }
0x106: {  	[sflag:s31] =	ssyncadd.s32 $0xFFFFE000  }
0x107: {  	[spmem:s2] =	stream.indirect.scatter.add.f32 [tilespmem:s25], [sflag:$0x3], $0x80, s1, s29, $0xb8;
	[tilespmem:$0x1EA00] =	vst v63  }
0x108: {  	_ =	swait.ge [sflag:s17], $0x4000  }
0x109: {  	[sflag:s17] =	ssyncset.done $0x0  }
0x10a: {  	[sflag:s17] =	ssyncadd.s32 $0xFFFFC000  }
0x10b: {  	_ =	swait.ge [sflag:s23], $0x2000  }
0x10c: {  	[sflag:s23] =	ssyncset.done $0x0  }
0x10d: {  	[sflag:s23] =	ssyncadd.s32 $0xFFFFE000  }
0x10e: {  	_ =	swait.ge [sflag:s23], $0x2000  }
0x10f: {  	[sflag:s23] =	ssyncset.done $0x0  }
0x110: {  	[sflag:s23] =	ssyncadd.s32 $0xFFFFE000  }
0x111: {  	[bflag:$0x0] =	sbarrier.arrive $0xFFFF  }
0x112: {  	[tilespmem:s18], [sflag:$0x3] =	stream.linear.gather [spmem:s6], $0x4000, $0x38;
	[tilespmem:$0x1EA00] =	vst v63  }
0x113: {  	_ =	swait.ge [sflag:s17], $0x4000  }
0x114: {  	[sflag:s17] =	ssyncset.done $0x0  }
0x115: {  	s5 =	rddreg [dreg:$0x4];
	[sflag:s17] =	ssyncadd.s32 $0xFFFFC000  }
0x116: {  	[hbm4b:s5+s3] =	stream.linear.scatter [tilespmem:s18], [sflag:$0x3], $0x4000, $0x38;
	[tilespmem:$0x1EA00] =	vst v63  }
0x117: {  	_ =	swait.ge [sflag:s17], $0x4000  }
0x118: {  	[sflag:s17] =	ssyncset.done $0x0  }
0x119: {  	[sflag:s17] =	ssyncadd.s32 $0xFFFFC000  }
0x11a: {  	[tilespmem:s18], [sflag:$0x3] =	stream.linear.gather [spmem:s7], $0x4000, $0x38;
	[tilespmem:$0x1EA00] =	vst v63  }
0x11b: {  	_ =	swait.ge [sflag:s17], $0x4000  }
0x11c: {  	[sflag:s17] =	ssyncset.done $0x0  }
0x11d: {  	s12 =	rddreg [dreg:$0x5];
	[sflag:s17] =	ssyncadd.s32 $0xFFFFC000  }
0x11e: {  	[hbm4b:s12+s3] =	stream.linear.scatter [tilespmem:s18], [sflag:$0x3], $0x4000, $0x38;
	[tilespmem:$0x1EA00] =	vst v63  }
0x11f: {  	_ =	swait.ge [sflag:s17], $0x4000  }
0x120: {  	[sflag:s17] =	ssyncset.done $0x0  }
0x121: {  	[sflag:s17] =	ssyncadd.s32 $0xFFFFC000  }
0x122: {  	[tilespmem:s18], [sflag:$0x3] =	stream.linear.gather [spmem:s8], $0x4000, $0x38;
	[tilespmem:$0x1EA00] =	vst v63  }
0x123: {  	_ =	swait.ge [sflag:s17], $0x4000  }
0x124: {  	[sflag:s17] =	ssyncset.done $0x0  }
0x125: {  	s13 =	rddreg [dreg:$0x6];
	[sflag:s17] =	ssyncadd.s32 $0xFFFFC000  }
0x126: {  	[hbm4b:s13+s3] =	stream.linear.scatter [tilespmem:s18], [sflag:$0x3], $0x4000, $0x38;
	[tilespmem:$0x1EA00] =	vst v63  }
0x127: {  	_ =	swait.ge [sflag:s17], $0x4000  }
0x128: {  	[sflag:s17] =	ssyncset.done $0x0  }
0x129: {  	[sflag:s17] =	ssyncadd.s32 $0xFFFFC000  }
0x12a: {  	[tilespmem:s18], [sflag:$0x3] =	stream.linear.gather [spmem:s9], $0x4000, $0x38;
	[tilespmem:$0x1EA00] =	vst v63  }
0x12b: {  	_ =	swait.ge [sflag:s17], $0x4000  }
0x12c: {  	[sflag:s17] =	ssyncset.done $0x0  }
0x12d: {  	[sflag:s17] =	ssyncadd.s32 $0xFFFFC000  }
0x12e: {  	[hbm4b:s14+s3] =	stream.linear.scatter [tilespmem:s18], [sflag:$0x3], $0x4000, $0x38;
	[tilespmem:$0x1EA00] =	vst v63  }
0x12f: {  	_ =	swait.ge [sflag:s17], $0x4000  }
0x130: {  	[sflag:s17] =	ssyncset.done $0x0  }
0x131: {  	[sflag:s17] =	ssyncadd.s32 $0xFFFFC000  }
0x132: {  	[tilespmem:s18], [sflag:$0x3] =	stream.linear.gather [spmem:s10], $0x4000, $0x38;
	[tilespmem:$0x1EA00] =	vst v63  }
0x133: {  	s0 =	sadd.s32 $0x1, s0;
	_ =	swait.ge [sflag:s17], $0x4000  }
0x134: {  	p0 =	sne.s32 s0, s16;
	[sflag:s17] =	ssyncset.done $0x0  }
.Ltmp2:
0x135: {  	[sflag:s17] =	ssyncadd.s32 $0xFFFFC000;
	(pc) =	sbr.rel @p0 .LBB2_1-.Ltmp2, $4  }
0x136: {  	[hbm4b:s15+s3] =	stream.linear.scatter [tilespmem:s18], [sflag:$0x3], $0x4000, $0x38;
	[tilespmem:$0x1EA00] =	vst v63  }
0x137: {  	_ =	swait.ge [sflag:s17], $0x4000  }
0x138: {  	[sflag:s17] =	ssyncset.done $0x0  }
0x139: {  	[sflag:s17] =	ssyncadd.s32 $0xFFFFC000  }
0x13a: {  	_ =	sfence.sel $0x180000  }
0x13b: {  	[bflag:$0x0] =	sbarrier.arrive $0xFFFF  }
0x13c: {  	_ =	strace $0x9000004A  }
0x13d: {  	s0 =	stileid.u32;
	[bflag:$0x2] =	sbarrier.arrive $0xFFFF  }
0x13e: {  	p0 =	sne.s32 s0, $0x0;
	s0 =	rddreg [dreg:$0x2]  }
0x13f: {  	s0 =	sadd.s32 @!p0 $0x100000, s0  }
0x140: {  	[sflag:s0] =	ssyncadd.tile.s32 @!p0 $0x1;
	_ =	shalt  }
.Lfunc_end2:
_tile_overlayer_lowered:
.L_overlay_start_2:
0x141: {  	(tag) =	ssettag $0x2  }
0x142: {  	s0 =	rddreg [dreg:$0x0];
	s2 =	stileid.u32  }
0x143: {  	s1 =	rddreg [dreg:$0x1];
	p0 =	sne.s32 s2, $0x0  }
0x144: {  	s3 =	rddreg [dreg:$0x2];
	[bflag:$0x3] =	sbarrier.arrive $0xFFFF;
	s2 =	simm.s32 @!p0 $0x1C03  }
0x145: {  	[timem:s3], [sflag:s2] =	dma.local @!p0 [hbm:s0], s1  }
0x146: {  	s0 =	simm.s32 @!p0 $0x3  }
0x147: {  	_ =	swait.ge @!p0 [sflag:s0], s1  }
0x148: {  	s1 =	ssub.s32 @!p0 $0x0, s1;
	[sflag:s0] =	ssyncset.done @!p0 $0x0  }
0x149: {  	[sflag:s0] =	ssyncadd.s32 @!p0 s1  }
0x14a: {  	[bflag:$0x3] =	sbarrier.arrive $0xFFFF  }
0x14b: {  	_ =	shalt  }

// kernel: kernel.16.cloned.1.call-start
scs
__scs_entry_jumppad:
0x0: {  	(pc) =	sbr.rel $0x88, $3  }
0x1: {  	(tag) =	ssettag $0x0;
	lr =	simm.s32 $0x1  }
0x2: {  	[smem:$0x3F8E] =	sst lr;
	_ =	strace $0xD0000000  }
0x3: {  	_ = 	snop  }
0x4: {  	_ = 	snop  }
0x5: {  	_ = 	snop  }
0x6: {  	_ = 	snop  }
0x7: {  	_ = 	snop  }
__scs_overlays_trampoline_lowered:
0x8: {  	[smem:$0x3F9D] =	sst s0  }
0x9: {  	[smem:$0x3F9E] =	sst s1  }
0xa: {  	[smem:$0x3F9F] =	sst s2  }
0xb: {  	[smem:$0x3FA0] =	sst s3  }
0xc: {  	[smem:$0x3FA1] =	sst s4  }
0xd: {  	[smem:$0x3FA2] =	sst s5  }
0xe: {  	[smem:$0x3FA3] =	sst s6  }
0xf: {  	[smem:$0x3FA4] =	sst s7  }
0x10: {  	[smem:$0x3FA5] =	sst s8  }
0x11: {  	[smem:$0x3FA6] =	sst s9;
	s0 =	simm.s32 @!p0 $0x0  }
0x12: {  	s1 =	sld [smem:$0x3F8C];
	s0 =	simm.s32 @p0 $0x1  }
0x13: {  	[smem:$0x3FA7] =	sst s0;
	s0 =	simm.s32 @!p1 $0x0  }
0x14: {  	s2 =	sld [smem:$0x3F8B];
	s0 =	simm.s32 @p1 $0x1  }
0x15: {  	[smem:$0x3FA8] =	sst s0;
	s0 =	simm.s32 @!p2 $0x0  }
0x16: {  	s3 =	sld [smem:$0x3FDB];
	s0 =	simm.s32 @p2 $0x1  }
0x17: {  	s4 =	simm.s32 $0x1BF5;
	[smem:$0x3FAA] =	sst s0  }
0x18: {  	s0 =	sld [smem:$0x3F8D];
	_ =	swait.ge [sflag:s4], $0x0  }
0x19: {  	s7 =	sld [smem:$0x3F8E]  }
0x1a: {  	s8 =	sadd.s32 $0xFFFFE003, lr  }
0x1b: {  	s9 =	sadd.s32 $0xFFFFFEF7, lr;
	s5 =	simm.s32 $0xFFFFFFFF;
	p2 =	slt.u32 s8, $0xFFFFF086  }
0x1c: {  	p1 =	slt.u32 s9, $0xF7A;
	s5 =	simm.s32 @!p2 $0x0  }
0x1d: {  	s5 =	simm.s32 @p1 $0x1;
	p0 =	seq.s32 s7, s2  }
0x1e: {  	s7 =	smul.u32 @!p0 $0xF7A, s2;
	p2 =	seq.s32 @!p0 s5, $0x0  }
0x1f: {  	s9 =	smul.u32 $0xF7A, s1;
	s8 =	simm.s32 @!p0 $0x1BF5;
	p2 =	por !p2, p0  }
0x20: {  	[sflag:s8] =	ssyncset.s32 @!p0 $0xFFFFF086;
	s6 =	sadd.s32 @!p0 s3, s7;
	s7 =	simm.s32 @!p0 $0x108  }
0x21: {  	s3 =	sadd.s32 s3, s9;
	s6 =	sadd.s32 @!p0 $0x88, s6;
	s7 =	simm.s32 @p2 $0x1082  }
0x22: {  	[simem:s7], [sflag:s8] =	dma.local @!p0 [hbm:s6], $0xF7A  }
0x23: {  	s9 =	sor.u32 $0xD0000000, s2;
	s6 =	simm.s32 $0x108;
	_ =	swait.ge @!p0 [sflag:s8], $0x0  }
0x24: {  	s3 =	sadd.s32 $0x88, s3;
	s6 =	simm.s32 @!p1 $0x1082;
	[sflag:s4] =	ssyncset.s32 $0xFFFFF086  }
0x25: {  	[simem:s6], [sflag:s4] =	dma.local [hbm:s3], $0xF7A  }
0x26: {  	[smem:$0x3F8E] =	sst s1;
	(tag) =	ssettag s2;
	_ =	strace s9  }
0x27: {  	s1 =	sld [smem:$0x3F9E]  }
0x28: {  	s2 =	sld [smem:$0x3F9F]  }
0x29: {  	s4 =	sld [smem:$0x3FA1]  }
0x2a: {  	p0 =	seq.s32 s5, $0x0;
	s5 =	sld [smem:$0x3FA2]  }
0x2b: {  	s6 =	sld [smem:$0x3FA3]  }
0x2c: {  	s7 =	sld [smem:$0x3FA4]  }
0x2d: {  	s3 =	simm.s32 $0x108;
	s8 =	sld [smem:$0x3FA5]  }
0x2e: {  	s3 =	simm.s32 @!p0 $0x1082;
	s9 =	sld [smem:$0x3FA6]  }
0x2f: {  	lr =	sadd.s32 s0, s3;
	s0 =	sld [smem:$0x3F9D]  }
0x30: {  	s3 =	sld [smem:$0x3FA0]  }
0x31: {  	[smem:$0x3FA9] =	sst s10  }
0x32: {  	s10 =	sld [smem:$0x3FA7];
	_ =	sdelay $0x3  }
0x33: {  	p0 =	seq.s32 s10, $0x1;
	s10 =	sld [smem:$0x3FA9];
	_ =	sdelay $0x3  }
0x34: {  	[smem:$0x3FA9] =	sst s10  }
0x35: {  	s10 =	sld [smem:$0x3FA8];
	_ =	sdelay $0x3  }
0x36: {  	p1 =	seq.s32 s10, $0x1;
	s10 =	sld [smem:$0x3FA9];
	_ =	sdelay $0x3  }
0x37: {  	[smem:$0x3FA9] =	sst s10  }
0x38: {  	s10 =	sld [smem:$0x3FAA]  }
0x39: {  	_ = 	snop;
	(pc) =	sbr.ind lr, $3  }
0x3a: {  	_ = 	snop  }
0x3b: {  	_ = 	snop  }
0x3c: {  	p2 =	seq.s32 s10, $0x1;
	s10 =	sld [smem:$0x3FA9]  }
0x3d: {  	_ =	shalt  }
0x3e: {  	_ =	shalt  }
0x3f: {  	_ =	shalt  }
0x40: {  	_ =	shalt  }
0x41: {  	_ =	shalt  }
0x42: {  	_ =	shalt  }
0x43: {  	_ =	shalt  }
0x44: {  	_ =	shalt  }
0x45: {  	_ =	shalt  }
0x46: {  	_ =	shalt  }
0x47: {  	_ =	shalt  }
0x48: {  	_ =	shalt  }
0x49: {  	_ =	shalt  }
0x4a: {  	_ =	shalt  }
0x4b: {  	_ =	shalt  }
0x4c: {  	_ =	shalt  }
0x4d: {  	_ =	shalt  }
0x4e: {  	_ =	shalt  }
0x4f: {  	_ =	shalt  }
0x50: {  	_ =	shalt  }
0x51: {  	_ =	shalt  }
0x52: {  	_ =	shalt  }
0x53: {  	_ =	shalt  }
0x54: {  	_ =	shalt  }
0x55: {  	_ =	shalt  }
0x56: {  	_ =	shalt  }
0x57: {  	_ =	shalt  }
0x58: {  	_ =	shalt  }
0x59: {  	_ =	shalt  }
0x5a: {  	_ =	shalt  }
0x5b: {  	_ =	shalt  }
0x5c: {  	_ =	shalt  }
0x5d: {  	_ =	shalt  }
0x5e: {  	_ =	shalt  }
0x5f: {  	_ =	shalt  }
0x60: {  	_ =	shalt  }
0x61: {  	_ =	shalt  }
0x62: {  	_ =	shalt  }
0x63: {  	_ =	shalt  }
0x64: {  	_ =	shalt  }
0x65: {  	_ =	shalt  }
0x66: {  	_ =	shalt  }
0x67: {  	_ =	shalt  }
0x68: {  	_ =	shalt  }
0x69: {  	_ =	shalt  }
0x6a: {  	_ =	shalt  }
0x6b: {  	_ =	shalt  }
0x6c: {  	_ =	shalt  }
0x6d: {  	_ =	shalt  }
0x6e: {  	_ =	shalt  }
0x6f: {  	_ =	shalt  }
0x70: {  	_ =	shalt  }
0x71: {  	_ =	shalt  }
0x72: {  	_ =	shalt  }
0x73: {  	_ =	shalt  }
0x74: {  	_ =	shalt  }
0x75: {  	_ =	shalt  }
0x76: {  	_ =	shalt  }
0x77: {  	_ =	shalt  }
0x78: {  	_ =	shalt  }
0x79: {  	_ =	shalt  }
0x7a: {  	_ =	shalt  }
0x7b: {  	_ =	shalt  }
0x7c: {  	_ =	shalt  }
0x7d: {  	_ =	shalt  }
0x7e: {  	_ =	shalt  }
0x7f: {  	_ =	shalt  }
0x80: {  	_ =	shalt  }
0x81: {  	_ =	shalt  }
0x82: {  	_ =	shalt  }
0x83: {  	_ =	shalt  }
0x84: {  	_ =	shalt  }
0x85: {  	_ =	shalt  }
0x86: {  	_ =	shalt  }
0x87: {  	_ =	shalt  }
.Lfunc_end0:
.L_simem_size_0:
called_computation.2_lowered:
.L_overlay_start_0:
0x88: {  	s2 =	sld [smem:$0x3FD9]  }
0x89: {  	s3 =	sld [smem:$0x3FFE];
	_ =	sdelay $0x1  }
0x8a: {  	s1 =	srdreg.scid  }
0x8b: {  	s0 =	sand.u32 $0x1, s1  }
0x8c: {  	s16 =	sshll.u32 s0, $0xA;
	s2 =	sadd.s32 s3, s2  }
0x8d: {  	s2 =	sadd.s32 s2, s16  }
0x8e: {  	[smem:$0x3FB5] =	sst s2  }
0x8f: {  	_ = 	snop  }
0x90: {  	(tm) =	ssettm $0x1  }
0x91: {  	s17 =	sld [smem:$0x3FFB];
	_ =	sdelay $0x3  }
0x92: {  	_ =	strace s17  }
0x93: {  	s2 =	sld [smem:$0x3FFC];
	_ =	sdelay $0x3  }
0x94: {  	_ =	strace s2  }
0x95: {  	s2 =	sld [smem:$0x3FFD];
	_ =	sdelay $0x3  }
0x96: {  	_ =	strace s2  }
0x97: {  	_ =	strace $0x8FFFFFFF  }
0x98: {  	s18 =	sld [smem:$0x3FDB];
	_ =	sdelay $0x1  }
0x99: {  	s19 =	simm.s32 $_scs_section_size  }
0x9a: {  	s4 =	simm.s32 $_size__tile_overlayer_lowered;
	s5 =	simm.s32 $_tile_overlayer_lowered  }
0x9b: {  	s22 =	simm.s32 $0x1BFF;
	s21 =	sshll.u32 s5, $0x1;
	s2 =	sadd.s32 s19, s18  }
0x9c: {  	s6 =	simm.s32 $0x0;
	s20 =	sshll.u32 s4, $0x1;
	s4 =	sadd.s32 s21, s2  }
0x9d: {  	[timem:s6], [sflag:s22] =	dma.local [hbm:s4], s20  }
0x9e: {  	_ =	swait.ge [sflag:s22], s20  }
0x9f: {  	s3 =	ssub.s32 $0x0, s20;
	[sflag:s22] =	ssyncset.done $0x0  }
0xa0: {  	[sflag:s22] =	ssyncadd.s32 s3;
	_ =	sdelay $0x1  }
0xa1: {  	s23 =	simm.s32 $0x1B8B  }
0xa2: {  	_ =	swait.ge [sflag:s23], $0x1  }
0xa3: {  	[sflag:s23] =	ssyncset.done $0x0  }
0xa4: {  	s25 =	simm.s32 $0x1B8E;
	s24 =	sld [smem:$0x3FFE];
	[sflag:s23] =	ssyncadd.s32 $0xFFFFFFFF  }
0xa5: {  	s26 =	simm.s32 $execute0_lowered;
	[smem:$0x3FD2] =	sst s25  }
0xa6: {  	s4 =	sshll.u32 s26, $0x1;
	_ =	strace $0x8000004C;
	[dreg:$0x1] =	wrdreg $0xFFFFFFFF  }
0xa7: {  	s28 =	simm.s32 $_size_execute0_lowered;
	s2 =	sadd.s32 s2, s4;
	[dreg:$0x0] =	wrdreg $0x0  }
0xa8: {  	s4 =	sshll.u32 s28, $0x1;
	[dreg:$0x2] =	wrdreg s2  }
0xa9: {  	[dreg:$0x3] =	wrdreg s4  }
0xaa: {  	[dreg:$0x4] =	wrdreg $0xC0  }
0xab: {  	_ =	task [dreg:s6], $0x5FFFF  }
0xac: {  	[dreg:$0x1] =	wrdreg $0xFFFFFFFF  }
0xad: {  	[dreg:$0x0] =	wrdreg $0x60  }
0xae: {  	[dreg:$0x2] =	wrdreg s24  }
0xaf: {  	[dreg:$0x3] =	wrdreg $0xAA000  }
0xb0: {  	[dreg:$0x4] =	wrdreg $0x9  }
0xb1: {  	_ =	task.clear_ibuf [dreg:s6], $0x5FFFF;
	_ =	strace $0x9000004C  }
0xb2: {  	s29 =	simm.s32 $0x9;
	_ =	strace $0x8000004E  }
0xb3: {  	_ =	swait.ge [sflag:s29], $0x1  }
0xb4: {  	[sflag:s29] =	ssyncadd.s32 $0xFFFFFFFF  }
0xb5: {  	_ =	strace $0x9000004E  }
0xb6: {  	_ =	sfence  }
0xb7: {  	s30 =	sld [smem:$0x0];
	_ =	sdelay $0x2  }
0xb8: {  	s31 =	sshll.u32 s1, $0xD;
	s1 =	sshrl.u32 s1, $0x2  }
0xb9: {  	s3 =	sand.u32 $0x4000, s31;
	s1 =	sadd.s32 s1, s30  }
0xba: {  	s0 =	sor.u32 s3, s0;
	s1 =	sshll.u32 s1, $0x11  }
0xbb: {  	s0 =	sor.u32 s1, s0  }
0xbc: {  	s0 =	sadd.s32 $0x8F2B, s0  }
0xbd: {  	[sflag:s0] =	ssyncadd.remote.s32 $0x1  }
0xbe: {  	_ =	sfence.sel $0xFFFF  }
0xbf: {  	[dreg:$0x0] =	wrdreg $0xFFFFFFFF;
	(pc) =	sbr.abs _section_cstart, $3  }
0xc0: {  	[dreg:$0x1] =	wrdreg $0xFFFFFFFF  }
0xc1: {  	_ =	task.clear_ibuf [dreg:s6], $0x2FFFF;
	_ =	strace $0x9FFFFFFF  }
0xc2: {  	(tm) =	ssettm $0x7FFFFFFF  }
0xc3: {  	_ =	shalt  }
tec
execute0_lowered:
.L_overlay_start_1:
0x0: {  	(tag) =	ssettag $0x1  }
0x1: {  	s0 =	rddreg [dreg:$0x0];
	s1 =	srdreg.scid  }
0x2: {  	s9 =	stileid.u32;
	s2 =	rddreg [dreg:$0x1]  }
0x3: {  	s3 =	simm.s32 $0x0;
	s17 =	simm.s32 $0x3;
	s18 =	simm.s32 $0x2A00  }
0x4: {  	s19 =	simm.s32 $0x40;
	s20 =	simm.s32 $0x2800;
	s21 =	simm.s32 $0x2840  }
0x5: {  	s22 =	simm.s32 $0x4A00;
	s28 =	simm.s32 $0x8A00;
	s29 =	simm.s32 $0x80  }
0x6: {  	s30 =	simm.s32 $0x2900;
	s1 =	sand.u32 $0x1, s1;
	s7 =	smul.u32 $0x50000, s9  }
0x7: {  	s4 =	sshll.u32 s9, $0x1;
	[smem:$0x7FF] =	sst s3;
	s10 =	smul.u32 $0x14000, s9  }
0x8: {  	s4 =	sor.u32 s1, s4;
	s6 =	ssub.s32 $0x2, s1;
	s1 =	smul.u32 $0x140000, s1  }
0x9: {  	s31 =	simm.s32 $0x2;
	_ =	strace $0x8000004D;
	s5 =	smul.u32 $0x500, s4  }
0xa: {  	s4 =	sadd.s32 $0x4400, s0;
	s8 =	sshrl.u32 s6, $0x1;
	s23 =	sshrl.u32 s7, $0x2  }
0xb: {  	s24 =	sadd.s32 $0x4000, s10;
	s12 =	sadd.s32 $0x8000, s10;
	s13 =	sadd.s32 $0xC000, s10  }
0xc: {  	s15 =	sadd.s32 $0x10000, s10;
	s11 =	ssub.s32 s6, s8;
	s6 =	sadd.s32 s23, s2  }
0xd: {  	s7 =	sadd.s32 s24, s2;
	s8 =	sadd.s32 s12, s2;
	s9 =	sadd.s32 s13, s2  }
0xe: {  	s14 =	sadd.s32 s10, s1;
	s10 =	sadd.s32 s15, s2;
	s25 =	sadd.s32 s1, s12  }
0xf: {  	s26 =	sadd.s32 s1, s13;
	s23 =	simm.s32 $0x1;
	s5 =	sadd.s32 s5, s0  }
0x10: {  	s0 =	sadd.s32 $0x68400, s0;
	s14 =	sshrl.u32 s14, $0x3;
	s12 =	sshrl.u32 s26, $0x3  }
0x11: {  	s16 =	smax.u32 s11, $0x1;
	s26 =	simm.s32 $0x28C0;
	s5 =	sadd.s32 $0x5E400, s5  }
0x12: {  	s14 =	sadd.s32 s0, s14;
	[dreg:$0x3] =	wrdreg s5;
	s5 =	sadd.s32 s1, s24  }
0x13: {  	[dreg:$0x4] =	wrdreg s14;
	s1 =	sadd.s32 s1, s15;
	s5 =	sshrl.u32 s5, $0x3  }
0x14: {  	s14 =	sadd.s32 s0, s12;
	s24 =	simm.s32 $0x2880;
	s5 =	sadd.s32 s0, s5  }
0x15: {  	s1 =	sshrl.u32 s1, $0x3;
	[dreg:$0x5] =	wrdreg s5;
	s5 =	sshrl.u32 s25, $0x3  }
0x16: {  	s15 =	sadd.s32 s0, s1;
	s1 =	simm.s32 $0x2980;
	s5 =	sadd.s32 s0, s5  }
0x17: {  	v0 =	vimm.f32 $0.0e+00;
	s25 =	simm.s32 $0x6A00;
	s0 =	simm.s32 $0x0;
	[dreg:$0x6] =	wrdreg s5  }
.LBB2_1:
0x18: {  	s5 =	rddreg [dreg:$0x3]  }
0x19: {  	[tilespmem:s3], [sflag:$0x3] =	stream.linear.gather [hbm4b:s5+s3], $0x2800, $0x38;
	[tilespmem:$0x1EA00] =	vst v63  }
0x1a: {  	s13 =	sand.u32 $0xFE00, s3;
	s11 =	sand.u32 $0x70, s3;
	_ =	swait.ge [sflag:s17], $0x2800  }
0x1b: {  	s12 =	sshrl.u32 s13, $0x2;
	s5 =	simm.s32 $0x40;
	[sflag:s17] =	ssyncset.done $0x0  }
0x1c: {  	s12 =	sor.u32 s11, s12;
	s11 =	simm.s32 $0x0;
	[sflag:s17] =	ssyncadd.s32 $0xFFFFD800  }
.LBB2_2:
0x1d: {  	p0 =	sne.s32 s5, $0xFFC0  }
0x1e: {  	[tilespmem:s12+$0x2A00] =	vst v0;
	s11 =	sadd.s32 $0x10, s11;
	s12 =	smov.u32 s5;
	s5 =	sadd.s32 $0x40, s5  }
.Ltmp0:
0x1f: {  	(pc) =	sbr.rel @p0 .LBB2_2-.Ltmp0, $4  }
0x20: {  	_ = 	snop  }
0x21: {  	s12 =	sand.u32 $0xFE00, s12  }
0x22: {  	s13 =	sand.u32 $0x70, s11;
	s12 =	sshrl.u32 s12, $0x2  }
0x23: {  	s12 =	sor.u32 s13, s12  }
0x24: {  	[tilespmem:s12+$0x2A00] =	vst v0  }
0x25: {  	[spmem:s6] =	stream.linear.scatter [tilespmem:s18], [sflag:$0x3], $0x4000, $0x38;
	[tilespmem:$0x1EA00] =	vst v63  }
0x26: {  	_ =	swait.ge [sflag:s17], $0x4000  }
0x27: {  	[sflag:s17] =	ssyncset.done $0x0  }
0x28: {  	[sflag:s17] =	ssyncadd.s32 $0xFFFFC000  }
0x29: {  	[spmem:s7] =	stream.linear.scatter [tilespmem:s18], [sflag:$0x3], $0x4000, $0x38;
	[tilespmem:$0x1EA00] =	vst v63  }
0x2a: {  	_ =	swait.ge [sflag:s17], $0x4000  }
0x2b: {  	[sflag:s17] =	ssyncset.done $0x0  }
0x2c: {  	[sflag:s17] =	ssyncadd.s32 $0xFFFFC000  }
0x2d: {  	[spmem:s8] =	stream.linear.scatter [tilespmem:s18], [sflag:$0x3], $0x4000, $0x38;
	[tilespmem:$0x1EA00] =	vst v63  }
0x2e: {  	_ =	swait.ge [sflag:s17], $0x4000  }
0x2f: {  	[sflag:s17] =	ssyncset.done $0x0  }
0x30: {  	[sflag:s17] =	ssyncadd.s32 $0xFFFFC000  }
0x31: {  	[spmem:s9] =	stream.linear.scatter [tilespmem:s18], [sflag:$0x3], $0x4000, $0x38;
	[tilespmem:$0x1EA00] =	vst v63  }
0x32: {  	_ =	swait.ge [sflag:s17], $0x4000  }
0x33: {  	[sflag:s17] =	ssyncset.done $0x0  }
0x34: {  	[sflag:s17] =	ssyncadd.s32 $0xFFFFC000  }
0x35: {  	[spmem:s10] =	stream.linear.scatter [tilespmem:s18], [sflag:$0x3], $0x4000, $0x38;
	[tilespmem:$0x1EA00] =	vst v63  }
0x36: {  	_ =	swait.ge [sflag:s17], $0x4000  }
0x37: {  	[sflag:s17] =	ssyncset.done $0x0  }
0x38: {  	[sflag:s17] =	ssyncadd.s32 $0xFFFFC000  }
0x39: {  	[bflag:$0x0] =	sbarrier.arrive $0xFFFF  }
0x3a: {  	v1 =	vld [tilespmem:$0x0];
	_ =	sdelay $0x1  }
0x3b: {  	v2 =	vld [tilespmem:$0x10];
	_ =	sdelay $0x1  }
0x3c: {  	v3 =	vld [tilespmem:$0x20]  }
0x3d: {  	v4 =	vand.u32 $0x3FFF, v1  }
0x3e: {  	v62 =	vld [tilespmem:$0x30];
	v1 =	vshrl.u32 v1, $0xE;
	[tilespmem:$0x2800] =	vst v4  }
0x3f: {  	[tilespmem:$0x2900] =	vst v1;
	v1 =	vand.u32 $0x3FFF, v2  }
0x40: {  	[tilespmem:$0x2810] =	vst v1;
	v1 =	vshrl.u32 v2, $0xE;
	v2 =	vld [tilespmem:$0x40]  }
0x41: {  	[tilespmem:$0x2910] =	vst v1;
	v1 =	vand.u32 $0x3FFF, v3  }
0x42: {  	[tilespmem:$0x2820] =	vst v1;
	v1 =	vshrl.u32 v3, $0xE;
	v3 =	vld [tilespmem:$0x50]  }
0x43: {  	[tilespmem:$0x2920] =	vst v1;
	v1 =	vand.u32 $0x3FFF, v62  }
0x44: {  	v63 =	vld [tilespmem:$0x60];
	[tilespmem:$0x2830] =	vst v1;
	v1 =	vshrl.u32 v62, $0xE  }
0x45: {  	[tilespmem:$0x2930] =	vst v1;
	v1 =	vand.u32 $0x3FFF, v2  }
0x46: {  	[tilespmem:$0x2840] =	vst v1;
	v1 =	vshrl.u32 v2, $0xE;
	v2 =	vld [tilespmem:$0x70]  }
0x47: {  	[tilespmem:$0x2940] =	vst v1;
	v1 =	vand.u32 $0x3FFF, v3  }
0x48: {  	[tilespmem:$0x2850] =	vst v1;
	v1 =	vshrl.u32 v3, $0xE  }
0x49: {  	[tilespmem:$0x2950] =	vst v1;
	v1 =	vand.u32 $0x3FFF, v63  }
0x4a: {  	[tilespmem:$0x2860] =	vst v1;
	v1 =	vshrl.u32 v63, $0xE  }
0x4b: {  	[tilespmem:$0x2960] =	vst v1;
	v1 =	vand.u32 $0x3FFF, v2  }
0x4c: {  	[tilespmem:$0x2870] =	vst v1;
	v1 =	vshrl.u32 v2, $0xE  }
0x4d: {  	[tilespmem:$0x2970] =	vst v1  }
0x4e: {  	[tilespmem:s18], [sflag:$0x1] =	stream.indirect.gather [hbm4b:s4+s19], $0x80, s20, s19, $0xb8;
	[tilespmem:$0x1EA00] =	vst v63  }
0x4f: {  	s5 =	simm.s32 $0x0  }
0x50: {  	[tilespmem:s22], [sflag:$0x1] =	stream.indirect.gather [hbm4b:s4+s19], $0x80, s21, s19, $0xb8;
	[tilespmem:$0x1EA00] =	vst v63  }
0x51: {  	v1 =	vld [tilespmem:s5+$0x80];
	_ =	sdelay $0x4  }
0x52: {  	v2 =	vand.u32 $0x3FFF, v1  }
0x53: {  	v1 =	vshrl.u32 v1, $0xE;
	[tilespmem:$0x2880] =	vst v2  }
0x54: {  	[tilespmem:$0x2980] =	vst v1  }
0x55: {  	v1 =	vld [tilespmem:s5+$0x90];
	_ =	sdelay $0x4  }
0x56: {  	v2 =	vand.u32 $0x3FFF, v1  }
0x57: {  	v1 =	vshrl.u32 v1, $0xE;
	[tilespmem:$0x2890] =	vst v2  }
0x58: {  	[tilespmem:$0x2990] =	vst v1  }
0x59: {  	v1 =	vld [tilespmem:s5+$0xA0];
	_ =	sdelay $0x4  }
0x5a: {  	v2 =	vand.u32 $0x3FFF, v1  }
0x5b: {  	v1 =	vshrl.u32 v1, $0xE;
	[tilespmem:$0x28A0] =	vst v2  }
0x5c: {  	[tilespmem:$0x29A0] =	vst v1  }
0x5d: {  	v1 =	vld [tilespmem:s5+$0xB0];
	_ =	sdelay $0x4  }
0x5e: {  	v2 =	vand.u32 $0x3FFF, v1  }
0x5f: {  	v1 =	vshrl.u32 v1, $0xE;
	[tilespmem:$0x28B0] =	vst v2  }
0x60: {  	[tilespmem:$0x29B0] =	vst v1  }
0x61: {  	v1 =	vld [tilespmem:s5+$0xC0];
	_ =	sdelay $0x4  }
0x62: {  	v2 =	vand.u32 $0x3FFF, v1  }
0x63: {  	v1 =	vshrl.u32 v1, $0xE;
	[tilespmem:$0x28C0] =	vst v2  }
0x64: {  	[tilespmem:$0x29C0] =	vst v1  }
0x65: {  	v1 =	vld [tilespmem:s5+$0xD0];
	_ =	sdelay $0x4  }
0x66: {  	v2 =	vand.u32 $0x3FFF, v1  }
0x67: {  	v1 =	vshrl.u32 v1, $0xE;
	[tilespmem:$0x28D0] =	vst v2  }
0x68: {  	[tilespmem:$0x29D0] =	vst v1  }
0x69: {  	v1 =	vld [tilespmem:s5+$0xE0];
	_ =	sdelay $0x4  }
0x6a: {  	v2 =	vand.u32 $0x3FFF, v1  }
0x6b: {  	v1 =	vshrl.u32 v1, $0xE;
	[tilespmem:$0x28E0] =	vst v2  }
0x6c: {  	[tilespmem:$0x29E0] =	vst v1  }
0x6d: {  	v1 =	vld [tilespmem:s5+$0xF0];
	_ =	sdelay $0x4  }
0x6e: {  	v2 =	vand.u32 $0x3FFF, v1  }
0x6f: {  	v1 =	vshrl.u32 v1, $0xE;
	[tilespmem:$0x28F0] =	vst v2  }
0x70: {  	[tilespmem:$0x29F0] =	vst v1  }
0x71: {  	_ =	swait.ge [sflag:s23], $0x2000  }
0x72: {  	[sflag:s23] =	ssyncset.done $0x0  }
0x73: {  	[sflag:s23] =	ssyncadd.s32 $0xFFFFE000  }
0x74: {  	_ =	swait.ge [sflag:s23], $0x2000  }
0x75: {  	[sflag:s23] =	ssyncset.done $0x0  }
0x76: {  	[sflag:s23] =	ssyncadd.s32 $0xFFFFE000  }
0x77: {  	[tilespmem:s25], [sflag:$0x2] =	stream.indirect.gather [hbm4b:s4+s19], $0x80, s24, s19, $0xb8;
	[tilespmem:$0x1EA00] =	vst v63  }
0x78: {  	_ = 	snop  }
0x79: {  	[tilespmem:s28], [sflag:$0x2] =	stream.indirect.gather [hbm4b:s4+s19], $0x80, s26, s19, $0xb8;
	[tilespmem:$0x1EA00] =	vst v63  }
0x7a: {  	_ = 	snop  }
0x7b: {  	[spmem:s2] =	stream.indirect.scatter.add.f32 [tilespmem:s18], [sflag:$0x3], $0x80, s30, s29, $0xb8;
	[tilespmem:$0x1EA00] =	vst v63  }
0x7c: {  	p0 =	por $0x0, $0x0;
	s5 =	simm.s32 $0x400;
	_ =	swait.ge [sflag:s17], $0x4000  }
0x7d: {  	s5 =	simm.s32 @p0 $0x0;
	[sflag:s17] =	ssyncset.done $0x0  }
0x7e: {  	s11 =	sshra.s32 s5, $0x2;
	[sflag:s17] =	ssyncadd.s32 $0xFFFFC000  }
0x7f: {  	v1 =	vld [tilespmem:s11+$0x0];
	_ =	sdelay $0x4  }
0x80: {  	v2 =	vand.u32 $0x3FFF, v1  }
0x81: {  	v1 =	vshrl.u32 v1, $0xE;
	[tilespmem:$0x2800] =	vst v2  }
0x82: {  	[tilespmem:$0x2900] =	vst v1  }
0x83: {  	v1 =	vld [tilespmem:s11+$0x10];
	_ =	sdelay $0x4  }
0x84: {  	v2 =	vand.u32 $0x3FFF, v1  }
0x85: {  	v1 =	vshrl.u32 v1, $0xE;
	[tilespmem:$0x2810] =	vst v2  }
0x86: {  	[tilespmem:$0x2910] =	vst v1  }
0x87: {  	v1 =	vld [tilespmem:s11+$0x20];
	_ =	sdelay $0x4  }
0x88: {  	v2 =	vand.u32 $0x3FFF, v1  }
0x89: {  	v1 =	vshrl.u32 v1, $0xE;
	[tilespmem:$0x2820] =	vst v2  }
0x8a: {  	[tilespmem:$0x2920] =	vst v1  }
0x8b: {  	v1 =	vld [tilespmem:s11+$0x30];
	_ =	sdelay $0x4  }
0x8c: {  	v2 =	vand.u32 $0x3FFF, v1  }
0x8d: {  	v1 =	vshrl.u32 v1, $0xE;
	[tilespmem:$0x2830] =	vst v2  }
0x8e: {  	[tilespmem:$0x2930] =	vst v1  }
0x8f: {  	v1 =	vld [tilespmem:s11+$0x40];
	_ =	sdelay $0x4  }
0x90: {  	v2 =	vand.u32 $0x3FFF, v1  }
0x91: {  	v1 =	vshrl.u32 v1, $0xE;
	[tilespmem:$0x2840] =	vst v2  }
0x92: {  	[tilespmem:$0x2940] =	vst v1  }
0x93: {  	v1 =	vld [tilespmem:s11+$0x50];
	_ =	sdelay $0x4  }
0x94: {  	v2 =	vand.u32 $0x3FFF, v1  }
0x95: {  	v1 =	vshrl.u32 v1, $0xE;
	[tilespmem:$0x2850] =	vst v2  }
0x96: {  	[tilespmem:$0x2950] =	vst v1  }
0x97: {  	v1 =	vld [tilespmem:s11+$0x60];
	_ =	sdelay $0x4  }
0x98: {  	v2 =	vand.u32 $0x3FFF, v1  }
0x99: {  	v1 =	vshrl.u32 v1, $0xE;
	[tilespmem:$0x2860] =	vst v2  }
0x9a: {  	[tilespmem:$0x2960] =	vst v1  }
0x9b: {  	s5 =	simm.s32 $0x400;
	v1 =	vld [tilespmem:s11+$0x70]  }
.LBB2_4:
0x9c: {  	_ =	sdelay $0x2  }
0x9d: {  	p0 =	sne.s32 s5, $0x9C00;
	s11 =	smov.u32 s5;
	s5 =	sadd.s32 $0x400, s5  }
0x9e: {  	v2 =	vand.u32 $0x3FFF, v1;
	v1 =	vshrl.u32 v1, $0xE  }
0x9f: {  	[tilespmem:$0x2870] =	vst v2  }
0xa0: {  	[tilespmem:$0x2970] =	vst v1  }
0xa1: {  	[tilespmem:s18], [sflag:$0x1] =	stream.indirect.gather [hbm4b:s4+s19], $0x80, s20, s19, $0xb8;
	[tilespmem:$0x1EA00] =	vst v63  }
0xa2: {  	_ = 	snop  }
0xa3: {  	[tilespmem:s22], [sflag:$0x1] =	stream.indirect.gather [hbm4b:s4+s19], $0x80, s21, s19, $0xb8;
	[tilespmem:$0x1EA00] =	vst v63  }
0xa4: {  	_ =	swait.ge [sflag:s31], $0x2000  }
0xa5: {  	[sflag:s31] =	ssyncset.done $0x0  }
0xa6: {  	[sflag:s31] =	ssyncadd.s32 $0xFFFFE000  }
0xa7: {  	_ =	swait.ge [sflag:s31], $0x2000  }
0xa8: {  	[sflag:s31] =	ssyncset.done $0x0  }
0xa9: {  	[sflag:s31] =	ssyncadd.s32 $0xFFFFE000  }
0xaa: {  	[spmem:s2] =	stream.indirect.scatter.add.f32 [tilespmem:s25], [sflag:$0x3], $0x80, s1, s29, $0xb8;
	[tilespmem:$0x1EA00] =	vst v63  }
0xab: {  	_ =	swait.ge [sflag:s17], $0x4000  }
0xac: {  	[sflag:s17] =	ssyncset.done $0x0  }
0xad: {  	s12 =	sshra.s32 s11, $0x2;
	[sflag:s17] =	ssyncadd.s32 $0xFFFFC000  }
0xae: {  	v1 =	vld [tilespmem:s12+$0x80];
	_ =	sdelay $0x4  }
0xaf: {  	v2 =	vand.u32 $0x3FFF, v1;
	v1 =	vshrl.u32 v1, $0xE  }
0xb0: {  	[tilespmem:$0x2880] =	vst v2  }
0xb1: {  	[tilespmem:$0x2980] =	vst v1  }
0xb2: {  	v1 =	vld [tilespmem:s12+$0x90];
	_ =	sdelay $0x4  }
0xb3: {  	v2 =	vand.u32 $0x3FFF, v1;
	v1 =	vshrl.u32 v1, $0xE  }
0xb4: {  	[tilespmem:$0x2890] =	vst v2  }
0xb5: {  	[tilespmem:$0x2990] =	vst v1  }
0xb6: {  	v1 =	vld [tilespmem:s12+$0xA0];
	_ =	sdelay $0x4  }
0xb7: {  	v2 =	vand.u32 $0x3FFF, v1;
	v1 =	vshrl.u32 v1, $0xE  }
0xb8: {  	[tilespmem:$0x28A0] =	vst v2  }
0xb9: {  	[tilespmem:$0x29A0] =	vst v1  }
0xba: {  	v1 =	vld [tilespmem:s12+$0xB0];
	_ =	sdelay $0x4  }
0xbb: {  	v2 =	vand.u32 $0x3FFF, v1;
	v1 =	vshrl.u32 v1, $0xE  }
0xbc: {  	[tilespmem:$0x28B0] =	vst v2  }
0xbd: {  	[tilespmem:$0x29B0] =	vst v1  }
0xbe: {  	v1 =	vld [tilespmem:s12+$0xC0];
	_ =	sdelay $0x4  }
0xbf: {  	v2 =	vand.u32 $0x3FFF, v1;
	v1 =	vshrl.u32 v1, $0xE  }
0xc0: {  	[tilespmem:$0x28C0] =	vst v2  }
0xc1: {  	[tilespmem:$0x29C0] =	vst v1  }
0xc2: {  	v1 =	vld [tilespmem:s12+$0xD0];
	_ =	sdelay $0x4  }
0xc3: {  	v2 =	vand.u32 $0x3FFF, v1;
	v1 =	vshrl.u32 v1, $0xE  }
0xc4: {  	[tilespmem:$0x28D0] =	vst v2  }
0xc5: {  	[tilespmem:$0x29D0] =	vst v1  }
0xc6: {  	v1 =	vld [tilespmem:s12+$0xE0];
	_ =	sdelay $0x4  }
0xc7: {  	v2 =	vand.u32 $0x3FFF, v1;
	v1 =	vshrl.u32 v1, $0xE  }
0xc8: {  	[tilespmem:$0x28E0] =	vst v2  }
0xc9: {  	[tilespmem:$0x29E0] =	vst v1  }
0xca: {  	v1 =	vld [tilespmem:s12+$0xF0];
	_ =	sdelay $0x4  }
0xcb: {  	v2 =	vand.u32 $0x3FFF, v1;
	v1 =	vshrl.u32 v1, $0xE  }
0xcc: {  	[tilespmem:$0x28F0] =	vst v2  }
0xcd: {  	[tilespmem:$0x29F0] =	vst v1  }
0xce: {  	_ =	swait.ge [sflag:s23], $0x2000  }
0xcf: {  	[sflag:s23] =	ssyncset.done $0x0  }
0xd0: {  	[sflag:s23] =	ssyncadd.s32 $0xFFFFE000  }
0xd1: {  	p1 =	seq.s32 s11, $0x9C00;
	s11 =	smov.u32 s5;
	_ =	swait.ge [sflag:s23], $0x2000  }
0xd2: {  	s11 =	simm.s32 @p1 $0x0;
	[sflag:s23] =	ssyncset.done $0x0  }
0xd3: {  	s11 =	sshra.s32 s11, $0x2;
	[sflag:s23] =	ssyncadd.s32 $0xFFFFE000  }
0xd4: {  	[tilespmem:s25], [sflag:$0x2] =	stream.indirect.gather [hbm4b:s4+s19], $0x80, s24, s19, $0xb8;
	[tilespmem:$0x1EA00] =	vst v63  }
0xd5: {  	_ = 	snop  }
0xd6: {  	[tilespmem:s28], [sflag:$0x2] =	stream.indirect.gather [hbm4b:s4+s19], $0x80, s26, s19, $0xb8;
	[tilespmem:$0x1EA00] =	vst v63  }
0xd7: {  	_ = 	snop  }
0xd8: {  	[spmem:s2] =	stream.indirect.scatter.add.f32 [tilespmem:s18], [sflag:$0x3], $0x80, s30, s29, $0xb8;
	[tilespmem:$0x1EA00] =	vst v63  }
0xd9: {  	_ =	swait.ge [sflag:s17], $0x4000  }
0xda: {  	[sflag:s17] =	ssyncset.done $0x0  }
0xdb: {  	[sflag:s17] =	ssyncadd.s32 $0xFFFFC000  }
0xdc: {  	v1 =	vld [tilespmem:s11+$0x0];
	_ =	sdelay $0x4  }
0xdd: {  	v2 =	vand.u32 $0x3FFF, v1;
	v1 =	vshrl.u32 v1, $0xE  }
0xde: {  	[tilespmem:$0x2800] =	vst v2  }
0xdf: {  	[tilespmem:$0x2900] =	vst v1  }
0xe0: {  	v1 =	vld [tilespmem:s11+$0x10];
	_ =	sdelay $0x4  }
0xe1: {  	v2 =	vand.u32 $0x3FFF, v1;
	v1 =	vshrl.u32 v1, $0xE  }
0xe2: {  	[tilespmem:$0x2810] =	vst v2  }
0xe3: {  	[tilespmem:$0x2910] =	vst v1  }
0xe4: {  	v1 =	vld [tilespmem:s11+$0x20];
	_ =	sdelay $0x4  }
0xe5: {  	v2 =	vand.u32 $0x3FFF, v1;
	v1 =	vshrl.u32 v1, $0xE  }
0xe6: {  	[tilespmem:$0x2820] =	vst v2  }
0xe7: {  	[tilespmem:$0x2920] =	vst v1  }
0xe8: {  	v1 =	vld [tilespmem:s11+$0x30];
	_ =	sdelay $0x4  }
0xe9: {  	v2 =	vand.u32 $0x3FFF, v1;
	v1 =	vshrl.u32 v1, $0xE  }
0xea: {  	[tilespmem:$0x2830] =	vst v2  }
0xeb: {  	[tilespmem:$0x2930] =	vst v1  }
0xec: {  	v1 =	vld [tilespmem:s11+$0x40];
	_ =	sdelay $0x4  }
0xed: {  	v2 =	vand.u32 $0x3FFF, v1;
	v1 =	vshrl.u32 v1, $0xE  }
0xee: {  	[tilespmem:$0x2840] =	vst v2  }
0xef: {  	[tilespmem:$0x2940] =	vst v1  }
0xf0: {  	v1 =	vld [tilespmem:s11+$0x50];
	_ =	sdelay $0x4  }
0xf1: {  	v2 =	vand.u32 $0x3FFF, v1;
	v1 =	vshrl.u32 v1, $0xE  }
0xf2: {  	[tilespmem:$0x2850] =	vst v2  }
0xf3: {  	[tilespmem:$0x2950] =	vst v1  }
0xf4: {  	v1 =	vld [tilespmem:s11+$0x60];
	_ =	sdelay $0x3  }
.Ltmp1:
0xf5: {  	(pc) =	sbr.rel @p0 .LBB2_4-.Ltmp1, $4  }
0xf6: {  	v2 =	vand.u32 $0x3FFF, v1;
	v1 =	vshrl.u32 v1, $0xE  }
0xf7: {  	[tilespmem:$0x2860] =	vst v2  }
0xf8: {  	[tilespmem:$0x2960] =	vst v1  }
0xf9: {  	v1 =	vld [tilespmem:s11+$0x70]  }
0xfa: {  	_ =	sdelay $0x3  }
0xfb: {  	v2 =	vand.u32 $0x3FFF, v1  }
0xfc: {  	v1 =	vshrl.u32 v1, $0xE;
	[tilespmem:$0x2870] =	vst v2  }
0xfd: {  	[tilespmem:$0x2970] =	vst v1  }
0xfe: {  	[tilespmem:s18], [sflag:$0x1] =	stream.indirect.gather [hbm4b:s4+s19], $0x80, s20, s19, $0xb8;
	[tilespmem:$0x1EA00] =	vst v63  }
0xff: {  	_ = 	snop  }
0x100: {  	[tilespmem:s22], [sflag:$0x1] =	stream.indirect.gather [hbm4b:s4+s19], $0x80, s21, s19, $0xb8;
	[tilespmem:$0x1EA00] =	vst v63  }
0x101: {  	_ =	swait.ge [sflag:s31], $0x2000  }
0x102: {  	[sflag:s31] =	ssyncset.done $0x0  }
0x103: {  	[sflag:s31] =	ssyncadd.s32 $0xFFFFE000  }
0x104: {  	_ =	swait.ge [sflag:s31], $0x2000  }
0x105: {  	[sflag:s31] =	ssyncset.done $0x0  }
0x106: {  	[sflag:s31] =	ssyncadd.s32 $0xFFFFE000  }
0x107: {  	[spmem:s2] =	stream.indirect.scatter.add.f32 [tilespmem:s25], [sflag:$0x3], $0x80, s1, s29, $0xb8;
	[tilespmem:$0x1EA00] =	vst v63  }
0x108: {  	_ =	swait.ge [sflag:s17], $0x4000  }
0x109: {  	[sflag:s17] =	ssyncset.done $0x0  }
0x10a: {  	[sflag:s17] =	ssyncadd.s32 $0xFFFFC000  }
0x10b: {  	_ =	swait.ge [sflag:s23], $0x2000  }
0x10c: {  	[sflag:s23] =	ssyncset.done $0x0  }
0x10d: {  	[sflag:s23] =	ssyncadd.s32 $0xFFFFE000  }
0x10e: {  	_ =	swait.ge [sflag:s23], $0x2000  }
0x10f: {  	[sflag:s23] =	ssyncset.done $0x0  }
0x110: {  	[sflag:s23] =	ssyncadd.s32 $0xFFFFE000  }
0x111: {  	[bflag:$0x0] =	sbarrier.arrive $0xFFFF  }
0x112: {  	[tilespmem:s18], [sflag:$0x3] =	stream.linear.gather [spmem:s6], $0x4000, $0x38;
	[tilespmem:$0x1EA00] =	vst v63  }
0x113: {  	_ =	swait.ge [sflag:s17], $0x4000  }
0x114: {  	[sflag:s17] =	ssyncset.done $0x0  }
0x115: {  	s5 =	rddreg [dreg:$0x4];
	[sflag:s17] =	ssyncadd.s32 $0xFFFFC000  }
0x116: {  	[hbm4b:s5+s3] =	stream.linear.scatter [tilespmem:s18], [sflag:$0x3], $0x4000, $0x38;
	[tilespmem:$0x1EA00] =	vst v63  }
0x117: {  	_ =	swait.ge [sflag:s17], $0x4000  }
0x118: {  	[sflag:s17] =	ssyncset.done $0x0  }
0x119: {  	[sflag:s17] =	ssyncadd.s32 $0xFFFFC000  }
0x11a: {  	[tilespmem:s18], [sflag:$0x3] =	stream.linear.gather [spmem:s7], $0x4000, $0x38;
	[tilespmem:$0x1EA00] =	vst v63  }
0x11b: {  	_ =	swait.ge [sflag:s17], $0x4000  }
0x11c: {  	[sflag:s17] =	ssyncset.done $0x0  }
0x11d: {  	s12 =	rddreg [dreg:$0x5];
	[sflag:s17] =	ssyncadd.s32 $0xFFFFC000  }
0x11e: {  	[hbm4b:s12+s3] =	stream.linear.scatter [tilespmem:s18], [sflag:$0x3], $0x4000, $0x38;
	[tilespmem:$0x1EA00] =	vst v63  }
0x11f: {  	_ =	swait.ge [sflag:s17], $0x4000  }
0x120: {  	[sflag:s17] =	ssyncset.done $0x0  }
0x121: {  	[sflag:s17] =	ssyncadd.s32 $0xFFFFC000  }
0x122: {  	[tilespmem:s18], [sflag:$0x3] =	stream.linear.gather [spmem:s8], $0x4000, $0x38;
	[tilespmem:$0x1EA00] =	vst v63  }
0x123: {  	_ =	swait.ge [sflag:s17], $0x4000  }
0x124: {  	[sflag:s17] =	ssyncset.done $0x0  }
0x125: {  	s13 =	rddreg [dreg:$0x6];
	[sflag:s17] =	ssyncadd.s32 $0xFFFFC000  }
0x126: {  	[hbm4b:s13+s3] =	stream.linear.scatter [tilespmem:s18], [sflag:$0x3], $0x4000, $0x38;
	[tilespmem:$0x1EA00] =	vst v63  }
0x127: {  	_ =	swait.ge [sflag:s17], $0x4000  }
0x128: {  	[sflag:s17] =	ssyncset.done $0x0  }
0x129: {  	[sflag:s17] =	ssyncadd.s32 $0xFFFFC000  }
0x12a: {  	[tilespmem:s18], [sflag:$0x3] =	stream.linear.gather [spmem:s9], $0x4000, $0x38;
	[tilespmem:$0x1EA00] =	vst v63  }
0x12b: {  	_ =	swait.ge [sflag:s17], $0x4000  }
0x12c: {  	[sflag:s17] =	ssyncset.done $0x0  }
0x12d: {  	[sflag:s17] =	ssyncadd.s32 $0xFFFFC000  }
0x12e: {  	[hbm4b:s14+s3] =	stream.linear.scatter [tilespmem:s18], [sflag:$0x3], $0x4000, $0x38;
	[tilespmem:$0x1EA00] =	vst v63  }
0x12f: {  	_ =	swait.ge [sflag:s17], $0x4000  }
0x130: {  	[sflag:s17] =	ssyncset.done $0x0  }
0x131: {  	[sflag:s17] =	ssyncadd.s32 $0xFFFFC000  }
0x132: {  	[tilespmem:s18], [sflag:$0x3] =	stream.linear.gather [spmem:s10], $0x4000, $0x38;
	[tilespmem:$0x1EA00] =	vst v63  }
0x133: {  	s0 =	sadd.s32 $0x1, s0;
	_ =	swait.ge [sflag:s17], $0x4000  }
0x134: {  	p0 =	sne.s32 s0, s16;
	[sflag:s17] =	ssyncset.done $0x0  }
.Ltmp2:
0x135: {  	[sflag:s17] =	ssyncadd.s32 $0xFFFFC000;
	(pc) =	sbr.rel @p0 .LBB2_1-.Ltmp2, $4  }
0x136: {  	[hbm4b:s15+s3] =	stream.linear.scatter [tilespmem:s18], [sflag:$0x3], $0x4000, $0x38;
	[tilespmem:$0x1EA00] =	vst v63  }
0x137: {  	_ =	swait.ge [sflag:s17], $0x4000  }
0x138: {  	[sflag:s17] =	ssyncset.done $0x0  }
0x139: {  	[sflag:s17] =	ssyncadd.s32 $0xFFFFC000  }
0x13a: {  	_ =	sfence.sel $0x180000  }
0x13b: {  	[bflag:$0x0] =	sbarrier.arrive $0xFFFF  }
0x13c: {  	_ =	strace $0x9000004D  }
0x13d: {  	s0 =	stileid.u32;
	[bflag:$0x2] =	sbarrier.arrive $0xFFFF  }
0x13e: {  	p0 =	sne.s32 s0, $0x0;
	s0 =	rddreg [dreg:$0x2]  }
0x13f: {  	s0 =	sadd.s32 @!p0 $0x100000, s0  }
0x140: {  	[sflag:s0] =	ssyncadd.tile.s32 @!p0 $0x1;
	_ =	shalt  }
.Lfunc_end2:
_tile_overlayer_lowered:
.L_overlay_start_2:
0x141: {  	(tag) =	ssettag $0x2  }
0x142: {  	s0 =	rddreg [dreg:$0x0];
	s2 =	stileid.u32  }
0x143: {  	s1 =	rddreg [dreg:$0x1];
	p0 =	sne.s32 s2, $0x0  }
0x144: {  	s3 =	rddreg [dreg:$0x2];
	[bflag:$0x3] =	sbarrier.arrive $0xFFFF;
	s2 =	simm.s32 @!p0 $0x1C03  }
0x145: {  	[timem:s3], [sflag:s2] =	dma.local @!p0 [hbm:s0], s1  }
0x146: {  	s0 =	simm.s32 @!p0 $0x3  }
0x147: {  	_ =	swait.ge @!p0 [sflag:s0], s1  }
0x148: {  	s1 =	ssub.s32 @!p0 $0x0, s1;
	[sflag:s0] =	ssyncset.done @!p0 $0x0  }
0x149: {  	[sflag:s0] =	ssyncadd.s32 @!p0 s1  }
0x14a: {  	[bflag:$0x3] =	sbarrier.arrive $0xFFFF  }
0x14b: {  	_ =	shalt  }

// kernel: kernel.19.cloned.1.call-start
scs
__scs_entry_jumppad:
0x0: {  	(pc) =	sbr.rel $0x88, $3  }
0x1: {  	(tag) =	ssettag $0x0;
	lr =	simm.s32 $0x1  }
0x2: {  	[smem:$0x3F8E] =	sst lr;
	_ =	strace $0xD0000000  }
0x3: {  	_ = 	snop  }
0x4: {  	_ = 	snop  }
0x5: {  	_ = 	snop  }
0x6: {  	_ = 	snop  }
0x7: {  	_ = 	snop  }
__scs_overlays_trampoline_lowered:
0x8: {  	[smem:$0x3F9D] =	sst s0  }
0x9: {  	[smem:$0x3F9E] =	sst s1  }
0xa: {  	[smem:$0x3F9F] =	sst s2  }
0xb: {  	[smem:$0x3FA0] =	sst s3  }
0xc: {  	[smem:$0x3FA1] =	sst s4  }
0xd: {  	[smem:$0x3FA2] =	sst s5  }
0xe: {  	[smem:$0x3FA3] =	sst s6  }
0xf: {  	[smem:$0x3FA4] =	sst s7  }
0x10: {  	[smem:$0x3FA5] =	sst s8  }
0x11: {  	[smem:$0x3FA6] =	sst s9;
	s0 =	simm.s32 @!p0 $0x0  }
0x12: {  	s1 =	sld [smem:$0x3F8C];
	s0 =	simm.s32 @p0 $0x1  }
0x13: {  	[smem:$0x3FA7] =	sst s0;
	s0 =	simm.s32 @!p1 $0x0  }
0x14: {  	s2 =	sld [smem:$0x3F8B];
	s0 =	simm.s32 @p1 $0x1  }
0x15: {  	[smem:$0x3FA8] =	sst s0;
	s0 =	simm.s32 @!p2 $0x0  }
0x16: {  	s3 =	sld [smem:$0x3FDB];
	s0 =	simm.s32 @p2 $0x1  }
0x17: {  	s4 =	simm.s32 $0x1BF5;
	[smem:$0x3FAA] =	sst s0  }
0x18: {  	s0 =	sld [smem:$0x3F8D];
	_ =	swait.ge [sflag:s4], $0x0  }
0x19: {  	s7 =	sld [smem:$0x3F8E]  }
0x1a: {  	s8 =	sadd.s32 $0xFFFFE003, lr  }
0x1b: {  	s9 =	sadd.s32 $0xFFFFFEF7, lr;
	s5 =	simm.s32 $0xFFFFFFFF;
	p2 =	slt.u32 s8, $0xFFFFF086  }
0x1c: {  	p1 =	slt.u32 s9, $0xF7A;
	s5 =	simm.s32 @!p2 $0x0  }
0x1d: {  	s5 =	simm.s32 @p1 $0x1;
	p0 =	seq.s32 s7, s2  }
0x1e: {  	s7 =	smul.u32 @!p0 $0xF7A, s2;
	p2 =	seq.s32 @!p0 s5, $0x0  }
0x1f: {  	s9 =	smul.u32 $0xF7A, s1;
	s8 =	simm.s32 @!p0 $0x1BF5;
	p2 =	por !p2, p0  }
0x20: {  	[sflag:s8] =	ssyncset.s32 @!p0 $0xFFFFF086;
	s6 =	sadd.s32 @!p0 s3, s7;
	s7 =	simm.s32 @!p0 $0x108  }
0x21: {  	s3 =	sadd.s32 s3, s9;
	s6 =	sadd.s32 @!p0 $0x88, s6;
	s7 =	simm.s32 @p2 $0x1082  }
0x22: {  	[simem:s7], [sflag:s8] =	dma.local @!p0 [hbm:s6], $0xF7A  }
0x23: {  	s9 =	sor.u32 $0xD0000000, s2;
	s6 =	simm.s32 $0x108;
	_ =	swait.ge @!p0 [sflag:s8], $0x0  }
0x24: {  	s3 =	sadd.s32 $0x88, s3;
	s6 =	simm.s32 @!p1 $0x1082;
	[sflag:s4] =	ssyncset.s32 $0xFFFFF086  }
0x25: {  	[simem:s6], [sflag:s4] =	dma.local [hbm:s3], $0xF7A  }
0x26: {  	[smem:$0x3F8E] =	sst s1;
	(tag) =	ssettag s2;
	_ =	strace s9  }
0x27: {  	s1 =	sld [smem:$0x3F9E]  }
0x28: {  	s2 =	sld [smem:$0x3F9F]  }
0x29: {  	s4 =	sld [smem:$0x3FA1]  }
0x2a: {  	p0 =	seq.s32 s5, $0x0;
	s5 =	sld [smem:$0x3FA2]  }
0x2b: {  	s6 =	sld [smem:$0x3FA3]  }
0x2c: {  	s7 =	sld [smem:$0x3FA4]  }
0x2d: {  	s3 =	simm.s32 $0x108;
	s8 =	sld [smem:$0x3FA5]  }
0x2e: {  	s3 =	simm.s32 @!p0 $0x1082;
	s9 =	sld [smem:$0x3FA6]  }
0x2f: {  	lr =	sadd.s32 s0, s3;
	s0 =	sld [smem:$0x3F9D]  }
0x30: {  	s3 =	sld [smem:$0x3FA0]  }
0x31: {  	[smem:$0x3FA9] =	sst s10  }
0x32: {  	s10 =	sld [smem:$0x3FA7];
	_ =	sdelay $0x3  }
0x33: {  	p0 =	seq.s32 s10, $0x1;
	s10 =	sld [smem:$0x3FA9];
	_ =	sdelay $0x3  }
0x34: {  	[smem:$0x3FA9] =	sst s10  }
0x35: {  	s10 =	sld [smem:$0x3FA8];
	_ =	sdelay $0x3  }
0x36: {  	p1 =	seq.s32 s10, $0x1;
	s10 =	sld [smem:$0x3FA9];
	_ =	sdelay $0x3  }
0x37: {  	[smem:$0x3FA9] =	sst s10  }
0x38: {  	s10 =	sld [smem:$0x3FAA]  }
0x39: {  	_ = 	snop;
	(pc) =	sbr.ind lr, $3  }
0x3a: {  	_ = 	snop  }
0x3b: {  	_ = 	snop  }
0x3c: {  	p2 =	seq.s32 s10, $0x1;
	s10 =	sld [smem:$0x3FA9]  }
0x3d: {  	_ =	shalt  }
0x3e: {  	_ =	shalt  }
0x3f: {  	_ =	shalt  }
0x40: {  	_ =	shalt  }
0x41: {  	_ =	shalt  }
0x42: {  	_ =	shalt  }
0x43: {  	_ =	shalt  }
0x44: {  	_ =	shalt  }
0x45: {  	_ =	shalt  }
0x46: {  	_ =	shalt  }
0x47: {  	_ =	shalt  }
0x48: {  	_ =	shalt  }
0x49: {  	_ =	shalt  }
0x4a: {  	_ =	shalt  }
0x4b: {  	_ =	shalt  }
0x4c: {  	_ =	shalt  }
0x4d: {  	_ =	shalt  }
0x4e: {  	_ =	shalt  }
0x4f: {  	_ =	shalt  }
0x50: {  	_ =	shalt  }
0x51: {  	_ =	shalt  }
0x52: {  	_ =	shalt  }
0x53: {  	_ =	shalt  }
0x54: {  	_ =	shalt  }
0x55: {  	_ =	shalt  }
0x56: {  	_ =	shalt  }
0x57: {  	_ =	shalt  }
0x58: {  	_ =	shalt  }
0x59: {  	_ =	shalt  }
0x5a: {  	_ =	shalt  }
0x5b: {  	_ =	shalt  }
0x5c: {  	_ =	shalt  }
0x5d: {  	_ =	shalt  }
0x5e: {  	_ =	shalt  }
0x5f: {  	_ =	shalt  }
0x60: {  	_ =	shalt  }
0x61: {  	_ =	shalt  }
0x62: {  	_ =	shalt  }
0x63: {  	_ =	shalt  }
0x64: {  	_ =	shalt  }
0x65: {  	_ =	shalt  }
0x66: {  	_ =	shalt  }
0x67: {  	_ =	shalt  }
0x68: {  	_ =	shalt  }
0x69: {  	_ =	shalt  }
0x6a: {  	_ =	shalt  }
0x6b: {  	_ =	shalt  }
0x6c: {  	_ =	shalt  }
0x6d: {  	_ =	shalt  }
0x6e: {  	_ =	shalt  }
0x6f: {  	_ =	shalt  }
0x70: {  	_ =	shalt  }
0x71: {  	_ =	shalt  }
0x72: {  	_ =	shalt  }
0x73: {  	_ =	shalt  }
0x74: {  	_ =	shalt  }
0x75: {  	_ =	shalt  }
0x76: {  	_ =	shalt  }
0x77: {  	_ =	shalt  }
0x78: {  	_ =	shalt  }
0x79: {  	_ =	shalt  }
0x7a: {  	_ =	shalt  }
0x7b: {  	_ =	shalt  }
0x7c: {  	_ =	shalt  }
0x7d: {  	_ =	shalt  }
0x7e: {  	_ =	shalt  }
0x7f: {  	_ =	shalt  }
0x80: {  	_ =	shalt  }
0x81: {  	_ =	shalt  }
0x82: {  	_ =	shalt  }
0x83: {  	_ =	shalt  }
0x84: {  	_ =	shalt  }
0x85: {  	_ =	shalt  }
0x86: {  	_ =	shalt  }
0x87: {  	_ =	shalt  }
.Lfunc_end0:
.L_simem_size_0:
called_computation.3_lowered:
.L_overlay_start_0:
0x88: {  	s2 =	sld [smem:$0x3FD9]  }
0x89: {  	s3 =	sld [smem:$0x3FFE];
	_ =	sdelay $0x1  }
0x8a: {  	s1 =	srdreg.scid  }
0x8b: {  	s0 =	sand.u32 $0x1, s1  }
0x8c: {  	s16 =	sshll.u32 s0, $0xA;
	s2 =	sadd.s32 s3, s2  }
0x8d: {  	s2 =	sadd.s32 s2, s16  }
0x8e: {  	[smem:$0x3FB5] =	sst s2  }
0x8f: {  	_ = 	snop  }
0x90: {  	(tm) =	ssettm $0x1  }
0x91: {  	s17 =	sld [smem:$0x3FFB];
	_ =	sdelay $0x3  }
0x92: {  	_ =	strace s17  }
0x93: {  	s2 =	sld [smem:$0x3FFC];
	_ =	sdelay $0x3  }
0x94: {  	_ =	strace s2  }
0x95: {  	s2 =	sld [smem:$0x3FFD];
	_ =	sdelay $0x3  }
0x96: {  	_ =	strace s2  }
0x97: {  	_ =	strace $0x8FFFFFFF  }
0x98: {  	s18 =	sld [smem:$0x3FDB];
	_ =	sdelay $0x1  }
0x99: {  	s19 =	simm.s32 $_scs_section_size  }
0x9a: {  	s4 =	simm.s32 $_size__tile_overlayer_lowered;
	s5 =	simm.s32 $_tile_overlayer_lowered  }
0x9b: {  	s22 =	simm.s32 $0x1BFF;
	s21 =	sshll.u32 s5, $0x1;
	s2 =	sadd.s32 s19, s18  }
0x9c: {  	s6 =	simm.s32 $0x0;
	s20 =	sshll.u32 s4, $0x1;
	s4 =	sadd.s32 s21, s2  }
0x9d: {  	[timem:s6], [sflag:s22] =	dma.local [hbm:s4], s20  }
0x9e: {  	_ =	swait.ge [sflag:s22], s20  }
0x9f: {  	s3 =	ssub.s32 $0x0, s20;
	[sflag:s22] =	ssyncset.done $0x0  }
0xa0: {  	[sflag:s22] =	ssyncadd.s32 s3;
	_ =	sdelay $0x1  }
0xa1: {  	s23 =	simm.s32 $0x1B8B  }
0xa2: {  	_ =	swait.ge [sflag:s23], $0x1  }
0xa3: {  	[sflag:s23] =	ssyncset.done $0x0  }
0xa4: {  	s25 =	simm.s32 $0x1B8E;
	s24 =	sld [smem:$0x3FFE];
	[sflag:s23] =	ssyncadd.s32 $0xFFFFFFFF  }
0xa5: {  	s26 =	simm.s32 $execute0_lowered;
	[smem:$0x3FD2] =	sst s25  }
0xa6: {  	s4 =	sshll.u32 s26, $0x1;
	_ =	strace $0x8000004F;
	[dreg:$0x1] =	wrdreg $0xFFFFFFFF  }
0xa7: {  	s28 =	simm.s32 $_size_execute0_lowered;
	s2 =	sadd.s32 s2, s4;
	[dreg:$0x0] =	wrdreg $0x0  }
0xa8: {  	s4 =	sshll.u32 s28, $0x1;
	[dreg:$0x2] =	wrdreg s2  }
0xa9: {  	[dreg:$0x3] =	wrdreg s4  }
0xaa: {  	[dreg:$0x4] =	wrdreg $0xC0  }
0xab: {  	_ =	task [dreg:s6], $0x5FFFF  }
0xac: {  	[dreg:$0x1] =	wrdreg $0xFFFFFFFF  }
0xad: {  	[dreg:$0x0] =	wrdreg $0x60  }
0xae: {  	[dreg:$0x2] =	wrdreg s24  }
0xaf: {  	[dreg:$0x3] =	wrdreg $0xAA000  }
0xb0: {  	[dreg:$0x4] =	wrdreg $0x9  }
0xb1: {  	_ =	task.clear_ibuf [dreg:s6], $0x5FFFF;
	_ =	strace $0x9000004F  }
0xb2: {  	s29 =	simm.s32 $0x9;
	_ =	strace $0x80000051  }
0xb3: {  	_ =	swait.ge [sflag:s29], $0x1  }
0xb4: {  	[sflag:s29] =	ssyncadd.s32 $0xFFFFFFFF  }
0xb5: {  	_ =	strace $0x90000051  }
0xb6: {  	_ =	sfence  }
0xb7: {  	s30 =	sld [smem:$0x0];
	_ =	sdelay $0x2  }
0xb8: {  	s31 =	sshll.u32 s1, $0xD;
	s1 =	sshrl.u32 s1, $0x2  }
0xb9: {  	s3 =	sand.u32 $0x4000, s31;
	s1 =	sadd.s32 s1, s30  }
0xba: {  	s0 =	sor.u32 s3, s0;
	s1 =	sshll.u32 s1, $0x11  }
0xbb: {  	s0 =	sor.u32 s1, s0  }
0xbc: {  	s0 =	sadd.s32 $0x8F2B, s0  }
0xbd: {  	[sflag:s0] =	ssyncadd.remote.s32 $0x1  }
0xbe: {  	_ =	sfence.sel $0xFFFF  }
0xbf: {  	[dreg:$0x0] =	wrdreg $0xFFFFFFFF;
	(pc) =	sbr.abs _section_cstart, $3  }
0xc0: {  	[dreg:$0x1] =	wrdreg $0xFFFFFFFF  }
0xc1: {  	_ =	task.clear_ibuf [dreg:s6], $0x2FFFF;
	_ =	strace $0x9FFFFFFF  }
0xc2: {  	(tm) =	ssettm $0x7FFFFFFF  }
0xc3: {  	_ =	shalt  }
tec
execute0_lowered:
.L_overlay_start_1:
0x0: {  	(tag) =	ssettag $0x1  }
0x1: {  	s0 =	rddreg [dreg:$0x0];
	s1 =	srdreg.scid  }
0x2: {  	s9 =	stileid.u32;
	s2 =	rddreg [dreg:$0x1]  }
0x3: {  	s3 =	simm.s32 $0x0;
	s17 =	simm.s32 $0x3;
	s18 =	simm.s32 $0x2A00  }
0x4: {  	s19 =	simm.s32 $0x40;
	s20 =	simm.s32 $0x2800;
	s21 =	simm.s32 $0x2840  }
0x5: {  	s22 =	simm.s32 $0x4A00;
	s28 =	simm.s32 $0x8A00;
	s29 =	simm.s32 $0x80  }
0x6: {  	s30 =	simm.s32 $0x2900;
	s1 =	sand.u32 $0x1, s1;
	s7 =	smul.u32 $0x50000, s9  }
0x7: {  	s4 =	sshll.u32 s9, $0x1;
	[smem:$0x7FF] =	sst s3;
	s10 =	smul.u32 $0x14000, s9  }
0x8: {  	s4 =	sor.u32 s1, s4;
	s6 =	ssub.s32 $0x2, s1;
	s1 =	smul.u32 $0x140000, s1  }
0x9: {  	s31 =	simm.s32 $0x2;
	_ =	strace $0x80000050;
	s5 =	smul.u32 $0x500, s4  }
0xa: {  	s4 =	sadd.s32 $0x4400, s0;
	s8 =	sshrl.u32 s6, $0x1;
	s23 =	sshrl.u32 s7, $0x2  }
0xb: {  	s24 =	sadd.s32 $0x4000, s10;
	s12 =	sadd.s32 $0x8000, s10;
	s13 =	sadd.s32 $0xC000, s10  }
0xc: {  	s15 =	sadd.s32 $0x10000, s10;
	s11 =	ssub.s32 s6, s8;
	s6 =	sadd.s32 s23, s2  }
0xd: {  	s7 =	sadd.s32 s24, s2;
	s8 =	sadd.s32 s12, s2;
	s9 =	sadd.s32 s13, s2  }
0xe: {  	s14 =	sadd.s32 s10, s1;
	s10 =	sadd.s32 s15, s2;
	s25 =	sadd.s32 s1, s12  }
0xf: {  	s26 =	sadd.s32 s1, s13;
	s23 =	simm.s32 $0x1;
	s5 =	sadd.s32 s5, s0  }
0x10: {  	s0 =	sadd.s32 $0x68400, s0;
	s14 =	sshrl.u32 s14, $0x3;
	s12 =	sshrl.u32 s26, $0x3  }
0x11: {  	s16 =	smax.u32 s11, $0x1;
	s26 =	simm.s32 $0x28C0;
	s5 =	sadd.s32 $0x5E400, s5  }
0x12: {  	s14 =	sadd.s32 s0, s14;
	[dreg:$0x3] =	wrdreg s5;
	s5 =	sadd.s32 s1, s24  }
0x13: {  	[dreg:$0x4] =	wrdreg s14;
	s1 =	sadd.s32 s1, s15;
	s5 =	sshrl.u32 s5, $0x3  }
0x14: {  	s14 =	sadd.s32 s0, s12;
	s24 =	simm.s32 $0x2880;
	s5 =	sadd.s32 s0, s5  }
0x15: {  	s1 =	sshrl.u32 s1, $0x3;
	[dreg:$0x5] =	wrdreg s5;
	s5 =	sshrl.u32 s25, $0x3  }
0x16: {  	s15 =	sadd.s32 s0, s1;
	s1 =	simm.s32 $0x2980;
	s5 =	sadd.s32 s0, s5  }
0x17: {  	v0 =	vimm.f32 $0.0e+00;
	s25 =	simm.s32 $0x6A00;
	s0 =	simm.s32 $0x0;
	[dreg:$0x6] =	wrdreg s5  }
.LBB2_1:
0x18: {  	s5 =	rddreg [dreg:$0x3]  }
0x19: {  	[tilespmem:s3], [sflag:$0x3] =	stream.linear.gather [hbm4b:s5+s3], $0x2800, $0x38;
	[tilespmem:$0x1EA00] =	vst v63  }
0x1a: {  	s13 =	sand.u32 $0xFE00, s3;
	s11 =	sand.u32 $0x70, s3;
	_ =	swait.ge [sflag:s17], $0x2800  }
0x1b: {  	s12 =	sshrl.u32 s13, $0x2;
	s5 =	simm.s32 $0x40;
	[sflag:s17] =	ssyncset.done $0x0  }
0x1c: {  	s12 =	sor.u32 s11, s12;
	s11 =	simm.s32 $0x0;
	[sflag:s17] =	ssyncadd.s32 $0xFFFFD800  }
.LBB2_2:
0x1d: {  	p0 =	sne.s32 s5, $0xFFC0  }
0x1e: {  	[tilespmem:s12+$0x2A00] =	vst v0;
	s11 =	sadd.s32 $0x10, s11;
	s12 =	smov.u32 s5;
	s5 =	sadd.s32 $0x40, s5  }
.Ltmp0:
0x1f: {  	(pc) =	sbr.rel @p0 .LBB2_2-.Ltmp0, $4  }
0x20: {  	_ = 	snop  }
0x21: {  	s12 =	sand.u32 $0xFE00, s12  }
0x22: {  	s13 =	sand.u32 $0x70, s11;
	s12 =	sshrl.u32 s12, $0x2  }
0x23: {  	s12 =	sor.u32 s13, s12  }
0x24: {  	[tilespmem:s12+$0x2A00] =	vst v0  }
0x25: {  	[spmem:s6] =	stream.linear.scatter [tilespmem:s18], [sflag:$0x3], $0x4000, $0x38;
	[tilespmem:$0x1EA00] =	vst v63  }
0x26: {  	_ =	swait.ge [sflag:s17], $0x4000  }
0x27: {  	[sflag:s17] =	ssyncset.done $0x0  }
0x28: {  	[sflag:s17] =	ssyncadd.s32 $0xFFFFC000  }
0x29: {  	[spmem:s7] =	stream.linear.scatter [tilespmem:s18], [sflag:$0x3], $0x4000, $0x38;
	[tilespmem:$0x1EA00] =	vst v63  }
0x2a: {  	_ =	swait.ge [sflag:s17], $0x4000  }
0x2b: {  	[sflag:s17] =	ssyncset.done $0x0  }
0x2c: {  	[sflag:s17] =	ssyncadd.s32 $0xFFFFC000  }
0x2d: {  	[spmem:s8] =	stream.linear.scatter [tilespmem:s18], [sflag:$0x3], $0x4000, $0x38;
	[tilespmem:$0x1EA00] =	vst v63  }
0x2e: {  	_ =	swait.ge [sflag:s17], $0x4000  }
0x2f: {  	[sflag:s17] =	ssyncset.done $0x0  }
0x30: {  	[sflag:s17] =	ssyncadd.s32 $0xFFFFC000  }
0x31: {  	[spmem:s9] =	stream.linear.scatter [tilespmem:s18], [sflag:$0x3], $0x4000, $0x38;
	[tilespmem:$0x1EA00] =	vst v63  }
0x32: {  	_ =	swait.ge [sflag:s17], $0x4000  }
0x33: {  	[sflag:s17] =	ssyncset.done $0x0  }
0x34: {  	[sflag:s17] =	ssyncadd.s32 $0xFFFFC000  }
0x35: {  	[spmem:s10] =	stream.linear.scatter [tilespmem:s18], [sflag:$0x3], $0x4000, $0x38;
	[tilespmem:$0x1EA00] =	vst v63  }
0x36: {  	_ =	swait.ge [sflag:s17], $0x4000  }
0x37: {  	[sflag:s17] =	ssyncset.done $0x0  }
0x38: {  	[sflag:s17] =	ssyncadd.s32 $0xFFFFC000  }
0x39: {  	[bflag:$0x0] =	sbarrier.arrive $0xFFFF  }
0x3a: {  	v1 =	vld [tilespmem:$0x0];
	_ =	sdelay $0x1  }
0x3b: {  	v2 =	vld [tilespmem:$0x10];
	_ =	sdelay $0x1  }
0x3c: {  	v3 =	vld [tilespmem:$0x20]  }
0x3d: {  	v4 =	vand.u32 $0x3FFF, v1  }
0x3e: {  	v62 =	vld [tilespmem:$0x30];
	v1 =	vshrl.u32 v1, $0xE;
	[tilespmem:$0x2800] =	vst v4  }
0x3f: {  	[tilespmem:$0x2900] =	vst v1;
	v1 =	vand.u32 $0x3FFF, v2  }
0x40: {  	[tilespmem:$0x2810] =	vst v1;
	v1 =	vshrl.u32 v2, $0xE;
	v2 =	vld [tilespmem:$0x40]  }
0x41: {  	[tilespmem:$0x2910] =	vst v1;
	v1 =	vand.u32 $0x3FFF, v3  }
0x42: {  	[tilespmem:$0x2820] =	vst v1;
	v1 =	vshrl.u32 v3, $0xE;
	v3 =	vld [tilespmem:$0x50]  }
0x43: {  	[tilespmem:$0x2920] =	vst v1;
	v1 =	vand.u32 $0x3FFF, v62  }
0x44: {  	v63 =	vld [tilespmem:$0x60];
	[tilespmem:$0x2830] =	vst v1;
	v1 =	vshrl.u32 v62, $0xE  }
0x45: {  	[tilespmem:$0x2930] =	vst v1;
	v1 =	vand.u32 $0x3FFF, v2  }
0x46: {  	[tilespmem:$0x2840] =	vst v1;
	v1 =	vshrl.u32 v2, $0xE;
	v2 =	vld [tilespmem:$0x70]  }
0x47: {  	[tilespmem:$0x2940] =	vst v1;
	v1 =	vand.u32 $0x3FFF, v3  }
0x48: {  	[tilespmem:$0x2850] =	vst v1;
	v1 =	vshrl.u32 v3, $0xE  }
0x49: {  	[tilespmem:$0x2950] =	vst v1;
	v1 =	vand.u32 $0x3FFF, v63  }
0x4a: {  	[tilespmem:$0x2860] =	vst v1;
	v1 =	vshrl.u32 v63, $0xE  }
0x4b: {  	[tilespmem:$0x2960] =	vst v1;
	v1 =	vand.u32 $0x3FFF, v2  }
0x4c: {  	[tilespmem:$0x2870] =	vst v1;
	v1 =	vshrl.u32 v2, $0xE  }
0x4d: {  	[tilespmem:$0x2970] =	vst v1  }
0x4e: {  	[tilespmem:s18], [sflag:$0x1] =	stream.indirect.gather [hbm4b:s4+s19], $0x80, s20, s19, $0xb8;
	[tilespmem:$0x1EA00] =	vst v63  }
0x4f: {  	s5 =	simm.s32 $0x0  }
0x50: {  	[tilespmem:s22], [sflag:$0x1] =	stream.indirect.gather [hbm4b:s4+s19], $0x80, s21, s19, $0xb8;
	[tilespmem:$0x1EA00] =	vst v63  }
0x51: {  	v1 =	vld [tilespmem:s5+$0x80];
	_ =	sdelay $0x4  }
0x52: {  	v2 =	vand.u32 $0x3FFF, v1  }
0x53: {  	v1 =	vshrl.u32 v1, $0xE;
	[tilespmem:$0x2880] =	vst v2  }
0x54: {  	[tilespmem:$0x2980] =	vst v1  }
0x55: {  	v1 =	vld [tilespmem:s5+$0x90];
	_ =	sdelay $0x4  }
0x56: {  	v2 =	vand.u32 $0x3FFF, v1  }
0x57: {  	v1 =	vshrl.u32 v1, $0xE;
	[tilespmem:$0x2890] =	vst v2  }
0x58: {  	[tilespmem:$0x2990] =	vst v1  }
0x59: {  	v1 =	vld [tilespmem:s5+$0xA0];
	_ =	sdelay $0x4  }
0x5a: {  	v2 =	vand.u32 $0x3FFF, v1  }
0x5b: {  	v1 =	vshrl.u32 v1, $0xE;
	[tilespmem:$0x28A0] =	vst v2  }
0x5c: {  	[tilespmem:$0x29A0] =	vst v1  }
0x5d: {  	v1 =	vld [tilespmem:s5+$0xB0];
	_ =	sdelay $0x4  }
0x5e: {  	v2 =	vand.u32 $0x3FFF, v1  }
0x5f: {  	v1 =	vshrl.u32 v1, $0xE;
	[tilespmem:$0x28B0] =	vst v2  }
0x60: {  	[tilespmem:$0x29B0] =	vst v1  }
0x61: {  	v1 =	vld [tilespmem:s5+$0xC0];
	_ =	sdelay $0x4  }
0x62: {  	v2 =	vand.u32 $0x3FFF, v1  }
0x63: {  	v1 =	vshrl.u32 v1, $0xE;
	[tilespmem:$0x28C0] =	vst v2  }
0x64: {  	[tilespmem:$0x29C0] =	vst v1  }
0x65: {  	v1 =	vld [tilespmem:s5+$0xD0];
	_ =	sdelay $0x4  }
0x66: {  	v2 =	vand.u32 $0x3FFF, v1  }
0x67: {  	v1 =	vshrl.u32 v1, $0xE;
	[tilespmem:$0x28D0] =	vst v2  }
0x68: {  	[tilespmem:$0x29D0] =	vst v1  }
0x69: {  	v1 =	vld [tilespmem:s5+$0xE0];
	_ =	sdelay $0x4  }
0x6a: {  	v2 =	vand.u32 $0x3FFF, v1  }
0x6b: {  	v1 =	vshrl.u32 v1, $0xE;
	[tilespmem:$0x28E0] =	vst v2  }
0x6c: {  	[tilespmem:$0x29E0] =	vst v1  }
0x6d: {  	v1 =	vld [tilespmem:s5+$0xF0];
	_ =	sdelay $0x4  }
0x6e: {  	v2 =	vand.u32 $0x3FFF, v1  }
0x6f: {  	v1 =	vshrl.u32 v1, $0xE;
	[tilespmem:$0x28F0] =	vst v2  }
0x70: {  	[tilespmem:$0x29F0] =	vst v1  }
0x71: {  	_ =	swait.ge [sflag:s23], $0x2000  }
0x72: {  	[sflag:s23] =	ssyncset.done $0x0  }
0x73: {  	[sflag:s23] =	ssyncadd.s32 $0xFFFFE000  }
0x74: {  	_ =	swait.ge [sflag:s23], $0x2000  }
0x75: {  	[sflag:s23] =	ssyncset.done $0x0  }
0x76: {  	[sflag:s23] =	ssyncadd.s32 $0xFFFFE000  }
0x77: {  	[tilespmem:s25], [sflag:$0x2] =	stream.indirect.gather [hbm4b:s4+s19], $0x80, s24, s19, $0xb8;
	[tilespmem:$0x1EA00] =	vst v63  }
0x78: {  	_ = 	snop  }
0x79: {  	[tilespmem:s28], [sflag:$0x2] =	stream.indirect.gather [hbm4b:s4+s19], $0x80, s26, s19, $0xb8;
	[tilespmem:$0x1EA00] =	vst v63  }
0x7a: {  	_ = 	snop  }
0x7b: {  	[spmem:s2] =	stream.indirect.scatter.add.f32 [tilespmem:s18], [sflag:$0x3], $0x80, s30, s29, $0xb8;
	[tilespmem:$0x1EA00] =	vst v63  }
0x7c: {  	p0 =	por $0x0, $0x0;
	s5 =	simm.s32 $0x400;
	_ =	swait.ge [sflag:s17], $0x4000  }
0x7d: {  	s5 =	simm.s32 @p0 $0x0;
	[sflag:s17] =	ssyncset.done $0x0  }
0x7e: {  	s11 =	sshra.s32 s5, $0x2;
	[sflag:s17] =	ssyncadd.s32 $0xFFFFC000  }
0x7f: {  	v1 =	vld [tilespmem:s11+$0x0];
	_ =	sdelay $0x4  }
0x80: {  	v2 =	vand.u32 $0x3FFF, v1  }
0x81: {  	v1 =	vshrl.u32 v1, $0xE;
	[tilespmem:$0x2800] =	vst v2  }
0x82: {  	[tilespmem:$0x2900] =	vst v1  }
0x83: {  	v1 =	vld [tilespmem:s11+$0x10];
	_ =	sdelay $0x4  }
0x84: {  	v2 =	vand.u32 $0x3FFF, v1  }
0x85: {  	v1 =	vshrl.u32 v1, $0xE;
	[tilespmem:$0x2810] =	vst v2  }
0x86: {  	[tilespmem:$0x2910] =	vst v1  }
0x87: {  	v1 =	vld [tilespmem:s11+$0x20];
	_ =	sdelay $0x4  }
0x88: {  	v2 =	vand.u32 $0x3FFF, v1  }
0x89: {  	v1 =	vshrl.u32 v1, $0xE;
	[tilespmem:$0x2820] =	vst v2  }
0x8a: {  	[tilespmem:$0x2920] =	vst v1  }
0x8b: {  	v1 =	vld [tilespmem:s11+$0x30];
	_ =	sdelay $0x4  }
0x8c: {  	v2 =	vand.u32 $0x3FFF, v1  }
0x8d: {  	v1 =	vshrl.u32 v1, $0xE;
	[tilespmem:$0x2830] =	vst v2  }
0x8e: {  	[tilespmem:$0x2930] =	vst v1  }
0x8f: {  	v1 =	vld [tilespmem:s11+$0x40];
	_ =	sdelay $0x4  }
0x90: {  	v2 =	vand.u32 $0x3FFF, v1  }
0x91: {  	v1 =	vshrl.u32 v1, $0xE;
	[tilespmem:$0x2840] =	vst v2  }
0x92: {  	[tilespmem:$0x2940] =	vst v1  }
0x93: {  	v1 =	vld [tilespmem:s11+$0x50];
	_ =	sdelay $0x4  }
0x94: {  	v2 =	vand.u32 $0x3FFF, v1  }
0x95: {  	v1 =	vshrl.u32 v1, $0xE;
	[tilespmem:$0x2850] =	vst v2  }
0x96: {  	[tilespmem:$0x2950] =	vst v1  }
0x97: {  	v1 =	vld [tilespmem:s11+$0x60];
	_ =	sdelay $0x4  }
0x98: {  	v2 =	vand.u32 $0x3FFF, v1  }
0x99: {  	v1 =	vshrl.u32 v1, $0xE;
	[tilespmem:$0x2860] =	vst v2  }
0x9a: {  	[tilespmem:$0x2960] =	vst v1  }
0x9b: {  	s5 =	simm.s32 $0x400;
	v1 =	vld [tilespmem:s11+$0x70]  }
.LBB2_4:
0x9c: {  	_ =	sdelay $0x2  }
0x9d: {  	p0 =	sne.s32 s5, $0x9C00;
	s11 =	smov.u32 s5;
	s5 =	sadd.s32 $0x400, s5  }
0x9e: {  	v2 =	vand.u32 $0x3FFF, v1;
	v1 =	vshrl.u32 v1, $0xE  }
0x9f: {  	[tilespmem:$0x2870] =	vst v2  }
0xa0: {  	[tilespmem:$0x2970] =	vst v1  }
0xa1: {  	[tilespmem:s18], [sflag:$0x1] =	stream.indirect.gather [hbm4b:s4+s19], $0x80, s20, s19, $0xb8;
	[tilespmem:$0x1EA00] =	vst v63  }
0xa2: {  	_ = 	snop  }
0xa3: {  	[tilespmem:s22], [sflag:$0x1] =	stream.indirect.gather [hbm4b:s4+s19], $0x80, s21, s19, $0xb8;
	[tilespmem:$0x1EA00] =	vst v63  }
0xa4: {  	_ =	swait.ge [sflag:s31], $0x2000  }
0xa5: {  	[sflag:s31] =	ssyncset.done $0x0  }
0xa6: {  	[sflag:s31] =	ssyncadd.s32 $0xFFFFE000  }
0xa7: {  	_ =	swait.ge [sflag:s31], $0x2000  }
0xa8: {  	[sflag:s31] =	ssyncset.done $0x0  }
0xa9: {  	[sflag:s31] =	ssyncadd.s32 $0xFFFFE000  }
0xaa: {  	[spmem:s2] =	stream.indirect.scatter.add.f32 [tilespmem:s25], [sflag:$0x3], $0x80, s1, s29, $0xb8;
	[tilespmem:$0x1EA00] =	vst v63  }
0xab: {  	_ =	swait.ge [sflag:s17], $0x4000  }
0xac: {  	[sflag:s17] =	ssyncset.done $0x0  }
0xad: {  	s12 =	sshra.s32 s11, $0x2;
	[sflag:s17] =	ssyncadd.s32 $0xFFFFC000  }
0xae: {  	v1 =	vld [tilespmem:s12+$0x80];
	_ =	sdelay $0x4  }
0xaf: {  	v2 =	vand.u32 $0x3FFF, v1;
	v1 =	vshrl.u32 v1, $0xE  }
0xb0: {  	[tilespmem:$0x2880] =	vst v2  }
0xb1: {  	[tilespmem:$0x2980] =	vst v1  }
0xb2: {  	v1 =	vld [tilespmem:s12+$0x90];
	_ =	sdelay $0x4  }
0xb3: {  	v2 =	vand.u32 $0x3FFF, v1;
	v1 =	vshrl.u32 v1, $0xE  }
0xb4: {  	[tilespmem:$0x2890] =	vst v2  }
0xb5: {  	[tilespmem:$0x2990] =	vst v1  }
0xb6: {  	v1 =	vld [tilespmem:s12+$0xA0];
	_ =	sdelay $0x4  }
0xb7: {  	v2 =	vand.u32 $0x3FFF, v1;
	v1 =	vshrl.u32 v1, $0xE  }
0xb8: {  	[tilespmem:$0x28A0] =	vst v2  }
0xb9: {  	[tilespmem:$0x29A0] =	vst v1  }
0xba: {  	v1 =	vld [tilespmem:s12+$0xB0];
	_ =	sdelay $0x4  }
0xbb: {  	v2 =	vand.u32 $0x3FFF, v1;
	v1 =	vshrl.u32 v1, $0xE  }
0xbc: {  	[tilespmem:$0x28B0] =	vst v2  }
0xbd: {  	[tilespmem:$0x29B0] =	vst v1  }
0xbe: {  	v1 =	vld [tilespmem:s12+$0xC0];
	_ =	sdelay $0x4  }
0xbf: {  	v2 =	vand.u32 $0x3FFF, v1;
	v1 =	vshrl.u32 v1, $0xE  }
0xc0: {  	[tilespmem:$0x28C0] =	vst v2  }
0xc1: {  	[tilespmem:$0x29C0] =	vst v1  }
0xc2: {  	v1 =	vld [tilespmem:s12+$0xD0];
	_ =	sdelay $0x4  }
0xc3: {  	v2 =	vand.u32 $0x3FFF, v1;
	v1 =	vshrl.u32 v1, $0xE  }
0xc4: {  	[tilespmem:$0x28D0] =	vst v2  }
0xc5: {  	[tilespmem:$0x29D0] =	vst v1  }
0xc6: {  	v1 =	vld [tilespmem:s12+$0xE0];
	_ =	sdelay $0x4  }
0xc7: {  	v2 =	vand.u32 $0x3FFF, v1;
	v1 =	vshrl.u32 v1, $0xE  }
0xc8: {  	[tilespmem:$0x28E0] =	vst v2  }
0xc9: {  	[tilespmem:$0x29E0] =	vst v1  }
0xca: {  	v1 =	vld [tilespmem:s12+$0xF0];
	_ =	sdelay $0x4  }
0xcb: {  	v2 =	vand.u32 $0x3FFF, v1;
	v1 =	vshrl.u32 v1, $0xE  }
0xcc: {  	[tilespmem:$0x28F0] =	vst v2  }
0xcd: {  	[tilespmem:$0x29F0] =	vst v1  }
0xce: {  	_ =	swait.ge [sflag:s23], $0x2000  }
0xcf: {  	[sflag:s23] =	ssyncset.done $0x0  }
0xd0: {  	[sflag:s23] =	ssyncadd.s32 $0xFFFFE000  }
0xd1: {  	p1 =	seq.s32 s11, $0x9C00;
	s11 =	smov.u32 s5;
	_ =	swait.ge [sflag:s23], $0x2000  }
0xd2: {  	s11 =	simm.s32 @p1 $0x0;
	[sflag:s23] =	ssyncset.done $0x0  }
0xd3: {  	s11 =	sshra.s32 s11, $0x2;
	[sflag:s23] =	ssyncadd.s32 $0xFFFFE000  }
0xd4: {  	[tilespmem:s25], [sflag:$0x2] =	stream.indirect.gather [hbm4b:s4+s19], $0x80, s24, s19, $0xb8;
	[tilespmem:$0x1EA00] =	vst v63  }
0xd5: {  	_ = 	snop  }
0xd6: {  	[tilespmem:s28], [sflag:$0x2] =	stream.indirect.gather [hbm4b:s4+s19], $0x80, s26, s19, $0xb8;
	[tilespmem:$0x1EA00] =	vst v63  }
0xd7: {  	_ = 	snop  }
0xd8: {  	[spmem:s2] =	stream.indirect.scatter.add.f32 [tilespmem:s18], [sflag:$0x3], $0x80, s30, s29, $0xb8;
	[tilespmem:$0x1EA00] =	vst v63  }
0xd9: {  	_ =	swait.ge [sflag:s17], $0x4000  }
0xda: {  	[sflag:s17] =	ssyncset.done $0x0  }
0xdb: {  	[sflag:s17] =	ssyncadd.s32 $0xFFFFC000  }
0xdc: {  	v1 =	vld [tilespmem:s11+$0x0];
	_ =	sdelay $0x4  }
0xdd: {  	v2 =	vand.u32 $0x3FFF, v1;
	v1 =	vshrl.u32 v1, $0xE  }
0xde: {  	[tilespmem:$0x2800] =	vst v2  }
0xdf: {  	[tilespmem:$0x2900] =	vst v1  }
0xe0: {  	v1 =	vld [tilespmem:s11+$0x10];
	_ =	sdelay $0x4  }
0xe1: {  	v2 =	vand.u32 $0x3FFF, v1;
	v1 =	vshrl.u32 v1, $0xE  }
0xe2: {  	[tilespmem:$0x2810] =	vst v2  }
0xe3: {  	[tilespmem:$0x2910] =	vst v1  }
0xe4: {  	v1 =	vld [tilespmem:s11+$0x20];
	_ =	sdelay $0x4  }
0xe5: {  	v2 =	vand.u32 $0x3FFF, v1;
	v1 =	vshrl.u32 v1, $0xE  }
0xe6: {  	[tilespmem:$0x2820] =	vst v2  }
0xe7: {  	[tilespmem:$0x2920] =	vst v1  }
0xe8: {  	v1 =	vld [tilespmem:s11+$0x30];
	_ =	sdelay $0x4  }
0xe9: {  	v2 =	vand.u32 $0x3FFF, v1;
	v1 =	vshrl.u32 v1, $0xE  }
0xea: {  	[tilespmem:$0x2830] =	vst v2  }
0xeb: {  	[tilespmem:$0x2930] =	vst v1  }
0xec: {  	v1 =	vld [tilespmem:s11+$0x40];
	_ =	sdelay $0x4  }
0xed: {  	v2 =	vand.u32 $0x3FFF, v1;
	v1 =	vshrl.u32 v1, $0xE  }
0xee: {  	[tilespmem:$0x2840] =	vst v2  }
0xef: {  	[tilespmem:$0x2940] =	vst v1  }
0xf0: {  	v1 =	vld [tilespmem:s11+$0x50];
	_ =	sdelay $0x4  }
0xf1: {  	v2 =	vand.u32 $0x3FFF, v1;
	v1 =	vshrl.u32 v1, $0xE  }
0xf2: {  	[tilespmem:$0x2850] =	vst v2  }
0xf3: {  	[tilespmem:$0x2950] =	vst v1  }
0xf4: {  	v1 =	vld [tilespmem:s11+$0x60];
	_ =	sdelay $0x3  }
.Ltmp1:
0xf5: {  	(pc) =	sbr.rel @p0 .LBB2_4-.Ltmp1, $4  }
0xf6: {  	v2 =	vand.u32 $0x3FFF, v1;
	v1 =	vshrl.u32 v1, $0xE  }
0xf7: {  	[tilespmem:$0x2860] =	vst v2  }
0xf8: {  	[tilespmem:$0x2960] =	vst v1  }
0xf9: {  	v1 =	vld [tilespmem:s11+$0x70]  }
0xfa: {  	_ =	sdelay $0x3  }
0xfb: {  	v2 =	vand.u32 $0x3FFF, v1  }
0xfc: {  	v1 =	vshrl.u32 v1, $0xE;
	[tilespmem:$0x2870] =	vst v2  }
0xfd: {  	[tilespmem:$0x2970] =	vst v1  }
0xfe: {  	[tilespmem:s18], [sflag:$0x1] =	stream.indirect.gather [hbm4b:s4+s19], $0x80, s20, s19, $0xb8;
	[tilespmem:$0x1EA00] =	vst v63  }
0xff: {  	_ = 	snop  }
0x100: {  	[tilespmem:s22], [sflag:$0x1] =	stream.indirect.gather [hbm4b:s4+s19], $0x80, s21, s19, $0xb8;
	[tilespmem:$0x1EA00] =	vst v63  }
0x101: {  	_ =	swait.ge [sflag:s31], $0x2000  }
0x102: {  	[sflag:s31] =	ssyncset.done $0x0  }
0x103: {  	[sflag:s31] =	ssyncadd.s32 $0xFFFFE000  }
0x104: {  	_ =	swait.ge [sflag:s31], $0x2000  }
0x105: {  	[sflag:s31] =	ssyncset.done $0x0  }
0x106: {  	[sflag:s31] =	ssyncadd.s32 $0xFFFFE000  }
0x107: {  	[spmem:s2] =	stream.indirect.scatter.add.f32 [tilespmem:s25], [sflag:$0x3], $0x80, s1, s29, $0xb8;
	[tilespmem:$0x1EA00] =	vst v63  }
0x108: {  	_ =	swait.ge [sflag:s17], $0x4000  }
0x109: {  	[sflag:s17] =	ssyncset.done $0x0  }
0x10a: {  	[sflag:s17] =	ssyncadd.s32 $0xFFFFC000  }
0x10b: {  	_ =	swait.ge [sflag:s23], $0x2000  }
0x10c: {  	[sflag:s23] =	ssyncset.done $0x0  }
0x10d: {  	[sflag:s23] =	ssyncadd.s32 $0xFFFFE000  }
0x10e: {  	_ =	swait.ge [sflag:s23], $0x2000  }
0x10f: {  	[sflag:s23] =	ssyncset.done $0x0  }
0x110: {  	[sflag:s23] =	ssyncadd.s32 $0xFFFFE000  }
0x111: {  	[bflag:$0x0] =	sbarrier.arrive $0xFFFF  }
0x112: {  	[tilespmem:s18], [sflag:$0x3] =	stream.linear.gather [spmem:s6], $0x4000, $0x38;
	[tilespmem:$0x1EA00] =	vst v63  }
0x113: {  	_ =	swait.ge [sflag:s17], $0x4000  }
0x114: {  	[sflag:s17] =	ssyncset.done $0x0  }
0x115: {  	s5 =	rddreg [dreg:$0x4];
	[sflag:s17] =	ssyncadd.s32 $0xFFFFC000  }
0x116: {  	[hbm4b:s5+s3] =	stream.linear.scatter [tilespmem:s18], [sflag:$0x3], $0x4000, $0x38;
	[tilespmem:$0x1EA00] =	vst v63  }
0x117: {  	_ =	swait.ge [sflag:s17], $0x4000  }
0x118: {  	[sflag:s17] =	ssyncset.done $0x0  }
0x119: {  	[sflag:s17] =	ssyncadd.s32 $0xFFFFC000  }
0x11a: {  	[tilespmem:s18], [sflag:$0x3] =	stream.linear.gather [spmem:s7], $0x4000, $0x38;
	[tilespmem:$0x1EA00] =	vst v63  }
0x11b: {  	_ =	swait.ge [sflag:s17], $0x4000  }
0x11c: {  	[sflag:s17] =	ssyncset.done $0x0  }
0x11d: {  	s12 =	rddreg [dreg:$0x5];
	[sflag:s17] =	ssyncadd.s32 $0xFFFFC000  }
0x11e: {  	[hbm4b:s12+s3] =	stream.linear.scatter [tilespmem:s18], [sflag:$0x3], $0x4000, $0x38;
	[tilespmem:$0x1EA00] =	vst v63  }
0x11f: {  	_ =	swait.ge [sflag:s17], $0x4000  }
0x120: {  	[sflag:s17] =	ssyncset.done $0x0  }
0x121: {  	[sflag:s17] =	ssyncadd.s32 $0xFFFFC000  }
0x122: {  	[tilespmem:s18], [sflag:$0x3] =	stream.linear.gather [spmem:s8], $0x4000, $0x38;
	[tilespmem:$0x1EA00] =	vst v63  }
0x123: {  	_ =	swait.ge [sflag:s17], $0x4000  }
0x124: {  	[sflag:s17] =	ssyncset.done $0x0  }
0x125: {  	s13 =	rddreg [dreg:$0x6];
	[sflag:s17] =	ssyncadd.s32 $0xFFFFC000  }
0x126: {  	[hbm4b:s13+s3] =	stream.linear.scatter [tilespmem:s18], [sflag:$0x3], $0x4000, $0x38;
	[tilespmem:$0x1EA00] =	vst v63  }
0x127: {  	_ =	swait.ge [sflag:s17], $0x4000  }
0x128: {  	[sflag:s17] =	ssyncset.done $0x0  }
0x129: {  	[sflag:s17] =	ssyncadd.s32 $0xFFFFC000  }
0x12a: {  	[tilespmem:s18], [sflag:$0x3] =	stream.linear.gather [spmem:s9], $0x4000, $0x38;
	[tilespmem:$0x1EA00] =	vst v63  }
0x12b: {  	_ =	swait.ge [sflag:s17], $0x4000  }
0x12c: {  	[sflag:s17] =	ssyncset.done $0x0  }
0x12d: {  	[sflag:s17] =	ssyncadd.s32 $0xFFFFC000  }
0x12e: {  	[hbm4b:s14+s3] =	stream.linear.scatter [tilespmem:s18], [sflag:$0x3], $0x4000, $0x38;
	[tilespmem:$0x1EA00] =	vst v63  }
0x12f: {  	_ =	swait.ge [sflag:s17], $0x4000  }
0x130: {  	[sflag:s17] =	ssyncset.done $0x0  }
0x131: {  	[sflag:s17] =	ssyncadd.s32 $0xFFFFC000  }
0x132: {  	[tilespmem:s18], [sflag:$0x3] =	stream.linear.gather [spmem:s10], $0x4000, $0x38;
	[tilespmem:$0x1EA00] =	vst v63  }
0x133: {  	s0 =	sadd.s32 $0x1, s0;
	_ =	swait.ge [sflag:s17], $0x4000  }
0x134: {  	p0 =	sne.s32 s0, s16;
	[sflag:s17] =	ssyncset.done $0x0  }
.Ltmp2:
0x135: {  	[sflag:s17] =	ssyncadd.s32 $0xFFFFC000;
	(pc) =	sbr.rel @p0 .LBB2_1-.Ltmp2, $4  }
0x136: {  	[hbm4b:s15+s3] =	stream.linear.scatter [tilespmem:s18], [sflag:$0x3], $0x4000, $0x38;
	[tilespmem:$0x1EA00] =	vst v63  }
0x137: {  	_ =	swait.ge [sflag:s17], $0x4000  }
0x138: {  	[sflag:s17] =	ssyncset.done $0x0  }
0x139: {  	[sflag:s17] =	ssyncadd.s32 $0xFFFFC000  }
0x13a: {  	_ =	sfence.sel $0x180000  }
0x13b: {  	[bflag:$0x0] =	sbarrier.arrive $0xFFFF  }
0x13c: {  	_ =	strace $0x90000050  }
0x13d: {  	s0 =	stileid.u32;
	[bflag:$0x2] =	sbarrier.arrive $0xFFFF  }
0x13e: {  	p0 =	sne.s32 s0, $0x0;
	s0 =	rddreg [dreg:$0x2]  }
0x13f: {  	s0 =	sadd.s32 @!p0 $0x100000, s0  }
0x140: {  	[sflag:s0] =	ssyncadd.tile.s32 @!p0 $0x1;
	_ =	shalt  }
.Lfunc_end2:
_tile_overlayer_lowered:
.L_overlay_start_2:
0x141: {  	(tag) =	ssettag $0x2  }
0x142: {  	s0 =	rddreg [dreg:$0x0];
	s2 =	stileid.u32  }
0x143: {  	s1 =	rddreg [dreg:$0x1];
	p0 =	sne.s32 s2, $0x0  }
0x144: {  	s3 =	rddreg [dreg:$0x2];
	[bflag:$0x3] =	sbarrier.arrive $0xFFFF;
	s2 =	simm.s32 @!p0 $0x1C03  }
0x145: {  	[timem:s3], [sflag:s2] =	dma.local @!p0 [hbm:s0], s1  }
0x146: {  	s0 =	simm.s32 @!p0 $0x3  }
0x147: {  	_ =	swait.ge @!p0 [sflag:s0], s1  }
0x148: {  	s1 =	ssub.s32 @!p0 $0x0, s1;
	[sflag:s0] =	ssyncset.done @!p0 $0x0  }
0x149: {  	[sflag:s0] =	ssyncadd.s32 @!p0 s1  }
0x14a: {  	[bflag:$0x3] =	sbarrier.arrive $0xFFFF  }
0x14b: {  	_ =	shalt  }

</sc_bundles>
